<compile_context>
chip_gen: v7x
topology: tpu7x:2x2x1
jax: 0.10.2.dev20260603
libtpu: 0.0.44.dev20260713+nightly
codegen_flags: <defaults>
</compile_context>

<pallas_src>
import jax
import jax.numpy as jnp
from jax import lax
from jax.experimental import pallas as pl
from jax.experimental.pallas import tpu as pltpu
from jax.experimental.pallas import tpu_sc as plsc

B, C, H, W = 16, 3, 512, 512
IMGPX = H * W
CHUNK = 16384
LANES = 16
NBINS = 256
UNROLL = 4
ROWS = 2
RB = H // ROWS
NGRP = 1
STEPW = 1024
GB = B // NGRP
NTILES = 32
NCORES = 2
NSUB = 16
TPI = NTILES // GB
IPC = NSUB // TPI
PARTPX = IMGPX // TPI
NCHUNK = PARTPX // CHUNK


def _codes_body(img_ref, code_ref):
    r = jnp.clip(img_ref[0, 0], 0.0, 1.0)
    g = jnp.clip(img_ref[0, 1], 0.0, 1.0)
    b = jnp.clip(img_ref[0, 2], 0.0, 1.0)
    y = 0.299 * r + 0.587 * g + 0.114 * b
    im255 = y * 255.0
    bin_f = jnp.clip(jnp.floor(im255 * (256.0 / 255.0)), 0.0, 255.0)
    idx_f = jnp.clip(im255, 0.0, 255.0)
    codes = bin_f.astype(jnp.int32) * 256 + idx_f.astype(jnp.int32)
    code_ref[...] = codes.reshape(RB * W)


def _finish_body(img_ref, yeq_ref, step_ref, out_ref):
    r = jnp.clip(img_ref[0, 0], 0.0, 1.0)
    g = jnp.clip(img_ref[0, 1], 0.0, 1.0)
    b = jnp.clip(img_ref[0, 2], 0.0, 1.0)
    y = 0.299 * r + 0.587 * g + 0.114 * b
    u = -0.147 * r - 0.289 * g + 0.436 * b
    v = 0.615 * r - 0.515 * g - 0.100 * b
    cond = step_ref[...].reshape(8, 128)[0:1, 0:1] == 0.0
    yf = jnp.where(cond, y * 255.0, yeq_ref[...].reshape(RB, W)) / 255.0
    out_ref[0, 0] = yf + 1.14 * v
    out_ref[0, 1] = yf - 0.396 * u - 0.581 * v
    out_ref[0, 2] = yf + 2.029 * u


def _sc_body(codes_hbm, yeq_hbm, step_hbm,
             buf0, buf1, ob0, ob1, histf, hsum, phist, lut, stepbuf, shared,
             si0, si1, so0, so1):
    cid = lax.axis_index("c")
    sid = lax.axis_index("s")
    limg = cid * IPC + sid // TPI
    part = sid % TPI
    base = limg * IMGPX + part * PARTPX

    bufs = (buf0, buf1)
    obufs = (ob0, ob1)
    isems = (si0, si1)
    osems = (so0, so1)

    lane = lax.iota(jnp.int32, LANES)
    lane256 = lane * NBINS
    ones = jnp.full((LANES,), 1.0, jnp.float32)
    zeros16 = jnp.zeros((LANES,), jnp.float32)

    @plsc.parallel_loop(0, (LANES * NBINS) // LANES, 1, unroll=8)
    def _(i):
        histf[pl.ds(i * LANES, LANES)] = zeros16

    def copy_in(k):
        return pltpu.async_copy(
            codes_hbm.at[pl.ds(base + k * CHUNK, CHUNK)],
            bufs[k % 2], isems[k % 2])

    hnd = copy_in(0)
    for k in range(NCHUNK):
        nxt = copy_in(k + 1) if k + 1 < NCHUNK else None
        hnd.wait()
        bbuf = bufs[k % 2]

        @plsc.parallel_loop(0, CHUNK // LANES, 1, unroll=UNROLL)
        def _(i, bbuf=bbuf):
            w = bbuf[pl.ds(i * LANES, LANES)]
            plsc.addupdate_scatter(histf, [lane256 + (w >> 8)], ones)
        hnd = nxt

    for j in range(NBINS // LANES):
        acc = zeros16
        for l in range(LANES):
            acc = acc + histf[pl.ds(l * NBINS + j * LANES, LANES)]
        hsum[pl.ds(j * LANES, LANES)] = acc

    pltpu.sync_copy(hsum, shared.at[sid])
    plsc.subcore_barrier()
    row0 = sid - part
    pltpu.sync_copy(shared.at[row0], hsum)
    for t in range(1, TPI):
        pltpu.sync_copy(shared.at[row0 + t], phist)
        for j in range(NBINS // LANES):
            sl = pl.ds(j * LANES, LANES)
            hsum[sl] = hsum[sl] + phist[sl]

    m = jnp.full((LANES,), -1, jnp.int32)
    for j in range(NBINS // LANES):
        hj = hsum[pl.ds(j * LANES, LANES)]
        m = jnp.where(hj > 0.0, lane + j * LANES, m)
    last_idx = jnp.max(m)
    last_nz = plsc.load_gather(hsum, [jnp.full((LANES,), last_idx, jnp.int32)])
    step = ((float(IMGPX) - last_nz) / 255.0).astype(jnp.int32).astype(jnp.float32)
    safe_step = jnp.maximum(step, 1.0)
    off = (step * 0.5).astype(jnp.int32).astype(jnp.float32)

    carry = zeros16
    for j in range(NBINS // LANES):
        sl = pl.ds(j * LANES, LANES)
        hj = hsum[sl]
        inc = plsc.cumsum(hj)
        excl = inc - hj + carry
        t = (excl + off) / safe_step
        lut[sl] = jnp.clip(t.astype(jnp.int32), 0, 255).astype(jnp.float32)
        carry = carry + jnp.sum(hj)

    @plsc.parallel_loop(0, STEPW // LANES, 1, unroll=8)
    def _(i):
        stepbuf[pl.ds(i * LANES, LANES)] = step

    @pl.when(part == 0)
    def _():
        pltpu.sync_copy(stepbuf, step_hbm.at[pl.ds(limg * STEPW, STEPW)])

    hnd = copy_in(0)
    onds = [None] * NCHUNK
    for k in range(NCHUNK):
        nxt = copy_in(k + 1) if k + 1 < NCHUNK else None
        hnd.wait()
        if k >= 2:
            onds[k - 2].wait()
        bbuf = bufs[k % 2]
        obuf = obufs[k % 2]

        @plsc.parallel_loop(0, CHUNK // LANES, 1, unroll=UNROLL)
        def _(i, bbuf=bbuf, obuf=obuf):
            sl = pl.ds(i * LANES, LANES)
            w = bbuf[sl]
            obuf[sl] = plsc.load_gather(lut, [w & 255])
        onds[k] = pltpu.async_copy(
            obuf, yeq_hbm.at[pl.ds(base + k * CHUNK, CHUNK)], osems[k % 2])
        hnd = nxt
    if NCHUNK >= 2:
        onds[NCHUNK - 2].wait()
    onds[NCHUNK - 1].wait()


def _sc_equalize(codes_flat):
    mesh = plsc.VectorSubcoreMesh(core_axis_name="c", subcore_axis_name="s")
    fn = pl.kernel(
        _sc_body,
        out_type=(jax.ShapeDtypeStruct((GB * IMGPX,), jnp.float32),
                  jax.ShapeDtypeStruct((GB * STEPW,), jnp.float32)),
        mesh=mesh,
        compiler_params=pltpu.CompilerParams(needs_layout_passes=False),
        scratch_types=[
            pltpu.VMEM((CHUNK,), jnp.int32),
            pltpu.VMEM((CHUNK,), jnp.int32),
            pltpu.VMEM((CHUNK,), jnp.float32),
            pltpu.VMEM((CHUNK,), jnp.float32),
            pltpu.VMEM((LANES * NBINS,), jnp.float32),
            pltpu.VMEM((NBINS,), jnp.float32),
            pltpu.VMEM((NBINS,), jnp.float32),
            pltpu.VMEM((NBINS,), jnp.float32),
            pltpu.VMEM((STEPW,), jnp.float32),
            pltpu.VMEM_SHARED((NSUB, NBINS), jnp.float32),
            pltpu.SemaphoreType.DMA,
            pltpu.SemaphoreType.DMA,
            pltpu.SemaphoreType.DMA,
            pltpu.SemaphoreType.DMA,
        ],
    )
    return fn(codes_flat)


def kernel(img):
    outs = []
    for grp in range(NGRP):
        goff = grp * GB
        codes = pl.pallas_call(
            _codes_body,
            grid=(GB, ROWS),
            in_specs=[pl.BlockSpec((1, C, RB, W),
                                   lambda i, j, goff=goff: (goff + i, 0, j, 0))],
            out_specs=pl.BlockSpec((RB * W,), lambda i, j: (i * ROWS + j,)),
            out_shape=jax.ShapeDtypeStruct((GB * IMGPX,), jnp.int32),
        )(img)

        yeq_flat, step_raw = _sc_equalize(codes)

        outs.append(pl.pallas_call(
            _finish_body,
            grid=(GB, ROWS),
            in_specs=[
                pl.BlockSpec((1, C, RB, W),
                             lambda i, j, goff=goff: (goff + i, 0, j, 0)),
                pl.BlockSpec((RB * W,), lambda i, j: (i * ROWS + j,)),
                pl.BlockSpec((STEPW,), lambda i, j: (i,)),
            ],
            out_specs=pl.BlockSpec((1, C, RB, W), lambda i, j: (i, 0, j, 0)),
            out_shape=jax.ShapeDtypeStruct((GB, C, H, W), jnp.float32),
        )(img, yeq_flat, step_raw))
    if NGRP == 1:
        return outs[0].reshape(B, C, H, W)
    return jnp.concatenate(outs, axis=0)

# --- scband reference (transcript-rebuilt; emitter-appended) ---
"""Pipeline reference for scband-equalization-transform-85916525789590 (READ-ONLY COPY).

The authoritative reference and input builder live on the scoring server;
editing this copy changes nothing except your own understanding.
"""

import jax, jax.numpy as jnp
import numpy as np


def _rgb_to_yuv(img):
    r = img[:, 0:1]
    g = img[:, 1:2]
    b = img[:, 2:3]
    y = 0.299 * r + 0.587 * g + 0.114 * b
    u = -0.147 * r - 0.289 * g + 0.436 * b
    v = 0.615 * r - 0.515 * g - 0.100 * b
    return jnp.concatenate([y, u, v], axis=1)


def _yuv_to_rgb(yuv):
    y = yuv[:, 0:1]
    u = yuv[:, 1:2]
    v = yuv[:, 2:3]
    r = y + 1.14 * v
    g = y - 0.396 * u - 0.581 * v
    b = y + 2.029 * u
    return jnp.concatenate([r, g, b], axis=1)


def _scale_channel(im):
    # im: [H, W] in [0, 1]. Follows kornia/torchvision equalize algorithm.
    im255 = im * 255.0
    # torch.histc(im, 256, 0, 255): bin width = 255/256
    bin_idx = jnp.clip(jnp.floor(im255 * (256.0 / 255.0)), 0, 255).astype(jnp.int32)
    histo = jnp.bincount(bin_idx.reshape(-1), length=256).astype(jnp.float32)
    # last nonzero histogram entry
    nz_pos = jnp.where(histo > 0, jnp.arange(256), -1)
    last_nz = histo[jnp.max(nz_pos)]
    step = jnp.floor((jnp.sum(histo) - last_nz) / 255.0)
    # build LUT (guard divide for step == 0; that branch is discarded by where)
    safe_step = jnp.maximum(step, 1.0)
    lut = jnp.floor((jnp.cumsum(histo) + jnp.floor(step / 2.0)) / safe_step)
    lut = jnp.concatenate([jnp.zeros((1,), lut.dtype), lut[:-1]])
    lut = jnp.clip(lut, 0.0, 255.0)
    idx = jnp.clip(im255, 0.0, 255.0).astype(jnp.int32)  # .long() truncation
    gathered = lut[idx]
    result = jnp.where(step == 0, im255, gathered)
    return result / 255.0


def _equalize(x):
    # x: [B, C, H, W] -> per-image, per-channel equalization
    return jax.vmap(jax.vmap(_scale_channel))(x)


def setup_inputs(seed: int = 0) -> dict:
    key = jax.random.key(seed)
    img = jax.random.uniform(key, (16, 3, 512, 512), dtype=jnp.float32)
    return {"img": img}


def reference(img):
    img = jnp.clip(img, 0.0, 1.0)
    yuv = _rgb_to_yuv(img)
    y_eq = _equalize(yuv[:, 0:1, :, :])
    yuv = jnp.concatenate([y_eq, yuv[:, 1:, :, :]], axis=1)
    equalized = _yuv_to_rgb(yuv)
    return equalized

if __name__ == "__main__":
    import jax
    _d = setup_inputs()
    print(jax.jit(kernel)(*tuple(_d.values())))

</pallas_src>

<mosaic_0001>
#map = affine_map<(d0, d1) -> (0)>
module attributes {stable_mosaic.version = 14 : i64} {
  func.func @_sc_body(%arg0: i32, %arg1: i32, %arg2: memref<4194304xi32, #tpu.memory_space<hbm>>, %arg3: memref<4194304xf32, #tpu.memory_space<hbm>>, %arg4: memref<16384xf32, #tpu.memory_space<hbm>>, %arg5: memref<16384xi32, #tpu.memory_space<vmem>>, %arg6: memref<16384xi32, #tpu.memory_space<vmem>>, %arg7: memref<16384xf32, #tpu.memory_space<vmem>>, %arg8: memref<16384xf32, #tpu.memory_space<vmem>>, %arg9: memref<4096xf32, #tpu.memory_space<vmem>>, %arg10: memref<256xf32, #tpu.memory_space<vmem>>, %arg11: memref<256xf32, #tpu.memory_space<vmem>>, %arg12: memref<256xf32, #tpu.memory_space<vmem>>, %arg13: memref<1024xf32, #tpu.memory_space<vmem>>, %arg14: memref<16x256xf32, #tpu.memory_space<vmem_shared>>, %arg15: memref<!tpu.dma_semaphore, #tpu.memory_space<semaphore_mem>>, %arg16: memref<!tpu.dma_semaphore, #tpu.memory_space<semaphore_mem>>, %arg17: memref<!tpu.dma_semaphore, #tpu.memory_space<semaphore_mem>>, %arg18: memref<!tpu.dma_semaphore, #tpu.memory_space<semaphore_mem>>) attributes {dimension_semantics = [#tpu.dimension_semantics<core_parallel>, #tpu.dimension_semantics<subcore_parallel>], iteration_bounds = array<i64: 2, 16>, scalar_prefetch = 0 : i64, scratch_operands = 14 : i64, tpu.core_type = #tpu.core_type<sc_vector_subcore>, window_params = [{transform_indices = #map}, {transform_indices = #map}, {transform_indices = #map}]} {
    %mul3A = arith.constant 8 : i32
    %mul3A_0 = arith.muli %arg0, %mul3A : i32
    %jit3A = arith.constant 2 : i32
    %div3A = arith.divsi %arg1, %jit3A : i32
    %sign3A = arith.constant 0 : i32
    %sign3A_1 = arith.cmpi sgt, %arg1, %sign3A : i32
    %sign3A_2 = arith.extui %sign3A_1 : i1 to i32
    %sign3A_3 = arith.constant 0 : i32
    %sign3A_4 = arith.cmpi slt, %arg1, %sign3A_3 : i32
    %sign3A_5 = arith.extui %sign3A_4 : i1 to i32
    %sign3A_6 = arith.subi %sign3A_2, %sign3A_5 : i32
    %sign3A_7 = arith.constant 0 : i32
    %sign3A_8 = arith.cmpi sgt, %jit3A, %sign3A_7 : i32
    %sign3A_9 = arith.extui %sign3A_8 : i1 to i32
    %sign3A_10 = arith.constant 0 : i32
    %sign3A_11 = arith.cmpi slt, %jit3A, %sign3A_10 : i32
    %sign3A_12 = arith.extui %sign3A_11 : i1 to i32
    %sign3A_13 = arith.subi %sign3A_9, %sign3A_12 : i32
    %ne3A = arith.cmpi ne, %sign3A_6, %sign3A_13 : i32
    %rem3A = arith.remsi %arg1, %jit3A : i32
    %ne3A_14 = arith.constant 0 : i32
    %ne3A_15 = arith.cmpi ne, %rem3A, %ne3A_14 : i32
    %and3A = arith.andi %ne3A, %ne3A_15 : i1
    %sub3A = arith.constant 1 : i32
    %sub3A_16 = arith.subi %div3A, %sub3A : i32
    %select_n3A = arith.select %and3A, %sub3A_16, %div3A : i32
    %add3A = arith.addi %mul3A_0, %select_n3A : i32
    %jit3A_17 = arith.constant 2 : i32
    %eq3A = arith.constant 0 : i32
    %eq3A_18 = arith.cmpi eq, %jit3A_17, %eq3A : i32
    %jit3A_19 = arith.constant 1 : i32
    %select_n3A_20 = arith.select %eq3A_18, %jit3A_19, %jit3A_17 : i32
    %rem3A_21 = arith.remsi %arg1, %select_n3A_20 : i32
    %ne3A_22 = arith.constant 0 : i32
    %ne3A_23 = arith.cmpi ne, %rem3A_21, %ne3A_22 : i32
    %lt3A = arith.constant 0 : i32
    %lt3A_24 = arith.cmpi slt, %rem3A_21, %lt3A : i32
    %lt3A_25 = arith.constant 0 : i32
    %lt3A_26 = arith.cmpi slt, %select_n3A_20, %lt3A_25 : i32
    %ne3A_27 = arith.xori %lt3A_24, %lt3A_26 : i1
    %and3A_28 = arith.andi %ne3A_27, %ne3A_23 : i1
    %add3A_29 = arith.addi %rem3A_21, %select_n3A_20 : i32
    %select_n3A_30 = arith.select %and3A_28, %add3A_29, %rem3A_21 : i32
    %mul3A_31 = arith.constant 262144 : i32
    %mul3A_32 = arith.muli %add3A, %mul3A_31 : i32
    %mul3A_33 = arith.constant 131072 : i32
    %mul3A_34 = arith.muli %select_n3A_30, %mul3A_33 : i32
    %add3A_35 = arith.addi %mul3A_32, %mul3A_34 : i32
    %iota3A = tpu.iota {dimensions = array<i32: 0>} : vector<16xi32>
    %mul3A_36 = arith.constant 256 : i32
    %mul3A_37 = vector.broadcast %mul3A_36 : i32 to vector<16xi32>
    %mul3A_38 = arith.muli %iota3A, %mul3A_37 : vector<16xi32>
    %broadcast_in_dim3A = arith.constant 1.000000e+00 : f32
    %broadcast_in_dim3A_39 = vector.broadcast %broadcast_in_dim3A : f32 to vector<16xf32>
    %broadcast_in_dim3A_40 = arith.constant 0.000000e+00 : f32
    %broadcast_in_dim3A_41 = vector.broadcast %broadcast_in_dim3A_40 : f32 to vector<16xf32>
    %parallel_loop3A = arith.constant 0 : i32
    %parallel_loop3A_42 = arith.constant 256 : i32
    %parallel_loop3A_43 = arith.constant 1 : i32
    scf.for %parallel_loop3A_1718 = %parallel_loop3A to %parallel_loop3A_42 step %parallel_loop3A_43  : i32 {
      %parallel_loop3A_1719 = arith.constant 16 : i32
      %parallel_loop3A_1720 = arith.muli %parallel_loop3A_1718, %parallel_loop3A_1719 : i32
      %parallel_loop3A_1721 = arith.index_cast %parallel_loop3A_1720 : i32 to index
      %parallel_loop3A_1722 = tpu.vector_load %arg9[%parallel_loop3A_1721] {strides = array<i32>} : memref<4096xf32, #tpu.memory_space<vmem>>, vector<16xf32>,
      tpu.vector_store %arg9[%parallel_loop3A_1721], %broadcast_in_dim3A_41 {strides = array<i32>} : memref<4096xf32, #tpu.memory_space<vmem>>, vector<16xf32>,
    } {sc.loop_unroll_factor = 8 : i64, sc.parallel_access}
    %add3A_44 = arith.constant 0 : i32
    %add3A_45 = arith.addi %add3A_35, %add3A_44 : i32
    %dma_start3A = tpu.memref_slice %arg2[%add3A_45] : memref<4194304xi32, #tpu.memory_space<hbm>> -> memref<16384xi32, #tpu.memory_space<hbm>>
    %dma_start3A_46 = tpu.memref_slice %arg2[%add3A_45] : memref<4194304xi32, #tpu.memory_space<hbm>> -> memref<16384xi32, #tpu.memory_space<hbm>>
    tpu.enqueue_dma source(%dma_start3A_46 : memref<16384xi32, #tpu.memory_space<hbm>>) target(%arg5 : memref<16384xi32, #tpu.memory_space<vmem>>) target_semaphore(%arg15 : memref<!tpu.dma_semaphore, #tpu.memory_space<semaphore_mem>>)
    %add3A_47 = arith.constant 16384 : i32
    %add3A_48 = arith.addi %add3A_35, %add3A_47 : i32
    %dma_start3A_49 = tpu.memref_slice %arg2[%add3A_48] : memref<4194304xi32, #tpu.memory_space<hbm>> -> memref<16384xi32, #tpu.memory_space<hbm>>
    %dma_start3A_50 = tpu.memref_slice %arg2[%add3A_48] : memref<4194304xi32, #tpu.memory_space<hbm>> -> memref<16384xi32, #tpu.memory_space<hbm>>
    tpu.enqueue_dma source(%dma_start3A_50 : memref<16384xi32, #tpu.memory_space<hbm>>) target(%arg6 : memref<16384xi32, #tpu.memory_space<vmem>>) target_semaphore(%arg16 : memref<!tpu.dma_semaphore, #tpu.memory_space<semaphore_mem>>)
    %dma_wait3A = tpu.memref_slice %arg2[%add3A_45] : memref<4194304xi32, #tpu.memory_space<hbm>> -> memref<16384xi32, #tpu.memory_space<hbm>>
    %dma_wait3A_51 = tpu.memref_slice %arg2[%add3A_45] : memref<4194304xi32, #tpu.memory_space<hbm>> -> memref<16384xi32, #tpu.memory_space<hbm>>
    tpu.wait_dma2 semaphore(%arg15 : memref<!tpu.dma_semaphore, #tpu.memory_space<semaphore_mem>>) src(%dma_wait3A_51 : memref<16384xi32, #tpu.memory_space<hbm>>) dst(%arg5 : memref<16384xi32, #tpu.memory_space<vmem>>)
    %parallel_loop3A_52 = arith.constant 0 : i32
    %parallel_loop3A_53 = arith.constant 1024 : i32
    %parallel_loop3A_54 = arith.constant 1 : i32
    scf.for %parallel_loop3A_1718 = %parallel_loop3A_52 to %parallel_loop3A_53 step %parallel_loop3A_54  : i32 {
      %parallel_loop3A_1719 = arith.constant 16 : i32
      %parallel_loop3A_1720 = arith.muli %parallel_loop3A_1718, %parallel_loop3A_1719 : i32
      %parallel_loop3A_1721 = arith.index_cast %parallel_loop3A_1720 : i32 to index
      %parallel_loop3A_1722 = tpu.vector_load %arg5[%parallel_loop3A_1721] {strides = array<i32>} : memref<16384xi32, #tpu.memory_space<vmem>>, vector<16xi32>,
      %parallel_loop3A_1723 = arith.constant 8 : i32
      %parallel_loop3A_1724 = vector.broadcast %parallel_loop3A_1723 : i32 to vector<16xi32>
      %parallel_loop3A_1725 = arith.shrsi %parallel_loop3A_1722, %parallel_loop3A_1724 : vector<16xi32>
      %parallel_loop3A_1726 = arith.addi %mul3A_38, %parallel_loop3A_1725 : vector<16xi32>
      tpu.vector_store_idx %arg9[%parallel_loop3A_1726], %broadcast_in_dim3A_39 {add = true} : memref<4096xf32, #tpu.memory_space<vmem>>[vector<16xi32>], vector<16xf32>,
    } {sc.loop_unroll_factor = 4 : i64, sc.parallel_access}
    %add3A_55 = arith.constant 32768 : i32
    %add3A_56 = arith.addi %add3A_35, %add3A_55 : i32
    %dma_start3A_57 = tpu.memref_slice %arg2[%add3A_56] : memref<4194304xi32, #tpu.memory_space<hbm>> -> memref<16384xi32, #tpu.memory_space<hbm>>
    %dma_start3A_58 = tpu.memref_slice %arg2[%add3A_56] : memref<4194304xi32, #tpu.memory_space<hbm>> -> memref<16384xi32, #tpu.memory_space<hbm>>
    tpu.enqueue_dma source(%dma_start3A_58 : memref<16384xi32, #tpu.memory_space<hbm>>) target(%arg5 : memref<16384xi32, #tpu.memory_space<vmem>>) target_semaphore(%arg15 : memref<!tpu.dma_semaphore, #tpu.memory_space<semaphore_mem>>)
    %dma_wait3A_59 = tpu.memref_slice %arg2[%add3A_48] : memref<4194304xi32, #tpu.memory_space<hbm>> -> memref<16384xi32, #tpu.memory_space<hbm>>
    %dma_wait3A_60 = tpu.memref_slice %arg2[%add3A_48] : memref<4194304xi32, #tpu.memory_space<hbm>> -> memref<16384xi32, #tpu.memory_space<hbm>>
    tpu.wait_dma2 semaphore(%arg16 : memref<!tpu.dma_semaphore, #tpu.memory_space<semaphore_mem>>) src(%dma_wait3A_60 : memref<16384xi32, #tpu.memory_space<hbm>>) dst(%arg6 : memref<16384xi32, #tpu.memory_space<vmem>>)
    %parallel_loop3A_61 = arith.constant 0 : i32
    %parallel_loop3A_62 = arith.constant 1024 : i32
    %parallel_loop3A_63 = arith.constant 1 : i32
    scf.for %parallel_loop3A_1718 = %parallel_loop3A_61 to %parallel_loop3A_62 step %parallel_loop3A_63  : i32 {
      %parallel_loop3A_1719 = arith.constant 16 : i32
      %parallel_loop3A_1720 = arith.muli %parallel_loop3A_1718, %parallel_loop3A_1719 : i32
      %parallel_loop3A_1721 = arith.index_cast %parallel_loop3A_1720 : i32 to index
      %parallel_loop3A_1722 = tpu.vector_load %arg6[%parallel_loop3A_1721] {strides = array<i32>} : memref<16384xi32, #tpu.memory_space<vmem>>, vector<16xi32>,
      %parallel_loop3A_1723 = arith.constant 8 : i32
      %parallel_loop3A_1724 = vector.broadcast %parallel_loop3A_1723 : i32 to vector<16xi32>
      %parallel_loop3A_1725 = arith.shrsi %parallel_loop3A_1722, %parallel_loop3A_1724 : vector<16xi32>
      %parallel_loop3A_1726 = arith.addi %mul3A_38, %parallel_loop3A_1725 : vector<16xi32>
      tpu.vector_store_idx %arg9[%parallel_loop3A_1726], %broadcast_in_dim3A_39 {add = true} : memref<4096xf32, #tpu.memory_space<vmem>>[vector<16xi32>], vector<16xf32>,
    } {sc.loop_unroll_factor = 4 : i64, sc.parallel_access}
    %add3A_64 = arith.constant 49152 : i32
    %add3A_65 = arith.addi %add3A_35, %add3A_64 : i32
    %dma_start3A_66 = tpu.memref_slice %arg2[%add3A_65] : memref<4194304xi32, #tpu.memory_space<hbm>> -> memref<16384xi32, #tpu.memory_space<hbm>>
    %dma_start3A_67 = tpu.memref_slice %arg2[%add3A_65] : memref<4194304xi32, #tpu.memory_space<hbm>> -> memref<16384xi32, #tpu.memory_space<hbm>>
    tpu.enqueue_dma source(%dma_start3A_67 : memref<16384xi32, #tpu.memory_space<hbm>>) target(%arg6 : memref<16384xi32, #tpu.memory_space<vmem>>) target_semaphore(%arg16 : memref<!tpu.dma_semaphore, #tpu.memory_space<semaphore_mem>>)
    %dma_wait3A_68 = tpu.memref_slice %arg2[%add3A_56] : memref<4194304xi32, #tpu.memory_space<hbm>> -> memref<16384xi32, #tpu.memory_space<hbm>>
    %dma_wait3A_69 = tpu.memref_slice %arg2[%add3A_56] : memref<4194304xi32, #tpu.memory_space<hbm>> -> memref<16384xi32, #tpu.memory_space<hbm>>
    tpu.wait_dma2 semaphore(%arg15 : memref<!tpu.dma_semaphore, #tpu.memory_space<semaphore_mem>>) src(%dma_wait3A_69 : memref<16384xi32, #tpu.memory_space<hbm>>) dst(%arg5 : memref<16384xi32, #tpu.memory_space<vmem>>)
    %parallel_loop3A_70 = arith.constant 0 : i32
    %parallel_loop3A_71 = arith.constant 1024 : i32
    %parallel_loop3A_72 = arith.constant 1 : i32
    scf.for %parallel_loop3A_1718 = %parallel_loop3A_70 to %parallel_loop3A_71 step %parallel_loop3A_72  : i32 {
      %parallel_loop3A_1719 = arith.constant 16 : i32
      %parallel_loop3A_1720 = arith.muli %parallel_loop3A_1718, %parallel_loop3A_1719 : i32
      %parallel_loop3A_1721 = arith.index_cast %parallel_loop3A_1720 : i32 to index
      %parallel_loop3A_1722 = tpu.vector_load %arg5[%parallel_loop3A_1721] {strides = array<i32>} : memref<16384xi32, #tpu.memory_space<vmem>>, vector<16xi32>,
      %parallel_loop3A_1723 = arith.constant 8 : i32
      %parallel_loop3A_1724 = vector.broadcast %parallel_loop3A_1723 : i32 to vector<16xi32>
      %parallel_loop3A_1725 = arith.shrsi %parallel_loop3A_1722, %parallel_loop3A_1724 : vector<16xi32>
      %parallel_loop3A_1726 = arith.addi %mul3A_38, %parallel_loop3A_1725 : vector<16xi32>
      tpu.vector_store_idx %arg9[%parallel_loop3A_1726], %broadcast_in_dim3A_39 {add = true} : memref<4096xf32, #tpu.memory_space<vmem>>[vector<16xi32>], vector<16xf32>,
    } {sc.loop_unroll_factor = 4 : i64, sc.parallel_access}
    %add3A_73 = arith.constant 65536 : i32
    %add3A_74 = arith.addi %add3A_35, %add3A_73 : i32
    %dma_start3A_75 = tpu.memref_slice %arg2[%add3A_74] : memref<4194304xi32, #tpu.memory_space<hbm>> -> memref<16384xi32, #tpu.memory_space<hbm>>
    %dma_start3A_76 = tpu.memref_slice %arg2[%add3A_74] : memref<4194304xi32, #tpu.memory_space<hbm>> -> memref<16384xi32, #tpu.memory_space<hbm>>
    tpu.enqueue_dma source(%dma_start3A_76 : memref<16384xi32, #tpu.memory_space<hbm>>) target(%arg5 : memref<16384xi32, #tpu.memory_space<vmem>>) target_semaphore(%arg15 : memref<!tpu.dma_semaphore, #tpu.memory_space<semaphore_mem>>)
    %dma_wait3A_77 = tpu.memref_slice %arg2[%add3A_65] : memref<4194304xi32, #tpu.memory_space<hbm>> -> memref<16384xi32, #tpu.memory_space<hbm>>
    %dma_wait3A_78 = tpu.memref_slice %arg2[%add3A_65] : memref<4194304xi32, #tpu.memory_space<hbm>> -> memref<16384xi32, #tpu.memory_space<hbm>>
    tpu.wait_dma2 semaphore(%arg16 : memref<!tpu.dma_semaphore, #tpu.memory_space<semaphore_mem>>) src(%dma_wait3A_78 : memref<16384xi32, #tpu.memory_space<hbm>>) dst(%arg6 : memref<16384xi32, #tpu.memory_space<vmem>>)
    %parallel_loop3A_79 = arith.constant 0 : i32
    %parallel_loop3A_80 = arith.constant 1024 : i32
    %parallel_loop3A_81 = arith.constant 1 : i32
    scf.for %parallel_loop3A_1718 = %parallel_loop3A_79 to %parallel_loop3A_80 step %parallel_loop3A_81  : i32 {
      %parallel_loop3A_1719 = arith.constant 16 : i32
      %parallel_loop3A_1720 = arith.muli %parallel_loop3A_1718, %parallel_loop3A_1719 : i32
      %parallel_loop3A_1721 = arith.index_cast %parallel_loop3A_1720 : i32 to index
      %parallel_loop3A_1722 = tpu.vector_load %arg6[%parallel_loop3A_1721] {strides = array<i32>} : memref<16384xi32, #tpu.memory_space<vmem>>, vector<16xi32>,
      %parallel_loop3A_1723 = arith.constant 8 : i32
      %parallel_loop3A_1724 = vector.broadcast %parallel_loop3A_1723 : i32 to vector<16xi32>
      %parallel_loop3A_1725 = arith.shrsi %parallel_loop3A_1722, %parallel_loop3A_1724 : vector<16xi32>
      %parallel_loop3A_1726 = arith.addi %mul3A_38, %parallel_loop3A_1725 : vector<16xi32>
      tpu.vector_store_idx %arg9[%parallel_loop3A_1726], %broadcast_in_dim3A_39 {add = true} : memref<4096xf32, #tpu.memory_space<vmem>>[vector<16xi32>], vector<16xf32>,
    } {sc.loop_unroll_factor = 4 : i64, sc.parallel_access}
    %add3A_82 = arith.constant 81920 : i32
    %add3A_83 = arith.addi %add3A_35, %add3A_82 : i32
    %dma_start3A_84 = tpu.memref_slice %arg2[%add3A_83] : memref<4194304xi32, #tpu.memory_space<hbm>> -> memref<16384xi32, #tpu.memory_space<hbm>>
    %dma_start3A_85 = tpu.memref_slice %arg2[%add3A_83] : memref<4194304xi32, #tpu.memory_space<hbm>> -> memref<16384xi32, #tpu.memory_space<hbm>>
    tpu.enqueue_dma source(%dma_start3A_85 : memref<16384xi32, #tpu.memory_space<hbm>>) target(%arg6 : memref<16384xi32, #tpu.memory_space<vmem>>) target_semaphore(%arg16 : memref<!tpu.dma_semaphore, #tpu.memory_space<semaphore_mem>>)
    %dma_wait3A_86 = tpu.memref_slice %arg2[%add3A_74] : memref<4194304xi32, #tpu.memory_space<hbm>> -> memref<16384xi32, #tpu.memory_space<hbm>>
    %dma_wait3A_87 = tpu.memref_slice %arg2[%add3A_74] : memref<4194304xi32, #tpu.memory_space<hbm>> -> memref<16384xi32, #tpu.memory_space<hbm>>
    tpu.wait_dma2 semaphore(%arg15 : memref<!tpu.dma_semaphore, #tpu.memory_space<semaphore_mem>>) src(%dma_wait3A_87 : memref<16384xi32, #tpu.memory_space<hbm>>) dst(%arg5 : memref<16384xi32, #tpu.memory_space<vmem>>)
    %parallel_loop3A_88 = arith.constant 0 : i32
    %parallel_loop3A_89 = arith.constant 1024 : i32
    %parallel_loop3A_90 = arith.constant 1 : i32
    scf.for %parallel_loop3A_1718 = %parallel_loop3A_88 to %parallel_loop3A_89 step %parallel_loop3A_90  : i32 {
      %parallel_loop3A_1719 = arith.constant 16 : i32
      %parallel_loop3A_1720 = arith.muli %parallel_loop3A_1718, %parallel_loop3A_1719 : i32
      %parallel_loop3A_1721 = arith.index_cast %parallel_loop3A_1720 : i32 to index
      %parallel_loop3A_1722 = tpu.vector_load %arg5[%parallel_loop3A_1721] {strides = array<i32>} : memref<16384xi32, #tpu.memory_space<vmem>>, vector<16xi32>,
      %parallel_loop3A_1723 = arith.constant 8 : i32
      %parallel_loop3A_1724 = vector.broadcast %parallel_loop3A_1723 : i32 to vector<16xi32>
      %parallel_loop3A_1725 = arith.shrsi %parallel_loop3A_1722, %parallel_loop3A_1724 : vector<16xi32>
      %parallel_loop3A_1726 = arith.addi %mul3A_38, %parallel_loop3A_1725 : vector<16xi32>
      tpu.vector_store_idx %arg9[%parallel_loop3A_1726], %broadcast_in_dim3A_39 {add = true} : memref<4096xf32, #tpu.memory_space<vmem>>[vector<16xi32>], vector<16xf32>,
    } {sc.loop_unroll_factor = 4 : i64, sc.parallel_access}
    %add3A_91 = arith.constant 98304 : i32
    %add3A_92 = arith.addi %add3A_35, %add3A_91 : i32
    %dma_start3A_93 = tpu.memref_slice %arg2[%add3A_92] : memref<4194304xi32, #tpu.memory_space<hbm>> -> memref<16384xi32, #tpu.memory_space<hbm>>
    %dma_start3A_94 = tpu.memref_slice %arg2[%add3A_92] : memref<4194304xi32, #tpu.memory_space<hbm>> -> memref<16384xi32, #tpu.memory_space<hbm>>
    tpu.enqueue_dma source(%dma_start3A_94 : memref<16384xi32, #tpu.memory_space<hbm>>) target(%arg5 : memref<16384xi32, #tpu.memory_space<vmem>>) target_semaphore(%arg15 : memref<!tpu.dma_semaphore, #tpu.memory_space<semaphore_mem>>)
    %dma_wait3A_95 = tpu.memref_slice %arg2[%add3A_83] : memref<4194304xi32, #tpu.memory_space<hbm>> -> memref<16384xi32, #tpu.memory_space<hbm>>
    %dma_wait3A_96 = tpu.memref_slice %arg2[%add3A_83] : memref<4194304xi32, #tpu.memory_space<hbm>> -> memref<16384xi32, #tpu.memory_space<hbm>>
    tpu.wait_dma2 semaphore(%arg16 : memref<!tpu.dma_semaphore, #tpu.memory_space<semaphore_mem>>) src(%dma_wait3A_96 : memref<16384xi32, #tpu.memory_space<hbm>>) dst(%arg6 : memref<16384xi32, #tpu.memory_space<vmem>>)
    %parallel_loop3A_97 = arith.constant 0 : i32
    %parallel_loop3A_98 = arith.constant 1024 : i32
    %parallel_loop3A_99 = arith.constant 1 : i32
    scf.for %parallel_loop3A_1718 = %parallel_loop3A_97 to %parallel_loop3A_98 step %parallel_loop3A_99  : i32 {
      %parallel_loop3A_1719 = arith.constant 16 : i32
      %parallel_loop3A_1720 = arith.muli %parallel_loop3A_1718, %parallel_loop3A_1719 : i32
      %parallel_loop3A_1721 = arith.index_cast %parallel_loop3A_1720 : i32 to index
      %parallel_loop3A_1722 = tpu.vector_load %arg6[%parallel_loop3A_1721] {strides = array<i32>} : memref<16384xi32, #tpu.memory_space<vmem>>, vector<16xi32>,
      %parallel_loop3A_1723 = arith.constant 8 : i32
      %parallel_loop3A_1724 = vector.broadcast %parallel_loop3A_1723 : i32 to vector<16xi32>
      %parallel_loop3A_1725 = arith.shrsi %parallel_loop3A_1722, %parallel_loop3A_1724 : vector<16xi32>
      %parallel_loop3A_1726 = arith.addi %mul3A_38, %parallel_loop3A_1725 : vector<16xi32>
      tpu.vector_store_idx %arg9[%parallel_loop3A_1726], %broadcast_in_dim3A_39 {add = true} : memref<4096xf32, #tpu.memory_space<vmem>>[vector<16xi32>], vector<16xf32>,
    } {sc.loop_unroll_factor = 4 : i64, sc.parallel_access}
    %add3A_100 = arith.constant 114688 : i32
    %add3A_101 = arith.addi %add3A_35, %add3A_100 : i32
    %dma_start3A_102 = tpu.memref_slice %arg2[%add3A_101] : memref<4194304xi32, #tpu.memory_space<hbm>> -> memref<16384xi32, #tpu.memory_space<hbm>>
    %dma_start3A_103 = tpu.memref_slice %arg2[%add3A_101] : memref<4194304xi32, #tpu.memory_space<hbm>> -> memref<16384xi32, #tpu.memory_space<hbm>>
    tpu.enqueue_dma source(%dma_start3A_103 : memref<16384xi32, #tpu.memory_space<hbm>>) target(%arg6 : memref<16384xi32, #tpu.memory_space<vmem>>) target_semaphore(%arg16 : memref<!tpu.dma_semaphore, #tpu.memory_space<semaphore_mem>>)
    %dma_wait3A_104 = tpu.memref_slice %arg2[%add3A_92] : memref<4194304xi32, #tpu.memory_space<hbm>> -> memref<16384xi32, #tpu.memory_space<hbm>>
    %dma_wait3A_105 = tpu.memref_slice %arg2[%add3A_92] : memref<4194304xi32, #tpu.memory_space<hbm>> -> memref<16384xi32, #tpu.memory_space<hbm>>
    tpu.wait_dma2 semaphore(%arg15 : memref<!tpu.dma_semaphore, #tpu.memory_space<semaphore_mem>>) src(%dma_wait3A_105 : memref<16384xi32, #tpu.memory_space<hbm>>) dst(%arg5 : memref<16384xi32, #tpu.memory_space<vmem>>)
    %parallel_loop3A_106 = arith.constant 0 : i32
    %parallel_loop3A_107 = arith.constant 1024 : i32
    %parallel_loop3A_108 = arith.constant 1 : i32
    scf.for %parallel_loop3A_1718 = %parallel_loop3A_106 to %parallel_loop3A_107 step %parallel_loop3A_108  : i32 {
      %parallel_loop3A_1719 = arith.constant 16 : i32
      %parallel_loop3A_1720 = arith.muli %parallel_loop3A_1718, %parallel_loop3A_1719 : i32
      %parallel_loop3A_1721 = arith.index_cast %parallel_loop3A_1720 : i32 to index
      %parallel_loop3A_1722 = tpu.vector_load %arg5[%parallel_loop3A_1721] {strides = array<i32>} : memref<16384xi32, #tpu.memory_space<vmem>>, vector<16xi32>,
      %parallel_loop3A_1723 = arith.constant 8 : i32
      %parallel_loop3A_1724 = vector.broadcast %parallel_loop3A_1723 : i32 to vector<16xi32>
      %parallel_loop3A_1725 = arith.shrsi %parallel_loop3A_1722, %parallel_loop3A_1724 : vector<16xi32>
      %parallel_loop3A_1726 = arith.addi %mul3A_38, %parallel_loop3A_1725 : vector<16xi32>
      tpu.vector_store_idx %arg9[%parallel_loop3A_1726], %broadcast_in_dim3A_39 {add = true} : memref<4096xf32, #tpu.memory_space<vmem>>[vector<16xi32>], vector<16xf32>,
    } {sc.loop_unroll_factor = 4 : i64, sc.parallel_access}
    %dma_wait3A_109 = tpu.memref_slice %arg2[%add3A_101] : memref<4194304xi32, #tpu.memory_space<hbm>> -> memref<16384xi32, #tpu.memory_space<hbm>>
    %dma_wait3A_110 = tpu.memref_slice %arg2[%add3A_101] : memref<4194304xi32, #tpu.memory_space<hbm>> -> memref<16384xi32, #tpu.memory_space<hbm>>
    tpu.wait_dma2 semaphore(%arg16 : memref<!tpu.dma_semaphore, #tpu.memory_space<semaphore_mem>>) src(%dma_wait3A_110 : memref<16384xi32, #tpu.memory_space<hbm>>) dst(%arg6 : memref<16384xi32, #tpu.memory_space<vmem>>)
    %parallel_loop3A_111 = arith.constant 0 : i32
    %parallel_loop3A_112 = arith.constant 1024 : i32
    %parallel_loop3A_113 = arith.constant 1 : i32
    scf.for %parallel_loop3A_1718 = %parallel_loop3A_111 to %parallel_loop3A_112 step %parallel_loop3A_113  : i32 {
      %parallel_loop3A_1719 = arith.constant 16 : i32
      %parallel_loop3A_1720 = arith.muli %parallel_loop3A_1718, %parallel_loop3A_1719 : i32
      %parallel_loop3A_1721 = arith.index_cast %parallel_loop3A_1720 : i32 to index
      %parallel_loop3A_1722 = tpu.vector_load %arg6[%parallel_loop3A_1721] {strides = array<i32>} : memref<16384xi32, #tpu.memory_space<vmem>>, vector<16xi32>,
      %parallel_loop3A_1723 = arith.constant 8 : i32
      %parallel_loop3A_1724 = vector.broadcast %parallel_loop3A_1723 : i32 to vector<16xi32>
      %parallel_loop3A_1725 = arith.shrsi %parallel_loop3A_1722, %parallel_loop3A_1724 : vector<16xi32>
      %parallel_loop3A_1726 = arith.addi %mul3A_38, %parallel_loop3A_1725 : vector<16xi32>
      tpu.vector_store_idx %arg9[%parallel_loop3A_1726], %broadcast_in_dim3A_39 {add = true} : memref<4096xf32, #tpu.memory_space<vmem>>[vector<16xi32>], vector<16xf32>,
    } {sc.loop_unroll_factor = 4 : i64, sc.parallel_access}
    %get3A = arith.constant 0 : index
    %get3A_114 = tpu.vector_load %arg9[%get3A] {strides = array<i32>} : memref<4096xf32, #tpu.memory_space<vmem>>, vector<16xf32>,
    %add3A_115 = arith.addf %broadcast_in_dim3A_41, %get3A_114 : vector<16xf32>
    %get3A_116 = arith.constant 256 : index
    %get3A_117 = tpu.vector_load %arg9[%get3A_116] {strides = array<i32>} : memref<4096xf32, #tpu.memory_space<vmem>>, vector<16xf32>,
    %add3A_118 = arith.addf %add3A_115, %get3A_117 : vector<16xf32>
    %get3A_119 = arith.constant 512 : index
    %get3A_120 = tpu.vector_load %arg9[%get3A_119] {strides = array<i32>} : memref<4096xf32, #tpu.memory_space<vmem>>, vector<16xf32>,
    %add3A_121 = arith.addf %add3A_118, %get3A_120 : vector<16xf32>
    %get3A_122 = arith.constant 768 : index
    %get3A_123 = tpu.vector_load %arg9[%get3A_122] {strides = array<i32>} : memref<4096xf32, #tpu.memory_space<vmem>>, vector<16xf32>,
    %add3A_124 = arith.addf %add3A_121, %get3A_123 : vector<16xf32>
    %get3A_125 = arith.constant 1024 : index
    %get3A_126 = tpu.vector_load %arg9[%get3A_125] {strides = array<i32>} : memref<4096xf32, #tpu.memory_space<vmem>>, vector<16xf32>,
    %add3A_127 = arith.addf %add3A_124, %get3A_126 : vector<16xf32>
    %get3A_128 = arith.constant 1280 : index
    %get3A_129 = tpu.vector_load %arg9[%get3A_128] {strides = array<i32>} : memref<4096xf32, #tpu.memory_space<vmem>>, vector<16xf32>,
    %add3A_130 = arith.addf %add3A_127, %get3A_129 : vector<16xf32>
    %get3A_131 = arith.constant 1536 : index
    %get3A_132 = tpu.vector_load %arg9[%get3A_131] {strides = array<i32>} : memref<4096xf32, #tpu.memory_space<vmem>>, vector<16xf32>,
    %add3A_133 = arith.addf %add3A_130, %get3A_132 : vector<16xf32>
    %get3A_134 = arith.constant 1792 : index
    %get3A_135 = tpu.vector_load %arg9[%get3A_134] {strides = array<i32>} : memref<4096xf32, #tpu.memory_space<vmem>>, vector<16xf32>,
    %add3A_136 = arith.addf %add3A_133, %get3A_135 : vector<16xf32>
    %get3A_137 = arith.constant 2048 : index
    %get3A_138 = tpu.vector_load %arg9[%get3A_137] {strides = array<i32>} : memref<4096xf32, #tpu.memory_space<vmem>>, vector<16xf32>,
    %add3A_139 = arith.addf %add3A_136, %get3A_138 : vector<16xf32>
    %get3A_140 = arith.constant 2304 : index
    %get3A_141 = tpu.vector_load %arg9[%get3A_140] {strides = array<i32>} : memref<4096xf32, #tpu.memory_space<vmem>>, vector<16xf32>,
    %add3A_142 = arith.addf %add3A_139, %get3A_141 : vector<16xf32>
    %get3A_143 = arith.constant 2560 : index
    %get3A_144 = tpu.vector_load %arg9[%get3A_143] {strides = array<i32>} : memref<4096xf32, #tpu.memory_space<vmem>>, vector<16xf32>,
    %add3A_145 = arith.addf %add3A_142, %get3A_144 : vector<16xf32>
    %get3A_146 = arith.constant 2816 : index
    %get3A_147 = tpu.vector_load %arg9[%get3A_146] {strides = array<i32>} : memref<4096xf32, #tpu.memory_space<vmem>>, vector<16xf32>,
    %add3A_148 = arith.addf %add3A_145, %get3A_147 : vector<16xf32>
    %get3A_149 = arith.constant 3072 : index
    %get3A_150 = tpu.vector_load %arg9[%get3A_149] {strides = array<i32>} : memref<4096xf32, #tpu.memory_space<vmem>>, vector<16xf32>,
    %add3A_151 = arith.addf %add3A_148, %get3A_150 : vector<16xf32>
    %get3A_152 = arith.constant 3328 : index
    %get3A_153 = tpu.vector_load %arg9[%get3A_152] {strides = array<i32>} : memref<4096xf32, #tpu.memory_space<vmem>>, vector<16xf32>,
    %add3A_154 = arith.addf %add3A_151, %get3A_153 : vector<16xf32>
    %get3A_155 = arith.constant 3584 : index
    %get3A_156 = tpu.vector_load %arg9[%get3A_155] {strides = array<i32>} : memref<4096xf32, #tpu.memory_space<vmem>>, vector<16xf32>,
    %add3A_157 = arith.addf %add3A_154, %get3A_156 : vector<16xf32>
    %get3A_158 = arith.constant 3840 : index
    %get3A_159 = tpu.vector_load %arg9[%get3A_158] {strides = array<i32>} : memref<4096xf32, #tpu.memory_space<vmem>>, vector<16xf32>,
    %add3A_160 = arith.addf %add3A_157, %get3A_159 : vector<16xf32>
    %swap3A = arith.constant 0 : index
    %swap3A_161 = tpu.vector_load %arg10[%swap3A] {strides = array<i32>} : memref<256xf32, #tpu.memory_space<vmem>>, vector<16xf32>,
    tpu.vector_store %arg10[%swap3A], %add3A_160 {strides = array<i32>} : memref<256xf32, #tpu.memory_space<vmem>>, vector<16xf32>,
    %get3A_162 = arith.constant 16 : index
    %get3A_163 = tpu.vector_load %arg9[%get3A_162] {strides = array<i32>} : memref<4096xf32, #tpu.memory_space<vmem>>, vector<16xf32>,
    %add3A_164 = arith.addf %broadcast_in_dim3A_41, %get3A_163 : vector<16xf32>
    %get3A_165 = arith.constant 272 : index
    %get3A_166 = tpu.vector_load %arg9[%get3A_165] {strides = array<i32>} : memref<4096xf32, #tpu.memory_space<vmem>>, vector<16xf32>,
    %add3A_167 = arith.addf %add3A_164, %get3A_166 : vector<16xf32>
    %get3A_168 = arith.constant 528 : index
    %get3A_169 = tpu.vector_load %arg9[%get3A_168] {strides = array<i32>} : memref<4096xf32, #tpu.memory_space<vmem>>, vector<16xf32>,
    %add3A_170 = arith.addf %add3A_167, %get3A_169 : vector<16xf32>
    %get3A_171 = arith.constant 784 : index
    %get3A_172 = tpu.vector_load %arg9[%get3A_171] {strides = array<i32>} : memref<4096xf32, #tpu.memory_space<vmem>>, vector<16xf32>,
    %add3A_173 = arith.addf %add3A_170, %get3A_172 : vector<16xf32>
    %get3A_174 = arith.constant 1040 : index
    %get3A_175 = tpu.vector_load %arg9[%get3A_174] {strides = array<i32>} : memref<4096xf32, #tpu.memory_space<vmem>>, vector<16xf32>,
    %add3A_176 = arith.addf %add3A_173, %get3A_175 : vector<16xf32>
    %get3A_177 = arith.constant 1296 : index
    %get3A_178 = tpu.vector_load %arg9[%get3A_177] {strides = array<i32>} : memref<4096xf32, #tpu.memory_space<vmem>>, vector<16xf32>,
    %add3A_179 = arith.addf %add3A_176, %get3A_178 : vector<16xf32>
    %get3A_180 = arith.constant 1552 : index
    %get3A_181 = tpu.vector_load %arg9[%get3A_180] {strides = array<i32>} : memref<4096xf32, #tpu.memory_space<vmem>>, vector<16xf32>,
    %add3A_182 = arith.addf %add3A_179, %get3A_181 : vector<16xf32>
    %get3A_183 = arith.constant 1808 : index
    %get3A_184 = tpu.vector_load %arg9[%get3A_183] {strides = array<i32>} : memref<4096xf32, #tpu.memory_space<vmem>>, vector<16xf32>,
    %add3A_185 = arith.addf %add3A_182, %get3A_184 : vector<16xf32>
    %get3A_186 = arith.constant 2064 : index
    %get3A_187 = tpu.vector_load %arg9[%get3A_186] {strides = array<i32>} : memref<4096xf32, #tpu.memory_space<vmem>>, vector<16xf32>,
    %add3A_188 = arith.addf %add3A_185, %get3A_187 : vector<16xf32>
    %get3A_189 = arith.constant 2320 : index
    %get3A_190 = tpu.vector_load %arg9[%get3A_189] {strides = array<i32>} : memref<4096xf32, #tpu.memory_space<vmem>>, vector<16xf32>,
    %add3A_191 = arith.addf %add3A_188, %get3A_190 : vector<16xf32>
    %get3A_192 = arith.constant 2576 : index
    %get3A_193 = tpu.vector_load %arg9[%get3A_192] {strides = array<i32>} : memref<4096xf32, #tpu.memory_space<vmem>>, vector<16xf32>,
    %add3A_194 = arith.addf %add3A_191, %get3A_193 : vector<16xf32>
    %get3A_195 = arith.constant 2832 : index
    %get3A_196 = tpu.vector_load %arg9[%get3A_195] {strides = array<i32>} : memref<4096xf32, #tpu.memory_space<vmem>>, vector<16xf32>,
    %add3A_197 = arith.addf %add3A_194, %get3A_196 : vector<16xf32>
    %get3A_198 = arith.constant 3088 : index
    %get3A_199 = tpu.vector_load %arg9[%get3A_198] {strides = array<i32>} : memref<4096xf32, #tpu.memory_space<vmem>>, vector<16xf32>,
    %add3A_200 = arith.addf %add3A_197, %get3A_199 : vector<16xf32>
    %get3A_201 = arith.constant 3344 : index
    %get3A_202 = tpu.vector_load %arg9[%get3A_201] {strides = array<i32>} : memref<4096xf32, #tpu.memory_space<vmem>>, vector<16xf32>,
    %add3A_203 = arith.addf %add3A_200, %get3A_202 : vector<16xf32>
    %get3A_204 = arith.constant 3600 : index
    %get3A_205 = tpu.vector_load %arg9[%get3A_204] {strides = array<i32>} : memref<4096xf32, #tpu.memory_space<vmem>>, vector<16xf32>,
    %add3A_206 = arith.addf %add3A_203, %get3A_205 : vector<16xf32>
    %get3A_207 = arith.constant 3856 : index
    %get3A_208 = tpu.vector_load %arg9[%get3A_207] {strides = array<i32>} : memref<4096xf32, #tpu.memory_space<vmem>>, vector<16xf32>,
    %add3A_209 = arith.addf %add3A_206, %get3A_208 : vector<16xf32>
    %swap3A_210 = arith.constant 16 : index
    %swap3A_211 = tpu.vector_load %arg10[%swap3A_210] {strides = array<i32>} : memref<256xf32, #tpu.memory_space<vmem>>, vector<16xf32>,
    tpu.vector_store %arg10[%swap3A_210], %add3A_209 {strides = array<i32>} : memref<256xf32, #tpu.memory_space<vmem>>, vector<16xf32>,
    %get3A_212 = arith.constant 32 : index
    %get3A_213 = tpu.vector_load %arg9[%get3A_212] {strides = array<i32>} : memref<4096xf32, #tpu.memory_space<vmem>>, vector<16xf32>,
    %add3A_214 = arith.addf %broadcast_in_dim3A_41, %get3A_213 : vector<16xf32>
    %get3A_215 = arith.constant 288 : index
    %get3A_216 = tpu.vector_load %arg9[%get3A_215] {strides = array<i32>} : memref<4096xf32, #tpu.memory_space<vmem>>, vector<16xf32>,
    %add3A_217 = arith.addf %add3A_214, %get3A_216 : vector<16xf32>
    %get3A_218 = arith.constant 544 : index
    %get3A_219 = tpu.vector_load %arg9[%get3A_218] {strides = array<i32>} : memref<4096xf32, #tpu.memory_space<vmem>>, vector<16xf32>,
    %add3A_220 = arith.addf %add3A_217, %get3A_219 : vector<16xf32>
    %get3A_221 = arith.constant 800 : index
    %get3A_222 = tpu.vector_load %arg9[%get3A_221] {strides = array<i32>} : memref<4096xf32, #tpu.memory_space<vmem>>, vector<16xf32>,
    %add3A_223 = arith.addf %add3A_220, %get3A_222 : vector<16xf32>
    %get3A_224 = arith.constant 1056 : index
    %get3A_225 = tpu.vector_load %arg9[%get3A_224] {strides = array<i32>} : memref<4096xf32, #tpu.memory_space<vmem>>, vector<16xf32>,
    %add3A_226 = arith.addf %add3A_223, %get3A_225 : vector<16xf32>
    %get3A_227 = arith.constant 1312 : index
    %get3A_228 = tpu.vector_load %arg9[%get3A_227] {strides = array<i32>} : memref<4096xf32, #tpu.memory_space<vmem>>, vector<16xf32>,
    %add3A_229 = arith.addf %add3A_226, %get3A_228 : vector<16xf32>
    %get3A_230 = arith.constant 1568 : index
    %get3A_231 = tpu.vector_load %arg9[%get3A_230] {strides = array<i32>} : memref<4096xf32, #tpu.memory_space<vmem>>, vector<16xf32>,
    %add3A_232 = arith.addf %add3A_229, %get3A_231 : vector<16xf32>
    %get3A_233 = arith.constant 1824 : index
    %get3A_234 = tpu.vector_load %arg9[%get3A_233] {strides = array<i32>} : memref<4096xf32, #tpu.memory_space<vmem>>, vector<16xf32>,
    %add3A_235 = arith.addf %add3A_232, %get3A_234 : vector<16xf32>
    %get3A_236 = arith.constant 2080 : index
    %get3A_237 = tpu.vector_load %arg9[%get3A_236] {strides = array<i32>} : memref<4096xf32, #tpu.memory_space<vmem>>, vector<16xf32>,
    %add3A_238 = arith.addf %add3A_235, %get3A_237 : vector<16xf32>
    %get3A_239 = arith.constant 2336 : index
    %get3A_240 = tpu.vector_load %arg9[%get3A_239] {strides = array<i32>} : memref<4096xf32, #tpu.memory_space<vmem>>, vector<16xf32>,
    %add3A_241 = arith.addf %add3A_238, %get3A_240 : vector<16xf32>
    %get3A_242 = arith.constant 2592 : index
    %get3A_243 = tpu.vector_load %arg9[%get3A_242] {strides = array<i32>} : memref<4096xf32, #tpu.memory_space<vmem>>, vector<16xf32>,
    %add3A_244 = arith.addf %add3A_241, %get3A_243 : vector<16xf32>
    %get3A_245 = arith.constant 2848 : index
    %get3A_246 = tpu.vector_load %arg9[%get3A_245] {strides = array<i32>} : memref<4096xf32, #tpu.memory_space<vmem>>, vector<16xf32>,
    %add3A_247 = arith.addf %add3A_244, %get3A_246 : vector<16xf32>
    %get3A_248 = arith.constant 3104 : index
    %get3A_249 = tpu.vector_load %arg9[%get3A_248] {strides = array<i32>} : memref<4096xf32, #tpu.memory_space<vmem>>, vector<16xf32>,
    %add3A_250 = arith.addf %add3A_247, %get3A_249 : vector<16xf32>
    %get3A_251 = arith.constant 3360 : index
    %get3A_252 = tpu.vector_load %arg9[%get3A_251] {strides = array<i32>} : memref<4096xf32, #tpu.memory_space<vmem>>, vector<16xf32>,
    %add3A_253 = arith.addf %add3A_250, %get3A_252 : vector<16xf32>
    %get3A_254 = arith.constant 3616 : index
    %get3A_255 = tpu.vector_load %arg9[%get3A_254] {strides = array<i32>} : memref<4096xf32, #tpu.memory_space<vmem>>, vector<16xf32>,
    %add3A_256 = arith.addf %add3A_253, %get3A_255 : vector<16xf32>
    %get3A_257 = arith.constant 3872 : index
    %get3A_258 = tpu.vector_load %arg9[%get3A_257] {strides = array<i32>} : memref<4096xf32, #tpu.memory_space<vmem>>, vector<16xf32>,
    %add3A_259 = arith.addf %add3A_256, %get3A_258 : vector<16xf32>
    %swap3A_260 = arith.constant 32 : index
    %swap3A_261 = tpu.vector_load %arg10[%swap3A_260] {strides = array<i32>} : memref<256xf32, #tpu.memory_space<vmem>>, vector<16xf32>,
    tpu.vector_store %arg10[%swap3A_260], %add3A_259 {strides = array<i32>} : memref<256xf32, #tpu.memory_space<vmem>>, vector<16xf32>,
    %get3A_262 = arith.constant 48 : index
    %get3A_263 = tpu.vector_load %arg9[%get3A_262] {strides = array<i32>} : memref<4096xf32, #tpu.memory_space<vmem>>, vector<16xf32>,
    %add3A_264 = arith.addf %broadcast_in_dim3A_41, %get3A_263 : vector<16xf32>
    %get3A_265 = arith.constant 304 : index
    %get3A_266 = tpu.vector_load %arg9[%get3A_265] {strides = array<i32>} : memref<4096xf32, #tpu.memory_space<vmem>>, vector<16xf32>,
    %add3A_267 = arith.addf %add3A_264, %get3A_266 : vector<16xf32>
    %get3A_268 = arith.constant 560 : index
    %get3A_269 = tpu.vector_load %arg9[%get3A_268] {strides = array<i32>} : memref<4096xf32, #tpu.memory_space<vmem>>, vector<16xf32>,
    %add3A_270 = arith.addf %add3A_267, %get3A_269 : vector<16xf32>
    %get3A_271 = arith.constant 816 : index
    %get3A_272 = tpu.vector_load %arg9[%get3A_271] {strides = array<i32>} : memref<4096xf32, #tpu.memory_space<vmem>>, vector<16xf32>,
    %add3A_273 = arith.addf %add3A_270, %get3A_272 : vector<16xf32>
    %get3A_274 = arith.constant 1072 : index
    %get3A_275 = tpu.vector_load %arg9[%get3A_274] {strides = array<i32>} : memref<4096xf32, #tpu.memory_space<vmem>>, vector<16xf32>,
    %add3A_276 = arith.addf %add3A_273, %get3A_275 : vector<16xf32>
    %get3A_277 = arith.constant 1328 : index
    %get3A_278 = tpu.vector_load %arg9[%get3A_277] {strides = array<i32>} : memref<4096xf32, #tpu.memory_space<vmem>>, vector<16xf32>,
    %add3A_279 = arith.addf %add3A_276, %get3A_278 : vector<16xf32>
    %get3A_280 = arith.constant 1584 : index
    %get3A_281 = tpu.vector_load %arg9[%get3A_280] {strides = array<i32>} : memref<4096xf32, #tpu.memory_space<vmem>>, vector<16xf32>,
    %add3A_282 = arith.addf %add3A_279, %get3A_281 : vector<16xf32>
    %get3A_283 = arith.constant 1840 : index
    %get3A_284 = tpu.vector_load %arg9[%get3A_283] {strides = array<i32>} : memref<4096xf32, #tpu.memory_space<vmem>>, vector<16xf32>,
    %add3A_285 = arith.addf %add3A_282, %get3A_284 : vector<16xf32>
    %get3A_286 = arith.constant 2096 : index
    %get3A_287 = tpu.vector_load %arg9[%get3A_286] {strides = array<i32>} : memref<4096xf32, #tpu.memory_space<vmem>>, vector<16xf32>,
    %add3A_288 = arith.addf %add3A_285, %get3A_287 : vector<16xf32>
    %get3A_289 = arith.constant 2352 : index
    %get3A_290 = tpu.vector_load %arg9[%get3A_289] {strides = array<i32>} : memref<4096xf32, #tpu.memory_space<vmem>>, vector<16xf32>,
    %add3A_291 = arith.addf %add3A_288, %get3A_290 : vector<16xf32>
    %get3A_292 = arith.constant 2608 : index
    %get3A_293 = tpu.vector_load %arg9[%get3A_292] {strides = array<i32>} : memref<4096xf32, #tpu.memory_space<vmem>>, vector<16xf32>,
    %add3A_294 = arith.addf %add3A_291, %get3A_293 : vector<16xf32>
    %get3A_295 = arith.constant 2864 : index
    %get3A_296 = tpu.vector_load %arg9[%get3A_295] {strides = array<i32>} : memref<4096xf32, #tpu.memory_space<vmem>>, vector<16xf32>,
    %add3A_297 = arith.addf %add3A_294, %get3A_296 : vector<16xf32>
    %get3A_298 = arith.constant 3120 : index
    %get3A_299 = tpu.vector_load %arg9[%get3A_298] {strides = array<i32>} : memref<4096xf32, #tpu.memory_space<vmem>>, vector<16xf32>,
    %add3A_300 = arith.addf %add3A_297, %get3A_299 : vector<16xf32>
    %get3A_301 = arith.constant 3376 : index
    %get3A_302 = tpu.vector_load %arg9[%get3A_301] {strides = array<i32>} : memref<4096xf32, #tpu.memory_space<vmem>>, vector<16xf32>,
    %add3A_303 = arith.addf %add3A_300, %get3A_302 : vector<16xf32>
    %get3A_304 = arith.constant 3632 : index
    %get3A_305 = tpu.vector_load %arg9[%get3A_304] {strides = array<i32>} : memref<4096xf32, #tpu.memory_space<vmem>>, vector<16xf32>,
    %add3A_306 = arith.addf %add3A_303, %get3A_305 : vector<16xf32>
    %get3A_307 = arith.constant 3888 : index
    %get3A_308 = tpu.vector_load %arg9[%get3A_307] {strides = array<i32>} : memref<4096xf32, #tpu.memory_space<vmem>>, vector<16xf32>,
    %add3A_309 = arith.addf %add3A_306, %get3A_308 : vector<16xf32>
    %swap3A_310 = arith.constant 48 : index
    %swap3A_311 = tpu.vector_load %arg10[%swap3A_310] {strides = array<i32>} : memref<256xf32, #tpu.memory_space<vmem>>, vector<16xf32>,
    tpu.vector_store %arg10[%swap3A_310], %add3A_309 {strides = array<i32>} : memref<256xf32, #tpu.memory_space<vmem>>, vector<16xf32>,
    %get3A_312 = arith.constant 64 : index
    %get3A_313 = tpu.vector_load %arg9[%get3A_312] {strides = array<i32>} : memref<4096xf32, #tpu.memory_space<vmem>>, vector<16xf32>,
    %add3A_314 = arith.addf %broadcast_in_dim3A_41, %get3A_313 : vector<16xf32>
    %get3A_315 = arith.constant 320 : index
    %get3A_316 = tpu.vector_load %arg9[%get3A_315] {strides = array<i32>} : memref<4096xf32, #tpu.memory_space<vmem>>, vector<16xf32>,
    %add3A_317 = arith.addf %add3A_314, %get3A_316 : vector<16xf32>
    %get3A_318 = arith.constant 576 : index
    %get3A_319 = tpu.vector_load %arg9[%get3A_318] {strides = array<i32>} : memref<4096xf32, #tpu.memory_space<vmem>>, vector<16xf32>,
    %add3A_320 = arith.addf %add3A_317, %get3A_319 : vector<16xf32>
    %get3A_321 = arith.constant 832 : index
    %get3A_322 = tpu.vector_load %arg9[%get3A_321] {strides = array<i32>} : memref<4096xf32, #tpu.memory_space<vmem>>, vector<16xf32>,
    %add3A_323 = arith.addf %add3A_320, %get3A_322 : vector<16xf32>
    %get3A_324 = arith.constant 1088 : index
    %get3A_325 = tpu.vector_load %arg9[%get3A_324] {strides = array<i32>} : memref<4096xf32, #tpu.memory_space<vmem>>, vector<16xf32>,
    %add3A_326 = arith.addf %add3A_323, %get3A_325 : vector<16xf32>
    %get3A_327 = arith.constant 1344 : index
    %get3A_328 = tpu.vector_load %arg9[%get3A_327] {strides = array<i32>} : memref<4096xf32, #tpu.memory_space<vmem>>, vector<16xf32>,
    %add3A_329 = arith.addf %add3A_326, %get3A_328 : vector<16xf32>
    %get3A_330 = arith.constant 1600 : index
    %get3A_331 = tpu.vector_load %arg9[%get3A_330] {strides = array<i32>} : memref<4096xf32, #tpu.memory_space<vmem>>, vector<16xf32>,
    %add3A_332 = arith.addf %add3A_329, %get3A_331 : vector<16xf32>
    %get3A_333 = arith.constant 1856 : index
    %get3A_334 = tpu.vector_load %arg9[%get3A_333] {strides = array<i32>} : memref<4096xf32, #tpu.memory_space<vmem>>, vector<16xf32>,
    %add3A_335 = arith.addf %add3A_332, %get3A_334 : vector<16xf32>
    %get3A_336 = arith.constant 2112 : index
    %get3A_337 = tpu.vector_load %arg9[%get3A_336] {strides = array<i32>} : memref<4096xf32, #tpu.memory_space<vmem>>, vector<16xf32>,
    %add3A_338 = arith.addf %add3A_335, %get3A_337 : vector<16xf32>
    %get3A_339 = arith.constant 2368 : index
    %get3A_340 = tpu.vector_load %arg9[%get3A_339] {strides = array<i32>} : memref<4096xf32, #tpu.memory_space<vmem>>, vector<16xf32>,
    %add3A_341 = arith.addf %add3A_338, %get3A_340 : vector<16xf32>
    %get3A_342 = arith.constant 2624 : index
    %get3A_343 = tpu.vector_load %arg9[%get3A_342] {strides = array<i32>} : memref<4096xf32, #tpu.memory_space<vmem>>, vector<16xf32>,
    %add3A_344 = arith.addf %add3A_341, %get3A_343 : vector<16xf32>
    %get3A_345 = arith.constant 2880 : index
    %get3A_346 = tpu.vector_load %arg9[%get3A_345] {strides = array<i32>} : memref<4096xf32, #tpu.memory_space<vmem>>, vector<16xf32>,
    %add3A_347 = arith.addf %add3A_344, %get3A_346 : vector<16xf32>
    %get3A_348 = arith.constant 3136 : index
    %get3A_349 = tpu.vector_load %arg9[%get3A_348] {strides = array<i32>} : memref<4096xf32, #tpu.memory_space<vmem>>, vector<16xf32>,
    %add3A_350 = arith.addf %add3A_347, %get3A_349 : vector<16xf32>
    %get3A_351 = arith.constant 3392 : index
    %get3A_352 = tpu.vector_load %arg9[%get3A_351] {strides = array<i32>} : memref<4096xf32, #tpu.memory_space<vmem>>, vector<16xf32>,
    %add3A_353 = arith.addf %add3A_350, %get3A_352 : vector<16xf32>
    %get3A_354 = arith.constant 3648 : index
    %get3A_355 = tpu.vector_load %arg9[%get3A_354] {strides = array<i32>} : memref<4096xf32, #tpu.memory_space<vmem>>, vector<16xf32>,
    %add3A_356 = arith.addf %add3A_353, %get3A_355 : vector<16xf32>
    %get3A_357 = arith.constant 3904 : index
    %get3A_358 = tpu.vector_load %arg9[%get3A_357] {strides = array<i32>} : memref<4096xf32, #tpu.memory_space<vmem>>, vector<16xf32>,
    %add3A_359 = arith.addf %add3A_356, %get3A_358 : vector<16xf32>
    %swap3A_360 = arith.constant 64 : index
    %swap3A_361 = tpu.vector_load %arg10[%swap3A_360] {strides = array<i32>} : memref<256xf32, #tpu.memory_space<vmem>>, vector<16xf32>,
    tpu.vector_store %arg10[%swap3A_360], %add3A_359 {strides = array<i32>} : memref<256xf32, #tpu.memory_space<vmem>>, vector<16xf32>,
    %get3A_362 = arith.constant 80 : index
    %get3A_363 = tpu.vector_load %arg9[%get3A_362] {strides = array<i32>} : memref<4096xf32, #tpu.memory_space<vmem>>, vector<16xf32>,
    %add3A_364 = arith.addf %broadcast_in_dim3A_41, %get3A_363 : vector<16xf32>
    %get3A_365 = arith.constant 336 : index
    %get3A_366 = tpu.vector_load %arg9[%get3A_365] {strides = array<i32>} : memref<4096xf32, #tpu.memory_space<vmem>>, vector<16xf32>,
    %add3A_367 = arith.addf %add3A_364, %get3A_366 : vector<16xf32>
    %get3A_368 = arith.constant 592 : index
    %get3A_369 = tpu.vector_load %arg9[%get3A_368] {strides = array<i32>} : memref<4096xf32, #tpu.memory_space<vmem>>, vector<16xf32>,
    %add3A_370 = arith.addf %add3A_367, %get3A_369 : vector<16xf32>
    %get3A_371 = arith.constant 848 : index
    %get3A_372 = tpu.vector_load %arg9[%get3A_371] {strides = array<i32>} : memref<4096xf32, #tpu.memory_space<vmem>>, vector<16xf32>,
    %add3A_373 = arith.addf %add3A_370, %get3A_372 : vector<16xf32>
    %get3A_374 = arith.constant 1104 : index
    %get3A_375 = tpu.vector_load %arg9[%get3A_374] {strides = array<i32>} : memref<4096xf32, #tpu.memory_space<vmem>>, vector<16xf32>,
    %add3A_376 = arith.addf %add3A_373, %get3A_375 : vector<16xf32>
    %get3A_377 = arith.constant 1360 : index
    %get3A_378 = tpu.vector_load %arg9[%get3A_377] {strides = array<i32>} : memref<4096xf32, #tpu.memory_space<vmem>>, vector<16xf32>,
    %add3A_379 = arith.addf %add3A_376, %get3A_378 : vector<16xf32>
    %get3A_380 = arith.constant 1616 : index
    %get3A_381 = tpu.vector_load %arg9[%get3A_380] {strides = array<i32>} : memref<4096xf32, #tpu.memory_space<vmem>>, vector<16xf32>,
    %add3A_382 = arith.addf %add3A_379, %get3A_381 : vector<16xf32>
    %get3A_383 = arith.constant 1872 : index
    %get3A_384 = tpu.vector_load %arg9[%get3A_383] {strides = array<i32>} : memref<4096xf32, #tpu.memory_space<vmem>>, vector<16xf32>,
    %add3A_385 = arith.addf %add3A_382, %get3A_384 : vector<16xf32>
    %get3A_386 = arith.constant 2128 : index
    %get3A_387 = tpu.vector_load %arg9[%get3A_386] {strides = array<i32>} : memref<4096xf32, #tpu.memory_space<vmem>>, vector<16xf32>,
    %add3A_388 = arith.addf %add3A_385, %get3A_387 : vector<16xf32>
    %get3A_389 = arith.constant 2384 : index
    %get3A_390 = tpu.vector_load %arg9[%get3A_389] {strides = array<i32>} : memref<4096xf32, #tpu.memory_space<vmem>>, vector<16xf32>,
    %add3A_391 = arith.addf %add3A_388, %get3A_390 : vector<16xf32>
    %get3A_392 = arith.constant 2640 : index
    %get3A_393 = tpu.vector_load %arg9[%get3A_392] {strides = array<i32>} : memref<4096xf32, #tpu.memory_space<vmem>>, vector<16xf32>,
    %add3A_394 = arith.addf %add3A_391, %get3A_393 : vector<16xf32>
    %get3A_395 = arith.constant 2896 : index
    %get3A_396 = tpu.vector_load %arg9[%get3A_395] {strides = array<i32>} : memref<4096xf32, #tpu.memory_space<vmem>>, vector<16xf32>,
    %add3A_397 = arith.addf %add3A_394, %get3A_396 : vector<16xf32>
    %get3A_398 = arith.constant 3152 : index
    %get3A_399 = tpu.vector_load %arg9[%get3A_398] {strides = array<i32>} : memref<4096xf32, #tpu.memory_space<vmem>>, vector<16xf32>,
    %add3A_400 = arith.addf %add3A_397, %get3A_399 : vector<16xf32>
    %get3A_401 = arith.constant 3408 : index
    %get3A_402 = tpu.vector_load %arg9[%get3A_401] {strides = array<i32>} : memref<4096xf32, #tpu.memory_space<vmem>>, vector<16xf32>,
    %add3A_403 = arith.addf %add3A_400, %get3A_402 : vector<16xf32>
    %get3A_404 = arith.constant 3664 : index
    %get3A_405 = tpu.vector_load %arg9[%get3A_404] {strides = array<i32>} : memref<4096xf32, #tpu.memory_space<vmem>>, vector<16xf32>,
    %add3A_406 = arith.addf %add3A_403, %get3A_405 : vector<16xf32>
    %get3A_407 = arith.constant 3920 : index
    %get3A_408 = tpu.vector_load %arg9[%get3A_407] {strides = array<i32>} : memref<4096xf32, #tpu.memory_space<vmem>>, vector<16xf32>,
    %add3A_409 = arith.addf %add3A_406, %get3A_408 : vector<16xf32>
    %swap3A_410 = arith.constant 80 : index
    %swap3A_411 = tpu.vector_load %arg10[%swap3A_410] {strides = array<i32>} : memref<256xf32, #tpu.memory_space<vmem>>, vector<16xf32>,
    tpu.vector_store %arg10[%swap3A_410], %add3A_409 {strides = array<i32>} : memref<256xf32, #tpu.memory_space<vmem>>, vector<16xf32>,
    %get3A_412 = arith.constant 96 : index
    %get3A_413 = tpu.vector_load %arg9[%get3A_412] {strides = array<i32>} : memref<4096xf32, #tpu.memory_space<vmem>>, vector<16xf32>,
    %add3A_414 = arith.addf %broadcast_in_dim3A_41, %get3A_413 : vector<16xf32>
    %get3A_415 = arith.constant 352 : index
    %get3A_416 = tpu.vector_load %arg9[%get3A_415] {strides = array<i32>} : memref<4096xf32, #tpu.memory_space<vmem>>, vector<16xf32>,
    %add3A_417 = arith.addf %add3A_414, %get3A_416 : vector<16xf32>
    %get3A_418 = arith.constant 608 : index
    %get3A_419 = tpu.vector_load %arg9[%get3A_418] {strides = array<i32>} : memref<4096xf32, #tpu.memory_space<vmem>>, vector<16xf32>,
    %add3A_420 = arith.addf %add3A_417, %get3A_419 : vector<16xf32>
    %get3A_421 = arith.constant 864 : index
    %get3A_422 = tpu.vector_load %arg9[%get3A_421] {strides = array<i32>} : memref<4096xf32, #tpu.memory_space<vmem>>, vector<16xf32>,
    %add3A_423 = arith.addf %add3A_420, %get3A_422 : vector<16xf32>
    %get3A_424 = arith.constant 1120 : index
    %get3A_425 = tpu.vector_load %arg9[%get3A_424] {strides = array<i32>} : memref<4096xf32, #tpu.memory_space<vmem>>, vector<16xf32>,
    %add3A_426 = arith.addf %add3A_423, %get3A_425 : vector<16xf32>
    %get3A_427 = arith.constant 1376 : index
    %get3A_428 = tpu.vector_load %arg9[%get3A_427] {strides = array<i32>} : memref<4096xf32, #tpu.memory_space<vmem>>, vector<16xf32>,
    %add3A_429 = arith.addf %add3A_426, %get3A_428 : vector<16xf32>
    %get3A_430 = arith.constant 1632 : index
    %get3A_431 = tpu.vector_load %arg9[%get3A_430] {strides = array<i32>} : memref<4096xf32, #tpu.memory_space<vmem>>, vector<16xf32>,
    %add3A_432 = arith.addf %add3A_429, %get3A_431 : vector<16xf32>
    %get3A_433 = arith.constant 1888 : index
    %get3A_434 = tpu.vector_load %arg9[%get3A_433] {strides = array<i32>} : memref<4096xf32, #tpu.memory_space<vmem>>, vector<16xf32>,
    %add3A_435 = arith.addf %add3A_432, %get3A_434 : vector<16xf32>
    %get3A_436 = arith.constant 2144 : index
    %get3A_437 = tpu.vector_load %arg9[%get3A_436] {strides = array<i32>} : memref<4096xf32, #tpu.memory_space<vmem>>, vector<16xf32>,
    %add3A_438 = arith.addf %add3A_435, %get3A_437 : vector<16xf32>
    %get3A_439 = arith.constant 2400 : index
    %get3A_440 = tpu.vector_load %arg9[%get3A_439] {strides = array<i32>} : memref<4096xf32, #tpu.memory_space<vmem>>, vector<16xf32>,
    %add3A_441 = arith.addf %add3A_438, %get3A_440 : vector<16xf32>
    %get3A_442 = arith.constant 2656 : index
    %get3A_443 = tpu.vector_load %arg9[%get3A_442] {strides = array<i32>} : memref<4096xf32, #tpu.memory_space<vmem>>, vector<16xf32>,
    %add3A_444 = arith.addf %add3A_441, %get3A_443 : vector<16xf32>
    %get3A_445 = arith.constant 2912 : index
    %get3A_446 = tpu.vector_load %arg9[%get3A_445] {strides = array<i32>} : memref<4096xf32, #tpu.memory_space<vmem>>, vector<16xf32>,
    %add3A_447 = arith.addf %add3A_444, %get3A_446 : vector<16xf32>
    %get3A_448 = arith.constant 3168 : index
    %get3A_449 = tpu.vector_load %arg9[%get3A_448] {strides = array<i32>} : memref<4096xf32, #tpu.memory_space<vmem>>, vector<16xf32>,
    %add3A_450 = arith.addf %add3A_447, %get3A_449 : vector<16xf32>
    %get3A_451 = arith.constant 3424 : index
    %get3A_452 = tpu.vector_load %arg9[%get3A_451] {strides = array<i32>} : memref<4096xf32, #tpu.memory_space<vmem>>, vector<16xf32>,
    %add3A_453 = arith.addf %add3A_450, %get3A_452 : vector<16xf32>
    %get3A_454 = arith.constant 3680 : index
    %get3A_455 = tpu.vector_load %arg9[%get3A_454] {strides = array<i32>} : memref<4096xf32, #tpu.memory_space<vmem>>, vector<16xf32>,
    %add3A_456 = arith.addf %add3A_453, %get3A_455 : vector<16xf32>
    %get3A_457 = arith.constant 3936 : index
    %get3A_458 = tpu.vector_load %arg9[%get3A_457] {strides = array<i32>} : memref<4096xf32, #tpu.memory_space<vmem>>, vector<16xf32>,
    %add3A_459 = arith.addf %add3A_456, %get3A_458 : vector<16xf32>
    %swap3A_460 = arith.constant 96 : index
    %swap3A_461 = tpu.vector_load %arg10[%swap3A_460] {strides = array<i32>} : memref<256xf32, #tpu.memory_space<vmem>>, vector<16xf32>,
    tpu.vector_store %arg10[%swap3A_460], %add3A_459 {strides = array<i32>} : memref<256xf32, #tpu.memory_space<vmem>>, vector<16xf32>,
    %get3A_462 = arith.constant 112 : index
    %get3A_463 = tpu.vector_load %arg9[%get3A_462] {strides = array<i32>} : memref<4096xf32, #tpu.memory_space<vmem>>, vector<16xf32>,
    %add3A_464 = arith.addf %broadcast_in_dim3A_41, %get3A_463 : vector<16xf32>
    %get3A_465 = arith.constant 368 : index
    %get3A_466 = tpu.vector_load %arg9[%get3A_465] {strides = array<i32>} : memref<4096xf32, #tpu.memory_space<vmem>>, vector<16xf32>,
    %add3A_467 = arith.addf %add3A_464, %get3A_466 : vector<16xf32>
    %get3A_468 = arith.constant 624 : index
    %get3A_469 = tpu.vector_load %arg9[%get3A_468] {strides = array<i32>} : memref<4096xf32, #tpu.memory_space<vmem>>, vector<16xf32>,
    %add3A_470 = arith.addf %add3A_467, %get3A_469 : vector<16xf32>
    %get3A_471 = arith.constant 880 : index
    %get3A_472 = tpu.vector_load %arg9[%get3A_471] {strides = array<i32>} : memref<4096xf32, #tpu.memory_space<vmem>>, vector<16xf32>,
    %add3A_473 = arith.addf %add3A_470, %get3A_472 : vector<16xf32>
    %get3A_474 = arith.constant 1136 : index
    %get3A_475 = tpu.vector_load %arg9[%get3A_474] {strides = array<i32>} : memref<4096xf32, #tpu.memory_space<vmem>>, vector<16xf32>,
    %add3A_476 = arith.addf %add3A_473, %get3A_475 : vector<16xf32>
    %get3A_477 = arith.constant 1392 : index
    %get3A_478 = tpu.vector_load %arg9[%get3A_477] {strides = array<i32>} : memref<4096xf32, #tpu.memory_space<vmem>>, vector<16xf32>,
    %add3A_479 = arith.addf %add3A_476, %get3A_478 : vector<16xf32>
    %get3A_480 = arith.constant 1648 : index
    %get3A_481 = tpu.vector_load %arg9[%get3A_480] {strides = array<i32>} : memref<4096xf32, #tpu.memory_space<vmem>>, vector<16xf32>,
    %add3A_482 = arith.addf %add3A_479, %get3A_481 : vector<16xf32>
    %get3A_483 = arith.constant 1904 : index
    %get3A_484 = tpu.vector_load %arg9[%get3A_483] {strides = array<i32>} : memref<4096xf32, #tpu.memory_space<vmem>>, vector<16xf32>,
    %add3A_485 = arith.addf %add3A_482, %get3A_484 : vector<16xf32>
    %get3A_486 = arith.constant 2160 : index
    %get3A_487 = tpu.vector_load %arg9[%get3A_486] {strides = array<i32>} : memref<4096xf32, #tpu.memory_space<vmem>>, vector<16xf32>,
    %add3A_488 = arith.addf %add3A_485, %get3A_487 : vector<16xf32>
    %get3A_489 = arith.constant 2416 : index
    %get3A_490 = tpu.vector_load %arg9[%get3A_489] {strides = array<i32>} : memref<4096xf32, #tpu.memory_space<vmem>>, vector<16xf32>,
    %add3A_491 = arith.addf %add3A_488, %get3A_490 : vector<16xf32>
    %get3A_492 = arith.constant 2672 : index
    %get3A_493 = tpu.vector_load %arg9[%get3A_492] {strides = array<i32>} : memref<4096xf32, #tpu.memory_space<vmem>>, vector<16xf32>,
    %add3A_494 = arith.addf %add3A_491, %get3A_493 : vector<16xf32>
    %get3A_495 = arith.constant 2928 : index
    %get3A_496 = tpu.vector_load %arg9[%get3A_495] {strides = array<i32>} : memref<4096xf32, #tpu.memory_space<vmem>>, vector<16xf32>,
    %add3A_497 = arith.addf %add3A_494, %get3A_496 : vector<16xf32>
    %get3A_498 = arith.constant 3184 : index
    %get3A_499 = tpu.vector_load %arg9[%get3A_498] {strides = array<i32>} : memref<4096xf32, #tpu.memory_space<vmem>>, vector<16xf32>,
    %add3A_500 = arith.addf %add3A_497, %get3A_499 : vector<16xf32>
    %get3A_501 = arith.constant 3440 : index
    %get3A_502 = tpu.vector_load %arg9[%get3A_501] {strides = array<i32>} : memref<4096xf32, #tpu.memory_space<vmem>>, vector<16xf32>,
    %add3A_503 = arith.addf %add3A_500, %get3A_502 : vector<16xf32>
    %get3A_504 = arith.constant 3696 : index
    %get3A_505 = tpu.vector_load %arg9[%get3A_504] {strides = array<i32>} : memref<4096xf32, #tpu.memory_space<vmem>>, vector<16xf32>,
    %add3A_506 = arith.addf %add3A_503, %get3A_505 : vector<16xf32>
    %get3A_507 = arith.constant 3952 : index
    %get3A_508 = tpu.vector_load %arg9[%get3A_507] {strides = array<i32>} : memref<4096xf32, #tpu.memory_space<vmem>>, vector<16xf32>,
    %add3A_509 = arith.addf %add3A_506, %get3A_508 : vector<16xf32>
    %swap3A_510 = arith.constant 112 : index
    %swap3A_511 = tpu.vector_load %arg10[%swap3A_510] {strides = array<i32>} : memref<256xf32, #tpu.memory_space<vmem>>, vector<16xf32>,
    tpu.vector_store %arg10[%swap3A_510], %add3A_509 {strides = array<i32>} : memref<256xf32, #tpu.memory_space<vmem>>, vector<16xf32>,
    %get3A_512 = arith.constant 128 : index
    %get3A_513 = tpu.vector_load %arg9[%get3A_512] {strides = array<i32>} : memref<4096xf32, #tpu.memory_space<vmem>>, vector<16xf32>,
    %add3A_514 = arith.addf %broadcast_in_dim3A_41, %get3A_513 : vector<16xf32>
    %get3A_515 = arith.constant 384 : index
    %get3A_516 = tpu.vector_load %arg9[%get3A_515] {strides = array<i32>} : memref<4096xf32, #tpu.memory_space<vmem>>, vector<16xf32>,
    %add3A_517 = arith.addf %add3A_514, %get3A_516 : vector<16xf32>
    %get3A_518 = arith.constant 640 : index
    %get3A_519 = tpu.vector_load %arg9[%get3A_518] {strides = array<i32>} : memref<4096xf32, #tpu.memory_space<vmem>>, vector<16xf32>,
    %add3A_520 = arith.addf %add3A_517, %get3A_519 : vector<16xf32>
    %get3A_521 = arith.constant 896 : index
    %get3A_522 = tpu.vector_load %arg9[%get3A_521] {strides = array<i32>} : memref<4096xf32, #tpu.memory_space<vmem>>, vector<16xf32>,
    %add3A_523 = arith.addf %add3A_520, %get3A_522 : vector<16xf32>
    %get3A_524 = arith.constant 1152 : index
    %get3A_525 = tpu.vector_load %arg9[%get3A_524] {strides = array<i32>} : memref<4096xf32, #tpu.memory_space<vmem>>, vector<16xf32>,
    %add3A_526 = arith.addf %add3A_523, %get3A_525 : vector<16xf32>
    %get3A_527 = arith.constant 1408 : index
    %get3A_528 = tpu.vector_load %arg9[%get3A_527] {strides = array<i32>} : memref<4096xf32, #tpu.memory_space<vmem>>, vector<16xf32>,
    %add3A_529 = arith.addf %add3A_526, %get3A_528 : vector<16xf32>
    %get3A_530 = arith.constant 1664 : index
    %get3A_531 = tpu.vector_load %arg9[%get3A_530] {strides = array<i32>} : memref<4096xf32, #tpu.memory_space<vmem>>, vector<16xf32>,
    %add3A_532 = arith.addf %add3A_529, %get3A_531 : vector<16xf32>
    %get3A_533 = arith.constant 1920 : index
    %get3A_534 = tpu.vector_load %arg9[%get3A_533] {strides = array<i32>} : memref<4096xf32, #tpu.memory_space<vmem>>, vector<16xf32>,
    %add3A_535 = arith.addf %add3A_532, %get3A_534 : vector<16xf32>
    %get3A_536 = arith.constant 2176 : index
    %get3A_537 = tpu.vector_load %arg9[%get3A_536] {strides = array<i32>} : memref<4096xf32, #tpu.memory_space<vmem>>, vector<16xf32>,
    %add3A_538 = arith.addf %add3A_535, %get3A_537 : vector<16xf32>
    %get3A_539 = arith.constant 2432 : index
    %get3A_540 = tpu.vector_load %arg9[%get3A_539] {strides = array<i32>} : memref<4096xf32, #tpu.memory_space<vmem>>, vector<16xf32>,
    %add3A_541 = arith.addf %add3A_538, %get3A_540 : vector<16xf32>
    %get3A_542 = arith.constant 2688 : index
    %get3A_543 = tpu.vector_load %arg9[%get3A_542] {strides = array<i32>} : memref<4096xf32, #tpu.memory_space<vmem>>, vector<16xf32>,
    %add3A_544 = arith.addf %add3A_541, %get3A_543 : vector<16xf32>
    %get3A_545 = arith.constant 2944 : index
    %get3A_546 = tpu.vector_load %arg9[%get3A_545] {strides = array<i32>} : memref<4096xf32, #tpu.memory_space<vmem>>, vector<16xf32>,
    %add3A_547 = arith.addf %add3A_544, %get3A_546 : vector<16xf32>
    %get3A_548 = arith.constant 3200 : index
    %get3A_549 = tpu.vector_load %arg9[%get3A_548] {strides = array<i32>} : memref<4096xf32, #tpu.memory_space<vmem>>, vector<16xf32>,
    %add3A_550 = arith.addf %add3A_547, %get3A_549 : vector<16xf32>
    %get3A_551 = arith.constant 3456 : index
    %get3A_552 = tpu.vector_load %arg9[%get3A_551] {strides = array<i32>} : memref<4096xf32, #tpu.memory_space<vmem>>, vector<16xf32>,
    %add3A_553 = arith.addf %add3A_550, %get3A_552 : vector<16xf32>
    %get3A_554 = arith.constant 3712 : index
    %get3A_555 = tpu.vector_load %arg9[%get3A_554] {strides = array<i32>} : memref<4096xf32, #tpu.memory_space<vmem>>, vector<16xf32>,
    %add3A_556 = arith.addf %add3A_553, %get3A_555 : vector<16xf32>
    %get3A_557 = arith.constant 3968 : index
    %get3A_558 = tpu.vector_load %arg9[%get3A_557] {strides = array<i32>} : memref<4096xf32, #tpu.memory_space<vmem>>, vector<16xf32>,
    %add3A_559 = arith.addf %add3A_556, %get3A_558 : vector<16xf32>
    %swap3A_560 = arith.constant 128 : index
    %swap3A_561 = tpu.vector_load %arg10[%swap3A_560] {strides = array<i32>} : memref<256xf32, #tpu.memory_space<vmem>>, vector<16xf32>,
    tpu.vector_store %arg10[%swap3A_560], %add3A_559 {strides = array<i32>} : memref<256xf32, #tpu.memory_space<vmem>>, vector<16xf32>,
    %get3A_562 = arith.constant 144 : index
    %get3A_563 = tpu.vector_load %arg9[%get3A_562] {strides = array<i32>} : memref<4096xf32, #tpu.memory_space<vmem>>, vector<16xf32>,
    %add3A_564 = arith.addf %broadcast_in_dim3A_41, %get3A_563 : vector<16xf32>
    %get3A_565 = arith.constant 400 : index
    %get3A_566 = tpu.vector_load %arg9[%get3A_565] {strides = array<i32>} : memref<4096xf32, #tpu.memory_space<vmem>>, vector<16xf32>,
    %add3A_567 = arith.addf %add3A_564, %get3A_566 : vector<16xf32>
    %get3A_568 = arith.constant 656 : index
    %get3A_569 = tpu.vector_load %arg9[%get3A_568] {strides = array<i32>} : memref<4096xf32, #tpu.memory_space<vmem>>, vector<16xf32>,
    %add3A_570 = arith.addf %add3A_567, %get3A_569 : vector<16xf32>
    %get3A_571 = arith.constant 912 : index
    %get3A_572 = tpu.vector_load %arg9[%get3A_571] {strides = array<i32>} : memref<4096xf32, #tpu.memory_space<vmem>>, vector<16xf32>,
    %add3A_573 = arith.addf %add3A_570, %get3A_572 : vector<16xf32>
    %get3A_574 = arith.constant 1168 : index
    %get3A_575 = tpu.vector_load %arg9[%get3A_574] {strides = array<i32>} : memref<4096xf32, #tpu.memory_space<vmem>>, vector<16xf32>,
    %add3A_576 = arith.addf %add3A_573, %get3A_575 : vector<16xf32>
    %get3A_577 = arith.constant 1424 : index
    %get3A_578 = tpu.vector_load %arg9[%get3A_577] {strides = array<i32>} : memref<4096xf32, #tpu.memory_space<vmem>>, vector<16xf32>,
    %add3A_579 = arith.addf %add3A_576, %get3A_578 : vector<16xf32>
    %get3A_580 = arith.constant 1680 : index
    %get3A_581 = tpu.vector_load %arg9[%get3A_580] {strides = array<i32>} : memref<4096xf32, #tpu.memory_space<vmem>>, vector<16xf32>,
    %add3A_582 = arith.addf %add3A_579, %get3A_581 : vector<16xf32>
    %get3A_583 = arith.constant 1936 : index
    %get3A_584 = tpu.vector_load %arg9[%get3A_583] {strides = array<i32>} : memref<4096xf32, #tpu.memory_space<vmem>>, vector<16xf32>,
    %add3A_585 = arith.addf %add3A_582, %get3A_584 : vector<16xf32>
    %get3A_586 = arith.constant 2192 : index
    %get3A_587 = tpu.vector_load %arg9[%get3A_586] {strides = array<i32>} : memref<4096xf32, #tpu.memory_space<vmem>>, vector<16xf32>,
    %add3A_588 = arith.addf %add3A_585, %get3A_587 : vector<16xf32>
    %get3A_589 = arith.constant 2448 : index
    %get3A_590 = tpu.vector_load %arg9[%get3A_589] {strides = array<i32>} : memref<4096xf32, #tpu.memory_space<vmem>>, vector<16xf32>,
    %add3A_591 = arith.addf %add3A_588, %get3A_590 : vector<16xf32>
    %get3A_592 = arith.constant 2704 : index
    %get3A_593 = tpu.vector_load %arg9[%get3A_592] {strides = array<i32>} : memref<4096xf32, #tpu.memory_space<vmem>>, vector<16xf32>,
    %add3A_594 = arith.addf %add3A_591, %get3A_593 : vector<16xf32>
    %get3A_595 = arith.constant 2960 : index
    %get3A_596 = tpu.vector_load %arg9[%get3A_595] {strides = array<i32>} : memref<4096xf32, #tpu.memory_space<vmem>>, vector<16xf32>,
    %add3A_597 = arith.addf %add3A_594, %get3A_596 : vector<16xf32>
    %get3A_598 = arith.constant 3216 : index
    %get3A_599 = tpu.vector_load %arg9[%get3A_598] {strides = array<i32>} : memref<4096xf32, #tpu.memory_space<vmem>>, vector<16xf32>,
    %add3A_600 = arith.addf %add3A_597, %get3A_599 : vector<16xf32>
    %get3A_601 = arith.constant 3472 : index
    %get3A_602 = tpu.vector_load %arg9[%get3A_601] {strides = array<i32>} : memref<4096xf32, #tpu.memory_space<vmem>>, vector<16xf32>,
    %add3A_603 = arith.addf %add3A_600, %get3A_602 : vector<16xf32>
    %get3A_604 = arith.constant 3728 : index
    %get3A_605 = tpu.vector_load %arg9[%get3A_604] {strides = array<i32>} : memref<4096xf32, #tpu.memory_space<vmem>>, vector<16xf32>,
    %add3A_606 = arith.addf %add3A_603, %get3A_605 : vector<16xf32>
    %get3A_607 = arith.constant 3984 : index
    %get3A_608 = tpu.vector_load %arg9[%get3A_607] {strides = array<i32>} : memref<4096xf32, #tpu.memory_space<vmem>>, vector<16xf32>,
    %add3A_609 = arith.addf %add3A_606, %get3A_608 : vector<16xf32>
    %swap3A_610 = arith.constant 144 : index
    %swap3A_611 = tpu.vector_load %arg10[%swap3A_610] {strides = array<i32>} : memref<256xf32, #tpu.memory_space<vmem>>, vector<16xf32>,
    tpu.vector_store %arg10[%swap3A_610], %add3A_609 {strides = array<i32>} : memref<256xf32, #tpu.memory_space<vmem>>, vector<16xf32>,
    %get3A_612 = arith.constant 160 : index
    %get3A_613 = tpu.vector_load %arg9[%get3A_612] {strides = array<i32>} : memref<4096xf32, #tpu.memory_space<vmem>>, vector<16xf32>,
    %add3A_614 = arith.addf %broadcast_in_dim3A_41, %get3A_613 : vector<16xf32>
    %get3A_615 = arith.constant 416 : index
    %get3A_616 = tpu.vector_load %arg9[%get3A_615] {strides = array<i32>} : memref<4096xf32, #tpu.memory_space<vmem>>, vector<16xf32>,
    %add3A_617 = arith.addf %add3A_614, %get3A_616 : vector<16xf32>
    %get3A_618 = arith.constant 672 : index
    %get3A_619 = tpu.vector_load %arg9[%get3A_618] {strides = array<i32>} : memref<4096xf32, #tpu.memory_space<vmem>>, vector<16xf32>,
    %add3A_620 = arith.addf %add3A_617, %get3A_619 : vector<16xf32>
    %get3A_621 = arith.constant 928 : index
    %get3A_622 = tpu.vector_load %arg9[%get3A_621] {strides = array<i32>} : memref<4096xf32, #tpu.memory_space<vmem>>, vector<16xf32>,
    %add3A_623 = arith.addf %add3A_620, %get3A_622 : vector<16xf32>
    %get3A_624 = arith.constant 1184 : index
    %get3A_625 = tpu.vector_load %arg9[%get3A_624] {strides = array<i32>} : memref<4096xf32, #tpu.memory_space<vmem>>, vector<16xf32>,
    %add3A_626 = arith.addf %add3A_623, %get3A_625 : vector<16xf32>
    %get3A_627 = arith.constant 1440 : index
    %get3A_628 = tpu.vector_load %arg9[%get3A_627] {strides = array<i32>} : memref<4096xf32, #tpu.memory_space<vmem>>, vector<16xf32>,
    %add3A_629 = arith.addf %add3A_626, %get3A_628 : vector<16xf32>
    %get3A_630 = arith.constant 1696 : index
    %get3A_631 = tpu.vector_load %arg9[%get3A_630] {strides = array<i32>} : memref<4096xf32, #tpu.memory_space<vmem>>, vector<16xf32>,
    %add3A_632 = arith.addf %add3A_629, %get3A_631 : vector<16xf32>
    %get3A_633 = arith.constant 1952 : index
    %get3A_634 = tpu.vector_load %arg9[%get3A_633] {strides = array<i32>} : memref<4096xf32, #tpu.memory_space<vmem>>, vector<16xf32>,
    %add3A_635 = arith.addf %add3A_632, %get3A_634 : vector<16xf32>
    %get3A_636 = arith.constant 2208 : index
    %get3A_637 = tpu.vector_load %arg9[%get3A_636] {strides = array<i32>} : memref<4096xf32, #tpu.memory_space<vmem>>, vector<16xf32>,
    %add3A_638 = arith.addf %add3A_635, %get3A_637 : vector<16xf32>
    %get3A_639 = arith.constant 2464 : index
    %get3A_640 = tpu.vector_load %arg9[%get3A_639] {strides = array<i32>} : memref<4096xf32, #tpu.memory_space<vmem>>, vector<16xf32>,
    %add3A_641 = arith.addf %add3A_638, %get3A_640 : vector<16xf32>
    %get3A_642 = arith.constant 2720 : index
    %get3A_643 = tpu.vector_load %arg9[%get3A_642] {strides = array<i32>} : memref<4096xf32, #tpu.memory_space<vmem>>, vector<16xf32>,
    %add3A_644 = arith.addf %add3A_641, %get3A_643 : vector<16xf32>
    %get3A_645 = arith.constant 2976 : index
    %get3A_646 = tpu.vector_load %arg9[%get3A_645] {strides = array<i32>} : memref<4096xf32, #tpu.memory_space<vmem>>, vector<16xf32>,
    %add3A_647 = arith.addf %add3A_644, %get3A_646 : vector<16xf32>
    %get3A_648 = arith.constant 3232 : index
    %get3A_649 = tpu.vector_load %arg9[%get3A_648] {strides = array<i32>} : memref<4096xf32, #tpu.memory_space<vmem>>, vector<16xf32>,
    %add3A_650 = arith.addf %add3A_647, %get3A_649 : vector<16xf32>
    %get3A_651 = arith.constant 3488 : index
    %get3A_652 = tpu.vector_load %arg9[%get3A_651] {strides = array<i32>} : memref<4096xf32, #tpu.memory_space<vmem>>, vector<16xf32>,
    %add3A_653 = arith.addf %add3A_650, %get3A_652 : vector<16xf32>
    %get3A_654 = arith.constant 3744 : index
    %get3A_655 = tpu.vector_load %arg9[%get3A_654] {strides = array<i32>} : memref<4096xf32, #tpu.memory_space<vmem>>, vector<16xf32>,
    %add3A_656 = arith.addf %add3A_653, %get3A_655 : vector<16xf32>
    %get3A_657 = arith.constant 4000 : index
    %get3A_658 = tpu.vector_load %arg9[%get3A_657] {strides = array<i32>} : memref<4096xf32, #tpu.memory_space<vmem>>, vector<16xf32>,
    %add3A_659 = arith.addf %add3A_656, %get3A_658 : vector<16xf32>
    %swap3A_660 = arith.constant 160 : index
    %swap3A_661 = tpu.vector_load %arg10[%swap3A_660] {strides = array<i32>} : memref<256xf32, #tpu.memory_space<vmem>>, vector<16xf32>,
    tpu.vector_store %arg10[%swap3A_660], %add3A_659 {strides = array<i32>} : memref<256xf32, #tpu.memory_space<vmem>>, vector<16xf32>,
    %get3A_662 = arith.constant 176 : index
    %get3A_663 = tpu.vector_load %arg9[%get3A_662] {strides = array<i32>} : memref<4096xf32, #tpu.memory_space<vmem>>, vector<16xf32>,
    %add3A_664 = arith.addf %broadcast_in_dim3A_41, %get3A_663 : vector<16xf32>
    %get3A_665 = arith.constant 432 : index
    %get3A_666 = tpu.vector_load %arg9[%get3A_665] {strides = array<i32>} : memref<4096xf32, #tpu.memory_space<vmem>>, vector<16xf32>,
    %add3A_667 = arith.addf %add3A_664, %get3A_666 : vector<16xf32>
    %get3A_668 = arith.constant 688 : index
    %get3A_669 = tpu.vector_load %arg9[%get3A_668] {strides = array<i32>} : memref<4096xf32, #tpu.memory_space<vmem>>, vector<16xf32>,
    %add3A_670 = arith.addf %add3A_667, %get3A_669 : vector<16xf32>
    %get3A_671 = arith.constant 944 : index
    %get3A_672 = tpu.vector_load %arg9[%get3A_671] {strides = array<i32>} : memref<4096xf32, #tpu.memory_space<vmem>>, vector<16xf32>,
    %add3A_673 = arith.addf %add3A_670, %get3A_672 : vector<16xf32>
    %get3A_674 = arith.constant 1200 : index
    %get3A_675 = tpu.vector_load %arg9[%get3A_674] {strides = array<i32>} : memref<4096xf32, #tpu.memory_space<vmem>>, vector<16xf32>,
    %add3A_676 = arith.addf %add3A_673, %get3A_675 : vector<16xf32>
    %get3A_677 = arith.constant 1456 : index
    %get3A_678 = tpu.vector_load %arg9[%get3A_677] {strides = array<i32>} : memref<4096xf32, #tpu.memory_space<vmem>>, vector<16xf32>,
    %add3A_679 = arith.addf %add3A_676, %get3A_678 : vector<16xf32>
    %get3A_680 = arith.constant 1712 : index
    %get3A_681 = tpu.vector_load %arg9[%get3A_680] {strides = array<i32>} : memref<4096xf32, #tpu.memory_space<vmem>>, vector<16xf32>,
    %add3A_682 = arith.addf %add3A_679, %get3A_681 : vector<16xf32>
    %get3A_683 = arith.constant 1968 : index
    %get3A_684 = tpu.vector_load %arg9[%get3A_683] {strides = array<i32>} : memref<4096xf32, #tpu.memory_space<vmem>>, vector<16xf32>,
    %add3A_685 = arith.addf %add3A_682, %get3A_684 : vector<16xf32>
    %get3A_686 = arith.constant 2224 : index
    %get3A_687 = tpu.vector_load %arg9[%get3A_686] {strides = array<i32>} : memref<4096xf32, #tpu.memory_space<vmem>>, vector<16xf32>,
    %add3A_688 = arith.addf %add3A_685, %get3A_687 : vector<16xf32>
    %get3A_689 = arith.constant 2480 : index
    %get3A_690 = tpu.vector_load %arg9[%get3A_689] {strides = array<i32>} : memref<4096xf32, #tpu.memory_space<vmem>>, vector<16xf32>,
    %add3A_691 = arith.addf %add3A_688, %get3A_690 : vector<16xf32>
    %get3A_692 = arith.constant 2736 : index
    %get3A_693 = tpu.vector_load %arg9[%get3A_692] {strides = array<i32>} : memref<4096xf32, #tpu.memory_space<vmem>>, vector<16xf32>,
    %add3A_694 = arith.addf %add3A_691, %get3A_693 : vector<16xf32>
    %get3A_695 = arith.constant 2992 : index
    %get3A_696 = tpu.vector_load %arg9[%get3A_695] {strides = array<i32>} : memref<4096xf32, #tpu.memory_space<vmem>>, vector<16xf32>,
    %add3A_697 = arith.addf %add3A_694, %get3A_696 : vector<16xf32>
    %get3A_698 = arith.constant 3248 : index
    %get3A_699 = tpu.vector_load %arg9[%get3A_698] {strides = array<i32>} : memref<4096xf32, #tpu.memory_space<vmem>>, vector<16xf32>,
    %add3A_700 = arith.addf %add3A_697, %get3A_699 : vector<16xf32>
    %get3A_701 = arith.constant 3504 : index
    %get3A_702 = tpu.vector_load %arg9[%get3A_701] {strides = array<i32>} : memref<4096xf32, #tpu.memory_space<vmem>>, vector<16xf32>,
    %add3A_703 = arith.addf %add3A_700, %get3A_702 : vector<16xf32>
    %get3A_704 = arith.constant 3760 : index
    %get3A_705 = tpu.vector_load %arg9[%get3A_704] {strides = array<i32>} : memref<4096xf32, #tpu.memory_space<vmem>>, vector<16xf32>,
    %add3A_706 = arith.addf %add3A_703, %get3A_705 : vector<16xf32>
    %get3A_707 = arith.constant 4016 : index
    %get3A_708 = tpu.vector_load %arg9[%get3A_707] {strides = array<i32>} : memref<4096xf32, #tpu.memory_space<vmem>>, vector<16xf32>,
    %add3A_709 = arith.addf %add3A_706, %get3A_708 : vector<16xf32>
    %swap3A_710 = arith.constant 176 : index
    %swap3A_711 = tpu.vector_load %arg10[%swap3A_710] {strides = array<i32>} : memref<256xf32, #tpu.memory_space<vmem>>, vector<16xf32>,
    tpu.vector_store %arg10[%swap3A_710], %add3A_709 {strides = array<i32>} : memref<256xf32, #tpu.memory_space<vmem>>, vector<16xf32>,
    %get3A_712 = arith.constant 192 : index
    %get3A_713 = tpu.vector_load %arg9[%get3A_712] {strides = array<i32>} : memref<4096xf32, #tpu.memory_space<vmem>>, vector<16xf32>,
    %add3A_714 = arith.addf %broadcast_in_dim3A_41, %get3A_713 : vector<16xf32>
    %get3A_715 = arith.constant 448 : index
    %get3A_716 = tpu.vector_load %arg9[%get3A_715] {strides = array<i32>} : memref<4096xf32, #tpu.memory_space<vmem>>, vector<16xf32>,
    %add3A_717 = arith.addf %add3A_714, %get3A_716 : vector<16xf32>
    %get3A_718 = arith.constant 704 : index
    %get3A_719 = tpu.vector_load %arg9[%get3A_718] {strides = array<i32>} : memref<4096xf32, #tpu.memory_space<vmem>>, vector<16xf32>,
    %add3A_720 = arith.addf %add3A_717, %get3A_719 : vector<16xf32>
    %get3A_721 = arith.constant 960 : index
    %get3A_722 = tpu.vector_load %arg9[%get3A_721] {strides = array<i32>} : memref<4096xf32, #tpu.memory_space<vmem>>, vector<16xf32>,
    %add3A_723 = arith.addf %add3A_720, %get3A_722 : vector<16xf32>
    %get3A_724 = arith.constant 1216 : index
    %get3A_725 = tpu.vector_load %arg9[%get3A_724] {strides = array<i32>} : memref<4096xf32, #tpu.memory_space<vmem>>, vector<16xf32>,
    %add3A_726 = arith.addf %add3A_723, %get3A_725 : vector<16xf32>
    %get3A_727 = arith.constant 1472 : index
    %get3A_728 = tpu.vector_load %arg9[%get3A_727] {strides = array<i32>} : memref<4096xf32, #tpu.memory_space<vmem>>, vector<16xf32>,
    %add3A_729 = arith.addf %add3A_726, %get3A_728 : vector<16xf32>
    %get3A_730 = arith.constant 1728 : index
    %get3A_731 = tpu.vector_load %arg9[%get3A_730] {strides = array<i32>} : memref<4096xf32, #tpu.memory_space<vmem>>, vector<16xf32>,
    %add3A_732 = arith.addf %add3A_729, %get3A_731 : vector<16xf32>
    %get3A_733 = arith.constant 1984 : index
    %get3A_734 = tpu.vector_load %arg9[%get3A_733] {strides = array<i32>} : memref<4096xf32, #tpu.memory_space<vmem>>, vector<16xf32>,
    %add3A_735 = arith.addf %add3A_732, %get3A_734 : vector<16xf32>
    %get3A_736 = arith.constant 2240 : index
    %get3A_737 = tpu.vector_load %arg9[%get3A_736] {strides = array<i32>} : memref<4096xf32, #tpu.memory_space<vmem>>, vector<16xf32>,
    %add3A_738 = arith.addf %add3A_735, %get3A_737 : vector<16xf32>
    %get3A_739 = arith.constant 2496 : index
    %get3A_740 = tpu.vector_load %arg9[%get3A_739] {strides = array<i32>} : memref<4096xf32, #tpu.memory_space<vmem>>, vector<16xf32>,
    %add3A_741 = arith.addf %add3A_738, %get3A_740 : vector<16xf32>
    %get3A_742 = arith.constant 2752 : index
    %get3A_743 = tpu.vector_load %arg9[%get3A_742] {strides = array<i32>} : memref<4096xf32, #tpu.memory_space<vmem>>, vector<16xf32>,
    %add3A_744 = arith.addf %add3A_741, %get3A_743 : vector<16xf32>
    %get3A_745 = arith.constant 3008 : index
    %get3A_746 = tpu.vector_load %arg9[%get3A_745] {strides = array<i32>} : memref<4096xf32, #tpu.memory_space<vmem>>, vector<16xf32>,
    %add3A_747 = arith.addf %add3A_744, %get3A_746 : vector<16xf32>
    %get3A_748 = arith.constant 3264 : index
    %get3A_749 = tpu.vector_load %arg9[%get3A_748] {strides = array<i32>} : memref<4096xf32, #tpu.memory_space<vmem>>, vector<16xf32>,
    %add3A_750 = arith.addf %add3A_747, %get3A_749 : vector<16xf32>
    %get3A_751 = arith.constant 3520 : index
    %get3A_752 = tpu.vector_load %arg9[%get3A_751] {strides = array<i32>} : memref<4096xf32, #tpu.memory_space<vmem>>, vector<16xf32>,
    %add3A_753 = arith.addf %add3A_750, %get3A_752 : vector<16xf32>
    %get3A_754 = arith.constant 3776 : index
    %get3A_755 = tpu.vector_load %arg9[%get3A_754] {strides = array<i32>} : memref<4096xf32, #tpu.memory_space<vmem>>, vector<16xf32>,
    %add3A_756 = arith.addf %add3A_753, %get3A_755 : vector<16xf32>
    %get3A_757 = arith.constant 4032 : index
    %get3A_758 = tpu.vector_load %arg9[%get3A_757] {strides = array<i32>} : memref<4096xf32, #tpu.memory_space<vmem>>, vector<16xf32>,
    %add3A_759 = arith.addf %add3A_756, %get3A_758 : vector<16xf32>
    %swap3A_760 = arith.constant 192 : index
    %swap3A_761 = tpu.vector_load %arg10[%swap3A_760] {strides = array<i32>} : memref<256xf32, #tpu.memory_space<vmem>>, vector<16xf32>,
    tpu.vector_store %arg10[%swap3A_760], %add3A_759 {strides = array<i32>} : memref<256xf32, #tpu.memory_space<vmem>>, vector<16xf32>,
    %get3A_762 = arith.constant 208 : index
    %get3A_763 = tpu.vector_load %arg9[%get3A_762] {strides = array<i32>} : memref<4096xf32, #tpu.memory_space<vmem>>, vector<16xf32>,
    %add3A_764 = arith.addf %broadcast_in_dim3A_41, %get3A_763 : vector<16xf32>
    %get3A_765 = arith.constant 464 : index
    %get3A_766 = tpu.vector_load %arg9[%get3A_765] {strides = array<i32>} : memref<4096xf32, #tpu.memory_space<vmem>>, vector<16xf32>,
    %add3A_767 = arith.addf %add3A_764, %get3A_766 : vector<16xf32>
    %get3A_768 = arith.constant 720 : index
    %get3A_769 = tpu.vector_load %arg9[%get3A_768] {strides = array<i32>} : memref<4096xf32, #tpu.memory_space<vmem>>, vector<16xf32>,
    %add3A_770 = arith.addf %add3A_767, %get3A_769 : vector<16xf32>
    %get3A_771 = arith.constant 976 : index
    %get3A_772 = tpu.vector_load %arg9[%get3A_771] {strides = array<i32>} : memref<4096xf32, #tpu.memory_space<vmem>>, vector<16xf32>,
    %add3A_773 = arith.addf %add3A_770, %get3A_772 : vector<16xf32>
    %get3A_774 = arith.constant 1232 : index
    %get3A_775 = tpu.vector_load %arg9[%get3A_774] {strides = array<i32>} : memref<4096xf32, #tpu.memory_space<vmem>>, vector<16xf32>,
    %add3A_776 = arith.addf %add3A_773, %get3A_775 : vector<16xf32>
    %get3A_777 = arith.constant 1488 : index
    %get3A_778 = tpu.vector_load %arg9[%get3A_777] {strides = array<i32>} : memref<4096xf32, #tpu.memory_space<vmem>>, vector<16xf32>,
    %add3A_779 = arith.addf %add3A_776, %get3A_778 : vector<16xf32>
    %get3A_780 = arith.constant 1744 : index
    %get3A_781 = tpu.vector_load %arg9[%get3A_780] {strides = array<i32>} : memref<4096xf32, #tpu.memory_space<vmem>>, vector<16xf32>,
    %add3A_782 = arith.addf %add3A_779, %get3A_781 : vector<16xf32>
    %get3A_783 = arith.constant 2000 : index
    %get3A_784 = tpu.vector_load %arg9[%get3A_783] {strides = array<i32>} : memref<4096xf32, #tpu.memory_space<vmem>>, vector<16xf32>,
    %add3A_785 = arith.addf %add3A_782, %get3A_784 : vector<16xf32>
    %get3A_786 = arith.constant 2256 : index
    %get3A_787 = tpu.vector_load %arg9[%get3A_786] {strides = array<i32>} : memref<4096xf32, #tpu.memory_space<vmem>>, vector<16xf32>,
    %add3A_788 = arith.addf %add3A_785, %get3A_787 : vector<16xf32>
    %get3A_789 = arith.constant 2512 : index
    %get3A_790 = tpu.vector_load %arg9[%get3A_789] {strides = array<i32>} : memref<4096xf32, #tpu.memory_space<vmem>>, vector<16xf32>,
    %add3A_791 = arith.addf %add3A_788, %get3A_790 : vector<16xf32>
    %get3A_792 = arith.constant 2768 : index
    %get3A_793 = tpu.vector_load %arg9[%get3A_792] {strides = array<i32>} : memref<4096xf32, #tpu.memory_space<vmem>>, vector<16xf32>,
    %add3A_794 = arith.addf %add3A_791, %get3A_793 : vector<16xf32>
    %get3A_795 = arith.constant 3024 : index
    %get3A_796 = tpu.vector_load %arg9[%get3A_795] {strides = array<i32>} : memref<4096xf32, #tpu.memory_space<vmem>>, vector<16xf32>,
    %add3A_797 = arith.addf %add3A_794, %get3A_796 : vector<16xf32>
    %get3A_798 = arith.constant 3280 : index
    %get3A_799 = tpu.vector_load %arg9[%get3A_798] {strides = array<i32>} : memref<4096xf32, #tpu.memory_space<vmem>>, vector<16xf32>,
    %add3A_800 = arith.addf %add3A_797, %get3A_799 : vector<16xf32>
    %get3A_801 = arith.constant 3536 : index
    %get3A_802 = tpu.vector_load %arg9[%get3A_801] {strides = array<i32>} : memref<4096xf32, #tpu.memory_space<vmem>>, vector<16xf32>,
    %add3A_803 = arith.addf %add3A_800, %get3A_802 : vector<16xf32>
    %get3A_804 = arith.constant 3792 : index
    %get3A_805 = tpu.vector_load %arg9[%get3A_804] {strides = array<i32>} : memref<4096xf32, #tpu.memory_space<vmem>>, vector<16xf32>,
    %add3A_806 = arith.addf %add3A_803, %get3A_805 : vector<16xf32>
    %get3A_807 = arith.constant 4048 : index
    %get3A_808 = tpu.vector_load %arg9[%get3A_807] {strides = array<i32>} : memref<4096xf32, #tpu.memory_space<vmem>>, vector<16xf32>,
    %add3A_809 = arith.addf %add3A_806, %get3A_808 : vector<16xf32>
    %swap3A_810 = arith.constant 208 : index
    %swap3A_811 = tpu.vector_load %arg10[%swap3A_810] {strides = array<i32>} : memref<256xf32, #tpu.memory_space<vmem>>, vector<16xf32>,
    tpu.vector_store %arg10[%swap3A_810], %add3A_809 {strides = array<i32>} : memref<256xf32, #tpu.memory_space<vmem>>, vector<16xf32>,
    %get3A_812 = arith.constant 224 : index
    %get3A_813 = tpu.vector_load %arg9[%get3A_812] {strides = array<i32>} : memref<4096xf32, #tpu.memory_space<vmem>>, vector<16xf32>,
    %add3A_814 = arith.addf %broadcast_in_dim3A_41, %get3A_813 : vector<16xf32>
    %get3A_815 = arith.constant 480 : index
    %get3A_816 = tpu.vector_load %arg9[%get3A_815] {strides = array<i32>} : memref<4096xf32, #tpu.memory_space<vmem>>, vector<16xf32>,
    %add3A_817 = arith.addf %add3A_814, %get3A_816 : vector<16xf32>
    %get3A_818 = arith.constant 736 : index
    %get3A_819 = tpu.vector_load %arg9[%get3A_818] {strides = array<i32>} : memref<4096xf32, #tpu.memory_space<vmem>>, vector<16xf32>,
    %add3A_820 = arith.addf %add3A_817, %get3A_819 : vector<16xf32>
    %get3A_821 = arith.constant 992 : index
    %get3A_822 = tpu.vector_load %arg9[%get3A_821] {strides = array<i32>} : memref<4096xf32, #tpu.memory_space<vmem>>, vector<16xf32>,
    %add3A_823 = arith.addf %add3A_820, %get3A_822 : vector<16xf32>
    %get3A_824 = arith.constant 1248 : index
    %get3A_825 = tpu.vector_load %arg9[%get3A_824] {strides = array<i32>} : memref<4096xf32, #tpu.memory_space<vmem>>, vector<16xf32>,
    %add3A_826 = arith.addf %add3A_823, %get3A_825 : vector<16xf32>
    %get3A_827 = arith.constant 1504 : index
    %get3A_828 = tpu.vector_load %arg9[%get3A_827] {strides = array<i32>} : memref<4096xf32, #tpu.memory_space<vmem>>, vector<16xf32>,
    %add3A_829 = arith.addf %add3A_826, %get3A_828 : vector<16xf32>
    %get3A_830 = arith.constant 1760 : index
    %get3A_831 = tpu.vector_load %arg9[%get3A_830] {strides = array<i32>} : memref<4096xf32, #tpu.memory_space<vmem>>, vector<16xf32>,
    %add3A_832 = arith.addf %add3A_829, %get3A_831 : vector<16xf32>
    %get3A_833 = arith.constant 2016 : index
    %get3A_834 = tpu.vector_load %arg9[%get3A_833] {strides = array<i32>} : memref<4096xf32, #tpu.memory_space<vmem>>, vector<16xf32>,
    %add3A_835 = arith.addf %add3A_832, %get3A_834 : vector<16xf32>
    %get3A_836 = arith.constant 2272 : index
    %get3A_837 = tpu.vector_load %arg9[%get3A_836] {strides = array<i32>} : memref<4096xf32, #tpu.memory_space<vmem>>, vector<16xf32>,
    %add3A_838 = arith.addf %add3A_835, %get3A_837 : vector<16xf32>
    %get3A_839 = arith.constant 2528 : index
    %get3A_840 = tpu.vector_load %arg9[%get3A_839] {strides = array<i32>} : memref<4096xf32, #tpu.memory_space<vmem>>, vector<16xf32>,
    %add3A_841 = arith.addf %add3A_838, %get3A_840 : vector<16xf32>
    %get3A_842 = arith.constant 2784 : index
    %get3A_843 = tpu.vector_load %arg9[%get3A_842] {strides = array<i32>} : memref<4096xf32, #tpu.memory_space<vmem>>, vector<16xf32>,
    %add3A_844 = arith.addf %add3A_841, %get3A_843 : vector<16xf32>
    %get3A_845 = arith.constant 3040 : index
    %get3A_846 = tpu.vector_load %arg9[%get3A_845] {strides = array<i32>} : memref<4096xf32, #tpu.memory_space<vmem>>, vector<16xf32>,
    %add3A_847 = arith.addf %add3A_844, %get3A_846 : vector<16xf32>
    %get3A_848 = arith.constant 3296 : index
    %get3A_849 = tpu.vector_load %arg9[%get3A_848] {strides = array<i32>} : memref<4096xf32, #tpu.memory_space<vmem>>, vector<16xf32>,
    %add3A_850 = arith.addf %add3A_847, %get3A_849 : vector<16xf32>
    %get3A_851 = arith.constant 3552 : index
    %get3A_852 = tpu.vector_load %arg9[%get3A_851] {strides = array<i32>} : memref<4096xf32, #tpu.memory_space<vmem>>, vector<16xf32>,
    %add3A_853 = arith.addf %add3A_850, %get3A_852 : vector<16xf32>
    %get3A_854 = arith.constant 3808 : index
    %get3A_855 = tpu.vector_load %arg9[%get3A_854] {strides = array<i32>} : memref<4096xf32, #tpu.memory_space<vmem>>, vector<16xf32>,
    %add3A_856 = arith.addf %add3A_853, %get3A_855 : vector<16xf32>
    %get3A_857 = arith.constant 4064 : index
    %get3A_858 = tpu.vector_load %arg9[%get3A_857] {strides = array<i32>} : memref<4096xf32, #tpu.memory_space<vmem>>, vector<16xf32>,
    %add3A_859 = arith.addf %add3A_856, %get3A_858 : vector<16xf32>
    %swap3A_860 = arith.constant 224 : index
    %swap3A_861 = tpu.vector_load %arg10[%swap3A_860] {strides = array<i32>} : memref<256xf32, #tpu.memory_space<vmem>>, vector<16xf32>,
    tpu.vector_store %arg10[%swap3A_860], %add3A_859 {strides = array<i32>} : memref<256xf32, #tpu.memory_space<vmem>>, vector<16xf32>,
    %get3A_862 = arith.constant 240 : index
    %get3A_863 = tpu.vector_load %arg9[%get3A_862] {strides = array<i32>} : memref<4096xf32, #tpu.memory_space<vmem>>, vector<16xf32>,
    %add3A_864 = arith.addf %broadcast_in_dim3A_41, %get3A_863 : vector<16xf32>
    %get3A_865 = arith.constant 496 : index
    %get3A_866 = tpu.vector_load %arg9[%get3A_865] {strides = array<i32>} : memref<4096xf32, #tpu.memory_space<vmem>>, vector<16xf32>,
    %add3A_867 = arith.addf %add3A_864, %get3A_866 : vector<16xf32>
    %get3A_868 = arith.constant 752 : index
    %get3A_869 = tpu.vector_load %arg9[%get3A_868] {strides = array<i32>} : memref<4096xf32, #tpu.memory_space<vmem>>, vector<16xf32>,
    %add3A_870 = arith.addf %add3A_867, %get3A_869 : vector<16xf32>
    %get3A_871 = arith.constant 1008 : index
    %get3A_872 = tpu.vector_load %arg9[%get3A_871] {strides = array<i32>} : memref<4096xf32, #tpu.memory_space<vmem>>, vector<16xf32>,
    %add3A_873 = arith.addf %add3A_870, %get3A_872 : vector<16xf32>
    %get3A_874 = arith.constant 1264 : index
    %get3A_875 = tpu.vector_load %arg9[%get3A_874] {strides = array<i32>} : memref<4096xf32, #tpu.memory_space<vmem>>, vector<16xf32>,
    %add3A_876 = arith.addf %add3A_873, %get3A_875 : vector<16xf32>
    %get3A_877 = arith.constant 1520 : index
    %get3A_878 = tpu.vector_load %arg9[%get3A_877] {strides = array<i32>} : memref<4096xf32, #tpu.memory_space<vmem>>, vector<16xf32>,
    %add3A_879 = arith.addf %add3A_876, %get3A_878 : vector<16xf32>
    %get3A_880 = arith.constant 1776 : index
    %get3A_881 = tpu.vector_load %arg9[%get3A_880] {strides = array<i32>} : memref<4096xf32, #tpu.memory_space<vmem>>, vector<16xf32>,
    %add3A_882 = arith.addf %add3A_879, %get3A_881 : vector<16xf32>
    %get3A_883 = arith.constant 2032 : index
    %get3A_884 = tpu.vector_load %arg9[%get3A_883] {strides = array<i32>} : memref<4096xf32, #tpu.memory_space<vmem>>, vector<16xf32>,
    %add3A_885 = arith.addf %add3A_882, %get3A_884 : vector<16xf32>
    %get3A_886 = arith.constant 2288 : index
    %get3A_887 = tpu.vector_load %arg9[%get3A_886] {strides = array<i32>} : memref<4096xf32, #tpu.memory_space<vmem>>, vector<16xf32>,
    %add3A_888 = arith.addf %add3A_885, %get3A_887 : vector<16xf32>
    %get3A_889 = arith.constant 2544 : index
    %get3A_890 = tpu.vector_load %arg9[%get3A_889] {strides = array<i32>} : memref<4096xf32, #tpu.memory_space<vmem>>, vector<16xf32>,
    %add3A_891 = arith.addf %add3A_888, %get3A_890 : vector<16xf32>
    %get3A_892 = arith.constant 2800 : index
    %get3A_893 = tpu.vector_load %arg9[%get3A_892] {strides = array<i32>} : memref<4096xf32, #tpu.memory_space<vmem>>, vector<16xf32>,
    %add3A_894 = arith.addf %add3A_891, %get3A_893 : vector<16xf32>
    %get3A_895 = arith.constant 3056 : index
    %get3A_896 = tpu.vector_load %arg9[%get3A_895] {strides = array<i32>} : memref<4096xf32, #tpu.memory_space<vmem>>, vector<16xf32>,
    %add3A_897 = arith.addf %add3A_894, %get3A_896 : vector<16xf32>
    %get3A_898 = arith.constant 3312 : index
    %get3A_899 = tpu.vector_load %arg9[%get3A_898] {strides = array<i32>} : memref<4096xf32, #tpu.memory_space<vmem>>, vector<16xf32>,
    %add3A_900 = arith.addf %add3A_897, %get3A_899 : vector<16xf32>
    %get3A_901 = arith.constant 3568 : index
    %get3A_902 = tpu.vector_load %arg9[%get3A_901] {strides = array<i32>} : memref<4096xf32, #tpu.memory_space<vmem>>, vector<16xf32>,
    %add3A_903 = arith.addf %add3A_900, %get3A_902 : vector<16xf32>
    %get3A_904 = arith.constant 3824 : index
    %get3A_905 = tpu.vector_load %arg9[%get3A_904] {strides = array<i32>} : memref<4096xf32, #tpu.memory_space<vmem>>, vector<16xf32>,
    %add3A_906 = arith.addf %add3A_903, %get3A_905 : vector<16xf32>
    %get3A_907 = arith.constant 4080 : index
    %get3A_908 = tpu.vector_load %arg9[%get3A_907] {strides = array<i32>} : memref<4096xf32, #tpu.memory_space<vmem>>, vector<16xf32>,
    %add3A_909 = arith.addf %add3A_906, %get3A_908 : vector<16xf32>
    %swap3A_910 = arith.constant 240 : index
    %swap3A_911 = tpu.vector_load %arg10[%swap3A_910] {strides = array<i32>} : memref<256xf32, #tpu.memory_space<vmem>>, vector<16xf32>,
    tpu.vector_store %arg10[%swap3A_910], %add3A_909 {strides = array<i32>} : memref<256xf32, #tpu.memory_space<vmem>>, vector<16xf32>,
    "tpu.region"() ({
      %run_scoped3A = tpu.sem_alloc : memref<!tpu.dma_semaphore, #tpu.memory_space<semaphore_mem>>
      %dma_start3A_1718 = arith.constant 0 : i32
      %dma_start3A_1719 = tpu.memref_slice %arg14[%arg1, %dma_start3A_1718] : memref<16x256xf32, #tpu.memory_space<vmem_shared>> -> memref<1x256xf32, #tpu.memory_space<vmem_shared>>
      %dma_start3A_1720 = tpu.memref_squeeze %dma_start3A_1719 : memref<1x256xf32, #tpu.memory_space<vmem_shared>> -> memref<256xf32, #tpu.memory_space<vmem_shared>>
      %dma_start3A_1721 = arith.constant 0 : i32
      %dma_start3A_1722 = tpu.memref_slice %arg14[%arg1, %dma_start3A_1721] : memref<16x256xf32, #tpu.memory_space<vmem_shared>> -> memref<1x256xf32, #tpu.memory_space<vmem_shared>>
      %dma_start3A_1723 = tpu.memref_squeeze %dma_start3A_1722 : memref<1x256xf32, #tpu.memory_space<vmem_shared>> -> memref<256xf32, #tpu.memory_space<vmem_shared>>
      tpu.enqueue_dma source(%arg10 : memref<256xf32, #tpu.memory_space<vmem>>) target(%dma_start3A_1723 : memref<256xf32, #tpu.memory_space<vmem_shared>>) target_semaphore(%run_scoped3A : memref<!tpu.dma_semaphore, #tpu.memory_space<semaphore_mem>>)
      %dma_wait3A_1724 = arith.constant 0 : i32
      %dma_wait3A_1725 = tpu.memref_slice %arg14[%arg1, %dma_wait3A_1724] : memref<16x256xf32, #tpu.memory_space<vmem_shared>> -> memref<1x256xf32, #tpu.memory_space<vmem_shared>>
      %dma_wait3A_1726 = tpu.memref_squeeze %dma_wait3A_1725 : memref<1x256xf32, #tpu.memory_space<vmem_shared>> -> memref<256xf32, #tpu.memory_space<vmem_shared>>
      %dma_wait3A_1727 = arith.constant 0 : i32
      %dma_wait3A_1728 = tpu.memref_slice %arg14[%arg1, %dma_wait3A_1727] : memref<16x256xf32, #tpu.memory_space<vmem_shared>> -> memref<1x256xf32, #tpu.memory_space<vmem_shared>>
      %dma_wait3A_1729 = tpu.memref_squeeze %dma_wait3A_1728 : memref<1x256xf32, #tpu.memory_space<vmem_shared>> -> memref<256xf32, #tpu.memory_space<vmem_shared>>
      tpu.wait_dma2 semaphore(%run_scoped3A : memref<!tpu.dma_semaphore, #tpu.memory_space<semaphore_mem>>) src(%arg10 : memref<256xf32, #tpu.memory_space<vmem>>) dst(%dma_wait3A_1729 : memref<256xf32, #tpu.memory_space<vmem_shared>>)
      tpu.yield
    }) : () -> ()
    %barrier3A = arith.constant 0 : index
    tpu.barrier barrier_id(%barrier3A)
    %sub3A_912 = arith.subi %arg1, %select_n3A_30 : i32
    "tpu.region"() ({
      %run_scoped3A = tpu.sem_alloc : memref<!tpu.dma_semaphore, #tpu.memory_space<semaphore_mem>>
      %dma_start3A_1718 = arith.constant 0 : i32
      %dma_start3A_1719 = tpu.memref_slice %arg14[%sub3A_912, %dma_start3A_1718] : memref<16x256xf32, #tpu.memory_space<vmem_shared>> -> memref<1x256xf32, #tpu.memory_space<vmem_shared>>
      %dma_start3A_1720 = tpu.memref_squeeze %dma_start3A_1719 : memref<1x256xf32, #tpu.memory_space<vmem_shared>> -> memref<256xf32, #tpu.memory_space<vmem_shared>>
      %dma_start3A_1721 = arith.constant 0 : i32
      %dma_start3A_1722 = tpu.memref_slice %arg14[%sub3A_912, %dma_start3A_1721] : memref<16x256xf32, #tpu.memory_space<vmem_shared>> -> memref<1x256xf32, #tpu.memory_space<vmem_shared>>
      %dma_start3A_1723 = tpu.memref_squeeze %dma_start3A_1722 : memref<1x256xf32, #tpu.memory_space<vmem_shared>> -> memref<256xf32, #tpu.memory_space<vmem_shared>>
      tpu.enqueue_dma source(%dma_start3A_1723 : memref<256xf32, #tpu.memory_space<vmem_shared>>) target(%arg10 : memref<256xf32, #tpu.memory_space<vmem>>) target_semaphore(%run_scoped3A : memref<!tpu.dma_semaphore, #tpu.memory_space<semaphore_mem>>)
      %dma_wait3A_1724 = arith.constant 0 : i32
      %dma_wait3A_1725 = tpu.memref_slice %arg14[%sub3A_912, %dma_wait3A_1724] : memref<16x256xf32, #tpu.memory_space<vmem_shared>> -> memref<1x256xf32, #tpu.memory_space<vmem_shared>>
      %dma_wait3A_1726 = tpu.memref_squeeze %dma_wait3A_1725 : memref<1x256xf32, #tpu.memory_space<vmem_shared>> -> memref<256xf32, #tpu.memory_space<vmem_shared>>
      %dma_wait3A_1727 = arith.constant 0 : i32
      %dma_wait3A_1728 = tpu.memref_slice %arg14[%sub3A_912, %dma_wait3A_1727] : memref<16x256xf32, #tpu.memory_space<vmem_shared>> -> memref<1x256xf32, #tpu.memory_space<vmem_shared>>
      %dma_wait3A_1729 = tpu.memref_squeeze %dma_wait3A_1728 : memref<1x256xf32, #tpu.memory_space<vmem_shared>> -> memref<256xf32, #tpu.memory_space<vmem_shared>>
      tpu.wait_dma2 semaphore(%run_scoped3A : memref<!tpu.dma_semaphore, #tpu.memory_space<semaphore_mem>>) src(%dma_wait3A_1729 : memref<256xf32, #tpu.memory_space<vmem_shared>>) dst(%arg10 : memref<256xf32, #tpu.memory_space<vmem>>)
      tpu.yield
    }) : () -> ()
    %add3A_913 = arith.constant 1 : i32
    %add3A_914 = arith.addi %sub3A_912, %add3A_913 : i32
    "tpu.region"() ({
      %run_scoped3A = tpu.sem_alloc : memref<!tpu.dma_semaphore, #tpu.memory_space<semaphore_mem>>
      %dma_start3A_1718 = arith.constant 0 : i32
      %dma_start3A_1719 = tpu.memref_slice %arg14[%add3A_914, %dma_start3A_1718] : memref<16x256xf32, #tpu.memory_space<vmem_shared>> -> memref<1x256xf32, #tpu.memory_space<vmem_shared>>
      %dma_start3A_1720 = tpu.memref_squeeze %dma_start3A_1719 : memref<1x256xf32, #tpu.memory_space<vmem_shared>> -> memref<256xf32, #tpu.memory_space<vmem_shared>>
      %dma_start3A_1721 = arith.constant 0 : i32
      %dma_start3A_1722 = tpu.memref_slice %arg14[%add3A_914, %dma_start3A_1721] : memref<16x256xf32, #tpu.memory_space<vmem_shared>> -> memref<1x256xf32, #tpu.memory_space<vmem_shared>>
      %dma_start3A_1723 = tpu.memref_squeeze %dma_start3A_1722 : memref<1x256xf32, #tpu.memory_space<vmem_shared>> -> memref<256xf32, #tpu.memory_space<vmem_shared>>
      tpu.enqueue_dma source(%dma_start3A_1723 : memref<256xf32, #tpu.memory_space<vmem_shared>>) target(%arg11 : memref<256xf32, #tpu.memory_space<vmem>>) target_semaphore(%run_scoped3A : memref<!tpu.dma_semaphore, #tpu.memory_space<semaphore_mem>>)
      %dma_wait3A_1724 = arith.constant 0 : i32
      %dma_wait3A_1725 = tpu.memref_slice %arg14[%add3A_914, %dma_wait3A_1724] : memref<16x256xf32, #tpu.memory_space<vmem_shared>> -> memref<1x256xf32, #tpu.memory_space<vmem_shared>>
      %dma_wait3A_1726 = tpu.memref_squeeze %dma_wait3A_1725 : memref<1x256xf32, #tpu.memory_space<vmem_shared>> -> memref<256xf32, #tpu.memory_space<vmem_shared>>
      %dma_wait3A_1727 = arith.constant 0 : i32
      %dma_wait3A_1728 = tpu.memref_slice %arg14[%add3A_914, %dma_wait3A_1727] : memref<16x256xf32, #tpu.memory_space<vmem_shared>> -> memref<1x256xf32, #tpu.memory_space<vmem_shared>>
      %dma_wait3A_1729 = tpu.memref_squeeze %dma_wait3A_1728 : memref<1x256xf32, #tpu.memory_space<vmem_shared>> -> memref<256xf32, #tpu.memory_space<vmem_shared>>
      tpu.wait_dma2 semaphore(%run_scoped3A : memref<!tpu.dma_semaphore, #tpu.memory_space<semaphore_mem>>) src(%dma_wait3A_1729 : memref<256xf32, #tpu.memory_space<vmem_shared>>) dst(%arg11 : memref<256xf32, #tpu.memory_space<vmem>>)
      tpu.yield
    }) : () -> ()
    %get3A_915 = arith.constant 0 : index
    %get3A_916 = tpu.vector_load %arg10[%get3A_915] {strides = array<i32>} : memref<256xf32, #tpu.memory_space<vmem>>, vector<16xf32>,
    %get3A_917 = arith.constant 0 : index
    %get3A_918 = tpu.vector_load %arg11[%get3A_917] {strides = array<i32>} : memref<256xf32, #tpu.memory_space<vmem>>, vector<16xf32>,
    %add3A_919 = arith.addf %get3A_916, %get3A_918 : vector<16xf32>
    %swap3A_920 = arith.constant 0 : index
    %swap3A_921 = tpu.vector_load %arg10[%swap3A_920] {strides = array<i32>} : memref<256xf32, #tpu.memory_space<vmem>>, vector<16xf32>,
    tpu.vector_store %arg10[%swap3A_920], %add3A_919 {strides = array<i32>} : memref<256xf32, #tpu.memory_space<vmem>>, vector<16xf32>,
    %get3A_922 = arith.constant 16 : index
    %get3A_923 = tpu.vector_load %arg10[%get3A_922] {strides = array<i32>} : memref<256xf32, #tpu.memory_space<vmem>>, vector<16xf32>,
    %get3A_924 = arith.constant 16 : index
    %get3A_925 = tpu.vector_load %arg11[%get3A_924] {strides = array<i32>} : memref<256xf32, #tpu.memory_space<vmem>>, vector<16xf32>,
    %add3A_926 = arith.addf %get3A_923, %get3A_925 : vector<16xf32>
    %swap3A_927 = arith.constant 16 : index
    %swap3A_928 = tpu.vector_load %arg10[%swap3A_927] {strides = array<i32>} : memref<256xf32, #tpu.memory_space<vmem>>, vector<16xf32>,
    tpu.vector_store %arg10[%swap3A_927], %add3A_926 {strides = array<i32>} : memref<256xf32, #tpu.memory_space<vmem>>, vector<16xf32>,
    %get3A_929 = arith.constant 32 : index
    %get3A_930 = tpu.vector_load %arg10[%get3A_929] {strides = array<i32>} : memref<256xf32, #tpu.memory_space<vmem>>, vector<16xf32>,
    %get3A_931 = arith.constant 32 : index
    %get3A_932 = tpu.vector_load %arg11[%get3A_931] {strides = array<i32>} : memref<256xf32, #tpu.memory_space<vmem>>, vector<16xf32>,
    %add3A_933 = arith.addf %get3A_930, %get3A_932 : vector<16xf32>
    %swap3A_934 = arith.constant 32 : index
    %swap3A_935 = tpu.vector_load %arg10[%swap3A_934] {strides = array<i32>} : memref<256xf32, #tpu.memory_space<vmem>>, vector<16xf32>,
    tpu.vector_store %arg10[%swap3A_934], %add3A_933 {strides = array<i32>} : memref<256xf32, #tpu.memory_space<vmem>>, vector<16xf32>,
    %get3A_936 = arith.constant 48 : index
    %get3A_937 = tpu.vector_load %arg10[%get3A_936] {strides = array<i32>} : memref<256xf32, #tpu.memory_space<vmem>>, vector<16xf32>,
    %get3A_938 = arith.constant 48 : index
    %get3A_939 = tpu.vector_load %arg11[%get3A_938] {strides = array<i32>} : memref<256xf32, #tpu.memory_space<vmem>>, vector<16xf32>,
    %add3A_940 = arith.addf %get3A_937, %get3A_939 : vector<16xf32>
    %swap3A_941 = arith.constant 48 : index
    %swap3A_942 = tpu.vector_load %arg10[%swap3A_941] {strides = array<i32>} : memref<256xf32, #tpu.memory_space<vmem>>, vector<16xf32>,
    tpu.vector_store %arg10[%swap3A_941], %add3A_940 {strides = array<i32>} : memref<256xf32, #tpu.memory_space<vmem>>, vector<16xf32>,
    %get3A_943 = arith.constant 64 : index
    %get3A_944 = tpu.vector_load %arg10[%get3A_943] {strides = array<i32>} : memref<256xf32, #tpu.memory_space<vmem>>, vector<16xf32>,
    %get3A_945 = arith.constant 64 : index
    %get3A_946 = tpu.vector_load %arg11[%get3A_945] {strides = array<i32>} : memref<256xf32, #tpu.memory_space<vmem>>, vector<16xf32>,
    %add3A_947 = arith.addf %get3A_944, %get3A_946 : vector<16xf32>
    %swap3A_948 = arith.constant 64 : index
    %swap3A_949 = tpu.vector_load %arg10[%swap3A_948] {strides = array<i32>} : memref<256xf32, #tpu.memory_space<vmem>>, vector<16xf32>,
    tpu.vector_store %arg10[%swap3A_948], %add3A_947 {strides = array<i32>} : memref<256xf32, #tpu.memory_space<vmem>>, vector<16xf32>,
    %get3A_950 = arith.constant 80 : index
    %get3A_951 = tpu.vector_load %arg10[%get3A_950] {strides = array<i32>} : memref<256xf32, #tpu.memory_space<vmem>>, vector<16xf32>,
    %get3A_952 = arith.constant 80 : index
    %get3A_953 = tpu.vector_load %arg11[%get3A_952] {strides = array<i32>} : memref<256xf32, #tpu.memory_space<vmem>>, vector<16xf32>,
    %add3A_954 = arith.addf %get3A_951, %get3A_953 : vector<16xf32>
    %swap3A_955 = arith.constant 80 : index
    %swap3A_956 = tpu.vector_load %arg10[%swap3A_955] {strides = array<i32>} : memref<256xf32, #tpu.memory_space<vmem>>, vector<16xf32>,
    tpu.vector_store %arg10[%swap3A_955], %add3A_954 {strides = array<i32>} : memref<256xf32, #tpu.memory_space<vmem>>, vector<16xf32>,
    %get3A_957 = arith.constant 96 : index
    %get3A_958 = tpu.vector_load %arg10[%get3A_957] {strides = array<i32>} : memref<256xf32, #tpu.memory_space<vmem>>, vector<16xf32>,
    %get3A_959 = arith.constant 96 : index
    %get3A_960 = tpu.vector_load %arg11[%get3A_959] {strides = array<i32>} : memref<256xf32, #tpu.memory_space<vmem>>, vector<16xf32>,
    %add3A_961 = arith.addf %get3A_958, %get3A_960 : vector<16xf32>
    %swap3A_962 = arith.constant 96 : index
    %swap3A_963 = tpu.vector_load %arg10[%swap3A_962] {strides = array<i32>} : memref<256xf32, #tpu.memory_space<vmem>>, vector<16xf32>,
    tpu.vector_store %arg10[%swap3A_962], %add3A_961 {strides = array<i32>} : memref<256xf32, #tpu.memory_space<vmem>>, vector<16xf32>,
    %get3A_964 = arith.constant 112 : index
    %get3A_965 = tpu.vector_load %arg10[%get3A_964] {strides = array<i32>} : memref<256xf32, #tpu.memory_space<vmem>>, vector<16xf32>,
    %get3A_966 = arith.constant 112 : index
    %get3A_967 = tpu.vector_load %arg11[%get3A_966] {strides = array<i32>} : memref<256xf32, #tpu.memory_space<vmem>>, vector<16xf32>,
    %add3A_968 = arith.addf %get3A_965, %get3A_967 : vector<16xf32>
    %swap3A_969 = arith.constant 112 : index
    %swap3A_970 = tpu.vector_load %arg10[%swap3A_969] {strides = array<i32>} : memref<256xf32, #tpu.memory_space<vmem>>, vector<16xf32>,
    tpu.vector_store %arg10[%swap3A_969], %add3A_968 {strides = array<i32>} : memref<256xf32, #tpu.memory_space<vmem>>, vector<16xf32>,
    %get3A_971 = arith.constant 128 : index
    %get3A_972 = tpu.vector_load %arg10[%get3A_971] {strides = array<i32>} : memref<256xf32, #tpu.memory_space<vmem>>, vector<16xf32>,
    %get3A_973 = arith.constant 128 : index
    %get3A_974 = tpu.vector_load %arg11[%get3A_973] {strides = array<i32>} : memref<256xf32, #tpu.memory_space<vmem>>, vector<16xf32>,
    %add3A_975 = arith.addf %get3A_972, %get3A_974 : vector<16xf32>
    %swap3A_976 = arith.constant 128 : index
    %swap3A_977 = tpu.vector_load %arg10[%swap3A_976] {strides = array<i32>} : memref<256xf32, #tpu.memory_space<vmem>>, vector<16xf32>,
    tpu.vector_store %arg10[%swap3A_976], %add3A_975 {strides = array<i32>} : memref<256xf32, #tpu.memory_space<vmem>>, vector<16xf32>,
    %get3A_978 = arith.constant 144 : index
    %get3A_979 = tpu.vector_load %arg10[%get3A_978] {strides = array<i32>} : memref<256xf32, #tpu.memory_space<vmem>>, vector<16xf32>,
    %get3A_980 = arith.constant 144 : index
    %get3A_981 = tpu.vector_load %arg11[%get3A_980] {strides = array<i32>} : memref<256xf32, #tpu.memory_space<vmem>>, vector<16xf32>,
    %add3A_982 = arith.addf %get3A_979, %get3A_981 : vector<16xf32>
    %swap3A_983 = arith.constant 144 : index
    %swap3A_984 = tpu.vector_load %arg10[%swap3A_983] {strides = array<i32>} : memref<256xf32, #tpu.memory_space<vmem>>, vector<16xf32>,
    tpu.vector_store %arg10[%swap3A_983], %add3A_982 {strides = array<i32>} : memref<256xf32, #tpu.memory_space<vmem>>, vector<16xf32>,
    %get3A_985 = arith.constant 160 : index
    %get3A_986 = tpu.vector_load %arg10[%get3A_985] {strides = array<i32>} : memref<256xf32, #tpu.memory_space<vmem>>, vector<16xf32>,
    %get3A_987 = arith.constant 160 : index
    %get3A_988 = tpu.vector_load %arg11[%get3A_987] {strides = array<i32>} : memref<256xf32, #tpu.memory_space<vmem>>, vector<16xf32>,
    %add3A_989 = arith.addf %get3A_986, %get3A_988 : vector<16xf32>
    %swap3A_990 = arith.constant 160 : index
    %swap3A_991 = tpu.vector_load %arg10[%swap3A_990] {strides = array<i32>} : memref<256xf32, #tpu.memory_space<vmem>>, vector<16xf32>,
    tpu.vector_store %arg10[%swap3A_990], %add3A_989 {strides = array<i32>} : memref<256xf32, #tpu.memory_space<vmem>>, vector<16xf32>,
    %get3A_992 = arith.constant 176 : index
    %get3A_993 = tpu.vector_load %arg10[%get3A_992] {strides = array<i32>} : memref<256xf32, #tpu.memory_space<vmem>>, vector<16xf32>,
    %get3A_994 = arith.constant 176 : index
    %get3A_995 = tpu.vector_load %arg11[%get3A_994] {strides = array<i32>} : memref<256xf32, #tpu.memory_space<vmem>>, vector<16xf32>,
    %add3A_996 = arith.addf %get3A_993, %get3A_995 : vector<16xf32>
    %swap3A_997 = arith.constant 176 : index
    %swap3A_998 = tpu.vector_load %arg10[%swap3A_997] {strides = array<i32>} : memref<256xf32, #tpu.memory_space<vmem>>, vector<16xf32>,
    tpu.vector_store %arg10[%swap3A_997], %add3A_996 {strides = array<i32>} : memref<256xf32, #tpu.memory_space<vmem>>, vector<16xf32>,
    %get3A_999 = arith.constant 192 : index
    %get3A_1000 = tpu.vector_load %arg10[%get3A_999] {strides = array<i32>} : memref<256xf32, #tpu.memory_space<vmem>>, vector<16xf32>,
    %get3A_1001 = arith.constant 192 : index
    %get3A_1002 = tpu.vector_load %arg11[%get3A_1001] {strides = array<i32>} : memref<256xf32, #tpu.memory_space<vmem>>, vector<16xf32>,
    %add3A_1003 = arith.addf %get3A_1000, %get3A_1002 : vector<16xf32>
    %swap3A_1004 = arith.constant 192 : index
    %swap3A_1005 = tpu.vector_load %arg10[%swap3A_1004] {strides = array<i32>} : memref<256xf32, #tpu.memory_space<vmem>>, vector<16xf32>,
    tpu.vector_store %arg10[%swap3A_1004], %add3A_1003 {strides = array<i32>} : memref<256xf32, #tpu.memory_space<vmem>>, vector<16xf32>,
    %get3A_1006 = arith.constant 208 : index
    %get3A_1007 = tpu.vector_load %arg10[%get3A_1006] {strides = array<i32>} : memref<256xf32, #tpu.memory_space<vmem>>, vector<16xf32>,
    %get3A_1008 = arith.constant 208 : index
    %get3A_1009 = tpu.vector_load %arg11[%get3A_1008] {strides = array<i32>} : memref<256xf32, #tpu.memory_space<vmem>>, vector<16xf32>,
    %add3A_1010 = arith.addf %get3A_1007, %get3A_1009 : vector<16xf32>
    %swap3A_1011 = arith.constant 208 : index
    %swap3A_1012 = tpu.vector_load %arg10[%swap3A_1011] {strides = array<i32>} : memref<256xf32, #tpu.memory_space<vmem>>, vector<16xf32>,
    tpu.vector_store %arg10[%swap3A_1011], %add3A_1010 {strides = array<i32>} : memref<256xf32, #tpu.memory_space<vmem>>, vector<16xf32>,
    %get3A_1013 = arith.constant 224 : index
    %get3A_1014 = tpu.vector_load %arg10[%get3A_1013] {strides = array<i32>} : memref<256xf32, #tpu.memory_space<vmem>>, vector<16xf32>,
    %get3A_1015 = arith.constant 224 : index
    %get3A_1016 = tpu.vector_load %arg11[%get3A_1015] {strides = array<i32>} : memref<256xf32, #tpu.memory_space<vmem>>, vector<16xf32>,
    %add3A_1017 = arith.addf %get3A_1014, %get3A_1016 : vector<16xf32>
    %swap3A_1018 = arith.constant 224 : index
    %swap3A_1019 = tpu.vector_load %arg10[%swap3A_1018] {strides = array<i32>} : memref<256xf32, #tpu.memory_space<vmem>>, vector<16xf32>,
    tpu.vector_store %arg10[%swap3A_1018], %add3A_1017 {strides = array<i32>} : memref<256xf32, #tpu.memory_space<vmem>>, vector<16xf32>,
    %get3A_1020 = arith.constant 240 : index
    %get3A_1021 = tpu.vector_load %arg10[%get3A_1020] {strides = array<i32>} : memref<256xf32, #tpu.memory_space<vmem>>, vector<16xf32>,
    %get3A_1022 = arith.constant 240 : index
    %get3A_1023 = tpu.vector_load %arg11[%get3A_1022] {strides = array<i32>} : memref<256xf32, #tpu.memory_space<vmem>>, vector<16xf32>,
    %add3A_1024 = arith.addf %get3A_1021, %get3A_1023 : vector<16xf32>
    %swap3A_1025 = arith.constant 240 : index
    %swap3A_1026 = tpu.vector_load %arg10[%swap3A_1025] {strides = array<i32>} : memref<256xf32, #tpu.memory_space<vmem>>, vector<16xf32>,
    tpu.vector_store %arg10[%swap3A_1025], %add3A_1024 {strides = array<i32>} : memref<256xf32, #tpu.memory_space<vmem>>, vector<16xf32>,
    %broadcast_in_dim3A_1027 = arith.constant -1 : i32
    %broadcast_in_dim3A_1028 = vector.broadcast %broadcast_in_dim3A_1027 : i32 to vector<16xi32>
    %get3A_1029 = arith.constant 0 : index
    %get3A_1030 = tpu.vector_load %arg10[%get3A_1029] {strides = array<i32>} : memref<256xf32, #tpu.memory_space<vmem>>, vector<16xf32>,
    %gt3A = arith.constant 0.000000e+00 : f32
    %gt3A_1031 = vector.broadcast %gt3A : f32 to vector<16xf32>
    %gt3A_1032 = arith.cmpf ogt, %get3A_1030, %gt3A_1031 : vector<16xf32>
    %add3A_1033 = arith.constant 0 : i32
    %add3A_1034 = vector.broadcast %add3A_1033 : i32 to vector<16xi32>
    %add3A_1035 = arith.addi %iota3A, %add3A_1034 : vector<16xi32>
    %select_n3A_1036 = arith.select %gt3A_1032, %add3A_1035, %broadcast_in_dim3A_1028 : vector<16xi1>, vector<16xi32>
    %get3A_1037 = arith.constant 16 : index
    %get3A_1038 = tpu.vector_load %arg10[%get3A_1037] {strides = array<i32>} : memref<256xf32, #tpu.memory_space<vmem>>, vector<16xf32>,
    %gt3A_1039 = arith.constant 0.000000e+00 : f32
    %gt3A_1040 = vector.broadcast %gt3A_1039 : f32 to vector<16xf32>
    %gt3A_1041 = arith.cmpf ogt, %get3A_1038, %gt3A_1040 : vector<16xf32>
    %add3A_1042 = arith.constant 16 : i32
    %add3A_1043 = vector.broadcast %add3A_1042 : i32 to vector<16xi32>
    %add3A_1044 = arith.addi %iota3A, %add3A_1043 : vector<16xi32>
    %select_n3A_1045 = arith.select %gt3A_1041, %add3A_1044, %select_n3A_1036 : vector<16xi1>, vector<16xi32>
    %get3A_1046 = arith.constant 32 : index
    %get3A_1047 = tpu.vector_load %arg10[%get3A_1046] {strides = array<i32>} : memref<256xf32, #tpu.memory_space<vmem>>, vector<16xf32>,
    %gt3A_1048 = arith.constant 0.000000e+00 : f32
    %gt3A_1049 = vector.broadcast %gt3A_1048 : f32 to vector<16xf32>
    %gt3A_1050 = arith.cmpf ogt, %get3A_1047, %gt3A_1049 : vector<16xf32>
    %add3A_1051 = arith.constant 32 : i32
    %add3A_1052 = vector.broadcast %add3A_1051 : i32 to vector<16xi32>
    %add3A_1053 = arith.addi %iota3A, %add3A_1052 : vector<16xi32>
    %select_n3A_1054 = arith.select %gt3A_1050, %add3A_1053, %select_n3A_1045 : vector<16xi1>, vector<16xi32>
    %get3A_1055 = arith.constant 48 : index
    %get3A_1056 = tpu.vector_load %arg10[%get3A_1055] {strides = array<i32>} : memref<256xf32, #tpu.memory_space<vmem>>, vector<16xf32>,
    %gt3A_1057 = arith.constant 0.000000e+00 : f32
    %gt3A_1058 = vector.broadcast %gt3A_1057 : f32 to vector<16xf32>
    %gt3A_1059 = arith.cmpf ogt, %get3A_1056, %gt3A_1058 : vector<16xf32>
    %add3A_1060 = arith.constant 48 : i32
    %add3A_1061 = vector.broadcast %add3A_1060 : i32 to vector<16xi32>
    %add3A_1062 = arith.addi %iota3A, %add3A_1061 : vector<16xi32>
    %select_n3A_1063 = arith.select %gt3A_1059, %add3A_1062, %select_n3A_1054 : vector<16xi1>, vector<16xi32>
    %get3A_1064 = arith.constant 64 : index
    %get3A_1065 = tpu.vector_load %arg10[%get3A_1064] {strides = array<i32>} : memref<256xf32, #tpu.memory_space<vmem>>, vector<16xf32>,
    %gt3A_1066 = arith.constant 0.000000e+00 : f32
    %gt3A_1067 = vector.broadcast %gt3A_1066 : f32 to vector<16xf32>
    %gt3A_1068 = arith.cmpf ogt, %get3A_1065, %gt3A_1067 : vector<16xf32>
    %add3A_1069 = arith.constant 64 : i32
    %add3A_1070 = vector.broadcast %add3A_1069 : i32 to vector<16xi32>
    %add3A_1071 = arith.addi %iota3A, %add3A_1070 : vector<16xi32>
    %select_n3A_1072 = arith.select %gt3A_1068, %add3A_1071, %select_n3A_1063 : vector<16xi1>, vector<16xi32>
    %get3A_1073 = arith.constant 80 : index
    %get3A_1074 = tpu.vector_load %arg10[%get3A_1073] {strides = array<i32>} : memref<256xf32, #tpu.memory_space<vmem>>, vector<16xf32>,
    %gt3A_1075 = arith.constant 0.000000e+00 : f32
    %gt3A_1076 = vector.broadcast %gt3A_1075 : f32 to vector<16xf32>
    %gt3A_1077 = arith.cmpf ogt, %get3A_1074, %gt3A_1076 : vector<16xf32>
    %add3A_1078 = arith.constant 80 : i32
    %add3A_1079 = vector.broadcast %add3A_1078 : i32 to vector<16xi32>
    %add3A_1080 = arith.addi %iota3A, %add3A_1079 : vector<16xi32>
    %select_n3A_1081 = arith.select %gt3A_1077, %add3A_1080, %select_n3A_1072 : vector<16xi1>, vector<16xi32>
    %get3A_1082 = arith.constant 96 : index
    %get3A_1083 = tpu.vector_load %arg10[%get3A_1082] {strides = array<i32>} : memref<256xf32, #tpu.memory_space<vmem>>, vector<16xf32>,
    %gt3A_1084 = arith.constant 0.000000e+00 : f32
    %gt3A_1085 = vector.broadcast %gt3A_1084 : f32 to vector<16xf32>
    %gt3A_1086 = arith.cmpf ogt, %get3A_1083, %gt3A_1085 : vector<16xf32>
    %add3A_1087 = arith.constant 96 : i32
    %add3A_1088 = vector.broadcast %add3A_1087 : i32 to vector<16xi32>
    %add3A_1089 = arith.addi %iota3A, %add3A_1088 : vector<16xi32>
    %select_n3A_1090 = arith.select %gt3A_1086, %add3A_1089, %select_n3A_1081 : vector<16xi1>, vector<16xi32>
    %get3A_1091 = arith.constant 112 : index
    %get3A_1092 = tpu.vector_load %arg10[%get3A_1091] {strides = array<i32>} : memref<256xf32, #tpu.memory_space<vmem>>, vector<16xf32>,
    %gt3A_1093 = arith.constant 0.000000e+00 : f32
    %gt3A_1094 = vector.broadcast %gt3A_1093 : f32 to vector<16xf32>
    %gt3A_1095 = arith.cmpf ogt, %get3A_1092, %gt3A_1094 : vector<16xf32>
    %add3A_1096 = arith.constant 112 : i32
    %add3A_1097 = vector.broadcast %add3A_1096 : i32 to vector<16xi32>
    %add3A_1098 = arith.addi %iota3A, %add3A_1097 : vector<16xi32>
    %select_n3A_1099 = arith.select %gt3A_1095, %add3A_1098, %select_n3A_1090 : vector<16xi1>, vector<16xi32>
    %get3A_1100 = arith.constant 128 : index
    %get3A_1101 = tpu.vector_load %arg10[%get3A_1100] {strides = array<i32>} : memref<256xf32, #tpu.memory_space<vmem>>, vector<16xf32>,
    %gt3A_1102 = arith.constant 0.000000e+00 : f32
    %gt3A_1103 = vector.broadcast %gt3A_1102 : f32 to vector<16xf32>
    %gt3A_1104 = arith.cmpf ogt, %get3A_1101, %gt3A_1103 : vector<16xf32>
    %add3A_1105 = arith.constant 128 : i32
    %add3A_1106 = vector.broadcast %add3A_1105 : i32 to vector<16xi32>
    %add3A_1107 = arith.addi %iota3A, %add3A_1106 : vector<16xi32>
    %select_n3A_1108 = arith.select %gt3A_1104, %add3A_1107, %select_n3A_1099 : vector<16xi1>, vector<16xi32>
    %get3A_1109 = arith.constant 144 : index
    %get3A_1110 = tpu.vector_load %arg10[%get3A_1109] {strides = array<i32>} : memref<256xf32, #tpu.memory_space<vmem>>, vector<16xf32>,
    %gt3A_1111 = arith.constant 0.000000e+00 : f32
    %gt3A_1112 = vector.broadcast %gt3A_1111 : f32 to vector<16xf32>
    %gt3A_1113 = arith.cmpf ogt, %get3A_1110, %gt3A_1112 : vector<16xf32>
    %add3A_1114 = arith.constant 144 : i32
    %add3A_1115 = vector.broadcast %add3A_1114 : i32 to vector<16xi32>
    %add3A_1116 = arith.addi %iota3A, %add3A_1115 : vector<16xi32>
    %select_n3A_1117 = arith.select %gt3A_1113, %add3A_1116, %select_n3A_1108 : vector<16xi1>, vector<16xi32>
    %get3A_1118 = arith.constant 160 : index
    %get3A_1119 = tpu.vector_load %arg10[%get3A_1118] {strides = array<i32>} : memref<256xf32, #tpu.memory_space<vmem>>, vector<16xf32>,
    %gt3A_1120 = arith.constant 0.000000e+00 : f32
    %gt3A_1121 = vector.broadcast %gt3A_1120 : f32 to vector<16xf32>
    %gt3A_1122 = arith.cmpf ogt, %get3A_1119, %gt3A_1121 : vector<16xf32>
    %add3A_1123 = arith.constant 160 : i32
    %add3A_1124 = vector.broadcast %add3A_1123 : i32 to vector<16xi32>
    %add3A_1125 = arith.addi %iota3A, %add3A_1124 : vector<16xi32>
    %select_n3A_1126 = arith.select %gt3A_1122, %add3A_1125, %select_n3A_1117 : vector<16xi1>, vector<16xi32>
    %get3A_1127 = arith.constant 176 : index
    %get3A_1128 = tpu.vector_load %arg10[%get3A_1127] {strides = array<i32>} : memref<256xf32, #tpu.memory_space<vmem>>, vector<16xf32>,
    %gt3A_1129 = arith.constant 0.000000e+00 : f32
    %gt3A_1130 = vector.broadcast %gt3A_1129 : f32 to vector<16xf32>
    %gt3A_1131 = arith.cmpf ogt, %get3A_1128, %gt3A_1130 : vector<16xf32>
    %add3A_1132 = arith.constant 176 : i32
    %add3A_1133 = vector.broadcast %add3A_1132 : i32 to vector<16xi32>
    %add3A_1134 = arith.addi %iota3A, %add3A_1133 : vector<16xi32>
    %select_n3A_1135 = arith.select %gt3A_1131, %add3A_1134, %select_n3A_1126 : vector<16xi1>, vector<16xi32>
    %get3A_1136 = arith.constant 192 : index
    %get3A_1137 = tpu.vector_load %arg10[%get3A_1136] {strides = array<i32>} : memref<256xf32, #tpu.memory_space<vmem>>, vector<16xf32>,
    %gt3A_1138 = arith.constant 0.000000e+00 : f32
    %gt3A_1139 = vector.broadcast %gt3A_1138 : f32 to vector<16xf32>
    %gt3A_1140 = arith.cmpf ogt, %get3A_1137, %gt3A_1139 : vector<16xf32>
    %add3A_1141 = arith.constant 192 : i32
    %add3A_1142 = vector.broadcast %add3A_1141 : i32 to vector<16xi32>
    %add3A_1143 = arith.addi %iota3A, %add3A_1142 : vector<16xi32>
    %select_n3A_1144 = arith.select %gt3A_1140, %add3A_1143, %select_n3A_1135 : vector<16xi1>, vector<16xi32>
    %get3A_1145 = arith.constant 208 : index
    %get3A_1146 = tpu.vector_load %arg10[%get3A_1145] {strides = array<i32>} : memref<256xf32, #tpu.memory_space<vmem>>, vector<16xf32>,
    %gt3A_1147 = arith.constant 0.000000e+00 : f32
    %gt3A_1148 = vector.broadcast %gt3A_1147 : f32 to vector<16xf32>
    %gt3A_1149 = arith.cmpf ogt, %get3A_1146, %gt3A_1148 : vector<16xf32>
    %add3A_1150 = arith.constant 208 : i32
    %add3A_1151 = vector.broadcast %add3A_1150 : i32 to vector<16xi32>
    %add3A_1152 = arith.addi %iota3A, %add3A_1151 : vector<16xi32>
    %select_n3A_1153 = arith.select %gt3A_1149, %add3A_1152, %select_n3A_1144 : vector<16xi1>, vector<16xi32>
    %get3A_1154 = arith.constant 224 : index
    %get3A_1155 = tpu.vector_load %arg10[%get3A_1154] {strides = array<i32>} : memref<256xf32, #tpu.memory_space<vmem>>, vector<16xf32>,
    %gt3A_1156 = arith.constant 0.000000e+00 : f32
    %gt3A_1157 = vector.broadcast %gt3A_1156 : f32 to vector<16xf32>
    %gt3A_1158 = arith.cmpf ogt, %get3A_1155, %gt3A_1157 : vector<16xf32>
    %add3A_1159 = arith.constant 224 : i32
    %add3A_1160 = vector.broadcast %add3A_1159 : i32 to vector<16xi32>
    %add3A_1161 = arith.addi %iota3A, %add3A_1160 : vector<16xi32>
    %select_n3A_1162 = arith.select %gt3A_1158, %add3A_1161, %select_n3A_1153 : vector<16xi1>, vector<16xi32>
    %get3A_1163 = arith.constant 240 : index
    %get3A_1164 = tpu.vector_load %arg10[%get3A_1163] {strides = array<i32>} : memref<256xf32, #tpu.memory_space<vmem>>, vector<16xf32>,
    %gt3A_1165 = arith.constant 0.000000e+00 : f32
    %gt3A_1166 = vector.broadcast %gt3A_1165 : f32 to vector<16xf32>
    %gt3A_1167 = arith.cmpf ogt, %get3A_1164, %gt3A_1166 : vector<16xf32>
    %add3A_1168 = arith.constant 240 : i32
    %add3A_1169 = vector.broadcast %add3A_1168 : i32 to vector<16xi32>
    %add3A_1170 = arith.addi %iota3A, %add3A_1169 : vector<16xi32>
    %select_n3A_1171 = arith.select %gt3A_1167, %add3A_1170, %select_n3A_1162 : vector<16xi1>, vector<16xi32>
    %reduce_max3A = arith.constant true
    %reduce_max3A_1172 = vector.broadcast %reduce_max3A : i1 to vector<16xi1>
    %reduce_max3A_1173 = arith.constant -2147483648 : i32
    %reduce_max3A_1174 = vector.broadcast %reduce_max3A_1173 : i32 to vector<16xi32>
    %reduce_max3A_1175 = arith.xori %select_n3A_1171, %reduce_max3A_1174 : vector<16xi32>
    %reduce_max3A_1176 = tpu.scan <max>, %reduce_max3A_1175 masked %reduce_max3A_1172 : vector<16xi32>, vector<16xi1> -> vector<16xi32>
    %reduce_max3A_1177 = arith.xori %reduce_max3A_1176, %reduce_max3A_1174 : vector<16xi32>
    %reduce_max3A_1178 = vector.extract %reduce_max3A_1177[15] : i32 from vector<16xi32>
    %broadcast_in_dim3A_1179 = vector.broadcast %reduce_max3A_1178 : i32 to vector<16xi32>
    %gather3A = tpu.vector_load_idx %arg10[%broadcast_in_dim3A_1179] : memref<256xf32, #tpu.memory_space<vmem>>[vector<16xi32>], vector<16xf32>,
    %sub3A_1180 = arith.constant 2.621440e+05 : f32
    %sub3A_1181 = vector.broadcast %sub3A_1180 : f32 to vector<16xf32>
    %sub3A_1182 = arith.subf %sub3A_1181, %gather3A : vector<16xf32>
    %div3A_1183 = arith.constant 2.550000e+02 : f32
    %div3A_1184 = vector.broadcast %div3A_1183 : f32 to vector<16xf32>
    %div3A_1185 = arith.divf %sub3A_1182, %div3A_1184 : vector<16xf32>
    %convert_element_type3A = arith.fptosi %div3A_1185 : vector<16xf32> to vector<16xi32>
    %convert_element_type3A_1186 = arith.sitofp %convert_element_type3A : vector<16xi32> to vector<16xf32>
    %max3A = arith.constant 1.000000e+00 : f32
    %max3A_1187 = vector.broadcast %max3A : f32 to vector<16xf32>
    %max3A_1188 = arith.maximumf %convert_element_type3A_1186, %max3A_1187 : vector<16xf32>
    %mul3A_1189 = arith.constant 5.000000e-01 : f32
    %mul3A_1190 = vector.broadcast %mul3A_1189 : f32 to vector<16xf32>
    %mul3A_1191 = arith.mulf %convert_element_type3A_1186, %mul3A_1190 : vector<16xf32>
    %convert_element_type3A_1192 = arith.fptosi %mul3A_1191 : vector<16xf32> to vector<16xi32>
    %convert_element_type3A_1193 = arith.sitofp %convert_element_type3A_1192 : vector<16xi32> to vector<16xf32>
    %get3A_1194 = arith.constant 0 : index
    %get3A_1195 = tpu.vector_load %arg10[%get3A_1194] {strides = array<i32>} : memref<256xf32, #tpu.memory_space<vmem>>, vector<16xf32>,
    %broadcast_in_dim3A_1196 = arith.constant true
    %broadcast_in_dim3A_1197 = vector.broadcast %broadcast_in_dim3A_1196 : i1 to vector<16xi1>
    %masked_cumsum3A = tpu.scan <sum>, %get3A_1195 masked %broadcast_in_dim3A_1197 : vector<16xf32>, vector<16xi1> -> vector<16xf32>
    %sub3A_1198 = arith.subf %masked_cumsum3A, %get3A_1195 : vector<16xf32>
    %add3A_1199 = arith.addf %sub3A_1198, %broadcast_in_dim3A_41 : vector<16xf32>
    %add3A_1200 = arith.addf %add3A_1199, %convert_element_type3A_1193 : vector<16xf32>
    %div3A_1201 = arith.divf %add3A_1200, %max3A_1188 : vector<16xf32>
    %convert_element_type3A_1202 = arith.fptosi %div3A_1201 : vector<16xf32> to vector<16xi32>
    %jit3A_1203 = arith.constant 0 : i32
    %jit3A_1204 = arith.constant 255 : i32
    %max3A_1205 = vector.broadcast %jit3A_1203 : i32 to vector<16xi32>
    %max3A_1206 = arith.maxsi %max3A_1205, %convert_element_type3A_1202 : vector<16xi32>
    %min3A = vector.broadcast %jit3A_1204 : i32 to vector<16xi32>
    %min3A_1207 = arith.minsi %min3A, %max3A_1206 : vector<16xi32>
    %convert_element_type3A_1208 = arith.sitofp %min3A_1207 : vector<16xi32> to vector<16xf32>
    %swap3A_1209 = arith.constant 0 : index
    %swap3A_1210 = tpu.vector_load %arg12[%swap3A_1209] {strides = array<i32>} : memref<256xf32, #tpu.memory_space<vmem>>, vector<16xf32>,
    tpu.vector_store %arg12[%swap3A_1209], %convert_element_type3A_1208 {strides = array<i32>} : memref<256xf32, #tpu.memory_space<vmem>>, vector<16xf32>,
    %reduce_sum3A = arith.constant true
    %reduce_sum3A_1211 = vector.broadcast %reduce_sum3A : i1 to vector<16xi1>
    %reduce_sum3A_1212 = tpu.scan <sum>, %get3A_1195 masked %reduce_sum3A_1211 : vector<16xf32>, vector<16xi1> -> vector<16xf32>
    %reduce_sum3A_1213 = vector.extract %reduce_sum3A_1212[15] : f32 from vector<16xf32>
    %add3A_1214 = vector.broadcast %reduce_sum3A_1213 : f32 to vector<16xf32>
    %add3A_1215 = arith.addf %broadcast_in_dim3A_41, %add3A_1214 : vector<16xf32>
    %get3A_1216 = arith.constant 16 : index
    %get3A_1217 = tpu.vector_load %arg10[%get3A_1216] {strides = array<i32>} : memref<256xf32, #tpu.memory_space<vmem>>, vector<16xf32>,
    %broadcast_in_dim3A_1218 = arith.constant true
    %broadcast_in_dim3A_1219 = vector.broadcast %broadcast_in_dim3A_1218 : i1 to vector<16xi1>
    %masked_cumsum3A_1220 = tpu.scan <sum>, %get3A_1217 masked %broadcast_in_dim3A_1219 : vector<16xf32>, vector<16xi1> -> vector<16xf32>
    %sub3A_1221 = arith.subf %masked_cumsum3A_1220, %get3A_1217 : vector<16xf32>
    %add3A_1222 = arith.addf %sub3A_1221, %add3A_1215 : vector<16xf32>
    %add3A_1223 = arith.addf %add3A_1222, %convert_element_type3A_1193 : vector<16xf32>
    %div3A_1224 = arith.divf %add3A_1223, %max3A_1188 : vector<16xf32>
    %convert_element_type3A_1225 = arith.fptosi %div3A_1224 : vector<16xf32> to vector<16xi32>
    %jit3A_1226 = arith.constant 0 : i32
    %jit3A_1227 = arith.constant 255 : i32
    %max3A_1228 = vector.broadcast %jit3A_1226 : i32 to vector<16xi32>
    %max3A_1229 = arith.maxsi %max3A_1228, %convert_element_type3A_1225 : vector<16xi32>
    %min3A_1230 = vector.broadcast %jit3A_1227 : i32 to vector<16xi32>
    %min3A_1231 = arith.minsi %min3A_1230, %max3A_1229 : vector<16xi32>
    %convert_element_type3A_1232 = arith.sitofp %min3A_1231 : vector<16xi32> to vector<16xf32>
    %swap3A_1233 = arith.constant 16 : index
    %swap3A_1234 = tpu.vector_load %arg12[%swap3A_1233] {strides = array<i32>} : memref<256xf32, #tpu.memory_space<vmem>>, vector<16xf32>,
    tpu.vector_store %arg12[%swap3A_1233], %convert_element_type3A_1232 {strides = array<i32>} : memref<256xf32, #tpu.memory_space<vmem>>, vector<16xf32>,
    %reduce_sum3A_1235 = arith.constant true
    %reduce_sum3A_1236 = vector.broadcast %reduce_sum3A_1235 : i1 to vector<16xi1>
    %reduce_sum3A_1237 = tpu.scan <sum>, %get3A_1217 masked %reduce_sum3A_1236 : vector<16xf32>, vector<16xi1> -> vector<16xf32>
    %reduce_sum3A_1238 = vector.extract %reduce_sum3A_1237[15] : f32 from vector<16xf32>
    %add3A_1239 = vector.broadcast %reduce_sum3A_1238 : f32 to vector<16xf32>
    %add3A_1240 = arith.addf %add3A_1215, %add3A_1239 : vector<16xf32>
    %get3A_1241 = arith.constant 32 : index
    %get3A_1242 = tpu.vector_load %arg10[%get3A_1241] {strides = array<i32>} : memref<256xf32, #tpu.memory_space<vmem>>, vector<16xf32>,
    %broadcast_in_dim3A_1243 = arith.constant true
    %broadcast_in_dim3A_1244 = vector.broadcast %broadcast_in_dim3A_1243 : i1 to vector<16xi1>
    %masked_cumsum3A_1245 = tpu.scan <sum>, %get3A_1242 masked %broadcast_in_dim3A_1244 : vector<16xf32>, vector<16xi1> -> vector<16xf32>
    %sub3A_1246 = arith.subf %masked_cumsum3A_1245, %get3A_1242 : vector<16xf32>
    %add3A_1247 = arith.addf %sub3A_1246, %add3A_1240 : vector<16xf32>
    %add3A_1248 = arith.addf %add3A_1247, %convert_element_type3A_1193 : vector<16xf32>
    %div3A_1249 = arith.divf %add3A_1248, %max3A_1188 : vector<16xf32>
    %convert_element_type3A_1250 = arith.fptosi %div3A_1249 : vector<16xf32> to vector<16xi32>
    %jit3A_1251 = arith.constant 0 : i32
    %jit3A_1252 = arith.constant 255 : i32
    %max3A_1253 = vector.broadcast %jit3A_1251 : i32 to vector<16xi32>
    %max3A_1254 = arith.maxsi %max3A_1253, %convert_element_type3A_1250 : vector<16xi32>
    %min3A_1255 = vector.broadcast %jit3A_1252 : i32 to vector<16xi32>
    %min3A_1256 = arith.minsi %min3A_1255, %max3A_1254 : vector<16xi32>
    %convert_element_type3A_1257 = arith.sitofp %min3A_1256 : vector<16xi32> to vector<16xf32>
    %swap3A_1258 = arith.constant 32 : index
    %swap3A_1259 = tpu.vector_load %arg12[%swap3A_1258] {strides = array<i32>} : memref<256xf32, #tpu.memory_space<vmem>>, vector<16xf32>,
    tpu.vector_store %arg12[%swap3A_1258], %convert_element_type3A_1257 {strides = array<i32>} : memref<256xf32, #tpu.memory_space<vmem>>, vector<16xf32>,
    %reduce_sum3A_1260 = arith.constant true
    %reduce_sum3A_1261 = vector.broadcast %reduce_sum3A_1260 : i1 to vector<16xi1>
    %reduce_sum3A_1262 = tpu.scan <sum>, %get3A_1242 masked %reduce_sum3A_1261 : vector<16xf32>, vector<16xi1> -> vector<16xf32>
    %reduce_sum3A_1263 = vector.extract %reduce_sum3A_1262[15] : f32 from vector<16xf32>
    %add3A_1264 = vector.broadcast %reduce_sum3A_1263 : f32 to vector<16xf32>
    %add3A_1265 = arith.addf %add3A_1240, %add3A_1264 : vector<16xf32>
    %get3A_1266 = arith.constant 48 : index
    %get3A_1267 = tpu.vector_load %arg10[%get3A_1266] {strides = array<i32>} : memref<256xf32, #tpu.memory_space<vmem>>, vector<16xf32>,
    %broadcast_in_dim3A_1268 = arith.constant true
    %broadcast_in_dim3A_1269 = vector.broadcast %broadcast_in_dim3A_1268 : i1 to vector<16xi1>
    %masked_cumsum3A_1270 = tpu.scan <sum>, %get3A_1267 masked %broadcast_in_dim3A_1269 : vector<16xf32>, vector<16xi1> -> vector<16xf32>
    %sub3A_1271 = arith.subf %masked_cumsum3A_1270, %get3A_1267 : vector<16xf32>
    %add3A_1272 = arith.addf %sub3A_1271, %add3A_1265 : vector<16xf32>
    %add3A_1273 = arith.addf %add3A_1272, %convert_element_type3A_1193 : vector<16xf32>
    %div3A_1274 = arith.divf %add3A_1273, %max3A_1188 : vector<16xf32>
    %convert_element_type3A_1275 = arith.fptosi %div3A_1274 : vector<16xf32> to vector<16xi32>
    %jit3A_1276 = arith.constant 0 : i32
    %jit3A_1277 = arith.constant 255 : i32
    %max3A_1278 = vector.broadcast %jit3A_1276 : i32 to vector<16xi32>
    %max3A_1279 = arith.maxsi %max3A_1278, %convert_element_type3A_1275 : vector<16xi32>
    %min3A_1280 = vector.broadcast %jit3A_1277 : i32 to vector<16xi32>
    %min3A_1281 = arith.minsi %min3A_1280, %max3A_1279 : vector<16xi32>
    %convert_element_type3A_1282 = arith.sitofp %min3A_1281 : vector<16xi32> to vector<16xf32>
    %swap3A_1283 = arith.constant 48 : index
    %swap3A_1284 = tpu.vector_load %arg12[%swap3A_1283] {strides = array<i32>} : memref<256xf32, #tpu.memory_space<vmem>>, vector<16xf32>,
    tpu.vector_store %arg12[%swap3A_1283], %convert_element_type3A_1282 {strides = array<i32>} : memref<256xf32, #tpu.memory_space<vmem>>, vector<16xf32>,
    %reduce_sum3A_1285 = arith.constant true
    %reduce_sum3A_1286 = vector.broadcast %reduce_sum3A_1285 : i1 to vector<16xi1>
    %reduce_sum3A_1287 = tpu.scan <sum>, %get3A_1267 masked %reduce_sum3A_1286 : vector<16xf32>, vector<16xi1> -> vector<16xf32>
    %reduce_sum3A_1288 = vector.extract %reduce_sum3A_1287[15] : f32 from vector<16xf32>
    %add3A_1289 = vector.broadcast %reduce_sum3A_1288 : f32 to vector<16xf32>
    %add3A_1290 = arith.addf %add3A_1265, %add3A_1289 : vector<16xf32>
    %get3A_1291 = arith.constant 64 : index
    %get3A_1292 = tpu.vector_load %arg10[%get3A_1291] {strides = array<i32>} : memref<256xf32, #tpu.memory_space<vmem>>, vector<16xf32>,
    %broadcast_in_dim3A_1293 = arith.constant true
    %broadcast_in_dim3A_1294 = vector.broadcast %broadcast_in_dim3A_1293 : i1 to vector<16xi1>
    %masked_cumsum3A_1295 = tpu.scan <sum>, %get3A_1292 masked %broadcast_in_dim3A_1294 : vector<16xf32>, vector<16xi1> -> vector<16xf32>
    %sub3A_1296 = arith.subf %masked_cumsum3A_1295, %get3A_1292 : vector<16xf32>
    %add3A_1297 = arith.addf %sub3A_1296, %add3A_1290 : vector<16xf32>
    %add3A_1298 = arith.addf %add3A_1297, %convert_element_type3A_1193 : vector<16xf32>
    %div3A_1299 = arith.divf %add3A_1298, %max3A_1188 : vector<16xf32>
    %convert_element_type3A_1300 = arith.fptosi %div3A_1299 : vector<16xf32> to vector<16xi32>
    %jit3A_1301 = arith.constant 0 : i32
    %jit3A_1302 = arith.constant 255 : i32
    %max3A_1303 = vector.broadcast %jit3A_1301 : i32 to vector<16xi32>
    %max3A_1304 = arith.maxsi %max3A_1303, %convert_element_type3A_1300 : vector<16xi32>
    %min3A_1305 = vector.broadcast %jit3A_1302 : i32 to vector<16xi32>
    %min3A_1306 = arith.minsi %min3A_1305, %max3A_1304 : vector<16xi32>
    %convert_element_type3A_1307 = arith.sitofp %min3A_1306 : vector<16xi32> to vector<16xf32>
    %swap3A_1308 = arith.constant 64 : index
    %swap3A_1309 = tpu.vector_load %arg12[%swap3A_1308] {strides = array<i32>} : memref<256xf32, #tpu.memory_space<vmem>>, vector<16xf32>,
    tpu.vector_store %arg12[%swap3A_1308], %convert_element_type3A_1307 {strides = array<i32>} : memref<256xf32, #tpu.memory_space<vmem>>, vector<16xf32>,
    %reduce_sum3A_1310 = arith.constant true
    %reduce_sum3A_1311 = vector.broadcast %reduce_sum3A_1310 : i1 to vector<16xi1>
    %reduce_sum3A_1312 = tpu.scan <sum>, %get3A_1292 masked %reduce_sum3A_1311 : vector<16xf32>, vector<16xi1> -> vector<16xf32>
    %reduce_sum3A_1313 = vector.extract %reduce_sum3A_1312[15] : f32 from vector<16xf32>
    %add3A_1314 = vector.broadcast %reduce_sum3A_1313 : f32 to vector<16xf32>
    %add3A_1315 = arith.addf %add3A_1290, %add3A_1314 : vector<16xf32>
    %get3A_1316 = arith.constant 80 : index
    %get3A_1317 = tpu.vector_load %arg10[%get3A_1316] {strides = array<i32>} : memref<256xf32, #tpu.memory_space<vmem>>, vector<16xf32>,
    %broadcast_in_dim3A_1318 = arith.constant true
    %broadcast_in_dim3A_1319 = vector.broadcast %broadcast_in_dim3A_1318 : i1 to vector<16xi1>
    %masked_cumsum3A_1320 = tpu.scan <sum>, %get3A_1317 masked %broadcast_in_dim3A_1319 : vector<16xf32>, vector<16xi1> -> vector<16xf32>
    %sub3A_1321 = arith.subf %masked_cumsum3A_1320, %get3A_1317 : vector<16xf32>
    %add3A_1322 = arith.addf %sub3A_1321, %add3A_1315 : vector<16xf32>
    %add3A_1323 = arith.addf %add3A_1322, %convert_element_type3A_1193 : vector<16xf32>
    %div3A_1324 = arith.divf %add3A_1323, %max3A_1188 : vector<16xf32>
    %convert_element_type3A_1325 = arith.fptosi %div3A_1324 : vector<16xf32> to vector<16xi32>
    %jit3A_1326 = arith.constant 0 : i32
    %jit3A_1327 = arith.constant 255 : i32
    %max3A_1328 = vector.broadcast %jit3A_1326 : i32 to vector<16xi32>
    %max3A_1329 = arith.maxsi %max3A_1328, %convert_element_type3A_1325 : vector<16xi32>
    %min3A_1330 = vector.broadcast %jit3A_1327 : i32 to vector<16xi32>
    %min3A_1331 = arith.minsi %min3A_1330, %max3A_1329 : vector<16xi32>
    %convert_element_type3A_1332 = arith.sitofp %min3A_1331 : vector<16xi32> to vector<16xf32>
    %swap3A_1333 = arith.constant 80 : index
    %swap3A_1334 = tpu.vector_load %arg12[%swap3A_1333] {strides = array<i32>} : memref<256xf32, #tpu.memory_space<vmem>>, vector<16xf32>,
    tpu.vector_store %arg12[%swap3A_1333], %convert_element_type3A_1332 {strides = array<i32>} : memref<256xf32, #tpu.memory_space<vmem>>, vector<16xf32>,
    %reduce_sum3A_1335 = arith.constant true
    %reduce_sum3A_1336 = vector.broadcast %reduce_sum3A_1335 : i1 to vector<16xi1>
    %reduce_sum3A_1337 = tpu.scan <sum>, %get3A_1317 masked %reduce_sum3A_1336 : vector<16xf32>, vector<16xi1> -> vector<16xf32>
    %reduce_sum3A_1338 = vector.extract %reduce_sum3A_1337[15] : f32 from vector<16xf32>
    %add3A_1339 = vector.broadcast %reduce_sum3A_1338 : f32 to vector<16xf32>
    %add3A_1340 = arith.addf %add3A_1315, %add3A_1339 : vector<16xf32>
    %get3A_1341 = arith.constant 96 : index
    %get3A_1342 = tpu.vector_load %arg10[%get3A_1341] {strides = array<i32>} : memref<256xf32, #tpu.memory_space<vmem>>, vector<16xf32>,
    %broadcast_in_dim3A_1343 = arith.constant true
    %broadcast_in_dim3A_1344 = vector.broadcast %broadcast_in_dim3A_1343 : i1 to vector<16xi1>
    %masked_cumsum3A_1345 = tpu.scan <sum>, %get3A_1342 masked %broadcast_in_dim3A_1344 : vector<16xf32>, vector<16xi1> -> vector<16xf32>
    %sub3A_1346 = arith.subf %masked_cumsum3A_1345, %get3A_1342 : vector<16xf32>
    %add3A_1347 = arith.addf %sub3A_1346, %add3A_1340 : vector<16xf32>
    %add3A_1348 = arith.addf %add3A_1347, %convert_element_type3A_1193 : vector<16xf32>
    %div3A_1349 = arith.divf %add3A_1348, %max3A_1188 : vector<16xf32>
    %convert_element_type3A_1350 = arith.fptosi %div3A_1349 : vector<16xf32> to vector<16xi32>
    %jit3A_1351 = arith.constant 0 : i32
    %jit3A_1352 = arith.constant 255 : i32
    %max3A_1353 = vector.broadcast %jit3A_1351 : i32 to vector<16xi32>
    %max3A_1354 = arith.maxsi %max3A_1353, %convert_element_type3A_1350 : vector<16xi32>
    %min3A_1355 = vector.broadcast %jit3A_1352 : i32 to vector<16xi32>
    %min3A_1356 = arith.minsi %min3A_1355, %max3A_1354 : vector<16xi32>
    %convert_element_type3A_1357 = arith.sitofp %min3A_1356 : vector<16xi32> to vector<16xf32>
    %swap3A_1358 = arith.constant 96 : index
    %swap3A_1359 = tpu.vector_load %arg12[%swap3A_1358] {strides = array<i32>} : memref<256xf32, #tpu.memory_space<vmem>>, vector<16xf32>,
    tpu.vector_store %arg12[%swap3A_1358], %convert_element_type3A_1357 {strides = array<i32>} : memref<256xf32, #tpu.memory_space<vmem>>, vector<16xf32>,
    %reduce_sum3A_1360 = arith.constant true
    %reduce_sum3A_1361 = vector.broadcast %reduce_sum3A_1360 : i1 to vector<16xi1>
    %reduce_sum3A_1362 = tpu.scan <sum>, %get3A_1342 masked %reduce_sum3A_1361 : vector<16xf32>, vector<16xi1> -> vector<16xf32>
    %reduce_sum3A_1363 = vector.extract %reduce_sum3A_1362[15] : f32 from vector<16xf32>
    %add3A_1364 = vector.broadcast %reduce_sum3A_1363 : f32 to vector<16xf32>
    %add3A_1365 = arith.addf %add3A_1340, %add3A_1364 : vector<16xf32>
    %get3A_1366 = arith.constant 112 : index
    %get3A_1367 = tpu.vector_load %arg10[%get3A_1366] {strides = array<i32>} : memref<256xf32, #tpu.memory_space<vmem>>, vector<16xf32>,
    %broadcast_in_dim3A_1368 = arith.constant true
    %broadcast_in_dim3A_1369 = vector.broadcast %broadcast_in_dim3A_1368 : i1 to vector<16xi1>
    %masked_cumsum3A_1370 = tpu.scan <sum>, %get3A_1367 masked %broadcast_in_dim3A_1369 : vector<16xf32>, vector<16xi1> -> vector<16xf32>
    %sub3A_1371 = arith.subf %masked_cumsum3A_1370, %get3A_1367 : vector<16xf32>
    %add3A_1372 = arith.addf %sub3A_1371, %add3A_1365 : vector<16xf32>
    %add3A_1373 = arith.addf %add3A_1372, %convert_element_type3A_1193 : vector<16xf32>
    %div3A_1374 = arith.divf %add3A_1373, %max3A_1188 : vector<16xf32>
    %convert_element_type3A_1375 = arith.fptosi %div3A_1374 : vector<16xf32> to vector<16xi32>
    %jit3A_1376 = arith.constant 0 : i32
    %jit3A_1377 = arith.constant 255 : i32
    %max3A_1378 = vector.broadcast %jit3A_1376 : i32 to vector<16xi32>
    %max3A_1379 = arith.maxsi %max3A_1378, %convert_element_type3A_1375 : vector<16xi32>
    %min3A_1380 = vector.broadcast %jit3A_1377 : i32 to vector<16xi32>
    %min3A_1381 = arith.minsi %min3A_1380, %max3A_1379 : vector<16xi32>
    %convert_element_type3A_1382 = arith.sitofp %min3A_1381 : vector<16xi32> to vector<16xf32>
    %swap3A_1383 = arith.constant 112 : index
    %swap3A_1384 = tpu.vector_load %arg12[%swap3A_1383] {strides = array<i32>} : memref<256xf32, #tpu.memory_space<vmem>>, vector<16xf32>,
    tpu.vector_store %arg12[%swap3A_1383], %convert_element_type3A_1382 {strides = array<i32>} : memref<256xf32, #tpu.memory_space<vmem>>, vector<16xf32>,
    %reduce_sum3A_1385 = arith.constant true
    %reduce_sum3A_1386 = vector.broadcast %reduce_sum3A_1385 : i1 to vector<16xi1>
    %reduce_sum3A_1387 = tpu.scan <sum>, %get3A_1367 masked %reduce_sum3A_1386 : vector<16xf32>, vector<16xi1> -> vector<16xf32>
    %reduce_sum3A_1388 = vector.extract %reduce_sum3A_1387[15] : f32 from vector<16xf32>
    %add3A_1389 = vector.broadcast %reduce_sum3A_1388 : f32 to vector<16xf32>
    %add3A_1390 = arith.addf %add3A_1365, %add3A_1389 : vector<16xf32>
    %get3A_1391 = arith.constant 128 : index
    %get3A_1392 = tpu.vector_load %arg10[%get3A_1391] {strides = array<i32>} : memref<256xf32, #tpu.memory_space<vmem>>, vector<16xf32>,
    %broadcast_in_dim3A_1393 = arith.constant true
    %broadcast_in_dim3A_1394 = vector.broadcast %broadcast_in_dim3A_1393 : i1 to vector<16xi1>
    %masked_cumsum3A_1395 = tpu.scan <sum>, %get3A_1392 masked %broadcast_in_dim3A_1394 : vector<16xf32>, vector<16xi1> -> vector<16xf32>
    %sub3A_1396 = arith.subf %masked_cumsum3A_1395, %get3A_1392 : vector<16xf32>
    %add3A_1397 = arith.addf %sub3A_1396, %add3A_1390 : vector<16xf32>
    %add3A_1398 = arith.addf %add3A_1397, %convert_element_type3A_1193 : vector<16xf32>
    %div3A_1399 = arith.divf %add3A_1398, %max3A_1188 : vector<16xf32>
    %convert_element_type3A_1400 = arith.fptosi %div3A_1399 : vector<16xf32> to vector<16xi32>
    %jit3A_1401 = arith.constant 0 : i32
    %jit3A_1402 = arith.constant 255 : i32
    %max3A_1403 = vector.broadcast %jit3A_1401 : i32 to vector<16xi32>
    %max3A_1404 = arith.maxsi %max3A_1403, %convert_element_type3A_1400 : vector<16xi32>
    %min3A_1405 = vector.broadcast %jit3A_1402 : i32 to vector<16xi32>
    %min3A_1406 = arith.minsi %min3A_1405, %max3A_1404 : vector<16xi32>
    %convert_element_type3A_1407 = arith.sitofp %min3A_1406 : vector<16xi32> to vector<16xf32>
    %swap3A_1408 = arith.constant 128 : index
    %swap3A_1409 = tpu.vector_load %arg12[%swap3A_1408] {strides = array<i32>} : memref<256xf32, #tpu.memory_space<vmem>>, vector<16xf32>,
    tpu.vector_store %arg12[%swap3A_1408], %convert_element_type3A_1407 {strides = array<i32>} : memref<256xf32, #tpu.memory_space<vmem>>, vector<16xf32>,
    %reduce_sum3A_1410 = arith.constant true
    %reduce_sum3A_1411 = vector.broadcast %reduce_sum3A_1410 : i1 to vector<16xi1>
    %reduce_sum3A_1412 = tpu.scan <sum>, %get3A_1392 masked %reduce_sum3A_1411 : vector<16xf32>, vector<16xi1> -> vector<16xf32>
    %reduce_sum3A_1413 = vector.extract %reduce_sum3A_1412[15] : f32 from vector<16xf32>
    %add3A_1414 = vector.broadcast %reduce_sum3A_1413 : f32 to vector<16xf32>
    %add3A_1415 = arith.addf %add3A_1390, %add3A_1414 : vector<16xf32>
    %get3A_1416 = arith.constant 144 : index
    %get3A_1417 = tpu.vector_load %arg10[%get3A_1416] {strides = array<i32>} : memref<256xf32, #tpu.memory_space<vmem>>, vector<16xf32>,
    %broadcast_in_dim3A_1418 = arith.constant true
    %broadcast_in_dim3A_1419 = vector.broadcast %broadcast_in_dim3A_1418 : i1 to vector<16xi1>
    %masked_cumsum3A_1420 = tpu.scan <sum>, %get3A_1417 masked %broadcast_in_dim3A_1419 : vector<16xf32>, vector<16xi1> -> vector<16xf32>
    %sub3A_1421 = arith.subf %masked_cumsum3A_1420, %get3A_1417 : vector<16xf32>
    %add3A_1422 = arith.addf %sub3A_1421, %add3A_1415 : vector<16xf32>
    %add3A_1423 = arith.addf %add3A_1422, %convert_element_type3A_1193 : vector<16xf32>
    %div3A_1424 = arith.divf %add3A_1423, %max3A_1188 : vector<16xf32>
    %convert_element_type3A_1425 = arith.fptosi %div3A_1424 : vector<16xf32> to vector<16xi32>
    %jit3A_1426 = arith.constant 0 : i32
    %jit3A_1427 = arith.constant 255 : i32
    %max3A_1428 = vector.broadcast %jit3A_1426 : i32 to vector<16xi32>
    %max3A_1429 = arith.maxsi %max3A_1428, %convert_element_type3A_1425 : vector<16xi32>
    %min3A_1430 = vector.broadcast %jit3A_1427 : i32 to vector<16xi32>
    %min3A_1431 = arith.minsi %min3A_1430, %max3A_1429 : vector<16xi32>
    %convert_element_type3A_1432 = arith.sitofp %min3A_1431 : vector<16xi32> to vector<16xf32>
    %swap3A_1433 = arith.constant 144 : index
    %swap3A_1434 = tpu.vector_load %arg12[%swap3A_1433] {strides = array<i32>} : memref<256xf32, #tpu.memory_space<vmem>>, vector<16xf32>,
    tpu.vector_store %arg12[%swap3A_1433], %convert_element_type3A_1432 {strides = array<i32>} : memref<256xf32, #tpu.memory_space<vmem>>, vector<16xf32>,
    %reduce_sum3A_1435 = arith.constant true
    %reduce_sum3A_1436 = vector.broadcast %reduce_sum3A_1435 : i1 to vector<16xi1>
    %reduce_sum3A_1437 = tpu.scan <sum>, %get3A_1417 masked %reduce_sum3A_1436 : vector<16xf32>, vector<16xi1> -> vector<16xf32>
    %reduce_sum3A_1438 = vector.extract %reduce_sum3A_1437[15] : f32 from vector<16xf32>
    %add3A_1439 = vector.broadcast %reduce_sum3A_1438 : f32 to vector<16xf32>
    %add3A_1440 = arith.addf %add3A_1415, %add3A_1439 : vector<16xf32>
    %get3A_1441 = arith.constant 160 : index
    %get3A_1442 = tpu.vector_load %arg10[%get3A_1441] {strides = array<i32>} : memref<256xf32, #tpu.memory_space<vmem>>, vector<16xf32>,
    %broadcast_in_dim3A_1443 = arith.constant true
    %broadcast_in_dim3A_1444 = vector.broadcast %broadcast_in_dim3A_1443 : i1 to vector<16xi1>
    %masked_cumsum3A_1445 = tpu.scan <sum>, %get3A_1442 masked %broadcast_in_dim3A_1444 : vector<16xf32>, vector<16xi1> -> vector<16xf32>
    %sub3A_1446 = arith.subf %masked_cumsum3A_1445, %get3A_1442 : vector<16xf32>
    %add3A_1447 = arith.addf %sub3A_1446, %add3A_1440 : vector<16xf32>
    %add3A_1448 = arith.addf %add3A_1447, %convert_element_type3A_1193 : vector<16xf32>
    %div3A_1449 = arith.divf %add3A_1448, %max3A_1188 : vector<16xf32>
    %convert_element_type3A_1450 = arith.fptosi %div3A_1449 : vector<16xf32> to vector<16xi32>
    %jit3A_1451 = arith.constant 0 : i32
    %jit3A_1452 = arith.constant 255 : i32
    %max3A_1453 = vector.broadcast %jit3A_1451 : i32 to vector<16xi32>
    %max3A_1454 = arith.maxsi %max3A_1453, %convert_element_type3A_1450 : vector<16xi32>
    %min3A_1455 = vector.broadcast %jit3A_1452 : i32 to vector<16xi32>
    %min3A_1456 = arith.minsi %min3A_1455, %max3A_1454 : vector<16xi32>
    %convert_element_type3A_1457 = arith.sitofp %min3A_1456 : vector<16xi32> to vector<16xf32>
    %swap3A_1458 = arith.constant 160 : index
    %swap3A_1459 = tpu.vector_load %arg12[%swap3A_1458] {strides = array<i32>} : memref<256xf32, #tpu.memory_space<vmem>>, vector<16xf32>,
    tpu.vector_store %arg12[%swap3A_1458], %convert_element_type3A_1457 {strides = array<i32>} : memref<256xf32, #tpu.memory_space<vmem>>, vector<16xf32>,
    %reduce_sum3A_1460 = arith.constant true
    %reduce_sum3A_1461 = vector.broadcast %reduce_sum3A_1460 : i1 to vector<16xi1>
    %reduce_sum3A_1462 = tpu.scan <sum>, %get3A_1442 masked %reduce_sum3A_1461 : vector<16xf32>, vector<16xi1> -> vector<16xf32>
    %reduce_sum3A_1463 = vector.extract %reduce_sum3A_1462[15] : f32 from vector<16xf32>
    %add3A_1464 = vector.broadcast %reduce_sum3A_1463 : f32 to vector<16xf32>
    %add3A_1465 = arith.addf %add3A_1440, %add3A_1464 : vector<16xf32>
    %get3A_1466 = arith.constant 176 : index
    %get3A_1467 = tpu.vector_load %arg10[%get3A_1466] {strides = array<i32>} : memref<256xf32, #tpu.memory_space<vmem>>, vector<16xf32>,
    %broadcast_in_dim3A_1468 = arith.constant true
    %broadcast_in_dim3A_1469 = vector.broadcast %broadcast_in_dim3A_1468 : i1 to vector<16xi1>
    %masked_cumsum3A_1470 = tpu.scan <sum>, %get3A_1467 masked %broadcast_in_dim3A_1469 : vector<16xf32>, vector<16xi1> -> vector<16xf32>
    %sub3A_1471 = arith.subf %masked_cumsum3A_1470, %get3A_1467 : vector<16xf32>
    %add3A_1472 = arith.addf %sub3A_1471, %add3A_1465 : vector<16xf32>
    %add3A_1473 = arith.addf %add3A_1472, %convert_element_type3A_1193 : vector<16xf32>
    %div3A_1474 = arith.divf %add3A_1473, %max3A_1188 : vector<16xf32>
    %convert_element_type3A_1475 = arith.fptosi %div3A_1474 : vector<16xf32> to vector<16xi32>
    %jit3A_1476 = arith.constant 0 : i32
    %jit3A_1477 = arith.constant 255 : i32
    %max3A_1478 = vector.broadcast %jit3A_1476 : i32 to vector<16xi32>
    %max3A_1479 = arith.maxsi %max3A_1478, %convert_element_type3A_1475 : vector<16xi32>
    %min3A_1480 = vector.broadcast %jit3A_1477 : i32 to vector<16xi32>
    %min3A_1481 = arith.minsi %min3A_1480, %max3A_1479 : vector<16xi32>
    %convert_element_type3A_1482 = arith.sitofp %min3A_1481 : vector<16xi32> to vector<16xf32>
    %swap3A_1483 = arith.constant 176 : index
    %swap3A_1484 = tpu.vector_load %arg12[%swap3A_1483] {strides = array<i32>} : memref<256xf32, #tpu.memory_space<vmem>>, vector<16xf32>,
    tpu.vector_store %arg12[%swap3A_1483], %convert_element_type3A_1482 {strides = array<i32>} : memref<256xf32, #tpu.memory_space<vmem>>, vector<16xf32>,
    %reduce_sum3A_1485 = arith.constant true
    %reduce_sum3A_1486 = vector.broadcast %reduce_sum3A_1485 : i1 to vector<16xi1>
    %reduce_sum3A_1487 = tpu.scan <sum>, %get3A_1467 masked %reduce_sum3A_1486 : vector<16xf32>, vector<16xi1> -> vector<16xf32>
    %reduce_sum3A_1488 = vector.extract %reduce_sum3A_1487[15] : f32 from vector<16xf32>
    %add3A_1489 = vector.broadcast %reduce_sum3A_1488 : f32 to vector<16xf32>
    %add3A_1490 = arith.addf %add3A_1465, %add3A_1489 : vector<16xf32>
    %get3A_1491 = arith.constant 192 : index
    %get3A_1492 = tpu.vector_load %arg10[%get3A_1491] {strides = array<i32>} : memref<256xf32, #tpu.memory_space<vmem>>, vector<16xf32>,
    %broadcast_in_dim3A_1493 = arith.constant true
    %broadcast_in_dim3A_1494 = vector.broadcast %broadcast_in_dim3A_1493 : i1 to vector<16xi1>
    %masked_cumsum3A_1495 = tpu.scan <sum>, %get3A_1492 masked %broadcast_in_dim3A_1494 : vector<16xf32>, vector<16xi1> -> vector<16xf32>
    %sub3A_1496 = arith.subf %masked_cumsum3A_1495, %get3A_1492 : vector<16xf32>
    %add3A_1497 = arith.addf %sub3A_1496, %add3A_1490 : vector<16xf32>
    %add3A_1498 = arith.addf %add3A_1497, %convert_element_type3A_1193 : vector<16xf32>
    %div3A_1499 = arith.divf %add3A_1498, %max3A_1188 : vector<16xf32>
    %convert_element_type3A_1500 = arith.fptosi %div3A_1499 : vector<16xf32> to vector<16xi32>
    %jit3A_1501 = arith.constant 0 : i32
    %jit3A_1502 = arith.constant 255 : i32
    %max3A_1503 = vector.broadcast %jit3A_1501 : i32 to vector<16xi32>
    %max3A_1504 = arith.maxsi %max3A_1503, %convert_element_type3A_1500 : vector<16xi32>
    %min3A_1505 = vector.broadcast %jit3A_1502 : i32 to vector<16xi32>
    %min3A_1506 = arith.minsi %min3A_1505, %max3A_1504 : vector<16xi32>
    %convert_element_type3A_1507 = arith.sitofp %min3A_1506 : vector<16xi32> to vector<16xf32>
    %swap3A_1508 = arith.constant 192 : index
    %swap3A_1509 = tpu.vector_load %arg12[%swap3A_1508] {strides = array<i32>} : memref<256xf32, #tpu.memory_space<vmem>>, vector<16xf32>,
    tpu.vector_store %arg12[%swap3A_1508], %convert_element_type3A_1507 {strides = array<i32>} : memref<256xf32, #tpu.memory_space<vmem>>, vector<16xf32>,
    %reduce_sum3A_1510 = arith.constant true
    %reduce_sum3A_1511 = vector.broadcast %reduce_sum3A_1510 : i1 to vector<16xi1>
    %reduce_sum3A_1512 = tpu.scan <sum>, %get3A_1492 masked %reduce_sum3A_1511 : vector<16xf32>, vector<16xi1> -> vector<16xf32>
    %reduce_sum3A_1513 = vector.extract %reduce_sum3A_1512[15] : f32 from vector<16xf32>
    %add3A_1514 = vector.broadcast %reduce_sum3A_1513 : f32 to vector<16xf32>
    %add3A_1515 = arith.addf %add3A_1490, %add3A_1514 : vector<16xf32>
    %get3A_1516 = arith.constant 208 : index
    %get3A_1517 = tpu.vector_load %arg10[%get3A_1516] {strides = array<i32>} : memref<256xf32, #tpu.memory_space<vmem>>, vector<16xf32>,
    %broadcast_in_dim3A_1518 = arith.constant true
    %broadcast_in_dim3A_1519 = vector.broadcast %broadcast_in_dim3A_1518 : i1 to vector<16xi1>
    %masked_cumsum3A_1520 = tpu.scan <sum>, %get3A_1517 masked %broadcast_in_dim3A_1519 : vector<16xf32>, vector<16xi1> -> vector<16xf32>
    %sub3A_1521 = arith.subf %masked_cumsum3A_1520, %get3A_1517 : vector<16xf32>
    %add3A_1522 = arith.addf %sub3A_1521, %add3A_1515 : vector<16xf32>
    %add3A_1523 = arith.addf %add3A_1522, %convert_element_type3A_1193 : vector<16xf32>
    %div3A_1524 = arith.divf %add3A_1523, %max3A_1188 : vector<16xf32>
    %convert_element_type3A_1525 = arith.fptosi %div3A_1524 : vector<16xf32> to vector<16xi32>
    %jit3A_1526 = arith.constant 0 : i32
    %jit3A_1527 = arith.constant 255 : i32
    %max3A_1528 = vector.broadcast %jit3A_1526 : i32 to vector<16xi32>
    %max3A_1529 = arith.maxsi %max3A_1528, %convert_element_type3A_1525 : vector<16xi32>
    %min3A_1530 = vector.broadcast %jit3A_1527 : i32 to vector<16xi32>
    %min3A_1531 = arith.minsi %min3A_1530, %max3A_1529 : vector<16xi32>
    %convert_element_type3A_1532 = arith.sitofp %min3A_1531 : vector<16xi32> to vector<16xf32>
    %swap3A_1533 = arith.constant 208 : index
    %swap3A_1534 = tpu.vector_load %arg12[%swap3A_1533] {strides = array<i32>} : memref<256xf32, #tpu.memory_space<vmem>>, vector<16xf32>,
    tpu.vector_store %arg12[%swap3A_1533], %convert_element_type3A_1532 {strides = array<i32>} : memref<256xf32, #tpu.memory_space<vmem>>, vector<16xf32>,
    %reduce_sum3A_1535 = arith.constant true
    %reduce_sum3A_1536 = vector.broadcast %reduce_sum3A_1535 : i1 to vector<16xi1>
    %reduce_sum3A_1537 = tpu.scan <sum>, %get3A_1517 masked %reduce_sum3A_1536 : vector<16xf32>, vector<16xi1> -> vector<16xf32>
    %reduce_sum3A_1538 = vector.extract %reduce_sum3A_1537[15] : f32 from vector<16xf32>
    %add3A_1539 = vector.broadcast %reduce_sum3A_1538 : f32 to vector<16xf32>
    %add3A_1540 = arith.addf %add3A_1515, %add3A_1539 : vector<16xf32>
    %get3A_1541 = arith.constant 224 : index
    %get3A_1542 = tpu.vector_load %arg10[%get3A_1541] {strides = array<i32>} : memref<256xf32, #tpu.memory_space<vmem>>, vector<16xf32>,
    %broadcast_in_dim3A_1543 = arith.constant true
    %broadcast_in_dim3A_1544 = vector.broadcast %broadcast_in_dim3A_1543 : i1 to vector<16xi1>
    %masked_cumsum3A_1545 = tpu.scan <sum>, %get3A_1542 masked %broadcast_in_dim3A_1544 : vector<16xf32>, vector<16xi1> -> vector<16xf32>
    %sub3A_1546 = arith.subf %masked_cumsum3A_1545, %get3A_1542 : vector<16xf32>
    %add3A_1547 = arith.addf %sub3A_1546, %add3A_1540 : vector<16xf32>
    %add3A_1548 = arith.addf %add3A_1547, %convert_element_type3A_1193 : vector<16xf32>
    %div3A_1549 = arith.divf %add3A_1548, %max3A_1188 : vector<16xf32>
    %convert_element_type3A_1550 = arith.fptosi %div3A_1549 : vector<16xf32> to vector<16xi32>
    %jit3A_1551 = arith.constant 0 : i32
    %jit3A_1552 = arith.constant 255 : i32
    %max3A_1553 = vector.broadcast %jit3A_1551 : i32 to vector<16xi32>
    %max3A_1554 = arith.maxsi %max3A_1553, %convert_element_type3A_1550 : vector<16xi32>
    %min3A_1555 = vector.broadcast %jit3A_1552 : i32 to vector<16xi32>
    %min3A_1556 = arith.minsi %min3A_1555, %max3A_1554 : vector<16xi32>
    %convert_element_type3A_1557 = arith.sitofp %min3A_1556 : vector<16xi32> to vector<16xf32>
    %swap3A_1558 = arith.constant 224 : index
    %swap3A_1559 = tpu.vector_load %arg12[%swap3A_1558] {strides = array<i32>} : memref<256xf32, #tpu.memory_space<vmem>>, vector<16xf32>,
    tpu.vector_store %arg12[%swap3A_1558], %convert_element_type3A_1557 {strides = array<i32>} : memref<256xf32, #tpu.memory_space<vmem>>, vector<16xf32>,
    %reduce_sum3A_1560 = arith.constant true
    %reduce_sum3A_1561 = vector.broadcast %reduce_sum3A_1560 : i1 to vector<16xi1>
    %reduce_sum3A_1562 = tpu.scan <sum>, %get3A_1542 masked %reduce_sum3A_1561 : vector<16xf32>, vector<16xi1> -> vector<16xf32>
    %reduce_sum3A_1563 = vector.extract %reduce_sum3A_1562[15] : f32 from vector<16xf32>
    %add3A_1564 = vector.broadcast %reduce_sum3A_1563 : f32 to vector<16xf32>
    %add3A_1565 = arith.addf %add3A_1540, %add3A_1564 : vector<16xf32>
    %get3A_1566 = arith.constant 240 : index
    %get3A_1567 = tpu.vector_load %arg10[%get3A_1566] {strides = array<i32>} : memref<256xf32, #tpu.memory_space<vmem>>, vector<16xf32>,
    %broadcast_in_dim3A_1568 = arith.constant true
    %broadcast_in_dim3A_1569 = vector.broadcast %broadcast_in_dim3A_1568 : i1 to vector<16xi1>
    %masked_cumsum3A_1570 = tpu.scan <sum>, %get3A_1567 masked %broadcast_in_dim3A_1569 : vector<16xf32>, vector<16xi1> -> vector<16xf32>
    %sub3A_1571 = arith.subf %masked_cumsum3A_1570, %get3A_1567 : vector<16xf32>
    %add3A_1572 = arith.addf %sub3A_1571, %add3A_1565 : vector<16xf32>
    %add3A_1573 = arith.addf %add3A_1572, %convert_element_type3A_1193 : vector<16xf32>
    %div3A_1574 = arith.divf %add3A_1573, %max3A_1188 : vector<16xf32>
    %convert_element_type3A_1575 = arith.fptosi %div3A_1574 : vector<16xf32> to vector<16xi32>
    %jit3A_1576 = arith.constant 0 : i32
    %jit3A_1577 = arith.constant 255 : i32
    %max3A_1578 = vector.broadcast %jit3A_1576 : i32 to vector<16xi32>
    %max3A_1579 = arith.maxsi %max3A_1578, %convert_element_type3A_1575 : vector<16xi32>
    %min3A_1580 = vector.broadcast %jit3A_1577 : i32 to vector<16xi32>
    %min3A_1581 = arith.minsi %min3A_1580, %max3A_1579 : vector<16xi32>
    %convert_element_type3A_1582 = arith.sitofp %min3A_1581 : vector<16xi32> to vector<16xf32>
    %swap3A_1583 = arith.constant 240 : index
    %swap3A_1584 = tpu.vector_load %arg12[%swap3A_1583] {strides = array<i32>} : memref<256xf32, #tpu.memory_space<vmem>>, vector<16xf32>,
    tpu.vector_store %arg12[%swap3A_1583], %convert_element_type3A_1582 {strides = array<i32>} : memref<256xf32, #tpu.memory_space<vmem>>, vector<16xf32>,
    %reduce_sum3A_1585 = arith.constant true
    %reduce_sum3A_1586 = vector.broadcast %reduce_sum3A_1585 : i1 to vector<16xi1>
    %reduce_sum3A_1587 = tpu.scan <sum>, %get3A_1567 masked %reduce_sum3A_1586 : vector<16xf32>, vector<16xi1> -> vector<16xf32>
    %reduce_sum3A_1588 = vector.extract %reduce_sum3A_1587[15] : f32 from vector<16xf32>
    %add3A_1589 = vector.broadcast %reduce_sum3A_1588 : f32 to vector<16xf32>
    %add3A_1590 = arith.addf %add3A_1565, %add3A_1589 : vector<16xf32>
    %parallel_loop3A_1591 = arith.constant 0 : i32
    %parallel_loop3A_1592 = arith.constant 64 : i32
    %parallel_loop3A_1593 = arith.constant 1 : i32
    scf.for %parallel_loop3A_1718 = %parallel_loop3A_1591 to %parallel_loop3A_1592 step %parallel_loop3A_1593  : i32 {
      %parallel_loop3A_1719 = arith.constant 16 : i32
      %parallel_loop3A_1720 = arith.muli %parallel_loop3A_1718, %parallel_loop3A_1719 : i32
      %parallel_loop3A_1721 = arith.index_cast %parallel_loop3A_1720 : i32 to index
      %parallel_loop3A_1722 = tpu.vector_load %arg13[%parallel_loop3A_1721] {strides = array<i32>} : memref<1024xf32, #tpu.memory_space<vmem>>, vector<16xf32>,
      tpu.vector_store %arg13[%parallel_loop3A_1721], %convert_element_type3A_1186 {strides = array<i32>} : memref<1024xf32, #tpu.memory_space<vmem>>, vector<16xf32>,
    } {sc.loop_unroll_factor = 8 : i64, sc.parallel_access}
    %eq3A_1594 = arith.constant 0 : i32
    %eq3A_1595 = arith.cmpi eq, %select_n3A_30, %eq3A_1594 : i32
    %convert_element_type3A_1596 = arith.extui %eq3A_1595 : i1 to i32
    %cond3A = arith.constant 0 : i32
    %cond3A_1597 = arith.cmpi ne, %convert_element_type3A_1596, %cond3A : i32
    scf.if %cond3A_1597 {
      %mul3A_1718 = arith.constant 1024 : i32
      %mul3A_1719 = arith.muli %add3A, %mul3A_1718 : i32
      "tpu.region"() ({
        %run_scoped3A = tpu.sem_alloc : memref<!tpu.dma_semaphore, #tpu.memory_space<semaphore_mem>>
        %dma_start3A_1720 = tpu.memref_slice %arg4[%mul3A_1719] : memref<16384xf32, #tpu.memory_space<hbm>> -> memref<1024xf32, #tpu.memory_space<hbm>>
        %dma_start3A_1721 = tpu.memref_slice %arg4[%mul3A_1719] : memref<16384xf32, #tpu.memory_space<hbm>> -> memref<1024xf32, #tpu.memory_space<hbm>>
        tpu.enqueue_dma source(%arg13 : memref<1024xf32, #tpu.memory_space<vmem>>) target(%dma_start3A_1721 : memref<1024xf32, #tpu.memory_space<hbm>>) target_semaphore(%run_scoped3A : memref<!tpu.dma_semaphore, #tpu.memory_space<semaphore_mem>>)
        %dma_wait3A_1722 = tpu.memref_slice %arg4[%mul3A_1719] : memref<16384xf32, #tpu.memory_space<hbm>> -> memref<1024xf32, #tpu.memory_space<hbm>>
        %dma_wait3A_1723 = tpu.memref_slice %arg4[%mul3A_1719] : memref<16384xf32, #tpu.memory_space<hbm>> -> memref<1024xf32, #tpu.memory_space<hbm>>
        tpu.wait_dma2 semaphore(%run_scoped3A : memref<!tpu.dma_semaphore, #tpu.memory_space<semaphore_mem>>) src(%arg13 : memref<1024xf32, #tpu.memory_space<vmem>>) dst(%dma_wait3A_1723 : memref<1024xf32, #tpu.memory_space<hbm>>)
        tpu.yield
      }) : () -> ()
    } else {
    }
    %add3A_1598 = arith.constant 0 : i32
    %add3A_1599 = arith.addi %add3A_35, %add3A_1598 : i32
    %dma_start3A_1600 = tpu.memref_slice %arg2[%add3A_1599] : memref<4194304xi32, #tpu.memory_space<hbm>> -> memref<16384xi32, #tpu.memory_space<hbm>>
    %dma_start3A_1601 = tpu.memref_slice %arg2[%add3A_1599] : memref<4194304xi32, #tpu.memory_space<hbm>> -> memref<16384xi32, #tpu.memory_space<hbm>>
    tpu.enqueue_dma source(%dma_start3A_1601 : memref<16384xi32, #tpu.memory_space<hbm>>) target(%arg5 : memref<16384xi32, #tpu.memory_space<vmem>>) target_semaphore(%arg15 : memref<!tpu.dma_semaphore, #tpu.memory_space<semaphore_mem>>)
    %add3A_1602 = arith.constant 16384 : i32
    %add3A_1603 = arith.addi %add3A_35, %add3A_1602 : i32
    %dma_start3A_1604 = tpu.memref_slice %arg2[%add3A_1603] : memref<4194304xi32, #tpu.memory_space<hbm>> -> memref<16384xi32, #tpu.memory_space<hbm>>
    %dma_start3A_1605 = tpu.memref_slice %arg2[%add3A_1603] : memref<4194304xi32, #tpu.memory_space<hbm>> -> memref<16384xi32, #tpu.memory_space<hbm>>
    tpu.enqueue_dma source(%dma_start3A_1605 : memref<16384xi32, #tpu.memory_space<hbm>>) target(%arg6 : memref<16384xi32, #tpu.memory_space<vmem>>) target_semaphore(%arg16 : memref<!tpu.dma_semaphore, #tpu.memory_space<semaphore_mem>>)
    %dma_wait3A_1606 = tpu.memref_slice %arg2[%add3A_1599] : memref<4194304xi32, #tpu.memory_space<hbm>> -> memref<16384xi32, #tpu.memory_space<hbm>>
    %dma_wait3A_1607 = tpu.memref_slice %arg2[%add3A_1599] : memref<4194304xi32, #tpu.memory_space<hbm>> -> memref<16384xi32, #tpu.memory_space<hbm>>
    tpu.wait_dma2 semaphore(%arg15 : memref<!tpu.dma_semaphore, #tpu.memory_space<semaphore_mem>>) src(%dma_wait3A_1607 : memref<16384xi32, #tpu.memory_space<hbm>>) dst(%arg5 : memref<16384xi32, #tpu.memory_space<vmem>>)
    %parallel_loop3A_1608 = arith.constant 0 : i32
    %parallel_loop3A_1609 = arith.constant 1024 : i32
    %parallel_loop3A_1610 = arith.constant 1 : i32
    scf.for %parallel_loop3A_1718 = %parallel_loop3A_1608 to %parallel_loop3A_1609 step %parallel_loop3A_1610  : i32 {
      %parallel_loop3A_1719 = arith.constant 16 : i32
      %parallel_loop3A_1720 = arith.muli %parallel_loop3A_1718, %parallel_loop3A_1719 : i32
      %parallel_loop3A_1721 = arith.index_cast %parallel_loop3A_1720 : i32 to index
      %parallel_loop3A_1722 = tpu.vector_load %arg5[%parallel_loop3A_1721] {strides = array<i32>} : memref<16384xi32, #tpu.memory_space<vmem>>, vector<16xi32>,
      %parallel_loop3A_1723 = arith.constant 255 : i32
      %parallel_loop3A_1724 = vector.broadcast %parallel_loop3A_1723 : i32 to vector<16xi32>
      %parallel_loop3A_1725 = arith.andi %parallel_loop3A_1722, %parallel_loop3A_1724 : vector<16xi32>
      %parallel_loop3A_1726 = tpu.vector_load_idx %arg12[%parallel_loop3A_1725] : memref<256xf32, #tpu.memory_space<vmem>>[vector<16xi32>], vector<16xf32>,
      %parallel_loop3A_1727 = arith.index_cast %parallel_loop3A_1720 : i32 to index
      %parallel_loop3A_1728 = tpu.vector_load %arg7[%parallel_loop3A_1727] {strides = array<i32>} : memref<16384xf32, #tpu.memory_space<vmem>>, vector<16xf32>,
      tpu.vector_store %arg7[%parallel_loop3A_1727], %parallel_loop3A_1726 {strides = array<i32>} : memref<16384xf32, #tpu.memory_space<vmem>>, vector<16xf32>,
    } {sc.loop_unroll_factor = 4 : i64, sc.parallel_access}
    %add3A_1611 = arith.constant 0 : i32
    %add3A_1612 = arith.addi %add3A_35, %add3A_1611 : i32
    %dma_start3A_1613 = tpu.memref_slice %arg3[%add3A_1612] : memref<4194304xf32, #tpu.memory_space<hbm>> -> memref<16384xf32, #tpu.memory_space<hbm>>
    %dma_start3A_1614 = tpu.memref_slice %arg3[%add3A_1612] : memref<4194304xf32, #tpu.memory_space<hbm>> -> memref<16384xf32, #tpu.memory_space<hbm>>
    tpu.enqueue_dma source(%arg7 : memref<16384xf32, #tpu.memory_space<vmem>>) target(%dma_start3A_1614 : memref<16384xf32, #tpu.memory_space<hbm>>) target_semaphore(%arg17 : memref<!tpu.dma_semaphore, #tpu.memory_space<semaphore_mem>>)
    %add3A_1615 = arith.constant 32768 : i32
    %add3A_1616 = arith.addi %add3A_35, %add3A_1615 : i32
    %dma_start3A_1617 = tpu.memref_slice %arg2[%add3A_1616] : memref<4194304xi32, #tpu.memory_space<hbm>> -> memref<16384xi32, #tpu.memory_space<hbm>>
    %dma_start3A_1618 = tpu.memref_slice %arg2[%add3A_1616] : memref<4194304xi32, #tpu.memory_space<hbm>> -> memref<16384xi32, #tpu.memory_space<hbm>>
    tpu.enqueue_dma source(%dma_start3A_1618 : memref<16384xi32, #tpu.memory_space<hbm>>) target(%arg5 : memref<16384xi32, #tpu.memory_space<vmem>>) target_semaphore(%arg15 : memref<!tpu.dma_semaphore, #tpu.memory_space<semaphore_mem>>)
    %dma_wait3A_1619 = tpu.memref_slice %arg2[%add3A_1603] : memref<4194304xi32, #tpu.memory_space<hbm>> -> memref<16384xi32, #tpu.memory_space<hbm>>
    %dma_wait3A_1620 = tpu.memref_slice %arg2[%add3A_1603] : memref<4194304xi32, #tpu.memory_space<hbm>> -> memref<16384xi32, #tpu.memory_space<hbm>>
    tpu.wait_dma2 semaphore(%arg16 : memref<!tpu.dma_semaphore, #tpu.memory_space<semaphore_mem>>) src(%dma_wait3A_1620 : memref<16384xi32, #tpu.memory_space<hbm>>) dst(%arg6 : memref<16384xi32, #tpu.memory_space<vmem>>)
    %parallel_loop3A_1621 = arith.constant 0 : i32
    %parallel_loop3A_1622 = arith.constant 1024 : i32
    %parallel_loop3A_1623 = arith.constant 1 : i32
    scf.for %parallel_loop3A_1718 = %parallel_loop3A_1621 to %parallel_loop3A_1622 step %parallel_loop3A_1623  : i32 {
      %parallel_loop3A_1719 = arith.constant 16 : i32
      %parallel_loop3A_1720 = arith.muli %parallel_loop3A_1718, %parallel_loop3A_1719 : i32
      %parallel_loop3A_1721 = arith.index_cast %parallel_loop3A_1720 : i32 to index
      %parallel_loop3A_1722 = tpu.vector_load %arg6[%parallel_loop3A_1721] {strides = array<i32>} : memref<16384xi32, #tpu.memory_space<vmem>>, vector<16xi32>,
      %parallel_loop3A_1723 = arith.constant 255 : i32
      %parallel_loop3A_1724 = vector.broadcast %parallel_loop3A_1723 : i32 to vector<16xi32>
      %parallel_loop3A_1725 = arith.andi %parallel_loop3A_1722, %parallel_loop3A_1724 : vector<16xi32>
      %parallel_loop3A_1726 = tpu.vector_load_idx %arg12[%parallel_loop3A_1725] : memref<256xf32, #tpu.memory_space<vmem>>[vector<16xi32>], vector<16xf32>,
      %parallel_loop3A_1727 = arith.index_cast %parallel_loop3A_1720 : i32 to index
      %parallel_loop3A_1728 = tpu.vector_load %arg8[%parallel_loop3A_1727] {strides = array<i32>} : memref<16384xf32, #tpu.memory_space<vmem>>, vector<16xf32>,
      tpu.vector_store %arg8[%parallel_loop3A_1727], %parallel_loop3A_1726 {strides = array<i32>} : memref<16384xf32, #tpu.memory_space<vmem>>, vector<16xf32>,
    } {sc.loop_unroll_factor = 4 : i64, sc.parallel_access}
    %add3A_1624 = arith.constant 16384 : i32
    %add3A_1625 = arith.addi %add3A_35, %add3A_1624 : i32
    %dma_start3A_1626 = tpu.memref_slice %arg3[%add3A_1625] : memref<4194304xf32, #tpu.memory_space<hbm>> -> memref<16384xf32, #tpu.memory_space<hbm>>
    %dma_start3A_1627 = tpu.memref_slice %arg3[%add3A_1625] : memref<4194304xf32, #tpu.memory_space<hbm>> -> memref<16384xf32, #tpu.memory_space<hbm>>
    tpu.enqueue_dma source(%arg8 : memref<16384xf32, #tpu.memory_space<vmem>>) target(%dma_start3A_1627 : memref<16384xf32, #tpu.memory_space<hbm>>) target_semaphore(%arg18 : memref<!tpu.dma_semaphore, #tpu.memory_space<semaphore_mem>>)
    %add3A_1628 = arith.constant 49152 : i32
    %add3A_1629 = arith.addi %add3A_35, %add3A_1628 : i32
    %dma_start3A_1630 = tpu.memref_slice %arg2[%add3A_1629] : memref<4194304xi32, #tpu.memory_space<hbm>> -> memref<16384xi32, #tpu.memory_space<hbm>>
    %dma_start3A_1631 = tpu.memref_slice %arg2[%add3A_1629] : memref<4194304xi32, #tpu.memory_space<hbm>> -> memref<16384xi32, #tpu.memory_space<hbm>>
    tpu.enqueue_dma source(%dma_start3A_1631 : memref<16384xi32, #tpu.memory_space<hbm>>) target(%arg6 : memref<16384xi32, #tpu.memory_space<vmem>>) target_semaphore(%arg16 : memref<!tpu.dma_semaphore, #tpu.memory_space<semaphore_mem>>)
    %dma_wait3A_1632 = tpu.memref_slice %arg2[%add3A_1616] : memref<4194304xi32, #tpu.memory_space<hbm>> -> memref<16384xi32, #tpu.memory_space<hbm>>
    %dma_wait3A_1633 = tpu.memref_slice %arg2[%add3A_1616] : memref<4194304xi32, #tpu.memory_space<hbm>> -> memref<16384xi32, #tpu.memory_space<hbm>>
    tpu.wait_dma2 semaphore(%arg15 : memref<!tpu.dma_semaphore, #tpu.memory_space<semaphore_mem>>) src(%dma_wait3A_1633 : memref<16384xi32, #tpu.memory_space<hbm>>) dst(%arg5 : memref<16384xi32, #tpu.memory_space<vmem>>)
    %dma_wait3A_1634 = tpu.memref_slice %arg3[%add3A_1612] : memref<4194304xf32, #tpu.memory_space<hbm>> -> memref<16384xf32, #tpu.memory_space<hbm>>
    %dma_wait3A_1635 = tpu.memref_slice %arg3[%add3A_1612] : memref<4194304xf32, #tpu.memory_space<hbm>> -> memref<16384xf32, #tpu.memory_space<hbm>>
    tpu.wait_dma2 semaphore(%arg17 : memref<!tpu.dma_semaphore, #tpu.memory_space<semaphore_mem>>) src(%arg7 : memref<16384xf32, #tpu.memory_space<vmem>>) dst(%dma_wait3A_1635 : memref<16384xf32, #tpu.memory_space<hbm>>)
    %parallel_loop3A_1636 = arith.constant 0 : i32
    %parallel_loop3A_1637 = arith.constant 1024 : i32
    %parallel_loop3A_1638 = arith.constant 1 : i32
    scf.for %parallel_loop3A_1718 = %parallel_loop3A_1636 to %parallel_loop3A_1637 step %parallel_loop3A_1638  : i32 {
      %parallel_loop3A_1719 = arith.constant 16 : i32
      %parallel_loop3A_1720 = arith.muli %parallel_loop3A_1718, %parallel_loop3A_1719 : i32
      %parallel_loop3A_1721 = arith.index_cast %parallel_loop3A_1720 : i32 to index
      %parallel_loop3A_1722 = tpu.vector_load %arg5[%parallel_loop3A_1721] {strides = array<i32>} : memref<16384xi32, #tpu.memory_space<vmem>>, vector<16xi32>,
      %parallel_loop3A_1723 = arith.constant 255 : i32
      %parallel_loop3A_1724 = vector.broadcast %parallel_loop3A_1723 : i32 to vector<16xi32>
      %parallel_loop3A_1725 = arith.andi %parallel_loop3A_1722, %parallel_loop3A_1724 : vector<16xi32>
      %parallel_loop3A_1726 = tpu.vector_load_idx %arg12[%parallel_loop3A_1725] : memref<256xf32, #tpu.memory_space<vmem>>[vector<16xi32>], vector<16xf32>,
      %parallel_loop3A_1727 = arith.index_cast %parallel_loop3A_1720 : i32 to index
      %parallel_loop3A_1728 = tpu.vector_load %arg7[%parallel_loop3A_1727] {strides = array<i32>} : memref<16384xf32, #tpu.memory_space<vmem>>, vector<16xf32>,
      tpu.vector_store %arg7[%parallel_loop3A_1727], %parallel_loop3A_1726 {strides = array<i32>} : memref<16384xf32, #tpu.memory_space<vmem>>, vector<16xf32>,
    } {sc.loop_unroll_factor = 4 : i64, sc.parallel_access}
    %add3A_1639 = arith.constant 32768 : i32
    %add3A_1640 = arith.addi %add3A_35, %add3A_1639 : i32
    %dma_start3A_1641 = tpu.memref_slice %arg3[%add3A_1640] : memref<4194304xf32, #tpu.memory_space<hbm>> -> memref<16384xf32, #tpu.memory_space<hbm>>
    %dma_start3A_1642 = tpu.memref_slice %arg3[%add3A_1640] : memref<4194304xf32, #tpu.memory_space<hbm>> -> memref<16384xf32, #tpu.memory_space<hbm>>
    tpu.enqueue_dma source(%arg7 : memref<16384xf32, #tpu.memory_space<vmem>>) target(%dma_start3A_1642 : memref<16384xf32, #tpu.memory_space<hbm>>) target_semaphore(%arg17 : memref<!tpu.dma_semaphore, #tpu.memory_space<semaphore_mem>>)
    %add3A_1643 = arith.constant 65536 : i32
    %add3A_1644 = arith.addi %add3A_35, %add3A_1643 : i32
    %dma_start3A_1645 = tpu.memref_slice %arg2[%add3A_1644] : memref<4194304xi32, #tpu.memory_space<hbm>> -> memref<16384xi32, #tpu.memory_space<hbm>>
    %dma_start3A_1646 = tpu.memref_slice %arg2[%add3A_1644] : memref<4194304xi32, #tpu.memory_space<hbm>> -> memref<16384xi32, #tpu.memory_space<hbm>>
    tpu.enqueue_dma source(%dma_start3A_1646 : memref<16384xi32, #tpu.memory_space<hbm>>) target(%arg5 : memref<16384xi32, #tpu.memory_space<vmem>>) target_semaphore(%arg15 : memref<!tpu.dma_semaphore, #tpu.memory_space<semaphore_mem>>)
    %dma_wait3A_1647 = tpu.memref_slice %arg2[%add3A_1629] : memref<4194304xi32, #tpu.memory_space<hbm>> -> memref<16384xi32, #tpu.memory_space<hbm>>
    %dma_wait3A_1648 = tpu.memref_slice %arg2[%add3A_1629] : memref<4194304xi32, #tpu.memory_space<hbm>> -> memref<16384xi32, #tpu.memory_space<hbm>>
    tpu.wait_dma2 semaphore(%arg16 : memref<!tpu.dma_semaphore, #tpu.memory_space<semaphore_mem>>) src(%dma_wait3A_1648 : memref<16384xi32, #tpu.memory_space<hbm>>) dst(%arg6 : memref<16384xi32, #tpu.memory_space<vmem>>)
    %dma_wait3A_1649 = tpu.memref_slice %arg3[%add3A_1625] : memref<4194304xf32, #tpu.memory_space<hbm>> -> memref<16384xf32, #tpu.memory_space<hbm>>
    %dma_wait3A_1650 = tpu.memref_slice %arg3[%add3A_1625] : memref<4194304xf32, #tpu.memory_space<hbm>> -> memref<16384xf32, #tpu.memory_space<hbm>>
    tpu.wait_dma2 semaphore(%arg18 : memref<!tpu.dma_semaphore, #tpu.memory_space<semaphore_mem>>) src(%arg8 : memref<16384xf32, #tpu.memory_space<vmem>>) dst(%dma_wait3A_1650 : memref<16384xf32, #tpu.memory_space<hbm>>)
    %parallel_loop3A_1651 = arith.constant 0 : i32
    %parallel_loop3A_1652 = arith.constant 1024 : i32
    %parallel_loop3A_1653 = arith.constant 1 : i32
    scf.for %parallel_loop3A_1718 = %parallel_loop3A_1651 to %parallel_loop3A_1652 step %parallel_loop3A_1653  : i32 {
      %parallel_loop3A_1719 = arith.constant 16 : i32
      %parallel_loop3A_1720 = arith.muli %parallel_loop3A_1718, %parallel_loop3A_1719 : i32
      %parallel_loop3A_1721 = arith.index_cast %parallel_loop3A_1720 : i32 to index
      %parallel_loop3A_1722 = tpu.vector_load %arg6[%parallel_loop3A_1721] {strides = array<i32>} : memref<16384xi32, #tpu.memory_space<vmem>>, vector<16xi32>,
      %parallel_loop3A_1723 = arith.constant 255 : i32
      %parallel_loop3A_1724 = vector.broadcast %parallel_loop3A_1723 : i32 to vector<16xi32>
      %parallel_loop3A_1725 = arith.andi %parallel_loop3A_1722, %parallel_loop3A_1724 : vector<16xi32>
      %parallel_loop3A_1726 = tpu.vector_load_idx %arg12[%parallel_loop3A_1725] : memref<256xf32, #tpu.memory_space<vmem>>[vector<16xi32>], vector<16xf32>,
      %parallel_loop3A_1727 = arith.index_cast %parallel_loop3A_1720 : i32 to index
      %parallel_loop3A_1728 = tpu.vector_load %arg8[%parallel_loop3A_1727] {strides = array<i32>} : memref<16384xf32, #tpu.memory_space<vmem>>, vector<16xf32>,
      tpu.vector_store %arg8[%parallel_loop3A_1727], %parallel_loop3A_1726 {strides = array<i32>} : memref<16384xf32, #tpu.memory_space<vmem>>, vector<16xf32>,
    } {sc.loop_unroll_factor = 4 : i64, sc.parallel_access}
    %add3A_1654 = arith.constant 49152 : i32
    %add3A_1655 = arith.addi %add3A_35, %add3A_1654 : i32
    %dma_start3A_1656 = tpu.memref_slice %arg3[%add3A_1655] : memref<4194304xf32, #tpu.memory_space<hbm>> -> memref<16384xf32, #tpu.memory_space<hbm>>
    %dma_start3A_1657 = tpu.memref_slice %arg3[%add3A_1655] : memref<4194304xf32, #tpu.memory_space<hbm>> -> memref<16384xf32, #tpu.memory_space<hbm>>
    tpu.enqueue_dma source(%arg8 : memref<16384xf32, #tpu.memory_space<vmem>>) target(%dma_start3A_1657 : memref<16384xf32, #tpu.memory_space<hbm>>) target_semaphore(%arg18 : memref<!tpu.dma_semaphore, #tpu.memory_space<semaphore_mem>>)
    %add3A_1658 = arith.constant 81920 : i32
    %add3A_1659 = arith.addi %add3A_35, %add3A_1658 : i32
    %dma_start3A_1660 = tpu.memref_slice %arg2[%add3A_1659] : memref<4194304xi32, #tpu.memory_space<hbm>> -> memref<16384xi32, #tpu.memory_space<hbm>>
    %dma_start3A_1661 = tpu.memref_slice %arg2[%add3A_1659] : memref<4194304xi32, #tpu.memory_space<hbm>> -> memref<16384xi32, #tpu.memory_space<hbm>>
    tpu.enqueue_dma source(%dma_start3A_1661 : memref<16384xi32, #tpu.memory_space<hbm>>) target(%arg6 : memref<16384xi32, #tpu.memory_space<vmem>>) target_semaphore(%arg16 : memref<!tpu.dma_semaphore, #tpu.memory_space<semaphore_mem>>)
    %dma_wait3A_1662 = tpu.memref_slice %arg2[%add3A_1644] : memref<4194304xi32, #tpu.memory_space<hbm>> -> memref<16384xi32, #tpu.memory_space<hbm>>
    %dma_wait3A_1663 = tpu.memref_slice %arg2[%add3A_1644] : memref<4194304xi32, #tpu.memory_space<hbm>> -> memref<16384xi32, #tpu.memory_space<hbm>>
    tpu.wait_dma2 semaphore(%arg15 : memref<!tpu.dma_semaphore, #tpu.memory_space<semaphore_mem>>) src(%dma_wait3A_1663 : memref<16384xi32, #tpu.memory_space<hbm>>) dst(%arg5 : memref<16384xi32, #tpu.memory_space<vmem>>)
    %dma_wait3A_1664 = tpu.memref_slice %arg3[%add3A_1640] : memref<4194304xf32, #tpu.memory_space<hbm>> -> memref<16384xf32, #tpu.memory_space<hbm>>
    %dma_wait3A_1665 = tpu.memref_slice %arg3[%add3A_1640] : memref<4194304xf32, #tpu.memory_space<hbm>> -> memref<16384xf32, #tpu.memory_space<hbm>>
    tpu.wait_dma2 semaphore(%arg17 : memref<!tpu.dma_semaphore, #tpu.memory_space<semaphore_mem>>) src(%arg7 : memref<16384xf32, #tpu.memory_space<vmem>>) dst(%dma_wait3A_1665 : memref<16384xf32, #tpu.memory_space<hbm>>)
    %parallel_loop3A_1666 = arith.constant 0 : i32
    %parallel_loop3A_1667 = arith.constant 1024 : i32
    %parallel_loop3A_1668 = arith.constant 1 : i32
    scf.for %parallel_loop3A_1718 = %parallel_loop3A_1666 to %parallel_loop3A_1667 step %parallel_loop3A_1668  : i32 {
      %parallel_loop3A_1719 = arith.constant 16 : i32
      %parallel_loop3A_1720 = arith.muli %parallel_loop3A_1718, %parallel_loop3A_1719 : i32
      %parallel_loop3A_1721 = arith.index_cast %parallel_loop3A_1720 : i32 to index
      %parallel_loop3A_1722 = tpu.vector_load %arg5[%parallel_loop3A_1721] {strides = array<i32>} : memref<16384xi32, #tpu.memory_space<vmem>>, vector<16xi32>,
      %parallel_loop3A_1723 = arith.constant 255 : i32
      %parallel_loop3A_1724 = vector.broadcast %parallel_loop3A_1723 : i32 to vector<16xi32>
      %parallel_loop3A_1725 = arith.andi %parallel_loop3A_1722, %parallel_loop3A_1724 : vector<16xi32>
      %parallel_loop3A_1726 = tpu.vector_load_idx %arg12[%parallel_loop3A_1725] : memref<256xf32, #tpu.memory_space<vmem>>[vector<16xi32>], vector<16xf32>,
      %parallel_loop3A_1727 = arith.index_cast %parallel_loop3A_1720 : i32 to index
      %parallel_loop3A_1728 = tpu.vector_load %arg7[%parallel_loop3A_1727] {strides = array<i32>} : memref<16384xf32, #tpu.memory_space<vmem>>, vector<16xf32>,
      tpu.vector_store %arg7[%parallel_loop3A_1727], %parallel_loop3A_1726 {strides = array<i32>} : memref<16384xf32, #tpu.memory_space<vmem>>, vector<16xf32>,
    } {sc.loop_unroll_factor = 4 : i64, sc.parallel_access}
    %add3A_1669 = arith.constant 65536 : i32
    %add3A_1670 = arith.addi %add3A_35, %add3A_1669 : i32
    %dma_start3A_1671 = tpu.memref_slice %arg3[%add3A_1670] : memref<4194304xf32, #tpu.memory_space<hbm>> -> memref<16384xf32, #tpu.memory_space<hbm>>
    %dma_start3A_1672 = tpu.memref_slice %arg3[%add3A_1670] : memref<4194304xf32, #tpu.memory_space<hbm>> -> memref<16384xf32, #tpu.memory_space<hbm>>
    tpu.enqueue_dma source(%arg7 : memref<16384xf32, #tpu.memory_space<vmem>>) target(%dma_start3A_1672 : memref<16384xf32, #tpu.memory_space<hbm>>) target_semaphore(%arg17 : memref<!tpu.dma_semaphore, #tpu.memory_space<semaphore_mem>>)
    %add3A_1673 = arith.constant 98304 : i32
    %add3A_1674 = arith.addi %add3A_35, %add3A_1673 : i32
    %dma_start3A_1675 = tpu.memref_slice %arg2[%add3A_1674] : memref<4194304xi32, #tpu.memory_space<hbm>> -> memref<16384xi32, #tpu.memory_space<hbm>>
    %dma_start3A_1676 = tpu.memref_slice %arg2[%add3A_1674] : memref<4194304xi32, #tpu.memory_space<hbm>> -> memref<16384xi32, #tpu.memory_space<hbm>>
    tpu.enqueue_dma source(%dma_start3A_1676 : memref<16384xi32, #tpu.memory_space<hbm>>) target(%arg5 : memref<16384xi32, #tpu.memory_space<vmem>>) target_semaphore(%arg15 : memref<!tpu.dma_semaphore, #tpu.memory_space<semaphore_mem>>)
    %dma_wait3A_1677 = tpu.memref_slice %arg2[%add3A_1659] : memref<4194304xi32, #tpu.memory_space<hbm>> -> memref<16384xi32, #tpu.memory_space<hbm>>
    %dma_wait3A_1678 = tpu.memref_slice %arg2[%add3A_1659] : memref<4194304xi32, #tpu.memory_space<hbm>> -> memref<16384xi32, #tpu.memory_space<hbm>>
    tpu.wait_dma2 semaphore(%arg16 : memref<!tpu.dma_semaphore, #tpu.memory_space<semaphore_mem>>) src(%dma_wait3A_1678 : memref<16384xi32, #tpu.memory_space<hbm>>) dst(%arg6 : memref<16384xi32, #tpu.memory_space<vmem>>)
    %dma_wait3A_1679 = tpu.memref_slice %arg3[%add3A_1655] : memref<4194304xf32, #tpu.memory_space<hbm>> -> memref<16384xf32, #tpu.memory_space<hbm>>
    %dma_wait3A_1680 = tpu.memref_slice %arg3[%add3A_1655] : memref<4194304xf32, #tpu.memory_space<hbm>> -> memref<16384xf32, #tpu.memory_space<hbm>>
    tpu.wait_dma2 semaphore(%arg18 : memref<!tpu.dma_semaphore, #tpu.memory_space<semaphore_mem>>) src(%arg8 : memref<16384xf32, #tpu.memory_space<vmem>>) dst(%dma_wait3A_1680 : memref<16384xf32, #tpu.memory_space<hbm>>)
    %parallel_loop3A_1681 = arith.constant 0 : i32
    %parallel_loop3A_1682 = arith.constant 1024 : i32
    %parallel_loop3A_1683 = arith.constant 1 : i32
    scf.for %parallel_loop3A_1718 = %parallel_loop3A_1681 to %parallel_loop3A_1682 step %parallel_loop3A_1683  : i32 {
      %parallel_loop3A_1719 = arith.constant 16 : i32
      %parallel_loop3A_1720 = arith.muli %parallel_loop3A_1718, %parallel_loop3A_1719 : i32
      %parallel_loop3A_1721 = arith.index_cast %parallel_loop3A_1720 : i32 to index
      %parallel_loop3A_1722 = tpu.vector_load %arg6[%parallel_loop3A_1721] {strides = array<i32>} : memref<16384xi32, #tpu.memory_space<vmem>>, vector<16xi32>,
      %parallel_loop3A_1723 = arith.constant 255 : i32
      %parallel_loop3A_1724 = vector.broadcast %parallel_loop3A_1723 : i32 to vector<16xi32>
      %parallel_loop3A_1725 = arith.andi %parallel_loop3A_1722, %parallel_loop3A_1724 : vector<16xi32>
      %parallel_loop3A_1726 = tpu.vector_load_idx %arg12[%parallel_loop3A_1725] : memref<256xf32, #tpu.memory_space<vmem>>[vector<16xi32>], vector<16xf32>,
      %parallel_loop3A_1727 = arith.index_cast %parallel_loop3A_1720 : i32 to index
      %parallel_loop3A_1728 = tpu.vector_load %arg8[%parallel_loop3A_1727] {strides = array<i32>} : memref<16384xf32, #tpu.memory_space<vmem>>, vector<16xf32>,
      tpu.vector_store %arg8[%parallel_loop3A_1727], %parallel_loop3A_1726 {strides = array<i32>} : memref<16384xf32, #tpu.memory_space<vmem>>, vector<16xf32>,
    } {sc.loop_unroll_factor = 4 : i64, sc.parallel_access}
    %add3A_1684 = arith.constant 81920 : i32
    %add3A_1685 = arith.addi %add3A_35, %add3A_1684 : i32
    %dma_start3A_1686 = tpu.memref_slice %arg3[%add3A_1685] : memref<4194304xf32, #tpu.memory_space<hbm>> -> memref<16384xf32, #tpu.memory_space<hbm>>
    %dma_start3A_1687 = tpu.memref_slice %arg3[%add3A_1685] : memref<4194304xf32, #tpu.memory_space<hbm>> -> memref<16384xf32, #tpu.memory_space<hbm>>
    tpu.enqueue_dma source(%arg8 : memref<16384xf32, #tpu.memory_space<vmem>>) target(%dma_start3A_1687 : memref<16384xf32, #tpu.memory_space<hbm>>) target_semaphore(%arg18 : memref<!tpu.dma_semaphore, #tpu.memory_space<semaphore_mem>>)
    %add3A_1688 = arith.constant 114688 : i32
    %add3A_1689 = arith.addi %add3A_35, %add3A_1688 : i32
    %dma_start3A_1690 = tpu.memref_slice %arg2[%add3A_1689] : memref<4194304xi32, #tpu.memory_space<hbm>> -> memref<16384xi32, #tpu.memory_space<hbm>>
    %dma_start3A_1691 = tpu.memref_slice %arg2[%add3A_1689] : memref<4194304xi32, #tpu.memory_space<hbm>> -> memref<16384xi32, #tpu.memory_space<hbm>>
    tpu.enqueue_dma source(%dma_start3A_1691 : memref<16384xi32, #tpu.memory_space<hbm>>) target(%arg6 : memref<16384xi32, #tpu.memory_space<vmem>>) target_semaphore(%arg16 : memref<!tpu.dma_semaphore, #tpu.memory_space<semaphore_mem>>)
    %dma_wait3A_1692 = tpu.memref_slice %arg2[%add3A_1674] : memref<4194304xi32, #tpu.memory_space<hbm>> -> memref<16384xi32, #tpu.memory_space<hbm>>
    %dma_wait3A_1693 = tpu.memref_slice %arg2[%add3A_1674] : memref<4194304xi32, #tpu.memory_space<hbm>> -> memref<16384xi32, #tpu.memory_space<hbm>>
    tpu.wait_dma2 semaphore(%arg15 : memref<!tpu.dma_semaphore, #tpu.memory_space<semaphore_mem>>) src(%dma_wait3A_1693 : memref<16384xi32, #tpu.memory_space<hbm>>) dst(%arg5 : memref<16384xi32, #tpu.memory_space<vmem>>)
    %dma_wait3A_1694 = tpu.memref_slice %arg3[%add3A_1670] : memref<4194304xf32, #tpu.memory_space<hbm>> -> memref<16384xf32, #tpu.memory_space<hbm>>
    %dma_wait3A_1695 = tpu.memref_slice %arg3[%add3A_1670] : memref<4194304xf32, #tpu.memory_space<hbm>> -> memref<16384xf32, #tpu.memory_space<hbm>>
    tpu.wait_dma2 semaphore(%arg17 : memref<!tpu.dma_semaphore, #tpu.memory_space<semaphore_mem>>) src(%arg7 : memref<16384xf32, #tpu.memory_space<vmem>>) dst(%dma_wait3A_1695 : memref<16384xf32, #tpu.memory_space<hbm>>)
    %parallel_loop3A_1696 = arith.constant 0 : i32
    %parallel_loop3A_1697 = arith.constant 1024 : i32
    %parallel_loop3A_1698 = arith.constant 1 : i32
    scf.for %parallel_loop3A_1718 = %parallel_loop3A_1696 to %parallel_loop3A_1697 step %parallel_loop3A_1698  : i32 {
      %parallel_loop3A_1719 = arith.constant 16 : i32
      %parallel_loop3A_1720 = arith.muli %parallel_loop3A_1718, %parallel_loop3A_1719 : i32
      %parallel_loop3A_1721 = arith.index_cast %parallel_loop3A_1720 : i32 to index
      %parallel_loop3A_1722 = tpu.vector_load %arg5[%parallel_loop3A_1721] {strides = array<i32>} : memref<16384xi32, #tpu.memory_space<vmem>>, vector<16xi32>,
      %parallel_loop3A_1723 = arith.constant 255 : i32
      %parallel_loop3A_1724 = vector.broadcast %parallel_loop3A_1723 : i32 to vector<16xi32>
      %parallel_loop3A_1725 = arith.andi %parallel_loop3A_1722, %parallel_loop3A_1724 : vector<16xi32>
      %parallel_loop3A_1726 = tpu.vector_load_idx %arg12[%parallel_loop3A_1725] : memref<256xf32, #tpu.memory_space<vmem>>[vector<16xi32>], vector<16xf32>,
      %parallel_loop3A_1727 = arith.index_cast %parallel_loop3A_1720 : i32 to index
      %parallel_loop3A_1728 = tpu.vector_load %arg7[%parallel_loop3A_1727] {strides = array<i32>} : memref<16384xf32, #tpu.memory_space<vmem>>, vector<16xf32>,
      tpu.vector_store %arg7[%parallel_loop3A_1727], %parallel_loop3A_1726 {strides = array<i32>} : memref<16384xf32, #tpu.memory_space<vmem>>, vector<16xf32>,
    } {sc.loop_unroll_factor = 4 : i64, sc.parallel_access}
    %add3A_1699 = arith.constant 98304 : i32
    %add3A_1700 = arith.addi %add3A_35, %add3A_1699 : i32
    %dma_start3A_1701 = tpu.memref_slice %arg3[%add3A_1700] : memref<4194304xf32, #tpu.memory_space<hbm>> -> memref<16384xf32, #tpu.memory_space<hbm>>
    %dma_start3A_1702 = tpu.memref_slice %arg3[%add3A_1700] : memref<4194304xf32, #tpu.memory_space<hbm>> -> memref<16384xf32, #tpu.memory_space<hbm>>
    tpu.enqueue_dma source(%arg7 : memref<16384xf32, #tpu.memory_space<vmem>>) target(%dma_start3A_1702 : memref<16384xf32, #tpu.memory_space<hbm>>) target_semaphore(%arg17 : memref<!tpu.dma_semaphore, #tpu.memory_space<semaphore_mem>>)
    %dma_wait3A_1703 = tpu.memref_slice %arg2[%add3A_1689] : memref<4194304xi32, #tpu.memory_space<hbm>> -> memref<16384xi32, #tpu.memory_space<hbm>>
    %dma_wait3A_1704 = tpu.memref_slice %arg2[%add3A_1689] : memref<4194304xi32, #tpu.memory_space<hbm>> -> memref<16384xi32, #tpu.memory_space<hbm>>
    tpu.wait_dma2 semaphore(%arg16 : memref<!tpu.dma_semaphore, #tpu.memory_space<semaphore_mem>>) src(%dma_wait3A_1704 : memref<16384xi32, #tpu.memory_space<hbm>>) dst(%arg6 : memref<16384xi32, #tpu.memory_space<vmem>>)
    %dma_wait3A_1705 = tpu.memref_slice %arg3[%add3A_1685] : memref<4194304xf32, #tpu.memory_space<hbm>> -> memref<16384xf32, #tpu.memory_space<hbm>>
    %dma_wait3A_1706 = tpu.memref_slice %arg3[%add3A_1685] : memref<4194304xf32, #tpu.memory_space<hbm>> -> memref<16384xf32, #tpu.memory_space<hbm>>
    tpu.wait_dma2 semaphore(%arg18 : memref<!tpu.dma_semaphore, #tpu.memory_space<semaphore_mem>>) src(%arg8 : memref<16384xf32, #tpu.memory_space<vmem>>) dst(%dma_wait3A_1706 : memref<16384xf32, #tpu.memory_space<hbm>>)
    %parallel_loop3A_1707 = arith.constant 0 : i32
    %parallel_loop3A_1708 = arith.constant 1024 : i32
    %parallel_loop3A_1709 = arith.constant 1 : i32
    scf.for %parallel_loop3A_1718 = %parallel_loop3A_1707 to %parallel_loop3A_1708 step %parallel_loop3A_1709  : i32 {
      %parallel_loop3A_1719 = arith.constant 16 : i32
      %parallel_loop3A_1720 = arith.muli %parallel_loop3A_1718, %parallel_loop3A_1719 : i32
      %parallel_loop3A_1721 = arith.index_cast %parallel_loop3A_1720 : i32 to index
      %parallel_loop3A_1722 = tpu.vector_load %arg6[%parallel_loop3A_1721] {strides = array<i32>} : memref<16384xi32, #tpu.memory_space<vmem>>, vector<16xi32>,
      %parallel_loop3A_1723 = arith.constant 255 : i32
      %parallel_loop3A_1724 = vector.broadcast %parallel_loop3A_1723 : i32 to vector<16xi32>
      %parallel_loop3A_1725 = arith.andi %parallel_loop3A_1722, %parallel_loop3A_1724 : vector<16xi32>
      %parallel_loop3A_1726 = tpu.vector_load_idx %arg12[%parallel_loop3A_1725] : memref<256xf32, #tpu.memory_space<vmem>>[vector<16xi32>], vector<16xf32>,
      %parallel_loop3A_1727 = arith.index_cast %parallel_loop3A_1720 : i32 to index
      %parallel_loop3A_1728 = tpu.vector_load %arg8[%parallel_loop3A_1727] {strides = array<i32>} : memref<16384xf32, #tpu.memory_space<vmem>>, vector<16xf32>,
      tpu.vector_store %arg8[%parallel_loop3A_1727], %parallel_loop3A_1726 {strides = array<i32>} : memref<16384xf32, #tpu.memory_space<vmem>>, vector<16xf32>,
    } {sc.loop_unroll_factor = 4 : i64, sc.parallel_access}
    %add3A_1710 = arith.constant 114688 : i32
    %add3A_1711 = arith.addi %add3A_35, %add3A_1710 : i32
    %dma_start3A_1712 = tpu.memref_slice %arg3[%add3A_1711] : memref<4194304xf32, #tpu.memory_space<hbm>> -> memref<16384xf32, #tpu.memory_space<hbm>>
    %dma_start3A_1713 = tpu.memref_slice %arg3[%add3A_1711] : memref<4194304xf32, #tpu.memory_space<hbm>> -> memref<16384xf32, #tpu.memory_space<hbm>>
    tpu.enqueue_dma source(%arg8 : memref<16384xf32, #tpu.memory_space<vmem>>) target(%dma_start3A_1713 : memref<16384xf32, #tpu.memory_space<hbm>>) target_semaphore(%arg18 : memref<!tpu.dma_semaphore, #tpu.memory_space<semaphore_mem>>)
    %dma_wait3A_1714 = tpu.memref_slice %arg3[%add3A_1700] : memref<4194304xf32, #tpu.memory_space<hbm>> -> memref<16384xf32, #tpu.memory_space<hbm>>
    %dma_wait3A_1715 = tpu.memref_slice %arg3[%add3A_1700] : memref<4194304xf32, #tpu.memory_space<hbm>> -> memref<16384xf32, #tpu.memory_space<hbm>>
    tpu.wait_dma2 semaphore(%arg17 : memref<!tpu.dma_semaphore, #tpu.memory_space<semaphore_mem>>) src(%arg7 : memref<16384xf32, #tpu.memory_space<vmem>>) dst(%dma_wait3A_1715 : memref<16384xf32, #tpu.memory_space<hbm>>)
    %dma_wait3A_1716 = tpu.memref_slice %arg3[%add3A_1711] : memref<4194304xf32, #tpu.memory_space<hbm>> -> memref<16384xf32, #tpu.memory_space<hbm>>
    %dma_wait3A_1717 = tpu.memref_slice %arg3[%add3A_1711] : memref<4194304xf32, #tpu.memory_space<hbm>> -> memref<16384xf32, #tpu.memory_space<hbm>>
    tpu.wait_dma2 semaphore(%arg18 : memref<!tpu.dma_semaphore, #tpu.memory_space<semaphore_mem>>) src(%arg8 : memref<16384xf32, #tpu.memory_space<vmem>>) dst(%dma_wait3A_1717 : memref<16384xf32, #tpu.memory_space<hbm>>)
    return
  }
}

module attributes {stable_mosaic.version = 14 : i64} {
  func.func @_finish_body(%arg0: i32, %arg1: i32, %arg2: memref<1x3x256x512xf32, #tpu.memory_space<vmem>>, %arg3: memref<131072xf32, #tpu.memory_space<vmem>>, %arg4: memref<1024xf32, #tpu.memory_space<vmem>>, %arg5: memref<1x3x256x512xf32, #tpu.memory_space<vmem>>) attributes {dimension_semantics = [#tpu.dimension_semantics<arbitrary>, #tpu.dimension_semantics<arbitrary>], iteration_bounds = array<i64: 16, 2>, scalar_prefetch = 0 : i64, scratch_operands = 0 : i64, tpu.core_type = #tpu.core_type<tc>, window_params = [{transform_indices = @transform_0, window_bounds = array<i64: 1, 3, 256, 512>}, {transform_indices = @transform_1, window_bounds = array<i64: 131072>}, {transform_indices = @transform_2, window_bounds = array<i64: 1024>}, {transform_indices = @transform_3, window_bounds = array<i64: 1, 3, 256, 512>}]} {
    %get3A = arith.constant 0 : index
    %get3A_0 = arith.constant 0 : index
    %get3A_1 = arith.constant 0 : index
    %get3A_2 = arith.constant 0 : index
    %get3A_3 = vector.load %arg2[%get3A, %get3A_0, %get3A_1, %get3A_2] : memref<1x3x256x512xf32, #tpu.memory_space<vmem>>, vector<1x1x256x512xf32>
    %get3A_4 = vector.shape_cast %get3A_3 : vector<1x1x256x512xf32> to vector<256x512xf32>
    %jit3A = arith.constant 0.000000e+00 : f32
    %jit3A_5 = arith.constant 1.000000e+00 : f32
    %max3A = vector.broadcast %jit3A : f32 to vector<256x512xf32>
    %max3A_6 = arith.maximumf %max3A, %get3A_4 : vector<256x512xf32>
    %min3A = vector.broadcast %jit3A_5 : f32 to vector<256x512xf32>
    %min3A_7 = arith.minimumf %min3A, %max3A_6 : vector<256x512xf32>
    %get3A_8 = arith.constant 0 : index
    %get3A_9 = arith.constant 1 : index
    %get3A_10 = arith.constant 0 : index
    %get3A_11 = arith.constant 0 : index
    %get3A_12 = vector.load %arg2[%get3A_8, %get3A_9, %get3A_10, %get3A_11] : memref<1x3x256x512xf32, #tpu.memory_space<vmem>>, vector<1x1x256x512xf32>
    %get3A_13 = vector.shape_cast %get3A_12 : vector<1x1x256x512xf32> to vector<256x512xf32>
    %jit3A_14 = arith.constant 0.000000e+00 : f32
    %jit3A_15 = arith.constant 1.000000e+00 : f32
    %max3A_16 = vector.broadcast %jit3A_14 : f32 to vector<256x512xf32>
    %max3A_17 = arith.maximumf %max3A_16, %get3A_13 : vector<256x512xf32>
    %min3A_18 = vector.broadcast %jit3A_15 : f32 to vector<256x512xf32>
    %min3A_19 = arith.minimumf %min3A_18, %max3A_17 : vector<256x512xf32>
    %get3A_20 = arith.constant 0 : index
    %get3A_21 = arith.constant 2 : index
    %get3A_22 = arith.constant 0 : index
    %get3A_23 = arith.constant 0 : index
    %get3A_24 = vector.load %arg2[%get3A_20, %get3A_21, %get3A_22, %get3A_23] : memref<1x3x256x512xf32, #tpu.memory_space<vmem>>, vector<1x1x256x512xf32>
    %get3A_25 = vector.shape_cast %get3A_24 : vector<1x1x256x512xf32> to vector<256x512xf32>
    %jit3A_26 = arith.constant 0.000000e+00 : f32
    %jit3A_27 = arith.constant 1.000000e+00 : f32
    %max3A_28 = vector.broadcast %jit3A_26 : f32 to vector<256x512xf32>
    %max3A_29 = arith.maximumf %max3A_28, %get3A_25 : vector<256x512xf32>
    %min3A_30 = vector.broadcast %jit3A_27 : f32 to vector<256x512xf32>
    %min3A_31 = arith.minimumf %min3A_30, %max3A_29 : vector<256x512xf32>
    %mul3A = arith.constant 2.990000e-01 : f32
    %mul3A_32 = vector.broadcast %mul3A : f32 to vector<256x512xf32>
    %mul3A_33 = arith.mulf %mul3A_32, %min3A_7 : vector<256x512xf32>
    %mul3A_34 = arith.constant 5.870000e-01 : f32
    %mul3A_35 = vector.broadcast %mul3A_34 : f32 to vector<256x512xf32>
    %mul3A_36 = arith.mulf %mul3A_35, %min3A_19 : vector<256x512xf32>
    %add3A = arith.addf %mul3A_33, %mul3A_36 : vector<256x512xf32>
    %mul3A_37 = arith.constant 1.140000e-01 : f32
    %mul3A_38 = vector.broadcast %mul3A_37 : f32 to vector<256x512xf32>
    %mul3A_39 = arith.mulf %mul3A_38, %min3A_31 : vector<256x512xf32>
    %add3A_40 = arith.addf %add3A, %mul3A_39 : vector<256x512xf32>
    %mul3A_41 = arith.constant -1.470000e-01 : f32
    %mul3A_42 = vector.broadcast %mul3A_41 : f32 to vector<256x512xf32>
    %mul3A_43 = arith.mulf %mul3A_42, %min3A_7 : vector<256x512xf32>
    %mul3A_44 = arith.constant 2.890000e-01 : f32
    %mul3A_45 = vector.broadcast %mul3A_44 : f32 to vector<256x512xf32>
    %mul3A_46 = arith.mulf %mul3A_45, %min3A_19 : vector<256x512xf32>
    %sub3A = arith.subf %mul3A_43, %mul3A_46 : vector<256x512xf32>
    %mul3A_47 = arith.constant 4.360000e-01 : f32
    %mul3A_48 = vector.broadcast %mul3A_47 : f32 to vector<256x512xf32>
    %mul3A_49 = arith.mulf %mul3A_48, %min3A_31 : vector<256x512xf32>
    %add3A_50 = arith.addf %sub3A, %mul3A_49 : vector<256x512xf32>
    %mul3A_51 = arith.constant 6.150000e-01 : f32
    %mul3A_52 = vector.broadcast %mul3A_51 : f32 to vector<256x512xf32>
    %mul3A_53 = arith.mulf %mul3A_52, %min3A_7 : vector<256x512xf32>
    %mul3A_54 = arith.constant 5.150000e-01 : f32
    %mul3A_55 = vector.broadcast %mul3A_54 : f32 to vector<256x512xf32>
    %mul3A_56 = arith.mulf %mul3A_55, %min3A_19 : vector<256x512xf32>
    %sub3A_57 = arith.subf %mul3A_53, %mul3A_56 : vector<256x512xf32>
    %mul3A_58 = arith.constant 1.000000e-01 : f32
    %mul3A_59 = vector.broadcast %mul3A_58 : f32 to vector<256x512xf32>
    %mul3A_60 = arith.mulf %mul3A_59, %min3A_31 : vector<256x512xf32>
    %sub3A_61 = arith.subf %sub3A_57, %mul3A_60 : vector<256x512xf32>
    %get3A_62 = arith.constant 0 : index
    %get3A_63 = vector.load %arg4[%get3A_62] : memref<1024xf32, #tpu.memory_space<vmem>>, vector<1024xf32>
    %reshape3A = vector.shape_cast %get3A_63 : vector<1024xf32> to vector<8x128xf32>
    %slice3A = vector.extract_strided_slice %reshape3A {offsets = [0, 0], sizes = [1, 1], strides = [1, 1]} : vector<8x128xf32> to vector<1x1xf32>
    %eq3A = arith.constant 0.000000e+00 : f32
    %eq3A_64 = vector.broadcast %eq3A : f32 to vector<1x1xf32>
    %eq3A_65 = arith.cmpf oeq, %slice3A, %eq3A_64 : vector<1x1xf32>
    %mul3A_66 = arith.constant 2.550000e+02 : f32
    %mul3A_67 = vector.broadcast %mul3A_66 : f32 to vector<256x512xf32>
    %mul3A_68 = arith.mulf %add3A_40, %mul3A_67 : vector<256x512xf32>
    %get3A_69 = arith.constant 0 : index
    %get3A_70 = vector.load %arg3[%get3A_69] : memref<131072xf32, #tpu.memory_space<vmem>>, vector<131072xf32>
    %reshape3A_71 = vector.shape_cast %get3A_70 : vector<131072xf32> to vector<256x512xf32>
    %broadcast_in_dim3A = vector.shape_cast %eq3A_65 : vector<1x1xi1> to vector<1x1xi1>
    %broadcast_in_dim3A_72 = vector.broadcast %broadcast_in_dim3A : vector<1x1xi1> to vector<256x512xi1>
    %select_n3A = arith.select %broadcast_in_dim3A_72, %mul3A_68, %reshape3A_71 : vector<256x512xi1>, vector<256x512xf32>
    %div3A = arith.constant 2.550000e+02 : f32
    %div3A_73 = vector.broadcast %div3A : f32 to vector<256x512xf32>
    %div3A_74 = arith.divf %select_n3A, %div3A_73 : vector<256x512xf32>
    %mul3A_75 = arith.constant 1.140000e+00 : f32
    %mul3A_76 = vector.broadcast %mul3A_75 : f32 to vector<256x512xf32>
    %mul3A_77 = arith.mulf %mul3A_76, %sub3A_61 : vector<256x512xf32>
    %add3A_78 = arith.addf %div3A_74, %mul3A_77 : vector<256x512xf32>
    %swap3A = arith.constant 0 : index
    %swap3A_79 = arith.constant 0 : index
    %swap3A_80 = arith.constant 0 : index
    %swap3A_81 = arith.constant 0 : index
    %swap3A_82 = vector.load %arg5[%swap3A, %swap3A_79, %swap3A_80, %swap3A_81] : memref<1x3x256x512xf32, #tpu.memory_space<vmem>>, vector<1x1x256x512xf32>
    %swap3A_83 = vector.shape_cast %swap3A_82 : vector<1x1x256x512xf32> to vector<256x512xf32>
    %swap3A_84 = vector.shape_cast %add3A_78 : vector<256x512xf32> to vector<1x1x256x512xf32>
    tpu.vector_store %arg5[%swap3A, %swap3A_79, %swap3A_80, %swap3A_81], %swap3A_84 {strides = array<i32>} : memref<1x3x256x512xf32, #tpu.memory_space<vmem>>, vector<1x1x256x512xf32>,
    %mul3A_85 = arith.constant 3.960000e-01 : f32
    %mul3A_86 = vector.broadcast %mul3A_85 : f32 to vector<256x512xf32>
    %mul3A_87 = arith.mulf %mul3A_86, %add3A_50 : vector<256x512xf32>
    %sub3A_88 = arith.subf %div3A_74, %mul3A_87 : vector<256x512xf32>
    %mul3A_89 = arith.constant 5.810000e-01 : f32
    %mul3A_90 = vector.broadcast %mul3A_89 : f32 to vector<256x512xf32>
    %mul3A_91 = arith.mulf %mul3A_90, %sub3A_61 : vector<256x512xf32>
    %sub3A_92 = arith.subf %sub3A_88, %mul3A_91 : vector<256x512xf32>
    %swap3A_93 = arith.constant 0 : index
    %swap3A_94 = arith.constant 1 : index
    %swap3A_95 = arith.constant 0 : index
    %swap3A_96 = arith.constant 0 : index
    %swap3A_97 = vector.load %arg5[%swap3A_93, %swap3A_94, %swap3A_95, %swap3A_96] : memref<1x3x256x512xf32, #tpu.memory_space<vmem>>, vector<1x1x256x512xf32>
    %swap3A_98 = vector.shape_cast %swap3A_97 : vector<1x1x256x512xf32> to vector<256x512xf32>
    %swap3A_99 = vector.shape_cast %sub3A_92 : vector<256x512xf32> to vector<1x1x256x512xf32>
    tpu.vector_store %arg5[%swap3A_93, %swap3A_94, %swap3A_95, %swap3A_96], %swap3A_99 {strides = array<i32>} : memref<1x3x256x512xf32, #tpu.memory_space<vmem>>, vector<1x1x256x512xf32>,
    %mul3A_100 = arith.constant 2.029000e+00 : f32
    %mul3A_101 = vector.broadcast %mul3A_100 : f32 to vector<256x512xf32>
    %mul3A_102 = arith.mulf %mul3A_101, %add3A_50 : vector<256x512xf32>
    %add3A_103 = arith.addf %div3A_74, %mul3A_102 : vector<256x512xf32>
    %swap3A_104 = arith.constant 0 : index
    %swap3A_105 = arith.constant 2 : index
    %swap3A_106 = arith.constant 0 : index
    %swap3A_107 = arith.constant 0 : index
    %swap3A_108 = vector.load %arg5[%swap3A_104, %swap3A_105, %swap3A_106, %swap3A_107] : memref<1x3x256x512xf32, #tpu.memory_space<vmem>>, vector<1x1x256x512xf32>
    %swap3A_109 = vector.shape_cast %swap3A_108 : vector<1x1x256x512xf32> to vector<256x512xf32>
    %swap3A_110 = vector.shape_cast %add3A_103 : vector<256x512xf32> to vector<1x1x256x512xf32>
    tpu.vector_store %arg5[%swap3A_104, %swap3A_105, %swap3A_106, %swap3A_107], %swap3A_110 {strides = array<i32>} : memref<1x3x256x512xf32, #tpu.memory_space<vmem>>, vector<1x1x256x512xf32>,
    return
  }
  func.func @transform_0(%arg0: i32, %arg1: i32) -> (i32, i32, i32, i32) {
    %add3A = arith.constant 0 : i32
    %add3A_0 = arith.addi %add3A, %arg0 : i32
    %c0_i32 = arith.constant 0 : i32
    %c0_i32_1 = arith.constant 0 : i32
    %c0_i32_2 = arith.constant 0 : i32
    return %add3A_0, %c0_i32, %arg1, %c0_i32_1 : i32, i32, i32, i32
  }
  func.func @transform_1(%arg0: i32, %arg1: i32) -> i32 {
    %mul3A = arith.constant 2 : i32
    %mul3A_0 = arith.muli %arg0, %mul3A : i32
    %add3A = arith.addi %mul3A_0, %arg1 : i32
    %c0_i32 = arith.constant 0 : i32
    return %add3A : i32
  }
  func.func @transform_2(%arg0: i32, %arg1: i32) -> i32 {
    %c0_i32 = arith.constant 0 : i32
    return %arg0 : i32
  }
  func.func @transform_3(%arg0: i32, %arg1: i32) -> (i32, i32, i32, i32) {
    %c0_i32 = arith.constant 0 : i32
    %c0_i32_0 = arith.constant 0 : i32
    %c0_i32_1 = arith.constant 0 : i32
    return %arg0, %c0_i32, %arg1, %c0_i32_0 : i32, i32, i32, i32
  }
}

module attributes {stable_mosaic.version = 14 : i64} {
  func.func @_codes_body(%arg0: i32, %arg1: i32, %arg2: memref<1x3x256x512xf32, #tpu.memory_space<vmem>>, %arg3: memref<131072xi32, #tpu.memory_space<vmem>>) attributes {dimension_semantics = [#tpu.dimension_semantics<arbitrary>, #tpu.dimension_semantics<arbitrary>], iteration_bounds = array<i64: 16, 2>, scalar_prefetch = 0 : i64, scratch_operands = 0 : i64, tpu.core_type = #tpu.core_type<tc>, window_params = [{transform_indices = @transform_0, window_bounds = array<i64: 1, 3, 256, 512>}, {transform_indices = @transform_1, window_bounds = array<i64: 131072>}]} {
    %get3A = arith.constant 0 : index
    %get3A_0 = arith.constant 0 : index
    %get3A_1 = arith.constant 0 : index
    %get3A_2 = arith.constant 0 : index
    %get3A_3 = vector.load %arg2[%get3A, %get3A_0, %get3A_1, %get3A_2] : memref<1x3x256x512xf32, #tpu.memory_space<vmem>>, vector<1x1x256x512xf32>
    %get3A_4 = vector.shape_cast %get3A_3 : vector<1x1x256x512xf32> to vector<256x512xf32>
    %jit3A = arith.constant 0.000000e+00 : f32
    %jit3A_5 = arith.constant 1.000000e+00 : f32
    %max3A = vector.broadcast %jit3A : f32 to vector<256x512xf32>
    %max3A_6 = arith.maximumf %max3A, %get3A_4 : vector<256x512xf32>
    %min3A = vector.broadcast %jit3A_5 : f32 to vector<256x512xf32>
    %min3A_7 = arith.minimumf %min3A, %max3A_6 : vector<256x512xf32>
    %get3A_8 = arith.constant 0 : index
    %get3A_9 = arith.constant 1 : index
    %get3A_10 = arith.constant 0 : index
    %get3A_11 = arith.constant 0 : index
    %get3A_12 = vector.load %arg2[%get3A_8, %get3A_9, %get3A_10, %get3A_11] : memref<1x3x256x512xf32, #tpu.memory_space<vmem>>, vector<1x1x256x512xf32>
    %get3A_13 = vector.shape_cast %get3A_12 : vector<1x1x256x512xf32> to vector<256x512xf32>
    %jit3A_14 = arith.constant 0.000000e+00 : f32
    %jit3A_15 = arith.constant 1.000000e+00 : f32
    %max3A_16 = vector.broadcast %jit3A_14 : f32 to vector<256x512xf32>
    %max3A_17 = arith.maximumf %max3A_16, %get3A_13 : vector<256x512xf32>
    %min3A_18 = vector.broadcast %jit3A_15 : f32 to vector<256x512xf32>
    %min3A_19 = arith.minimumf %min3A_18, %max3A_17 : vector<256x512xf32>
    %get3A_20 = arith.constant 0 : index
    %get3A_21 = arith.constant 2 : index
    %get3A_22 = arith.constant 0 : index
    %get3A_23 = arith.constant 0 : index
    %get3A_24 = vector.load %arg2[%get3A_20, %get3A_21, %get3A_22, %get3A_23] : memref<1x3x256x512xf32, #tpu.memory_space<vmem>>, vector<1x1x256x512xf32>
    %get3A_25 = vector.shape_cast %get3A_24 : vector<1x1x256x512xf32> to vector<256x512xf32>
    %jit3A_26 = arith.constant 0.000000e+00 : f32
    %jit3A_27 = arith.constant 1.000000e+00 : f32
    %max3A_28 = vector.broadcast %jit3A_26 : f32 to vector<256x512xf32>
    %max3A_29 = arith.maximumf %max3A_28, %get3A_25 : vector<256x512xf32>
    %min3A_30 = vector.broadcast %jit3A_27 : f32 to vector<256x512xf32>
    %min3A_31 = arith.minimumf %min3A_30, %max3A_29 : vector<256x512xf32>
    %mul3A = arith.constant 2.990000e-01 : f32
    %mul3A_32 = vector.broadcast %mul3A : f32 to vector<256x512xf32>
    %mul3A_33 = arith.mulf %mul3A_32, %min3A_7 : vector<256x512xf32>
    %mul3A_34 = arith.constant 5.870000e-01 : f32
    %mul3A_35 = vector.broadcast %mul3A_34 : f32 to vector<256x512xf32>
    %mul3A_36 = arith.mulf %mul3A_35, %min3A_19 : vector<256x512xf32>
    %add3A = arith.addf %mul3A_33, %mul3A_36 : vector<256x512xf32>
    %mul3A_37 = arith.constant 1.140000e-01 : f32
    %mul3A_38 = vector.broadcast %mul3A_37 : f32 to vector<256x512xf32>
    %mul3A_39 = arith.mulf %mul3A_38, %min3A_31 : vector<256x512xf32>
    %add3A_40 = arith.addf %add3A, %mul3A_39 : vector<256x512xf32>
    %mul3A_41 = arith.constant 2.550000e+02 : f32
    %mul3A_42 = vector.broadcast %mul3A_41 : f32 to vector<256x512xf32>
    %mul3A_43 = arith.mulf %add3A_40, %mul3A_42 : vector<256x512xf32>
    %mul3A_44 = arith.constant 1.00392163 : f32
    %mul3A_45 = vector.broadcast %mul3A_44 : f32 to vector<256x512xf32>
    %mul3A_46 = arith.mulf %mul3A_43, %mul3A_45 : vector<256x512xf32>
    %floor3A = math.floor %mul3A_46 : vector<256x512xf32>
    %jit3A_47 = arith.constant 0.000000e+00 : f32
    %jit3A_48 = arith.constant 2.550000e+02 : f32
    %max3A_49 = vector.broadcast %jit3A_47 : f32 to vector<256x512xf32>
    %max3A_50 = arith.maximumf %max3A_49, %floor3A : vector<256x512xf32>
    %min3A_51 = vector.broadcast %jit3A_48 : f32 to vector<256x512xf32>
    %min3A_52 = arith.minimumf %min3A_51, %max3A_50 : vector<256x512xf32>
    %jit3A_53 = arith.constant 0.000000e+00 : f32
    %jit3A_54 = arith.constant 2.550000e+02 : f32
    %max3A_55 = vector.broadcast %jit3A_53 : f32 to vector<256x512xf32>
    %max3A_56 = arith.maximumf %max3A_55, %mul3A_43 : vector<256x512xf32>
    %min3A_57 = vector.broadcast %jit3A_54 : f32 to vector<256x512xf32>
    %min3A_58 = arith.minimumf %min3A_57, %max3A_56 : vector<256x512xf32>
    %convert_element_type3A = arith.fptosi %min3A_52 : vector<256x512xf32> to vector<256x512xi32>
    %mul3A_59 = arith.constant 256 : i32
    %mul3A_60 = vector.broadcast %mul3A_59 : i32 to vector<256x512xi32>
    %mul3A_61 = arith.muli %convert_element_type3A, %mul3A_60 : vector<256x512xi32>
    %convert_element_type3A_62 = arith.fptosi %min3A_58 : vector<256x512xf32> to vector<256x512xi32>
    %add3A_63 = arith.addi %mul3A_61, %convert_element_type3A_62 : vector<256x512xi32>
    %reshape3A = vector.shape_cast %add3A_63 : vector<256x512xi32> to vector<131072xi32>
    %swap3A = arith.constant 0 : index
    %swap3A_64 = vector.load %arg3[%swap3A] : memref<131072xi32, #tpu.memory_space<vmem>>, vector<131072xi32>
    tpu.vector_store %arg3[%swap3A], %reshape3A {strides = array<i32>} : memref<131072xi32, #tpu.memory_space<vmem>>, vector<131072xi32>,
    return
  }
  func.func @transform_0(%arg0: i32, %arg1: i32) -> (i32, i32, i32, i32) {
    %add3A = arith.constant 0 : i32
    %add3A_0 = arith.addi %add3A, %arg0 : i32
    %c0_i32 = arith.constant 0 : i32
    %c0_i32_1 = arith.constant 0 : i32
    %c0_i32_2 = arith.constant 0 : i32
    return %add3A_0, %c0_i32, %arg1, %c0_i32_1 : i32, i32, i32, i32
  }
  func.func @transform_1(%arg0: i32, %arg1: i32) -> i32 {
    %mul3A = arith.constant 2 : i32
    %mul3A_0 = arith.muli %arg0, %mul3A : i32
    %add3A = arith.addi %mul3A_0, %arg1 : i32
    %c0_i32 = arith.constant 0 : i32
    return %add3A : i32
  }
}

</mosaic_0001>

<sc_bundles>
// kernel: kernel.5.cloned.1.call-start
scs
__scs_entry_jumppad:
0x0: {  	(pc) =	sbr.rel $0x88, $3  }
0x1: {  	(tag) =	ssettag $0x0;
	lr =	simm.s32 $0x1  }
0x2: {  	[smem:$0x3FA0] =	sst lr;
	_ =	strace $0xD0000000  }
0x3: {  	_ = 	snop  }
0x4: {  	_ = 	snop  }
0x5: {  	_ = 	snop  }
0x6: {  	_ = 	snop  }
0x7: {  	_ = 	snop  }
__scs_overlays_trampoline_lowered:
0x8: {  	[smem:$0x3FAF] =	sst s0  }
0x9: {  	[smem:$0x3FB0] =	sst s1  }
0xa: {  	[smem:$0x3FB1] =	sst s2  }
0xb: {  	[smem:$0x3FB2] =	sst s3  }
0xc: {  	[smem:$0x3FB3] =	sst s4  }
0xd: {  	[smem:$0x3FB4] =	sst s5  }
0xe: {  	[smem:$0x3FB5] =	sst s6  }
0xf: {  	[smem:$0x3FB6] =	sst s7  }
0x10: {  	[smem:$0x3FB7] =	sst s8  }
0x11: {  	[smem:$0x3FB8] =	sst s9;
	s0 =	simm.s32 @!p0 $0x0  }
0x12: {  	s1 =	sld [smem:$0x3F9E];
	s0 =	simm.s32 @p0 $0x1  }
0x13: {  	[smem:$0x3FB9] =	sst s0;
	s0 =	simm.s32 @!p1 $0x0  }
0x14: {  	s2 =	sld [smem:$0x3F9D];
	s0 =	simm.s32 @p1 $0x1  }
0x15: {  	[smem:$0x3FBA] =	sst s0;
	s0 =	simm.s32 @!p2 $0x0  }
0x16: {  	s3 =	sld [smem:$0x3FDB];
	s0 =	simm.s32 @p2 $0x1  }
0x17: {  	s4 =	simm.s32 $0x1BF5;
	[smem:$0x3FBC] =	sst s0  }
0x18: {  	s0 =	sld [smem:$0x3F9F];
	_ =	swait.ge [sflag:s4], $0x0  }
0x19: {  	s7 =	sld [smem:$0x3FA0]  }
0x1a: {  	s8 =	sadd.s32 $0xFFFFE003, lr  }
0x1b: {  	s9 =	sadd.s32 $0xFFFFFEF7, lr;
	s5 =	simm.s32 $0xFFFFFFFF;
	p2 =	slt.u32 s8, $0xFFFFF086  }
0x1c: {  	p1 =	slt.u32 s9, $0xF7A;
	s5 =	simm.s32 @!p2 $0x0  }
0x1d: {  	s5 =	simm.s32 @p1 $0x1;
	p0 =	seq.s32 s7, s2  }
0x1e: {  	s7 =	smul.u32 @!p0 $0xF7A, s2;
	p2 =	seq.s32 @!p0 s5, $0x0  }
0x1f: {  	s9 =	smul.u32 $0xF7A, s1;
	s8 =	simm.s32 @!p0 $0x1BF5;
	p2 =	por !p2, p0  }
0x20: {  	[sflag:s8] =	ssyncset.s32 @!p0 $0xFFFFF086;
	s6 =	sadd.s32 @!p0 s3, s7;
	s7 =	simm.s32 @!p0 $0x108  }
0x21: {  	s3 =	sadd.s32 s3, s9;
	s6 =	sadd.s32 @!p0 $0x88, s6;
	s7 =	simm.s32 @p2 $0x1082  }
0x22: {  	[simem:s7], [sflag:s8] =	dma.local @!p0 [hbm:s6], $0xF7A  }
0x23: {  	s9 =	sor.u32 $0xD0000000, s2;
	s6 =	simm.s32 $0x108;
	_ =	swait.ge @!p0 [sflag:s8], $0x0  }
0x24: {  	s3 =	sadd.s32 $0x88, s3;
	s6 =	simm.s32 @!p1 $0x1082;
	[sflag:s4] =	ssyncset.s32 $0xFFFFF086  }
0x25: {  	[simem:s6], [sflag:s4] =	dma.local [hbm:s3], $0xF7A  }
0x26: {  	[smem:$0x3FA0] =	sst s1;
	(tag) =	ssettag s2;
	_ =	strace s9  }
0x27: {  	s1 =	sld [smem:$0x3FB0]  }
0x28: {  	s2 =	sld [smem:$0x3FB1]  }
0x29: {  	s4 =	sld [smem:$0x3FB3]  }
0x2a: {  	p0 =	seq.s32 s5, $0x0;
	s5 =	sld [smem:$0x3FB4]  }
0x2b: {  	s6 =	sld [smem:$0x3FB5]  }
0x2c: {  	s7 =	sld [smem:$0x3FB6]  }
0x2d: {  	s3 =	simm.s32 $0x108;
	s8 =	sld [smem:$0x3FB7]  }
0x2e: {  	s3 =	simm.s32 @!p0 $0x1082;
	s9 =	sld [smem:$0x3FB8]  }
0x2f: {  	lr =	sadd.s32 s0, s3;
	s0 =	sld [smem:$0x3FAF]  }
0x30: {  	s3 =	sld [smem:$0x3FB2]  }
0x31: {  	[smem:$0x3FBB] =	sst s10  }
0x32: {  	s10 =	sld [smem:$0x3FB9];
	_ =	sdelay $0x3  }
0x33: {  	p0 =	seq.s32 s10, $0x1;
	s10 =	sld [smem:$0x3FBB];
	_ =	sdelay $0x3  }
0x34: {  	[smem:$0x3FBB] =	sst s10  }
0x35: {  	s10 =	sld [smem:$0x3FBA];
	_ =	sdelay $0x3  }
0x36: {  	p1 =	seq.s32 s10, $0x1;
	s10 =	sld [smem:$0x3FBB];
	_ =	sdelay $0x3  }
0x37: {  	[smem:$0x3FBB] =	sst s10  }
0x38: {  	s10 =	sld [smem:$0x3FBC]  }
0x39: {  	_ = 	snop;
	(pc) =	sbr.ind lr, $3  }
0x3a: {  	_ = 	snop  }
0x3b: {  	_ = 	snop  }
0x3c: {  	p2 =	seq.s32 s10, $0x1;
	s10 =	sld [smem:$0x3FBB]  }
0x3d: {  	_ =	shalt  }
0x3e: {  	_ =	shalt  }
0x3f: {  	_ =	shalt  }
0x40: {  	_ =	shalt  }
0x41: {  	_ =	shalt  }
0x42: {  	_ =	shalt  }
0x43: {  	_ =	shalt  }
0x44: {  	_ =	shalt  }
0x45: {  	_ =	shalt  }
0x46: {  	_ =	shalt  }
0x47: {  	_ =	shalt  }
0x48: {  	_ =	shalt  }
0x49: {  	_ =	shalt  }
0x4a: {  	_ =	shalt  }
0x4b: {  	_ =	shalt  }
0x4c: {  	_ =	shalt  }
0x4d: {  	_ =	shalt  }
0x4e: {  	_ =	shalt  }
0x4f: {  	_ =	shalt  }
0x50: {  	_ =	shalt  }
0x51: {  	_ =	shalt  }
0x52: {  	_ =	shalt  }
0x53: {  	_ =	shalt  }
0x54: {  	_ =	shalt  }
0x55: {  	_ =	shalt  }
0x56: {  	_ =	shalt  }
0x57: {  	_ =	shalt  }
0x58: {  	_ =	shalt  }
0x59: {  	_ =	shalt  }
0x5a: {  	_ =	shalt  }
0x5b: {  	_ =	shalt  }
0x5c: {  	_ =	shalt  }
0x5d: {  	_ =	shalt  }
0x5e: {  	_ =	shalt  }
0x5f: {  	_ =	shalt  }
0x60: {  	_ =	shalt  }
0x61: {  	_ =	shalt  }
0x62: {  	_ =	shalt  }
0x63: {  	_ =	shalt  }
0x64: {  	_ =	shalt  }
0x65: {  	_ =	shalt  }
0x66: {  	_ =	shalt  }
0x67: {  	_ =	shalt  }
0x68: {  	_ =	shalt  }
0x69: {  	_ =	shalt  }
0x6a: {  	_ =	shalt  }
0x6b: {  	_ =	shalt  }
0x6c: {  	_ =	shalt  }
0x6d: {  	_ =	shalt  }
0x6e: {  	_ =	shalt  }
0x6f: {  	_ =	shalt  }
0x70: {  	_ =	shalt  }
0x71: {  	_ =	shalt  }
0x72: {  	_ =	shalt  }
0x73: {  	_ =	shalt  }
0x74: {  	_ =	shalt  }
0x75: {  	_ =	shalt  }
0x76: {  	_ =	shalt  }
0x77: {  	_ =	shalt  }
0x78: {  	_ =	shalt  }
0x79: {  	_ =	shalt  }
0x7a: {  	_ =	shalt  }
0x7b: {  	_ =	shalt  }
0x7c: {  	_ =	shalt  }
0x7d: {  	_ =	shalt  }
0x7e: {  	_ =	shalt  }
0x7f: {  	_ =	shalt  }
0x80: {  	_ =	shalt  }
0x81: {  	_ =	shalt  }
0x82: {  	_ =	shalt  }
0x83: {  	_ =	shalt  }
0x84: {  	_ =	shalt  }
0x85: {  	_ =	shalt  }
0x86: {  	_ =	shalt  }
0x87: {  	_ =	shalt  }
.Lfunc_end0:
.L_simem_size_0:
called_computation_lowered:
.L_overlay_start_0:
0x88: {  	s2 =	sld [smem:$0x3FD9]  }
0x89: {  	s3 =	sld [smem:$0x3FFE];
	_ =	sdelay $0x1  }
0x8a: {  	s1 =	srdreg.scid  }
0x8b: {  	s0 =	sand.u32 $0x1, s1  }
0x8c: {  	s17 =	sshll.u32 s0, $0xA;
	s2 =	sadd.s32 s3, s2  }
0x8d: {  	s2 =	sadd.s32 s2, s17  }
0x8e: {  	[smem:$0x3FC7] =	sst s2  }
0x8f: {  	_ = 	snop  }
0x90: {  	s2 =	sld [smem:$0x3FD0];
	(tm) =	ssettm $0x1  }
0x91: {  	s18 =	sld [smem:$0x3FFB];
	_ =	sdelay $0x3  }
0x92: {  	_ =	strace s18  }
0x93: {  	s3 =	sld [smem:$0x3FFC];
	_ =	sdelay $0x3  }
0x94: {  	_ =	strace s3  }
0x95: {  	s3 =	sld [smem:$0x3FFD];
	_ =	sdelay $0x3  }
0x96: {  	_ =	strace s3  }
0x97: {  	_ =	strace $0x8FFFFFFF  }
0x98: {  	s19 =	sld [smem:$0x3FDB];
	_ =	sdelay $0x1  }
0x99: {  	s4 =	simm.s32 $_scs_section_size  }
0x9a: {  	s5 =	simm.s32 $_size__tile_overlayer_lowered;
	s6 =	simm.s32 $_tile_overlayer_lowered  }
0x9b: {  	s22 =	simm.s32 $0x1BFF;
	s21 =	sshll.u32 s6, $0x1;
	s3 =	sadd.s32 s4, s19  }
0x9c: {  	s7 =	simm.s32 $0x0;
	s20 =	sshll.u32 s5, $0x1;
	s5 =	sadd.s32 s21, s3  }
0x9d: {  	[timem:s7], [sflag:s22] =	dma.local [hbm:s5], s20  }
0x9e: {  	_ =	swait.ge [sflag:s22], s20  }
0x9f: {  	s4 =	ssub.s32 $0x0, s20;
	[sflag:s22] =	ssyncset.done $0x0  }
0xa0: {  	[sflag:s22] =	ssyncadd.s32 s4;
	_ =	sdelay $0x1  }
0xa1: {  	s23 =	simm.s32 $0x1B8B  }
0xa2: {  	_ =	swait.ge [sflag:s23], $0x1  }
0xa3: {  	[sflag:s23] =	ssyncset.done $0x0  }
0xa4: {  	s25 =	simm.s32 $0x1B8E;
	s24 =	sld [smem:$0x3FFE];
	[sflag:s23] =	ssyncadd.s32 $0xFFFFFFFF  }
0xa5: {  	s26 =	simm.s32 $execute0_lowered;
	[smem:$0x3FD2] =	sst s25  }
0xa6: {  	s5 =	sshll.u32 s26, $0x1;
	_ =	strace $0x80000046;
	[dreg:$0x1] =	wrdreg $0xFFFFFFFF  }
0xa7: {  	s28 =	simm.s32 $_size_execute0_lowered;
	s3 =	sadd.s32 s3, s5;
	[dreg:$0x0] =	wrdreg $0x0  }
0xa8: {  	s5 =	sshll.u32 s28, $0x1;
	[dreg:$0x2] =	wrdreg s3  }
0xa9: {  	[dreg:$0x3] =	wrdreg s5  }
0xaa: {  	[dreg:$0x4] =	wrdreg $0xC0  }
0xab: {  	_ =	task [dreg:s7], $0x5FFFF  }
0xac: {  	[dreg:$0x1] =	wrdreg $0xFFFFFFFF  }
0xad: {  	[dreg:$0x0] =	wrdreg $0x60  }
0xae: {  	[dreg:$0x2] =	wrdreg s2  }
0xaf: {  	[dreg:$0x3] =	wrdreg s24  }
0xb0: {  	[dreg:$0x4] =	wrdreg $0x117000  }
0xb1: {  	[dreg:$0x5] =	wrdreg $0x9  }
0xb2: {  	_ =	task.clear_ibuf [dreg:s7], $0x6FFFF;
	_ =	strace $0x90000046  }
0xb3: {  	s29 =	simm.s32 $0x9;
	_ =	strace $0x80000048  }
0xb4: {  	_ =	swait.ge [sflag:s29], $0x1  }
0xb5: {  	[sflag:s29] =	ssyncadd.s32 $0xFFFFFFFF  }
0xb6: {  	_ =	strace $0x90000048  }
0xb7: {  	_ =	sfence  }
0xb8: {  	s30 =	sld [smem:$0x0];
	_ =	sdelay $0x2  }
0xb9: {  	s31 =	sshll.u32 s1, $0xD;
	s1 =	sshrl.u32 s1, $0x2  }
0xba: {  	s3 =	sand.u32 $0x4000, s31;
	s1 =	sadd.s32 s1, s30  }
0xbb: {  	s0 =	sor.u32 s3, s0;
	s1 =	sshll.u32 s1, $0x11  }
0xbc: {  	s0 =	sor.u32 s1, s0  }
0xbd: {  	s0 =	sadd.s32 $0x8F2B, s0  }
0xbe: {  	[sflag:s0] =	ssyncadd.remote.s32 $0x1  }
0xbf: {  	_ =	sfence.sel $0xFFFF  }
0xc0: {  	[dreg:$0x0] =	wrdreg $0xFFFFFFFF;
	(pc) =	sbr.abs _section_cstart, $3  }
0xc1: {  	[dreg:$0x1] =	wrdreg $0xFFFFFFFF  }
0xc2: {  	_ =	task.clear_ibuf [dreg:s7], $0x2FFFF;
	_ =	strace $0x9FFFFFFF  }
0xc3: {  	(tm) =	ssettm $0x7FFFFFFF  }
tec
execute0_lowered:
.L_overlay_start_1:
0x0: {  	(tag) =	ssettag $0x1  }
0x1: {  	s0 =	rddreg [dreg:$0x0]  }
0x2: {  	s1 =	rddreg [dreg:$0x1]  }
0x3: {  	s10 =	rddreg [dreg:$0x2];
	s3 =	srdreg.scid  }
0x4: {  	s2 =	simm.s32 $0x0;
	s23 =	stileid.u32;
	s28 =	simm.s32 $0x2  }
0x5: {  	s29 =	simm.s32 $0x80;
	s30 =	simm.s32 $0x400;
	s31 =	simm.s32 $0x11000  }
0x6: {  	s3 =	sand.u32 $0x1, s3;
	[smem:$0x7FF] =	sst s2;
	s5 =	sshrl.u32 s23, $0x1  }
0x7: {  	s11 =	sadd.s32 $0xE00, s1;
	s13 =	sand.u32 $0x1, s23;
	s12 =	sshll.u32 s23, $0x8  }
0x8: {  	s23 =	sshll.u32 s23, $0x7;
	s4 =	sshll.u32 s3, $0x3;
	_ =	strace $0x80000047  }
0x9: {  	s3 =	ssub.s32 $0x2, s3;
	s6 =	sshll.u32 s13, $0xE;
	s12 =	sand.u32 $0x800, s12  }
0xa: {  	v48 =	vlaneseq.u32;
	s24 =	sand.u32 $0x380, s23;
	s23 =	sand.u32 $0x300, s23;
	p0 =	sne.s32 s13, $0x0  }
0xb: {  	v1 =	vor.u32 $0x80000010, v48;
	s13 =	simm.s32 $0xC000;
	s4 =	sor.u32 s5, s4;
	s25 =	sshrl.u32 s3, $0x1  }
0xc: {  	v49 =	vor.u32 $0x80000020, v48;
	[tilespmem:$0x1FEF0] =	vst v1;
	s12 =	sadd.s32 s12, s10;
	s5 =	sshll.u32 s4, $0x7;
	s4 =	sshll.u32 s4, $0xF  }
0xd: {  	v50 =	vor.u32 $0x80000030, v48;
	v51 =	vor.u32 $0x80000040, v48;
	[tilespmem:$0x1FF00] =	vst v49;
	s15 =	ssub.s32 s3, s25;
	s26 =	sadd.s32 s24, s12;
	s12 =	sadd.s32 s23, s12  }
0xe: {  	v52 =	vor.u32 $0x80000050, v48;
	v53 =	vor.u32 $0x80000060, v48;
	[tilespmem:$0x1FF10] =	vst v50;
	s1 =	sadd.s32 s5, s1;
	s14 =	sor.u32 s6, s4;
	[dreg:$0x4] =	wrdreg s26  }
0xf: {  	v54 =	vor.u32 $0x80000070, v48;
	[tilespmem:$0x1FF20] =	vst v51;
	s3 =	sadd.s32 s0, s14;
	s16 =	sor.u32 $0x800, s14;
	s17 =	sor.u32 $0x1000, s14  }
0x10: {  	[tilespmem:$0x1FF30] =	vst v52;
	s18 =	sor.u32 $0x1800, s14;
	s19 =	sor.u32 $0x2000, s14;
	s20 =	sor.u32 $0x2800, s14  }
0x11: {  	v0 =	vimm.f32 $2.550000000e+02;
	[tilespmem:$0x1FF40] =	vst v53;
	s21 =	sor.u32 $0x3000, s14;
	s22 =	sor.u32 $0x3800, s14;
	s1 =	sadd.s32 $0x80E00, s1  }
0x12: {  	v55 =	vor.u32 $0x80000080, v48;
	[tilespmem:$0x1FF50] =	vst v54;
	(erf) = vrcp.f32 v0;
	s14 =	sadd.s32 s11, s14;
	s4 =	sadd.s32 s0, s16;
	s5 =	sadd.s32 s0, s17  }
0x13: {  	v56 =	vor.u32 $0x80000090, v48;
	[tilespmem:$0x1FF60] =	vst v55;
	s6 =	sadd.s32 s0, s18;
	s7 =	sadd.s32 s0, s19;
	s8 =	sadd.s32 s0, s20  }
0x14: {  	v57 =	vor.u32 $0x800000A0, v48;
	[tilespmem:$0x1FF70] =	vst v56;
	s9 =	sadd.s32 s0, s21;
	s10 =	sadd.s32 s0, s22;
	[dreg:$0x5] =	wrdreg s1  }
0x15: {  	v58 =	vor.u32 $0x800000B0, v48;
	[tilespmem:$0x1FF80] =	vst v57;
	[dreg:$0x6] =	wrdreg s14;
	s16 =	sadd.s32 s11, s16;
	s23 =	sadd.s32 s11, s17  }
0x16: {  	v59 =	vor.u32 $0x80000000, v48;
	[tilespmem:$0x1FF90] =	vst v58;
	s24 =	sadd.s32 s11, s18;
	s25 =	sadd.s32 s11, s19;
	[dreg:$0x7] =	wrdreg s16  }
0x17: {  	v60 =	vor.u32 $0x800000C0, v48;
	[tilespmem:$0x1FFA0] =	vst v59;
	s26 =	sadd.s32 s11, s20;
	s20 =	sadd.s32 s11, s21;
	[dreg:$0x8] =	wrdreg s23  }
0x18: {  	v62 =	vor.u32 $0x800000D0, v48;
	[tilespmem:$0x1FFB0] =	vst v60;
	s21 =	simm.s32 $0x4000;
	s22 =	sadd.s32 s11, s22;
	[dreg:$0x9] =	wrdreg s24  }
0x19: {  	v63 =	vor.u32 $0x800000E0, v48;
	[tilespmem:$0x1FFD0] =	vst v62;
	s0 =	simm.s32 $0x5;
	s1 =	simm.s32 $0x11200;
	[dreg:$0xa] =	wrdreg s25  }
0x1a: {  	[tilespmem:$0x1FFE0] =	vst v63;
	v0 =	vor.u32 $0x800000F0, v48;
	s11 =	simm.s32 $0x8000;
	s14 =	simm.s32 $0x3;
	[dreg:$0xb] =	wrdreg s26  }
0x1b: {  	v7 =	vmul.u32 $0x100, v48;
	[tilespmem:$0x1FFF0] =	vst v0;
	s23 =	sadd.s32 $0x80, s12;
	s24 =	smax.u32 s15, $0x1;
	s25 =	simm.s32 $0x1;
	v61 =	vpop (erf)  }
0x1c: {  	v10 =	vimm.f32 $0.0e+00;
	v13 =	vimm.f32 $1.000000000e+00;
	s26 =	simm.s32 $0x10000;
	s15 =	simm.s32 $0x4;
	s16 =	simm.s32 $0x0;
	[tilespmem:$0x1FFC0] =	vst v61  }
.LBB2_1:
0x1d: {  	s17 =	simm.s32 $0x10040  }
0x1e: {  	[tilespmem:s17+$0xFFFFFFC0] =	vst v10  }
0x1f: {  	[tilespmem:s17+$0x30] =	vst v10  }
0x20: {  	[tilespmem:s17+$0x20] =	vst v10  }
0x21: {  	[tilespmem:s17+$0x10] =	vst v10  }
0x22: {  	[tilespmem:s17+$0x0] =	vst v10  }
0x23: {  	[tilespmem:s17+$0xFFFFFFF0] =	vst v10  }
0x24: {  	s18 =	simm.s32 $0x0;
	[tilespmem:s17+$0xFFFFFFE0] =	vst v10  }
.LBB2_2:
0x25: {  	s18 =	sadd.s32 $0x8, s18;
	[tilespmem:s17+$0xFFFFFFD0] =	vst v10;
	s17 =	sadd.s32 $0x80, s17  }
0x26: {  	[tilespmem:s17+$0xFFFFFFC0] =	vst v10;
	p1 =	slt.u32 s18, $0xF8  }
0x27: {  	[tilespmem:s17+$0x30] =	vst v10  }
.Ltmp0:
0x28: {  	[tilespmem:s17+$0x20] =	vst v10;
	(pc) =	sbr.rel @p1 .LBB2_2-.Ltmp0, $4  }
0x29: {  	[tilespmem:s17+$0x10] =	vst v10  }
0x2a: {  	[tilespmem:s17+$0x0] =	vst v10  }
0x2b: {  	[tilespmem:s17+$0xFFFFFFF0] =	vst v10  }
0x2c: {  	[tilespmem:s17+$0xFFFFFFE0] =	vst v10  }
0x2d: {  	[tilespmem:s17+$0xFFFFFFD0] =	vst v10  }
0x2e: {  	[tilespmem:s2], [sflag:$0x1] =	stream.linear.gather [hbm4b:s3+s2], $0x4000, $0x38;
	[tilespmem:$0x11800] =	vst v63  }
0x2f: {  	_ = 	snop  }
0x30: {  	[tilespmem:s21], [sflag:$0x2] =	stream.linear.gather [hbm4b:s4+s2], $0x4000, $0x38;
	[tilespmem:$0x11800] =	vst v63  }
0x31: {  	_ =	swait.ge [sflag:s25], $0x4000  }
0x32: {  	[sflag:s25] =	ssyncset.done $0x0  }
0x33: {  	s18 =	simm.s32 $0x20;
	[sflag:s25] =	ssyncadd.s32 $0xFFFFC000  }
0x34: {  	v1 =	vld [tilespmem:s18+$0xFFFFFFF0]  }
0x35: {  	v0 =	vld [tilespmem:s18+$0x10];
	_ =	sdelay $0x1  }
0x36: {  	v3 =	vld [tilespmem:s18+$0x0];
	_ =	sdelay $0x1  }
0x37: {  	v4 =	vshra.s32 v1, $0x8;
	v1 =	vld [tilespmem:s18+$0xFFFFFFE0]  }
0x38: {  	v0 =	vshra.s32 v0, $0x8  }
0x39: {  	v2 =	vadd.s32 v7, v0  }
0x3a: {  	s17 =	simm.s32 $0x0;
	v3 =	vshra.s32 v3, $0x8;
	s18 =	simm.s32 $0x60;
	v0 =	vadd.s32 v7, v4  }
.LBB2_4:
0x3b: {  	v4 =	vld [tilespmem:s18+$0x10];
	s17 =	sadd.s32 $0x4, s17;
	v3 =	vadd.s32 v7, v3  }
0x3c: {  	v5 =	vld [tilespmem:s18+$0xFFFFFFF0];
	p1 =	slt.u32 s17, $0x3FC;
	v1 =	vshra.s32 v1, $0x8  }
0x3d: {  	v6 =	vld [tilespmem:s18+$0x0];
	v8 =	vadd.s32 v7, v1  }
.Ltmp1:
0x3e: {  	[tilespmem:v2+s26+$0x0] =	vst.idx.add.f32.msk $0xffff, v13;
	(pc) =	sbr.rel @p1 .LBB2_4-.Ltmp1, $4  }
0x3f: {  	v1 =	vld [tilespmem:s18+$0xFFFFFFE0]  }
0x40: {  	v2 =	vshra.s32 v4, $0x8;
	[tilespmem:v0+s26+$0x0] =	vst.idx.add.f32.msk $0xffff, v13  }
0x41: {  	v0 =	vshra.s32 v5, $0x8;
	v2 =	vadd.s32 v7, v2;
	[tilespmem:v3+s26+$0x0] =	vst.idx.add.f32.msk $0xffff, v13  }
0x42: {  	s18 =	sadd.s32 $0x40, s18;
	v0 =	vadd.s32 v7, v0;
	v3 =	vshra.s32 v6, $0x8;
	[tilespmem:v8+s26+$0x0] =	vst.idx.add.f32.msk $0xffff, v13  }
0x43: {  	_ = 	snop  }
0x44: {  	v3 =	vadd.s32 v7, v3;
	v1 =	vshra.s32 v1, $0x8  }
0x45: {  	v1 =	vadd.s32 v7, v1;
	_ =	sdelay $0x1  }
0x46: {  	[tilespmem:v2+s26+$0x0] =	vst.idx.add.f32.msk $0xffff, v13  }
0x47: {  	[tilespmem:v0+s26+$0x0] =	vst.idx.add.f32.msk $0xffff, v13  }
0x48: {  	[tilespmem:v3+s26+$0x0] =	vst.idx.add.f32.msk $0xffff, v13  }
0x49: {  	[tilespmem:v1+s26+$0x0] =	vst.idx.add.f32.msk $0xffff, v13  }
0x4a: {  	[tilespmem:s2], [sflag:$0x1] =	stream.linear.gather [hbm4b:s5+s2], $0x4000, $0x38;
	[tilespmem:$0x11800] =	vst v63  }
0x4b: {  	_ =	swait.ge [sflag:s28], $0x4000  }
0x4c: {  	[sflag:s28] =	ssyncset.done $0x0  }
0x4d: {  	s18 =	simm.s32 $0x4020;
	[sflag:s28] =	ssyncadd.s32 $0xFFFFC000  }
0x4e: {  	v1 =	vld [tilespmem:s18+$0xFFFFFFF0]  }
0x4f: {  	v0 =	vld [tilespmem:s18+$0x10];
	_ =	sdelay $0x1  }
0x50: {  	v3 =	vld [tilespmem:s18+$0x0];
	_ =	sdelay $0x1  }
0x51: {  	v4 =	vshra.s32 v1, $0x8;
	v1 =	vld [tilespmem:s18+$0xFFFFFFE0]  }
0x52: {  	v0 =	vshra.s32 v0, $0x8  }
0x53: {  	v2 =	vadd.s32 v7, v0  }
0x54: {  	s17 =	simm.s32 $0x0;
	v3 =	vshra.s32 v3, $0x8;
	s18 =	simm.s32 $0x4060;
	v0 =	vadd.s32 v7, v4  }
.LBB2_6:
0x55: {  	v4 =	vld [tilespmem:s18+$0x10];
	s17 =	sadd.s32 $0x4, s17;
	v3 =	vadd.s32 v7, v3  }
0x56: {  	v5 =	vld [tilespmem:s18+$0xFFFFFFF0];
	p1 =	slt.u32 s17, $0x3FC;
	v1 =	vshra.s32 v1, $0x8  }
0x57: {  	v6 =	vld [tilespmem:s18+$0x0];
	v8 =	vadd.s32 v7, v1  }
.Ltmp2:
0x58: {  	[tilespmem:v2+s26+$0x0] =	vst.idx.add.f32.msk $0xffff, v13;
	(pc) =	sbr.rel @p1 .LBB2_6-.Ltmp2, $4  }
0x59: {  	v1 =	vld [tilespmem:s18+$0xFFFFFFE0]  }
0x5a: {  	v2 =	vshra.s32 v4, $0x8;
	[tilespmem:v0+s26+$0x0] =	vst.idx.add.f32.msk $0xffff, v13  }
0x5b: {  	v0 =	vshra.s32 v5, $0x8;
	v2 =	vadd.s32 v7, v2;
	[tilespmem:v3+s26+$0x0] =	vst.idx.add.f32.msk $0xffff, v13  }
0x5c: {  	s18 =	sadd.s32 $0x40, s18;
	v0 =	vadd.s32 v7, v0;
	v3 =	vshra.s32 v6, $0x8;
	[tilespmem:v8+s26+$0x0] =	vst.idx.add.f32.msk $0xffff, v13  }
0x5d: {  	_ = 	snop  }
0x5e: {  	v3 =	vadd.s32 v7, v3;
	v1 =	vshra.s32 v1, $0x8  }
0x5f: {  	v1 =	vadd.s32 v7, v1;
	_ =	sdelay $0x1  }
0x60: {  	[tilespmem:v2+s26+$0x0] =	vst.idx.add.f32.msk $0xffff, v13  }
0x61: {  	[tilespmem:v0+s26+$0x0] =	vst.idx.add.f32.msk $0xffff, v13  }
0x62: {  	[tilespmem:v3+s26+$0x0] =	vst.idx.add.f32.msk $0xffff, v13  }
0x63: {  	[tilespmem:v1+s26+$0x0] =	vst.idx.add.f32.msk $0xffff, v13  }
0x64: {  	[tilespmem:s21], [sflag:$0x2] =	stream.linear.gather [hbm4b:s6+s2], $0x4000, $0x38;
	[tilespmem:$0x11800] =	vst v63  }
0x65: {  	_ =	swait.ge [sflag:s25], $0x4000  }
0x66: {  	[sflag:s25] =	ssyncset.done $0x0  }
0x67: {  	s18 =	simm.s32 $0x20;
	[sflag:s25] =	ssyncadd.s32 $0xFFFFC000  }
0x68: {  	v1 =	vld [tilespmem:s18+$0xFFFFFFF0]  }
0x69: {  	v0 =	vld [tilespmem:s18+$0x10];
	_ =	sdelay $0x1  }
0x6a: {  	v3 =	vld [tilespmem:s18+$0x0];
	_ =	sdelay $0x1  }
0x6b: {  	v4 =	vshra.s32 v1, $0x8;
	v1 =	vld [tilespmem:s18+$0xFFFFFFE0]  }
0x6c: {  	v0 =	vshra.s32 v0, $0x8  }
0x6d: {  	v2 =	vadd.s32 v7, v0  }
0x6e: {  	s17 =	simm.s32 $0x0;
	v3 =	vshra.s32 v3, $0x8;
	s18 =	simm.s32 $0x60;
	v0 =	vadd.s32 v7, v4  }
.LBB2_8:
0x6f: {  	v4 =	vld [tilespmem:s18+$0x10];
	s17 =	sadd.s32 $0x4, s17;
	v3 =	vadd.s32 v7, v3  }
0x70: {  	v5 =	vld [tilespmem:s18+$0xFFFFFFF0];
	p1 =	slt.u32 s17, $0x3FC;
	v1 =	vshra.s32 v1, $0x8  }
0x71: {  	v6 =	vld [tilespmem:s18+$0x0];
	v8 =	vadd.s32 v7, v1  }
.Ltmp3:
0x72: {  	[tilespmem:v2+s26+$0x0] =	vst.idx.add.f32.msk $0xffff, v13;
	(pc) =	sbr.rel @p1 .LBB2_8-.Ltmp3, $4  }
0x73: {  	v1 =	vld [tilespmem:s18+$0xFFFFFFE0]  }
0x74: {  	v2 =	vshra.s32 v4, $0x8;
	[tilespmem:v0+s26+$0x0] =	vst.idx.add.f32.msk $0xffff, v13  }
0x75: {  	v0 =	vshra.s32 v5, $0x8;
	v2 =	vadd.s32 v7, v2;
	[tilespmem:v3+s26+$0x0] =	vst.idx.add.f32.msk $0xffff, v13  }
0x76: {  	s18 =	sadd.s32 $0x40, s18;
	v0 =	vadd.s32 v7, v0;
	v3 =	vshra.s32 v6, $0x8;
	[tilespmem:v8+s26+$0x0] =	vst.idx.add.f32.msk $0xffff, v13  }
0x77: {  	_ = 	snop  }
0x78: {  	v3 =	vadd.s32 v7, v3;
	v1 =	vshra.s32 v1, $0x8  }
0x79: {  	v1 =	vadd.s32 v7, v1;
	_ =	sdelay $0x1  }
0x7a: {  	[tilespmem:v2+s26+$0x0] =	vst.idx.add.f32.msk $0xffff, v13  }
0x7b: {  	[tilespmem:v0+s26+$0x0] =	vst.idx.add.f32.msk $0xffff, v13  }
0x7c: {  	[tilespmem:v3+s26+$0x0] =	vst.idx.add.f32.msk $0xffff, v13  }
0x7d: {  	[tilespmem:v1+s26+$0x0] =	vst.idx.add.f32.msk $0xffff, v13  }
0x7e: {  	[tilespmem:s2], [sflag:$0x1] =	stream.linear.gather [hbm4b:s7+s2], $0x4000, $0x38;
	[tilespmem:$0x11800] =	vst v63  }
0x7f: {  	_ =	swait.ge [sflag:s28], $0x4000  }
0x80: {  	[sflag:s28] =	ssyncset.done $0x0  }
0x81: {  	s18 =	simm.s32 $0x4020;
	[sflag:s28] =	ssyncadd.s32 $0xFFFFC000  }
0x82: {  	v1 =	vld [tilespmem:s18+$0xFFFFFFF0]  }
0x83: {  	v0 =	vld [tilespmem:s18+$0x10];
	_ =	sdelay $0x1  }
0x84: {  	v3 =	vld [tilespmem:s18+$0x0];
	_ =	sdelay $0x1  }
0x85: {  	v4 =	vshra.s32 v1, $0x8;
	v1 =	vld [tilespmem:s18+$0xFFFFFFE0]  }
0x86: {  	v0 =	vshra.s32 v0, $0x8  }
0x87: {  	v2 =	vadd.s32 v7, v0  }
0x88: {  	s17 =	simm.s32 $0x0;
	v3 =	vshra.s32 v3, $0x8;
	s18 =	simm.s32 $0x4060;
	v0 =	vadd.s32 v7, v4  }
.LBB2_10:
0x89: {  	v4 =	vld [tilespmem:s18+$0x10];
	s17 =	sadd.s32 $0x4, s17;
	v3 =	vadd.s32 v7, v3  }
0x8a: {  	v5 =	vld [tilespmem:s18+$0xFFFFFFF0];
	p1 =	slt.u32 s17, $0x3FC;
	v1 =	vshra.s32 v1, $0x8  }
0x8b: {  	v6 =	vld [tilespmem:s18+$0x0];
	v8 =	vadd.s32 v7, v1  }
.Ltmp4:
0x8c: {  	[tilespmem:v2+s26+$0x0] =	vst.idx.add.f32.msk $0xffff, v13;
	(pc) =	sbr.rel @p1 .LBB2_10-.Ltmp4, $4  }
0x8d: {  	v1 =	vld [tilespmem:s18+$0xFFFFFFE0]  }
0x8e: {  	v2 =	vshra.s32 v4, $0x8;
	[tilespmem:v0+s26+$0x0] =	vst.idx.add.f32.msk $0xffff, v13  }
0x8f: {  	v0 =	vshra.s32 v5, $0x8;
	v2 =	vadd.s32 v7, v2;
	[tilespmem:v3+s26+$0x0] =	vst.idx.add.f32.msk $0xffff, v13  }
0x90: {  	s18 =	sadd.s32 $0x40, s18;
	v0 =	vadd.s32 v7, v0;
	v3 =	vshra.s32 v6, $0x8;
	[tilespmem:v8+s26+$0x0] =	vst.idx.add.f32.msk $0xffff, v13  }
0x91: {  	_ = 	snop  }
0x92: {  	v3 =	vadd.s32 v7, v3;
	v1 =	vshra.s32 v1, $0x8  }
0x93: {  	v1 =	vadd.s32 v7, v1;
	_ =	sdelay $0x1  }
0x94: {  	[tilespmem:v2+s26+$0x0] =	vst.idx.add.f32.msk $0xffff, v13  }
0x95: {  	[tilespmem:v0+s26+$0x0] =	vst.idx.add.f32.msk $0xffff, v13  }
0x96: {  	[tilespmem:v3+s26+$0x0] =	vst.idx.add.f32.msk $0xffff, v13  }
0x97: {  	[tilespmem:v1+s26+$0x0] =	vst.idx.add.f32.msk $0xffff, v13  }
0x98: {  	[tilespmem:s21], [sflag:$0x2] =	stream.linear.gather [hbm4b:s8+s2], $0x4000, $0x38;
	[tilespmem:$0x11800] =	vst v63  }
0x99: {  	_ =	swait.ge [sflag:s25], $0x4000  }
0x9a: {  	[sflag:s25] =	ssyncset.done $0x0  }
0x9b: {  	s18 =	simm.s32 $0x20;
	[sflag:s25] =	ssyncadd.s32 $0xFFFFC000  }
0x9c: {  	v1 =	vld [tilespmem:s18+$0xFFFFFFF0]  }
0x9d: {  	v0 =	vld [tilespmem:s18+$0x10];
	_ =	sdelay $0x1  }
0x9e: {  	v3 =	vld [tilespmem:s18+$0x0];
	_ =	sdelay $0x1  }
0x9f: {  	v4 =	vshra.s32 v1, $0x8;
	v1 =	vld [tilespmem:s18+$0xFFFFFFE0]  }
0xa0: {  	v0 =	vshra.s32 v0, $0x8  }
0xa1: {  	v2 =	vadd.s32 v7, v0  }
0xa2: {  	s17 =	simm.s32 $0x0;
	v3 =	vshra.s32 v3, $0x8;
	s18 =	simm.s32 $0x60;
	v0 =	vadd.s32 v7, v4  }
.LBB2_12:
0xa3: {  	v4 =	vld [tilespmem:s18+$0x10];
	s17 =	sadd.s32 $0x4, s17;
	v3 =	vadd.s32 v7, v3  }
0xa4: {  	v5 =	vld [tilespmem:s18+$0xFFFFFFF0];
	p1 =	slt.u32 s17, $0x3FC;
	v1 =	vshra.s32 v1, $0x8  }
0xa5: {  	v6 =	vld [tilespmem:s18+$0x0];
	v8 =	vadd.s32 v7, v1  }
.Ltmp5:
0xa6: {  	[tilespmem:v2+s26+$0x0] =	vst.idx.add.f32.msk $0xffff, v13;
	(pc) =	sbr.rel @p1 .LBB2_12-.Ltmp5, $4  }
0xa7: {  	v1 =	vld [tilespmem:s18+$0xFFFFFFE0]  }
0xa8: {  	v2 =	vshra.s32 v4, $0x8;
	[tilespmem:v0+s26+$0x0] =	vst.idx.add.f32.msk $0xffff, v13  }
0xa9: {  	v0 =	vshra.s32 v5, $0x8;
	v2 =	vadd.s32 v7, v2;
	[tilespmem:v3+s26+$0x0] =	vst.idx.add.f32.msk $0xffff, v13  }
0xaa: {  	s18 =	sadd.s32 $0x40, s18;
	v0 =	vadd.s32 v7, v0;
	v3 =	vshra.s32 v6, $0x8;
	[tilespmem:v8+s26+$0x0] =	vst.idx.add.f32.msk $0xffff, v13  }
0xab: {  	_ = 	snop  }
0xac: {  	v3 =	vadd.s32 v7, v3;
	v1 =	vshra.s32 v1, $0x8  }
0xad: {  	v1 =	vadd.s32 v7, v1;
	_ =	sdelay $0x1  }
0xae: {  	[tilespmem:v2+s26+$0x0] =	vst.idx.add.f32.msk $0xffff, v13  }
0xaf: {  	[tilespmem:v0+s26+$0x0] =	vst.idx.add.f32.msk $0xffff, v13  }
0xb0: {  	[tilespmem:v3+s26+$0x0] =	vst.idx.add.f32.msk $0xffff, v13  }
0xb1: {  	[tilespmem:v1+s26+$0x0] =	vst.idx.add.f32.msk $0xffff, v13  }
0xb2: {  	[tilespmem:s2], [sflag:$0x1] =	stream.linear.gather [hbm4b:s9+s2], $0x4000, $0x38;
	[tilespmem:$0x11800] =	vst v63  }
0xb3: {  	_ =	swait.ge [sflag:s28], $0x4000  }
0xb4: {  	[sflag:s28] =	ssyncset.done $0x0  }
0xb5: {  	s18 =	simm.s32 $0x4020;
	[sflag:s28] =	ssyncadd.s32 $0xFFFFC000  }
0xb6: {  	v1 =	vld [tilespmem:s18+$0xFFFFFFF0]  }
0xb7: {  	v0 =	vld [tilespmem:s18+$0x10];
	_ =	sdelay $0x1  }
0xb8: {  	v3 =	vld [tilespmem:s18+$0x0];
	_ =	sdelay $0x1  }
0xb9: {  	v4 =	vshra.s32 v1, $0x8;
	v1 =	vld [tilespmem:s18+$0xFFFFFFE0]  }
0xba: {  	v0 =	vshra.s32 v0, $0x8  }
0xbb: {  	v2 =	vadd.s32 v7, v0  }
0xbc: {  	s17 =	simm.s32 $0x0;
	v3 =	vshra.s32 v3, $0x8;
	s18 =	simm.s32 $0x4060;
	v0 =	vadd.s32 v7, v4  }
.LBB2_14:
0xbd: {  	v4 =	vld [tilespmem:s18+$0x10];
	s17 =	sadd.s32 $0x4, s17;
	v3 =	vadd.s32 v7, v3  }
0xbe: {  	v5 =	vld [tilespmem:s18+$0xFFFFFFF0];
	p1 =	slt.u32 s17, $0x3FC;
	v1 =	vshra.s32 v1, $0x8  }
0xbf: {  	v6 =	vld [tilespmem:s18+$0x0];
	v8 =	vadd.s32 v7, v1  }
.Ltmp6:
0xc0: {  	[tilespmem:v2+s26+$0x0] =	vst.idx.add.f32.msk $0xffff, v13;
	(pc) =	sbr.rel @p1 .LBB2_14-.Ltmp6, $4  }
0xc1: {  	v1 =	vld [tilespmem:s18+$0xFFFFFFE0]  }
0xc2: {  	v2 =	vshra.s32 v4, $0x8;
	[tilespmem:v0+s26+$0x0] =	vst.idx.add.f32.msk $0xffff, v13  }
0xc3: {  	v0 =	vshra.s32 v5, $0x8;
	v2 =	vadd.s32 v7, v2;
	[tilespmem:v3+s26+$0x0] =	vst.idx.add.f32.msk $0xffff, v13  }
0xc4: {  	s18 =	sadd.s32 $0x40, s18;
	v0 =	vadd.s32 v7, v0;
	v3 =	vshra.s32 v6, $0x8;
	[tilespmem:v8+s26+$0x0] =	vst.idx.add.f32.msk $0xffff, v13  }
0xc5: {  	_ = 	snop  }
0xc6: {  	v3 =	vadd.s32 v7, v3;
	v1 =	vshra.s32 v1, $0x8  }
0xc7: {  	v1 =	vadd.s32 v7, v1;
	_ =	sdelay $0x1  }
0xc8: {  	[tilespmem:v2+s26+$0x0] =	vst.idx.add.f32.msk $0xffff, v13  }
0xc9: {  	[tilespmem:v0+s26+$0x0] =	vst.idx.add.f32.msk $0xffff, v13  }
0xca: {  	[tilespmem:v3+s26+$0x0] =	vst.idx.add.f32.msk $0xffff, v13  }
0xcb: {  	[tilespmem:v1+s26+$0x0] =	vst.idx.add.f32.msk $0xffff, v13  }
0xcc: {  	[tilespmem:s21], [sflag:$0x2] =	stream.linear.gather [hbm4b:s10+s2], $0x4000, $0x38;
	[tilespmem:$0x11800] =	vst v63  }
0xcd: {  	_ =	swait.ge [sflag:s25], $0x4000  }
0xce: {  	[sflag:s25] =	ssyncset.done $0x0  }
0xcf: {  	s18 =	simm.s32 $0x20;
	[sflag:s25] =	ssyncadd.s32 $0xFFFFC000  }
0xd0: {  	v1 =	vld [tilespmem:s18+$0xFFFFFFF0]  }
0xd1: {  	v0 =	vld [tilespmem:s18+$0x10];
	_ =	sdelay $0x1  }
0xd2: {  	v3 =	vld [tilespmem:s18+$0x0];
	_ =	sdelay $0x1  }
0xd3: {  	v4 =	vshra.s32 v1, $0x8;
	v1 =	vld [tilespmem:s18+$0xFFFFFFE0]  }
0xd4: {  	v0 =	vshra.s32 v0, $0x8  }
0xd5: {  	v2 =	vadd.s32 v7, v0  }
0xd6: {  	s17 =	simm.s32 $0x0;
	v3 =	vshra.s32 v3, $0x8;
	s18 =	simm.s32 $0x60;
	v0 =	vadd.s32 v7, v4  }
.LBB2_16:
0xd7: {  	v4 =	vld [tilespmem:s18+$0x10];
	s17 =	sadd.s32 $0x4, s17;
	v3 =	vadd.s32 v7, v3  }
0xd8: {  	v5 =	vld [tilespmem:s18+$0xFFFFFFF0];
	p1 =	slt.u32 s17, $0x3FC;
	v1 =	vshra.s32 v1, $0x8  }
0xd9: {  	v6 =	vld [tilespmem:s18+$0x0];
	v8 =	vadd.s32 v7, v1  }
.Ltmp7:
0xda: {  	[tilespmem:v2+s26+$0x0] =	vst.idx.add.f32.msk $0xffff, v13;
	(pc) =	sbr.rel @p1 .LBB2_16-.Ltmp7, $4  }
0xdb: {  	v1 =	vld [tilespmem:s18+$0xFFFFFFE0]  }
0xdc: {  	v2 =	vshra.s32 v4, $0x8;
	[tilespmem:v0+s26+$0x0] =	vst.idx.add.f32.msk $0xffff, v13  }
0xdd: {  	v0 =	vshra.s32 v5, $0x8;
	v2 =	vadd.s32 v7, v2;
	[tilespmem:v3+s26+$0x0] =	vst.idx.add.f32.msk $0xffff, v13  }
0xde: {  	s18 =	sadd.s32 $0x40, s18;
	v0 =	vadd.s32 v7, v0;
	v3 =	vshra.s32 v6, $0x8;
	[tilespmem:v8+s26+$0x0] =	vst.idx.add.f32.msk $0xffff, v13  }
0xdf: {  	_ = 	snop  }
0xe0: {  	v3 =	vadd.s32 v7, v3;
	v1 =	vshra.s32 v1, $0x8  }
0xe1: {  	v1 =	vadd.s32 v7, v1;
	_ =	sdelay $0x1  }
0xe2: {  	[tilespmem:v2+s26+$0x0] =	vst.idx.add.f32.msk $0xffff, v13  }
0xe3: {  	[tilespmem:v0+s26+$0x0] =	vst.idx.add.f32.msk $0xffff, v13  }
0xe4: {  	[tilespmem:v3+s26+$0x0] =	vst.idx.add.f32.msk $0xffff, v13  }
0xe5: {  	[tilespmem:v1+s26+$0x0] =	vst.idx.add.f32.msk $0xffff, v13  }
0xe6: {  	_ =	swait.ge [sflag:s28], $0x4000  }
0xe7: {  	[sflag:s28] =	ssyncset.done $0x0  }
0xe8: {  	s18 =	simm.s32 $0x4020;
	[sflag:s28] =	ssyncadd.s32 $0xFFFFC000  }
0xe9: {  	v1 =	vld [tilespmem:s18+$0xFFFFFFF0]  }
0xea: {  	v0 =	vld [tilespmem:s18+$0x10];
	_ =	sdelay $0x1  }
0xeb: {  	v3 =	vld [tilespmem:s18+$0x0];
	_ =	sdelay $0x1  }
0xec: {  	v4 =	vshra.s32 v1, $0x8;
	v1 =	vld [tilespmem:s18+$0xFFFFFFE0]  }
0xed: {  	v0 =	vshra.s32 v0, $0x8  }
0xee: {  	v2 =	vadd.s32 v7, v0  }
0xef: {  	s17 =	simm.s32 $0x0;
	v3 =	vshra.s32 v3, $0x8;
	s18 =	simm.s32 $0x4060;
	v0 =	vadd.s32 v7, v4  }
.LBB2_18:
0xf0: {  	v4 =	vld [tilespmem:s18+$0x10];
	s17 =	sadd.s32 $0x4, s17;
	v3 =	vadd.s32 v7, v3  }
0xf1: {  	v5 =	vld [tilespmem:s18+$0xFFFFFFF0];
	p1 =	slt.u32 s17, $0x3FC;
	v1 =	vshra.s32 v1, $0x8  }
0xf2: {  	v6 =	vld [tilespmem:s18+$0x0];
	v8 =	vadd.s32 v7, v1  }
.Ltmp8:
0xf3: {  	[tilespmem:v2+s26+$0x0] =	vst.idx.add.f32.msk $0xffff, v13;
	(pc) =	sbr.rel @p1 .LBB2_18-.Ltmp8, $4  }
0xf4: {  	v1 =	vld [tilespmem:s18+$0xFFFFFFE0]  }
0xf5: {  	v2 =	vshra.s32 v4, $0x8;
	[tilespmem:v0+s26+$0x0] =	vst.idx.add.f32.msk $0xffff, v13  }
0xf6: {  	v0 =	vshra.s32 v5, $0x8;
	v2 =	vadd.s32 v7, v2;
	[tilespmem:v3+s26+$0x0] =	vst.idx.add.f32.msk $0xffff, v13  }
0xf7: {  	s18 =	sadd.s32 $0x40, s18;
	v0 =	vadd.s32 v7, v0;
	v3 =	vshra.s32 v6, $0x8;
	[tilespmem:v8+s26+$0x0] =	vst.idx.add.f32.msk $0xffff, v13  }
0xf8: {  	_ = 	snop  }
0xf9: {  	v3 =	vadd.s32 v7, v3;
	v1 =	vshra.s32 v1, $0x8  }
0xfa: {  	v1 =	vadd.s32 v7, v1;
	_ =	sdelay $0x1  }
0xfb: {  	[tilespmem:v2+s26+$0x0] =	vst.idx.add.f32.msk $0xffff, v13  }
0xfc: {  	[tilespmem:v0+s26+$0x0] =	vst.idx.add.f32.msk $0xffff, v13  }
0xfd: {  	[tilespmem:v3+s26+$0x0] =	vst.idx.add.f32.msk $0xffff, v13  }
0xfe: {  	[tilespmem:v1+s26+$0x0] =	vst.idx.add.f32.msk $0xffff, v13  }
0xff: {  	v24 =	vld [tilespmem:$0x10000]  }
0x100: {  	v26 =	vld [tilespmem:$0x10100]  }
0x101: {  	v32 =	vld [tilespmem:$0x10200]  }
0x102: {  	v39 =	vld [tilespmem:$0x10300]  }
0x103: {  	v43 =	vld [tilespmem:$0x10400]  }
0x104: {  	v52 =	vld [tilespmem:$0x10500]  }
0x105: {  	v59 =	vld [tilespmem:$0x10600]  }
0x106: {  	v0 =	vld [tilespmem:$0x10700]  }
0x107: {  	v58 =	vld [tilespmem:$0x10800]  }
0x108: {  	v60 =	vld [tilespmem:$0x10900]  }
0x109: {  	v61 =	vld [tilespmem:$0x10A00]  }
0x10a: {  	v62 =	vld [tilespmem:$0x10B00]  }
0x10b: {  	v63 =	vld [tilespmem:$0x10C00]  }
0x10c: {  	v16 =	vld [tilespmem:$0x10D00]  }
0x10d: {  	v17 =	vld [tilespmem:$0x10E00]  }
0x10e: {  	v25 =	vld [tilespmem:$0x10F00]  }
0x10f: {  	v11 =	vld [tilespmem:$0x10010]  }
0x110: {  	v14 =	vld [tilespmem:$0x10110]  }
0x111: {  	v19 =	vld [tilespmem:$0x10210]  }
0x112: {  	v22 =	vld [tilespmem:$0x10310]  }
0x113: {  	v30 =	vld [tilespmem:$0x10410]  }
0x114: {  	v36 =	vld [tilespmem:$0x10510]  }
0x115: {  	v42 =	vld [tilespmem:$0x10610]  }
0x116: {  	v47 =	vld [tilespmem:$0x10710]  }
0x117: {  	v55 =	vld [tilespmem:$0x10810]  }
0x118: {  	v27 =	vld [tilespmem:$0x10A10]  }
0x119: {  	v28 =	vld [tilespmem:$0x10B10]  }
0x11a: {  	v29 =	vld [tilespmem:$0x10C10]  }
0x11b: {  	v31 =	vld [tilespmem:$0x10D10]  }
0x11c: {  	v33 =	vld [tilespmem:$0x10E10]  }
0x11d: {  	v34 =	vld [tilespmem:$0x10F10]  }
0x11e: {  	v3 =	vld [tilespmem:$0x10020]  }
0x11f: {  	v5 =	vld [tilespmem:$0x10120]  }
0x120: {  	v8 =	vld [tilespmem:$0x10220]  }
0x121: {  	v12 =	vld [tilespmem:$0x10320]  }
0x122: {  	v21 =	vld [tilespmem:$0x10520]  }
0x123: {  	v38 =	vld [tilespmem:$0x10820]  }
0x124: {  	v45 =	vld [tilespmem:$0x10920]  }
0x125: {  	v53 =	vld [tilespmem:$0x10A20]  }
0x126: {  	v35 =	vld [tilespmem:$0x10C20]  }
0x127: {  	v37 =	vld [tilespmem:$0x10D20]  }
0x128: {  	v40 =	vld [tilespmem:$0x10E20]  }
0x129: {  	v41 =	vld [tilespmem:$0x10F20]  }
0x12a: {  	v1 =	vld [tilespmem:$0x10130];
	[tilespmem:$0x1F980] =	vst v0  }
0x12b: {  	v2 =	vld [tilespmem:$0x10230];
	[tilespmem:$0x1F990] =	vst v58  }
0x12c: {  	v4 =	vld [tilespmem:$0x10330];
	[tilespmem:$0x1F9A0] =	vst v60  }
0x12d: {  	v6 =	vld [tilespmem:$0x10430];
	[tilespmem:$0x1F9B0] =	vst v61  }
0x12e: {  	v9 =	vld [tilespmem:$0x10530];
	[tilespmem:$0x1F9D0] =	vst v62  }
0x12f: {  	v15 =	vld [tilespmem:$0x10630];
	[tilespmem:$0x1F9F0] =	vst v63  }
0x130: {  	v18 =	vld [tilespmem:$0x10730];
	[tilespmem:$0x1FA10] =	vst v16  }
0x131: {  	v23 =	vld [tilespmem:$0x10830];
	[tilespmem:$0x1FA40] =	vst v17  }
0x132: {  	v48 =	vld [tilespmem:$0x10C30];
	[tilespmem:$0x1FA70] =	vst v25  }
0x133: {  	v54 =	vld [tilespmem:$0x10D30];
	[tilespmem:$0x1F9C0] =	vst v27  }
0x134: {  	v44 =	vld [tilespmem:$0x10F30];
	[tilespmem:$0x1F9E0] =	vst v28  }
0x135: {  	v46 =	vld [tilespmem:$0x10040];
	[tilespmem:$0x1FA00] =	vst v29  }
0x136: {  	v49 =	vld [tilespmem:$0x10140];
	[tilespmem:$0x1FA30] =	vst v31  }
0x137: {  	v50 =	vld [tilespmem:$0x10240];
	[tilespmem:$0x1FA60] =	vst v33  }
0x138: {  	v51 =	vld [tilespmem:$0x10340];
	[tilespmem:$0x1FA90] =	vst v34  }
0x139: {  	v56 =	vld [tilespmem:$0x10440];
	[tilespmem:$0x1FA20] =	vst v35  }
0x13a: {  	v57 =	vld [tilespmem:$0x10540];
	[tilespmem:$0x1FA50] =	vst v37  }
0x13b: {  	v63 =	vld [tilespmem:$0x10910];
	[tilespmem:$0x1FA80] =	vst v40  }
0x13c: {  	v17 =	vld [tilespmem:$0x10420];
	[tilespmem:$0x1FAB0] =	vst v41  }
0x13d: {  	v27 =	vld [tilespmem:$0x10620];
	[tilespmem:$0x1FAD0] =	vst v44  }
0x13e: {  	v33 =	vld [tilespmem:$0x10720];
	[tilespmem:$0x1FAC0] =	vst v46  }
0x13f: {  	v16 =	vld [tilespmem:$0x10E30];
	[tilespmem:$0x1FAE0] =	vst v49  }
0x140: {  	[tilespmem:$0x1FAF0] =	vst v50;
	v58 =	vld [tilespmem:$0x10640]  }
0x141: {  	v60 =	vld [tilespmem:$0x10B20];
	[tilespmem:$0x1FB00] =	vst v51  }
0x142: {  	v0 =	vld [tilespmem:$0x10030];
	[tilespmem:$0x1FB20] =	vst v56  }
0x143: {  	v28 =	vld [tilespmem:$0x10930];
	[tilespmem:$0x1FB40] =	vst v57  }
0x144: {  	v34 =	vld [tilespmem:$0x10A30];
	[tilespmem:$0x1FAA0] =	vst v16  }
0x145: {  	v40 =	vld [tilespmem:$0x10B30];
	[tilespmem:$0x1FB60] =	vst v58  }
0x146: {  	v16 =	vld [tilespmem:$0x10740]  }
0x147: {  	v61 =	vld [tilespmem:$0x10840]  }
0x148: {  	v62 =	vld [tilespmem:$0x10940]  }
0x149: {  	v25 =	vld [tilespmem:$0x10A40]  }
0x14a: {  	v29 =	vld [tilespmem:$0x10B40]  }
0x14b: {  	v31 =	vld [tilespmem:$0x10C40]  }
0x14c: {  	v35 =	vld [tilespmem:$0x10D40]  }
0x14d: {  	v37 =	vld [tilespmem:$0x10E40]  }
0x14e: {  	v41 =	vld [tilespmem:$0x10F40]  }
0x14f: {  	v46 =	vld [tilespmem:$0x10050]  }
0x150: {  	[tilespmem:$0x1FBB0] =	vst v61;
	v61 =	vld [tilespmem:$0x10850]  }
0x151: {  	v51 =	vld [tilespmem:$0x10150]  }
0x152: {  	v57 =	vld [tilespmem:$0x10250]  }
0x153: {  	v44 =	vld [tilespmem:$0x10350]  }
0x154: {  	v49 =	vld [tilespmem:$0x10450]  }
0x155: {  	[tilespmem:$0x1FBD0] =	vst v61;
	v61 =	vld [tilespmem:$0x10960]  }
0x156: {  	v3 =	vadd.f32 $0.0e+00, v3;
	v50 =	vld [tilespmem:$0x10550]  }
0x157: {  	v56 =	vld [tilespmem:$0x10650]  }
0x158: {  	v3 =	vadd.f32 v5, v3;
	v58 =	vld [tilespmem:$0x10750]  }
0x159: {  	v24 =	vadd.f32 $0.0e+00, v24;
	v11 =	vadd.f32 $0.0e+00, v11;
	v20 =	vld [tilespmem:$0x10170]  }
0x15a: {  	v3 =	vadd.f32 v8, v3;
	v0 =	vadd.f32 $0.0e+00, v0;
	[tilespmem:$0x1FC30] =	vst v61;
	v61 =	vld [tilespmem:$0x10870]  }
0x15b: {  	v24 =	vadd.f32 v26, v24;
	v11 =	vadd.f32 v14, v11;
	v14 =	vld [tilespmem:$0x10680]  }
0x15c: {  	v5 =	vld [tilespmem:$0x10780];
	v26 =	vadd.f32 v12, v3;
	v0 =	vadd.f32 v1, v0  }
0x15d: {  	v8 =	vld [tilespmem:$0x10980]  }
0x15e: {  	v0 =	vadd.f32 v2, v0;
	v2 =	vadd.f32 v17, v26;
	v17 =	vld [tilespmem:$0x1F9F0]  }
0x15f: {  	[tilespmem:$0x1FC10] =	vst v61;
	v61 =	vld [tilespmem:$0x10970]  }
0x160: {  	v26 =	vld [tilespmem:$0x1FA10]  }
0x161: {  	[tilespmem:$0x1FBE0] =	vst v62;
	v62 =	vld [tilespmem:$0x10950]  }
0x162: {  	[tilespmem:$0x1FC20] =	vst v25;
	v25 =	vld [tilespmem:$0x10A50]  }
0x163: {  	[tilespmem:$0x1FC60] =	vst v29;
	v29 =	vld [tilespmem:$0x10B50]  }
0x164: {  	[tilespmem:$0x1FC50] =	vst v61;
	v61 =	vld [tilespmem:$0x10A70]  }
0x165: {  	[tilespmem:$0x1FCA0] =	vst v31;
	v31 =	vld [tilespmem:$0x10C50]  }
0x166: {  	[tilespmem:$0x1FCE0] =	vst v35;
	v35 =	vld [tilespmem:$0x10D50]  }
0x167: {  	[tilespmem:$0x1FD20] =	vst v37;
	v37 =	vld [tilespmem:$0x10E50]  }
0x168: {  	[tilespmem:$0x1FD60] =	vst v41;
	v41 =	vld [tilespmem:$0x10F50]  }
0x169: {  	[tilespmem:$0x1FC90] =	vst v61;
	v61 =	vld [tilespmem:$0x10B70]  }
0x16a: {  	[tilespmem:$0x1FB30] =	vst v49;
	v49 =	vld [tilespmem:$0x10360]  }
0x16b: {  	[tilespmem:$0x1FB70] =	vst v56;
	v56 =	vld [tilespmem:$0x10460]  }
0x16c: {  	[tilespmem:$0x1FB10] =	vst v44;
	v44 =	vld [tilespmem:$0x10660]  }
0x16d: {  	[tilespmem:$0x1FB50] =	vst v50;
	v50 =	vld [tilespmem:$0x10760]  }
0x16e: {  	[tilespmem:$0x1FCD0] =	vst v61;
	v61 =	vld [tilespmem:$0x10C70]  }
0x16f: {  	[tilespmem:$0x1FBA0] =	vst v58;
	v58 =	vld [tilespmem:$0x10860]  }
0x170: {  	[tilespmem:$0x1FB80] =	vst v16;
	v16 =	vld [tilespmem:$0x10070]  }
0x171: {  	[tilespmem:$0x1FE20] =	vst v14;
	v14 =	vadd.f32 v32, v24;
	v32 =	vld [tilespmem:$0x10880]  }
0x172: {  	v24 =	vld [tilespmem:$0x10A80]  }
0x173: {  	[tilespmem:$0x1FD10] =	vst v61;
	v61 =	vld [tilespmem:$0x10D70]  }
0x174: {  	v0 =	vadd.f32 v4, v0;
	v4 =	vld [tilespmem:$0x10C80]  }
0x175: {  	v2 =	vadd.f32 v21, v2;
	v21 =	vld [tilespmem:$0x10290]  }
0x176: {  	[tilespmem:$0x1FE30] =	vst v5;
	v5 =	vadd.f32 v19, v11;
	v11 =	vld [tilespmem:$0x100A0]  }
0x177: {  	v0 =	vadd.f32 v6, v0;
	v6 =	vld [tilespmem:$0x10090]  }
0x178: {  	[tilespmem:$0x1FD50] =	vst v61;
	v61 =	vld [tilespmem:$0x10E70]  }
0x179: {  	v5 =	vadd.f32 v22, v5;
	v22 =	vld [tilespmem:$0x10690];
	[tilespmem:$0x1FC00] =	vst v62  }
0x17a: {  	[tilespmem:$0x1FC80] =	vst v29;
	v29 =	vld [tilespmem:$0x10060]  }
0x17b: {  	[tilespmem:$0x1FE80] =	vst v4;
	v4 =	vld [tilespmem:$0x10D80]  }
0x17c: {  	[tilespmem:$0x1FD00] =	vst v35;
	v35 =	vld [tilespmem:$0x10160]  }
0x17d: {  	[tilespmem:$0x1FD90] =	vst v61;
	v61 =	vld [tilespmem:$0x10F70]  }
0x17e: {  	[tilespmem:$0x1FD80] =	vst v41;
	v41 =	vld [tilespmem:$0x10260]  }
0x17f: {  	[tilespmem:$0x1FC40] =	vst v25;
	v62 =	vld [tilespmem:$0x10560]  }
0x180: {  	[tilespmem:$0x1FE90] =	vst v4;
	v4 =	vld [tilespmem:$0x10E80]  }
0x181: {  	[tilespmem:$0x1FCC0] =	vst v31;
	v25 =	vld [tilespmem:$0x10A60]  }
0x182: {  	[tilespmem:$0x1FDC0] =	vst v61;
	v61 =	vld [tilespmem:$0x10080]  }
0x183: {  	[tilespmem:$0x1FD40] =	vst v37;
	v31 =	vld [tilespmem:$0x10B60]  }
0x184: {  	[tilespmem:$0x1FB90] =	vst v44;
	v37 =	vld [tilespmem:$0x10C60]  }
0x185: {  	[tilespmem:$0x1FEA0] =	vst v4;
	v4 =	vld [tilespmem:$0x10F80]  }
0x186: {  	[tilespmem:$0x1FBC0] =	vst v50;
	v44 =	vld [tilespmem:$0x10D60]  }
0x187: {  	[tilespmem:$0x1FDB0] =	vst v61;
	v61 =	vld [tilespmem:$0x10180]  }
0x188: {  	[tilespmem:$0x1FBF0] =	vst v58;
	v50 =	vld [tilespmem:$0x10E60]  }
0x189: {  	v58 =	vld [tilespmem:$0x10F60];
	[tilespmem:$0x1FE40] =	vst v32  }
0x18a: {  	v32 =	vld [tilespmem:$0x10B80];
	[tilespmem:$0x1FEB0] =	vst v4;
	v4 =	vadd.f32 v9, v0  }
0x18b: {  	[tilespmem:$0x1FE60] =	vst v24;
	v24 =	vld [tilespmem:$0x1FA00]  }
0x18c: {  	v4 =	vadd.f32 v15, v4;
	[tilespmem:$0x1FDD0] =	vst v61;
	v61 =	vld [tilespmem:$0x10280]  }
0x18d: {  	v12 =	vadd.f32 $0.0e+00, v16;
	v16 =	vld [tilespmem:$0x1FAF0]  }
0x18e: {  	[tilespmem:$0x1FC70] =	vst v25;
	v25 =	vld [tilespmem:$0x10270];
	v4 =	vadd.f32 v18, v4  }
0x18f: {  	[tilespmem:$0x1FCB0] =	vst v31;
	v31 =	vld [tilespmem:$0x10370]  }
0x190: {  	[tilespmem:$0x1FCF0] =	vst v37;
	v37 =	vld [tilespmem:$0x10470];
	v4 =	vadd.f32 v23, v4  }
0x191: {  	[tilespmem:$0x1FDE0] =	vst v61;
	v61 =	vld [tilespmem:$0x10380]  }
0x192: {  	[tilespmem:$0x1FD30] =	vst v44;
	v44 =	vld [tilespmem:$0x10570];
	v4 =	vadd.f32 v28, v4  }
0x193: {  	[tilespmem:$0x1FD70] =	vst v50;
	v50 =	vld [tilespmem:$0x10670]  }
0x194: {  	[tilespmem:$0x1FDA0] =	vst v58;
	v58 =	vld [tilespmem:$0x10770];
	v4 =	vadd.f32 v34, v4  }
0x195: {  	[tilespmem:$0x1FE70] =	vst v32;
	v32 =	vld [tilespmem:$0x1FA40]  }
0x196: {  	v4 =	vadd.f32 v40, v4;
	[tilespmem:$0x1FDF0] =	vst v61;
	v61 =	vld [tilespmem:$0x10480]  }
0x197: {  	v15 =	vld [tilespmem:$0x101A0]  }
0x198: {  	v23 =	vld [tilespmem:$0x10B90];
	v4 =	vadd.f32 v48, v4  }
0x199: {  	v28 =	vld [tilespmem:$0x1FA20]  }
0x19a: {  	v4 =	vadd.f32 v54, v4;
	v54 =	vld [tilespmem:$0x1FAA0]  }
0x19b: {  	[tilespmem:$0x1FE00] =	vst v61;
	v61 =	vld [tilespmem:$0x10580]  }
0x19c: {  	v34 =	vld [tilespmem:$0x10A90]  }
0x19d: {  	v40 =	vld [tilespmem:$0x10D90]  }
0x19e: {  	v11 =	vadd.f32 $0.0e+00, v11;
	v48 =	vld [tilespmem:$0x1FA80]  }
0x19f: {  	v4 =	vadd.f32 v54, v4;
	v54 =	vld [tilespmem:$0x1FB80]  }
0x1a0: {  	v11 =	vadd.f32 v15, v11;
	v15 =	vld [tilespmem:$0x1FDF0];
	[tilespmem:$0x1FE10] =	vst v61;
	v61 =	vadd.f32 v39, v14  }
0x1a1: {  	v39 =	vadd.f32 v30, v5;
	v5 =	vadd.f32 v27, v2;
	v2 =	vld [tilespmem:$0x10190]  }
0x1a2: {  	v12 =	vadd.f32 v20, v12;
	v27 =	vld [tilespmem:$0x10C90]  }
0x1a3: {  	v30 =	vld [tilespmem:$0x1FA30]  }
0x1a4: {  	v14 =	vadd.f32 v25, v12;
	v12 =	vld [tilespmem:$0x10AA0]  }
0x1a5: {  	v25 =	vld [tilespmem:$0x1FB20]  }
0x1a6: {  	v1 =	vadd.f32 v43, v61;
	v43 =	vld [tilespmem:$0x1F980]  }
0x1a7: {  	[tilespmem:$0x1FE50] =	vst v8;
	v8 =	vadd.f32 v33, v5;
	v5 =	vld [tilespmem:$0x10390]  }
0x1a8: {  	v3 =	vadd.f32 v36, v39;
	v39 =	vld [tilespmem:$0x10590]  }
0x1a9: {  	v36 =	vld [tilespmem:$0x10790]  }
0x1aa: {  	v33 =	vld [tilespmem:$0x10890]  }
0x1ab: {  	v61 =	vld [tilespmem:$0x1F9D0]  }
0x1ac: {  	v1 =	vadd.f32 v52, v1;
	v52 =	vld [tilespmem:$0x1F9A0]  }
0x1ad: {  	v3 =	vadd.f32 v42, v3;
	v8 =	vadd.f32 v38, v8;
	v38 =	vld [tilespmem:$0x10990]  }
0x1ae: {  	v42 =	vld [tilespmem:$0x1FA50]  }
0x1af: {  	v3 =	vadd.f32 v47, v3;
	v47 =	vld [tilespmem:$0x1F990]  }
0x1b0: {  	v1 =	vadd.f32 v59, v1;
	v59 =	vld [tilespmem:$0x1F9C0]  }
0x1b1: {  	v6 =	vadd.f32 $0.0e+00, v6;
	v8 =	vadd.f32 v45, v8;
	v45 =	vld [tilespmem:$0x1FA60]  }
0x1b2: {  	v9 =	vadd.f32 v55, v3;
	v3 =	vld [tilespmem:$0x10490]  }
0x1b3: {  	v2 =	vadd.f32 v2, v6;
	v55 =	vld [tilespmem:$0x1F9B0]  }
0x1b4: {  	v1 =	vadd.f32 v43, v1;
	v8 =	vadd.f32 v53, v8;
	v43 =	vld [tilespmem:$0x10E90]  }
0x1b5: {  	v2 =	vadd.f32 v21, v2;
	v53 =	vld [tilespmem:$0x1FA90]  }
0x1b6: {  	v9 =	vadd.f32 v63, v9;
	v63 =	vld [tilespmem:$0x1F9E0];
	v8 =	vadd.f32 v60, v8  }
0x1b7: {  	v1 =	vadd.f32 v47, v1;
	v47 =	vld [tilespmem:$0x1FA70]  }
0x1b8: {  	v2 =	vadd.f32 v5, v2;
	v8 =	vadd.f32 v28, v8;
	v28 =	vld [tilespmem:$0x10F90]  }
0x1b9: {  	v9 =	vadd.f32 v59, v9;
	v59 =	vld [tilespmem:$0x1FAC0]  }
0x1ba: {  	v1 =	vadd.f32 v52, v1;
	v2 =	vadd.f32 v3, v2;
	v3 =	vld [tilespmem:$0x10CC0]  }
0x1bb: {  	v8 =	vadd.f32 v42, v8;
	v42 =	vld [tilespmem:$0x102A0]  }
0x1bc: {  	v1 =	vadd.f32 v55, v1;
	v55 =	vld [tilespmem:$0x1FAB0]  }
0x1bd: {  	v9 =	vadd.f32 v63, v9;
	v63 =	vld [tilespmem:$0x1FAE0]  }
0x1be: {  	v39 =	vadd.f32 v39, v2;
	v2 =	vld [tilespmem:$0x10FC0]  }
0x1bf: {  	v52 =	vadd.f32 v48, v8;
	v8 =	vadd.f32 $0.0e+00, v29;
	v29 =	vld [tilespmem:$0x105A0]  }
0x1c0: {  	v48 =	vadd.f32 v31, v14;
	v14 =	vld [tilespmem:$0x10CA0]  }
0x1c1: {  	v31 =	vld [tilespmem:$0x101B0]  }
0x1c2: {  	v1 =	vadd.f32 v61, v1;
	v61 =	vld [tilespmem:$0x1FAD0]  }
0x1c3: {  	v9 =	vadd.f32 v24, v9;
	v24 =	vld [tilespmem:$0x1FB10]  }
0x1c4: {  	v60 =	vadd.f32 $0.0e+00, v59;
	v59 =	vld [tilespmem:$0x1FBC0]  }
0x1c5: {  	v8 =	vadd.f32 v35, v8;
	v35 =	vld [tilespmem:$0x1FB30]  }
0x1c6: {  	v20 =	vadd.f32 v37, v48;
	v37 =	vld [tilespmem:$0x103B0]  }
0x1c7: {  	v48 =	vld [tilespmem:$0x1FC10]  }
0x1c8: {  	v22 =	vadd.f32 v22, v39;
	v1 =	vadd.f32 v17, v1;
	v17 =	vld [tilespmem:$0x1FB00]  }
0x1c9: {  	v42 =	vadd.f32 v42, v11;
	v11 =	vld [tilespmem:$0x109C0]  }
0x1ca: {  	v9 =	vadd.f32 v30, v9;
	v22 =	vadd.f32 v36, v22;
	v36 =	vld [tilespmem:$0x102D0]  }
0x1cb: {  	v20 =	vadd.f32 v44, v20;
	v44 =	vld [tilespmem:$0x105B0]  }
0x1cc: {  	v8 =	vadd.f32 v41, v8;
	v9 =	vadd.f32 v45, v9;
	v45 =	vld [tilespmem:$0x103A0]  }
0x1cd: {  	v1 =	vadd.f32 v26, v1;
	v26 =	vld [tilespmem:$0x109A0]  }
0x1ce: {  	v8 =	vadd.f32 v49, v8;
	v49 =	vld [tilespmem:$0x1FB40]  }
0x1cf: {  	v20 =	vadd.f32 v50, v20;
	v50 =	vld [tilespmem:$0x1FC30]  }
0x1d0: {  	v30 =	vadd.f32 v53, v9;
	v9 =	vld [tilespmem:$0x107A0]  }
0x1d1: {  	v22 =	vadd.f32 v33, v22;
	v1 =	vadd.f32 v32, v1;
	v32 =	vld [tilespmem:$0x108A0]  }
0x1d2: {  	v53 =	vld [tilespmem:$0x1FB70]  }
0x1d3: {  	v22 =	vadd.f32 v38, v22;
	v38 =	vld [tilespmem:$0x106D0]  }
0x1d4: {  	v8 =	vadd.f32 v56, v8;
	v56 =	vld [tilespmem:$0x1FBA0]  }
0x1d5: {  	v20 =	vadd.f32 v58, v20;
	v58 =	vld [tilespmem:$0x1FCB0]  }
0x1d6: {  	v0 =	vadd.f32 v47, v1;
	v47 =	vld [tilespmem:$0x106A0]  }
0x1d7: {  	v1 =	vadd.f32 v63, v60;
	v60 =	vld [tilespmem:$0x1FBD0]  }
0x1d8: {  	v63 =	vld [tilespmem:$0x1FC00]  }
0x1d9: {  	v22 =	vadd.f32 v34, v22;
	v34 =	vld [tilespmem:$0x108D0]  }
0x1da: {  	v8 =	vadd.f32 v62, v8;
	v62 =	vld [tilespmem:$0x1FBF0]  }
0x1db: {  	v20 =	vadd.f32 v48, v20;
	v48 =	vld [tilespmem:$0x106B0]  }
0x1dc: {  	v1 =	vadd.f32 v16, v1;
	v16 =	vld [tilespmem:$0x10EA0]  }
0x1dd: {  	[tilespmem:$0x1FEC0] =	vst v0;
	v0 =	vadd.f32 v55, v52;
	v52 =	vld [tilespmem:$0x1FB60]  }
0x1de: {  	v55 =	vld [tilespmem:$0x1FB90]  }
0x1df: {  	[tilespmem:$0x1FED0] =	vst v0;
	v0 =	vadd.f32 v61, v4;
	v4 =	vadd.f32 $0.0e+00, v46;
	v46 =	vld [tilespmem:$0x104A0]  }
0x1e0: {  	v22 =	vadd.f32 v23, v22;
	v1 =	vadd.f32 v17, v1;
	v17 =	vld [tilespmem:$0x10FA0]  }
0x1e1: {  	v61 =	vld [tilespmem:$0x1FBE0]  }
0x1e2: {  	v22 =	vadd.f32 v27, v22;
	v27 =	vld [tilespmem:$0x10CD0]  }
0x1e3: {  	v4 =	vadd.f32 v51, v4;
	v51 =	vld [tilespmem:$0x1FB50]  }
0x1e4: {  	v1 =	vadd.f32 v25, v1;
	v25 =	vld [tilespmem:$0x100B0]  }
0x1e5: {  	[tilespmem:$0x1FEE0] =	vst v0;
	v0 =	vld [tilespmem:$0x1FDD0]  }
0x1e6: {  	v22 =	vadd.f32 v40, v22;
	v40 =	vld [tilespmem:$0x10ED0]  }
0x1e7: {  	v8 =	vadd.f32 v55, v8;
	v55 =	vld [tilespmem:$0x1FC80]  }
0x1e8: {  	v4 =	vadd.f32 v57, v4;
	v57 =	vld [tilespmem:$0x1FBB0]  }
0x1e9: {  	v1 =	vadd.f32 v49, v1;
	v49 =	vld [tilespmem:$0x1FC20]  }
0x1ea: {  	v22 =	vadd.f32 v43, v22;
	v43 =	vld [tilespmem:$0x10BE0]  }
0x1eb: {  	v8 =	vadd.f32 v59, v8;
	v59 =	vld [tilespmem:$0x1FCC0]  }
0x1ec: {  	v4 =	vadd.f32 v24, v4;
	v24 =	vld [tilespmem:$0x10BA0]  }
0x1ed: {  	v1 =	vadd.f32 v52, v1;
	v52 =	vld [tilespmem:$0x1FC50]  }
0x1ee: {  	v8 =	vadd.f32 v62, v8;
	v62 =	vld [tilespmem:$0x1FCF0]  }
0x1ef: {  	v6 =	vadd.f32 $0.0e+00, v25;
	v25 =	vld [tilespmem:$0x106C0]  }
0x1f0: {  	v41 =	vadd.f32 v35, v4;
	v4 =	vld [tilespmem:$0x10DA0]  }
0x1f1: {  	v35 =	vld [tilespmem:$0x102B0]  }
0x1f2: {  	v1 =	vadd.f32 v54, v1;
	v54 =	vld [tilespmem:$0x1FC70]  }
0x1f3: {  	v8 =	vadd.f32 v50, v8;
	v50 =	vld [tilespmem:$0x108B0]  }
0x1f4: {  	v6 =	vadd.f32 v31, v6;
	v31 =	vld [tilespmem:$0x108C0]  }
0x1f5: {  	v19 =	vadd.f32 v51, v41;
	v41 =	vld [tilespmem:$0x104B0]  }
0x1f6: {  	v51 =	vld [tilespmem:$0x1FC40]  }
0x1f7: {  	v1 =	vadd.f32 v57, v1;
	v57 =	vld [tilespmem:$0x1FCA0]  }
0x1f8: {  	v20 =	vadd.f32 v52, v20;
	v52 =	vld [tilespmem:$0x10AB0]  }
0x1f9: {  	v19 =	vadd.f32 v53, v19;
	v53 =	vld [tilespmem:$0x1FC60]  }
0x1fa: {  	v1 =	vadd.f32 v61, v1;
	v61 =	vld [tilespmem:$0x1FCE0]  }
0x1fb: {  	v45 =	vadd.f32 v45, v42;
	v8 =	vadd.f32 v54, v8;
	v54 =	vld [tilespmem:$0x10CB0]  }
0x1fc: {  	v5 =	vadd.f32 v35, v6;
	v6 =	vld [tilespmem:$0x1FE00]  }
0x1fd: {  	v35 =	vadd.f32 v46, v45;
	v45 =	vld [tilespmem:$0x1FE20]  }
0x1fe: {  	v1 =	vadd.f32 v49, v1;
	v49 =	vld [tilespmem:$0x107B0]  }
0x1ff: {  	v19 =	vadd.f32 v56, v19;
	v56 =	vld [tilespmem:$0x1FC90]  }
0x200: {  	v8 =	vadd.f32 v58, v8;
	v58 =	vld [tilespmem:$0x1FD30]  }
0x201: {  	v37 =	vadd.f32 v37, v5;
	v5 =	vld [tilespmem:$0x1FE10]  }
0x202: {  	v19 =	vadd.f32 v60, v19;
	v60 =	vld [tilespmem:$0x1FCD0]  }
0x203: {  	v1 =	vadd.f32 v53, v1;
	v53 =	vld [tilespmem:$0x10BB0]  }
0x204: {  	v29 =	vadd.f32 v29, v35;
	v8 =	vadd.f32 v62, v8;
	v62 =	vld [tilespmem:$0x1FD70]  }
0x205: {  	v37 =	vadd.f32 v41, v37;
	v41 =	vld [tilespmem:$0x101D0]  }
0x206: {  	v29 =	vadd.f32 v47, v29;
	v47 =	vld [tilespmem:$0x1FE50]  }
0x207: {  	v19 =	vadd.f32 v63, v19;
	v63 =	vld [tilespmem:$0x1FD00]  }
0x208: {  	v20 =	vadd.f32 v56, v20;
	v56 =	vld [tilespmem:$0x1FD10]  }
0x209: {  	v1 =	vadd.f32 v57, v1;
	v57 =	vld [tilespmem:$0x1FD20]  }
0x20a: {  	v9 =	vadd.f32 v9, v29;
	v29 =	vld [tilespmem:$0x103D0]  }
0x20b: {  	v19 =	vadd.f32 v51, v19;
	v51 =	vld [tilespmem:$0x109B0]  }
0x20c: {  	v20 =	vadd.f32 v60, v20;
	v60 =	vld [tilespmem:$0x1FD50]  }
0x20d: {  	v1 =	vadd.f32 v61, v1;
	v61 =	vld [tilespmem:$0x1FD60]  }
0x20e: {  	v9 =	vadd.f32 v32, v9;
	v32 =	vld [tilespmem:$0x105D0];
	v19 =	vadd.f32 v55, v19  }
0x20f: {  	v8 =	vadd.f32 v58, v8;
	v55 =	vld [tilespmem:$0x10DB0]  }
0x210: {  	v19 =	vadd.f32 v59, v19;
	v59 =	vld [tilespmem:$0x1FD40]  }
0x211: {  	v8 =	vadd.f32 v62, v8;
	v62 =	vld [tilespmem:$0x1FDB0]  }
0x212: {  	v9 =	vadd.f32 v26, v9;
	v26 =	vld [tilespmem:$0x107D0];
	v20 =	vadd.f32 v56, v20  }
0x213: {  	v56 =	vld [tilespmem:$0x10EB0];
	v1 =	vadd.f32 v57, v1;
	v19 =	vadd.f32 v63, v19  }
0x214: {  	v57 =	vld [tilespmem:$0x10FB0]  }
0x215: {  	v58 =	vadd.f32 v59, v19;
	v19 =	vadd.f32 v61, v1;
	v61 =	vld [tilespmem:$0x1FDA0]  }
0x216: {  	v9 =	vadd.f32 v12, v9;
	v12 =	vld [tilespmem:$0x109D0]  }
0x217: {  	v63 =	vld [tilespmem:$0x1FD80]  }
0x218: {  	v20 =	vadd.f32 v60, v20;
	v60 =	vld [tilespmem:$0x101C0]  }
0x219: {  	v9 =	vadd.f32 v24, v9;
	v1 =	vld [tilespmem:$0x1FDE0]  }
0x21a: {  	v24 =	vld [tilespmem:$0x10BD0];
	v8 =	vadd.f32 v61, v8;
	v61 =	vadd.f32 $0.0e+00, v62  }
0x21b: {  	v59 =	vld [tilespmem:$0x100C0]  }
0x21c: {  	v18 =	vadd.f32 v63, v58;
	v58 =	vld [tilespmem:$0x1FD90];
	v61 =	vadd.f32 v0, v61  }
0x21d: {  	v9 =	vadd.f32 v14, v9;
	v14 =	vld [tilespmem:$0x10DD0]  }
0x21e: {  	v63 =	vld [tilespmem:$0x1FDC0];
	v61 =	vadd.f32 v1, v61  }
0x21f: {  	v4 =	vadd.f32 v4, v9;
	v9 =	vld [tilespmem:$0x10FD0]  }
0x220: {  	v62 =	vld [tilespmem:$0x103C0];
	v21 =	vadd.f32 v15, v61  }
0x221: {  	v20 =	vadd.f32 v58, v20;
	v58 =	vld [tilespmem:$0x102C0]  }
0x222: {  	v0 =	vld [tilespmem:$0x105C0];
	v21 =	vadd.f32 v6, v21  }
0x223: {  	v20 =	vadd.f32 v63, v20;
	v63 =	vld [tilespmem:$0x104C0]  }
0x224: {  	v1 =	vld [tilespmem:$0x107C0];
	v61 =	vadd.f32 v5, v21  }
0x225: {  	v15 =	vld [tilespmem:$0x10AC0]  }
0x226: {  	v46 =	vadd.f32 v45, v61;
	v61 =	vadd.f32 v44, v37;
	v44 =	vld [tilespmem:$0x1FE30]  }
0x227: {  	v6 =	vld [tilespmem:$0x10BC0]  }
0x228: {  	v5 =	vld [tilespmem:$0x10DC0]  }
0x229: {  	v21 =	vld [tilespmem:$0x10EC0];
	v35 =	vadd.f32 v48, v61  }
0x22a: {  	v37 =	vld [tilespmem:$0x100D0]  }
0x22b: {  	v45 =	vld [tilespmem:$0x1FE40];
	v39 =	vadd.f32 v44, v46;
	v46 =	vadd.f32 v49, v35  }
0x22c: {  	v48 =	vld [tilespmem:$0x1FE60]  }
0x22d: {  	v61 =	vld [tilespmem:$0x101E0];
	v33 =	vadd.f32 v50, v46  }
0x22e: {  	v35 =	vld [tilespmem:$0x104D0]  }
0x22f: {  	v49 =	vld [tilespmem:$0x1FE70];
	v33 =	vadd.f32 v51, v33  }
0x230: {  	v37 =	vadd.f32 $0.0e+00, v37;
	v44 =	vld [tilespmem:$0x1FEC0];
	v39 =	vadd.f32 v45, v39  }
0x231: {  	v50 =	vld [tilespmem:$0x1FE80];
	v23 =	vadd.f32 v52, v33  }
0x232: {  	v37 =	vadd.f32 v41, v37;
	v41 =	vld [tilespmem:$0x109F0];
	v39 =	vadd.f32 v47, v39  }
0x233: {  	v51 =	vld [tilespmem:$0x1FE90];
	v23 =	vadd.f32 v53, v23  }
0x234: {  	v36 =	vadd.f32 v36, v37;
	v37 =	vld [tilespmem:$0x108F0];
	v39 =	vadd.f32 v48, v39  }
0x235: {  	v22 =	vadd.f32 v28, v22;
	v52 =	vld [tilespmem:$0x1FEA0];
	v23 =	vadd.f32 v54, v23  }
0x236: {  	v4 =	vadd.f32 v16, v4;
	v39 =	vadd.f32 v49, v39;
	v53 =	vld [tilespmem:$0x100E0]  }
0x237: {  	v48 =	vadd.f32 $0.0e+00, v59;
	v23 =	vadd.f32 v55, v23;
	v55 =	vld [tilespmem:$0x100F0]  }
0x238: {  	v29 =	vadd.f32 v29, v36;
	v49 =	vld [tilespmem:$0x101F0];
	v39 =	vadd.f32 v50, v39  }
0x239: {  	v4 =	vadd.f32 v17, v4;
	v17 =	vadd.f32 v60, v48;
	v54 =	vld [tilespmem:$0x1FEB0]  }
0x23a: {  	v29 =	vadd.f32 v35, v29;
	v50 =	vld [tilespmem:$0x102E0];
	v39 =	vadd.f32 v51, v39  }
0x23b: {  	v17 =	vadd.f32 v58, v17;
	v51 =	vld [tilespmem:$0x102F0];
	v42 =	vadd.f32 $0.0e+00, v53  }
0x23c: {  	v39 =	vadd.f32 v52, v39;
	v52 =	vld [tilespmem:$0x103E0];
	v16 =	vadd.f32 $0.0e+00, v55  }
0x23d: {  	v17 =	vadd.f32 v62, v17;
	v53 =	vld [tilespmem:$0x103F0];
	v28 =	vadd.f32 v61, v42  }
0x23e: {  	v39 =	vadd.f32 v54, v39;
	v54 =	vld [tilespmem:$0x104E0];
	v16 =	vadd.f32 v49, v16  }
0x23f: {  	v23 =	vadd.f32 v56, v23;
	v28 =	vadd.f32 v50, v28;
	v55 =	vld [tilespmem:$0x104F0]  }
0x240: {  	v56 =	vld [tilespmem:$0x105E0];
	v17 =	vadd.f32 v63, v17;
	v16 =	vadd.f32 v51, v16  }
0x241: {  	v23 =	vadd.f32 v57, v23;
	v57 =	vld [tilespmem:$0x105F0];
	v28 =	vadd.f32 v52, v28  }
0x242: {  	v58 =	vld [tilespmem:$0x106E0];
	v29 =	vadd.f32 v32, v29;
	v16 =	vadd.f32 v53, v16  }
0x243: {  	v60 =	vld [tilespmem:$0x106F0];
	v0 =	vadd.f32 v0, v17;
	v59 =	vadd.f32 v54, v28  }
0x244: {  	v29 =	vadd.f32 v38, v29;
	v61 =	vld [tilespmem:$0x107E0];
	v16 =	vadd.f32 v55, v16  }
0x245: {  	v62 =	vld [tilespmem:$0x107F0];
	v0 =	vadd.f32 v25, v0;
	v17 =	vadd.f32 v56, v59  }
0x246: {  	v63 =	vld [tilespmem:$0x108E0];
	v26 =	vadd.f32 v26, v29;
	v16 =	vadd.f32 v57, v16  }
0x247: {  	v33 =	vld [tilespmem:$0x10AD0];
	v0 =	vadd.f32 v1, v0;
	v35 =	vadd.f32 v58, v17  }
0x248: {  	v38 =	vld [tilespmem:$0x109E0];
	v26 =	vadd.f32 v34, v26;
	v16 =	vadd.f32 v60, v16  }
0x249: {  	v45 =	vld [tilespmem:$0x10CE0];
	v0 =	vadd.f32 v31, v0;
	v1 =	vadd.f32 v61, v35  }
0x24a: {  	v42 =	vld [tilespmem:$0x10AE0];
	v12 =	vadd.f32 v12, v26;
	v16 =	vadd.f32 v62, v16  }
0x24b: {  	v0 =	vadd.f32 v11, v0;
	v11 =	vld [tilespmem:$0x10AF0];
	v1 =	vadd.f32 v63, v1  }
0x24c: {  	v46 =	vld [tilespmem:$0x1FED0];
	v12 =	vadd.f32 v33, v12;
	v16 =	vadd.f32 v37, v16  }
0x24d: {  	[tilespmem:$0x11010] =	vst v30;
	v0 =	vadd.f32 v15, v0;
	v15 =	vld [tilespmem:$0x10BF0];
	v1 =	vadd.f32 v38, v1  }
0x24e: {  	[tilespmem:$0x11090] =	vst v22;
	v47 =	vld [tilespmem:$0x1FEE0];
	v12 =	vadd.f32 v24, v12;
	v16 =	vadd.f32 v41, v16  }
0x24f: {  	[tilespmem:$0x11040] =	vst v19;
	v0 =	vadd.f32 v6, v0;
	v6 =	vld [tilespmem:$0x10CF0];
	v1 =	vadd.f32 v42, v1  }
0x250: {  	[tilespmem:$0x11050] =	vst v18;
	v48 =	vld [tilespmem:$0x10DE0];
	v12 =	vadd.f32 v27, v12;
	v11 =	vadd.f32 v11, v16  }
0x251: {  	[tilespmem:$0x11060] =	vst v8;
	v49 =	vld [tilespmem:$0x10DF0];
	v0 =	vadd.f32 v3, v0;
	v1 =	vadd.f32 v43, v1  }
0x252: {  	[tilespmem:$0x110A0] =	vst v4;
	v50 =	vld [tilespmem:$0x10EE0];
	v8 =	vadd.f32 v14, v12;
	v11 =	vadd.f32 v15, v11  }
0x253: {  	[tilespmem:$0x11070] =	vst v20;
	v0 =	vadd.f32 v5, v0;
	v5 =	vld [tilespmem:$0x10EF0];
	v1 =	vadd.f32 v45, v1  }
0x254: {  	[tilespmem:$0x11000] =	vst v44;
	v12 =	vld [tilespmem:$0x10FE0];
	v6 =	vadd.f32 v6, v11  }
0x255: {  	[tilespmem:$0x11020] =	vst v46;
	v8 =	vadd.f32 v40, v8;
	v1 =	vadd.f32 v48, v1;
	v11 =	vld [tilespmem:$0x10FF0]  }
0x256: {  	[tilespmem:$0x11030] =	vst v47;
	v0 =	vadd.f32 v21, v0;
	v3 =	vadd.f32 v49, v6  }
0x257: {  	[tilespmem:$0x11080] =	vst v39;
	v51 =	vadd.f32 v9, v8;
	v1 =	vadd.f32 v50, v1  }
0x258: {  	[tilespmem:$0x110B0] =	vst v23;
	v0 =	vadd.f32 v2, v0;
	v3 =	vadd.f32 v5, v3  }
0x259: {  	[tilespmem:$0x110D0] =	vst v51;
	v52 =	vadd.f32 v12, v1  }
0x25a: {  	[tilespmem:$0x110C0] =	vst v0;
	v53 =	vadd.f32 v11, v3  }
0x25b: {  	[tilespmem:$0x110E0] =	vst v52  }
0x25c: {  	s17 =	rddreg [dreg:$0x4];
	[tilespmem:$0x110F0] =	vst v53  }
0x25d: {  	[spmem:s17] =	stream.strided.scatter [tilespmem:s31], [sflag:$0x5], $0x100, s30, s29, $0x38;
	[tilespmem:$0x11800] =	vst v63  }
0x25e: {  	_ =	swait.ge [sflag:s0], $0x100  }
0x25f: {  	[sflag:s0] =	ssyncset.done $0x0  }
0x260: {  	[sflag:s0] =	ssyncadd.s32 $0xFFFFFF00  }
0x261: {  	[bflag:$0x0] =	sbarrier.arrive $0xFFFF  }
0x262: {  	[tilespmem:s31], [sflag:$0x5] =	stream.strided.gather [spmem:s12], $0x100, s30, s29, $0x38;
	[tilespmem:$0x11800] =	vst v63  }
0x263: {  	_ =	swait.ge [sflag:s0], $0x100  }
0x264: {  	[sflag:s0] =	ssyncset.done $0x0  }
0x265: {  	s18 =	simm.s32 $0x11100;
	[sflag:s0] =	ssyncadd.s32 $0xFFFFFF00  }
0x266: {  	[tilespmem:s18], [sflag:$0x5] =	stream.strided.gather [spmem:s23], $0x100, s30, s29, $0x38;
	[tilespmem:$0x11800] =	vst v63  }
0x267: {  	_ =	swait.ge [sflag:s0], $0x100  }
0x268: {  	v62 =	vld [tilespmem:$0x1FFA0]  }
0x269: {  	v63 =	vld [tilespmem:$0x1FEF0]  }
0x26a: {  	v28 =	vld [tilespmem:$0x1FF00]  }
0x26b: {  	v30 =	vld [tilespmem:$0x1FF10]  }
0x26c: {  	v31 =	vld [tilespmem:$0x1FF20]  }
0x26d: {  	v32 =	vld [tilespmem:$0x1FF30]  }
0x26e: {  	[sflag:s0] =	ssyncset.done $0x0;
	v33 =	vld [tilespmem:$0x1FF40]  }
0x26f: {  	v34 =	vld [tilespmem:$0x1FF50];
	[sflag:s0] =	ssyncadd.s32 $0xFFFFFF00  }
0x270: {  	v54 =	vld [tilespmem:$0x11000]  }
0x271: {  	v55 =	vld [tilespmem:$0x11100]  }
0x272: {  	v56 =	vld [tilespmem:$0x11010]  }
0x273: {  	v57 =	vld [tilespmem:$0x11110]  }
0x274: {  	v4 =	vld [tilespmem:$0x11020]  }
0x275: {  	v5 =	vld [tilespmem:$0x11120]  }
0x276: {  	v6 =	vld [tilespmem:$0x11030]  }
0x277: {  	v8 =	vld [tilespmem:$0x11130]  }
0x278: {  	v9 =	vld [tilespmem:$0x11040]  }
0x279: {  	v11 =	vld [tilespmem:$0x11140]  }
0x27a: {  	v12 =	vld [tilespmem:$0x11050]  }
0x27b: {  	v14 =	vld [tilespmem:$0x11150]  }
0x27c: {  	v15 =	vld [tilespmem:$0x11060]  }
0x27d: {  	v58 =	vld [tilespmem:$0x11160]  }
0x27e: {  	v59 =	vld [tilespmem:$0x11070]  }
0x27f: {  	v18 =	vld [tilespmem:$0x11170]  }
0x280: {  	v19 =	vld [tilespmem:$0x11080]  }
0x281: {  	v20 =	vld [tilespmem:$0x11180]  }
0x282: {  	v21 =	vld [tilespmem:$0x11090]  }
0x283: {  	v61 =	vld [tilespmem:$0x110B0]  }
0x284: {  	v0 =	vadd.f32 v55, v54;
	v4 =	vadd.f32 v5, v4;
	v5 =	vld [tilespmem:$0x111B0]  }
0x285: {  	v2 =	vadd.f32 v57, v56;
	v6 =	vadd.f32 v8, v6;
	v8 =	vld [tilespmem:$0x110C0]  }
0x286: {  	v9 =	vadd.f32 v11, v9;
	v11 =	vld [tilespmem:$0x111C0];
	vm0 =	vgt.f32 v0, $0.0e+00  }
0x287: {  	v22 =	vld [tilespmem:$0x11190];
	v12 =	vadd.f32 v14, v12;
	vm1 =	vgt.f32 v2, $0.0e+00;
	v24 =	vnsel vm0, $0x7FFFFFFF, v62  }
0x288: {  	v29 =	vld [tilespmem:$0x111D0];
	v15 =	vadd.f32 v58, v15;
	vm10 =	vgt.f32 v4, $0.0e+00;
	v24 =	vsel vm1, v63, v24  }
0x289: {  	v14 =	vld [tilespmem:$0x110D0];
	v17 =	vadd.f32 v18, v59;
	vm11 =	vgt.f32 v6, $0.0e+00;
	v24 =	vsel vm10, v28, v24  }
0x28a: {  	vm12 =	vgt.f32 v9, $0.0e+00;
	v3 =	vadd.f32 v5, v61;
	v5 =	vld [tilespmem:$0x1FF60];
	v24 =	vsel vm11, v30, v24  }
0x28b: {  	vm13 =	vgt.f32 v12, $0.0e+00;
	v8 =	vadd.f32 v11, v8;
	v11 =	vld [tilespmem:$0x1FF70];
	v24 =	vsel vm12, v31, v24  }
0x28c: {  	v23 =	vld [tilespmem:$0x110A0];
	v19 =	vadd.f32 v20, v19;
	vm14 =	vgt.f32 v15, $0.0e+00;
	v24 =	vsel vm13, v32, v24  }
0x28d: {  	v60 =	vld [tilespmem:$0x111A0];
	v21 =	vadd.f32 v22, v21;
	vm15 =	vgt.f32 v17, $0.0e+00;
	v24 =	vsel vm14, v33, v24  }
0x28e: {  	v18 =	vld [tilespmem:$0x110E0];
	vm4 =	vgt.f32 v19, $0.0e+00;
	v24 =	vsel vm15, v34, v24  }
0x28f: {  	v20 =	vld [tilespmem:$0x111E0];
	vm5 =	vgt.f32 v21, $0.0e+00;
	v5 =	vsel vm4, v5, v24  }
0x290: {  	v5 =	vsel vm5, v11, v5;
	v11 =	vadd.f32 v29, v14;
	v14 =	vld [tilespmem:$0x1FF80];
	_ =	sdelay $0x1  }
0x291: {  	v1 =	vadd.f32 v60, v23;
	_ =	sdelay $0x1  }
0x292: {  	v35 =	vld [tilespmem:$0x1FF90];
	vm6 =	vgt.f32 v1, $0.0e+00  }
0x293: {  	v5 =	vsel vm6, v14, v5;
	v14 =	vadd.f32 v20, v18;
	v18 =	vld [tilespmem:$0x1FFB0];
	_ =	sdelay $0x2  }
0x294: {  	vm7 =	vgt.f32 v3, $0.0e+00  }
0x295: {  	vm8 =	vgt.f32 v8, $0.0e+00;
	v5 =	vsel vm7, v35, v5  }
0x296: {  	v5 =	vsel vm8, v18, v5;
	v18 =	vld [tilespmem:$0x1FFD0];
	_ =	sdelay $0x3  }
0x297: {  	vm9 =	vgt.f32 v11, $0.0e+00  }
0x298: {  	v5 =	vsel vm9, v18, v5;
	v18 =	vld [tilespmem:$0x1FFE0]  }
0x299: {  	v22 =	vld [tilespmem:$0x110F0]  }
0x29a: {  	v23 =	vld [tilespmem:$0x111F0];
	_ =	sdelay $0x1  }
0x29b: {  	vm10 =	vgt.f32 v14, $0.0e+00  }
0x29c: {  	v5 =	vsel vm10, v18, v5;
	v18 =	vld [tilespmem:$0x1FFF0];
	_ =	sdelay $0x1  }
0x29d: {  	v36 =	vadd.f32 v23, v22;
	_ =	sdelay $0x1  }
0x29e: {  	vm11 =	vgt.f32 v36, $0.0e+00  }
0x29f: {  	v5 =	vsel vm11, v18, v5  }
0x2a0: {  	(xrf0) =	vmax.scan.msk.u32 $0xffff, v5;
	_ =	sdelay $0x5  }
0x2a1: {  	v5, _, _ =	vpop (xrf0)  }
0x2a2: {  	(v2sf) =	vpush v5, $0xF;
	_ =	sdelay $0x5  }
0x2a3: {  	[tilespmem:$0x11000] =	vst v0  }
0x2a4: {  	[tilespmem:$0x11010] =	vst v2  }
0x2a5: {  	[tilespmem:$0x11020] =	vst v4  }
0x2a6: {  	[tilespmem:$0x11030] =	vst v6  }
0x2a7: {  	[tilespmem:$0x11040] =	vst v9  }
0x2a8: {  	[tilespmem:$0x11050] =	vst v12  }
0x2a9: {  	[tilespmem:$0x11060] =	vst v15  }
0x2aa: {  	[tilespmem:$0x11070] =	vst v17  }
0x2ab: {  	[tilespmem:$0x11080] =	vst v19  }
0x2ac: {  	[tilespmem:$0x11090] =	vst v21;
	s19 =	spop (v2sf)  }
0x2ad: {  	[tilespmem:$0x110A0] =	vst v1;
	s17 =	sxor.u32 $0x80000000, s19  }
0x2ae: {  	v2 =	vld [tilespmem:$0x11010];
	[tilespmem:$0x110B0] =	vst v3;
	v37 =	vmov s17  }
0x2af: {  	[tilespmem:$0x110C0] =	vst v8  }
0x2b0: {  	v38 =	vld [tilespmem:$0x11020];
	[tilespmem:$0x110F0] =	vst v36  }
0x2b1: {  	(xrf2) =	vadd.scan.msk.f32 $0xffff, v0;
	[tilespmem:$0x110D0] =	vst v11  }
0x2b2: {  	v4 =	vld [tilespmem:$0x11030];
	[tilespmem:$0x110E0] =	vst v14  }
0x2b3: {  	(xrf2) =	vadd.scan.msk.f32 $0xffff, v2;
	v1 =	vld.idx.msk [tilespmem:v37+s31+$0x0], $0xffff  }
0x2b4: {  	v5 =	vld [tilespmem:$0x11040]  }
0x2b5: {  	v8 =	vld [tilespmem:$0x1FFC0];
	(xrf2) =	vadd.scan.msk.f32 $0xffff, v38  }
0x2b6: {  	v6 =	vld [tilespmem:$0x11050]  }
0x2b7: {  	(xrf2) =	vadd.scan.msk.f32 $0xffff, v4  }
0x2b8: {  	v1 =	vsub.f32 $2.621440000e+05, v1  }
0x2b9: {  	(xrf2) =	vadd.scan.msk.f32 $0xffff, v5  }
0x2ba: {  	v1 =	vmul.f32 v1, v8;
	v8 =	vld [tilespmem:$0x11060]  }
0x2bb: {  	v9 =	vld [tilespmem:$0x11070];
	v11, _, _ =	vpop (xrf2);
	(xrf2) =	vadd.scan.msk.f32 $0xffff, v6  }
0x2bc: {  	v12 =	vadd.f32 $0.0e+00, v11;
	v1 =	vtrunc.f32 v1  }
0x2bd: {  	v39, _, _ =	vpop (xrf2);
	v1 =	vcvt.f32.s32 v1  }
0x2be: {  	v11 =	vsub.f32 v11, v0;
	v15 =	vadd.f32 v39, v12  }
0x2bf: {  	v14 =	vld [tilespmem:$0x11080];
	v18, _, _ =	vpop (xrf2);
	v20 =	vcvt.s32.f32 v1;
	(xrf2) =	vadd.scan.msk.f32 $0xffff, v8  }
0x2c0: {  	v11 =	vadd.f32 $0.0e+00, v11;
	v19 =	vadd.f32 v18, v15;
	v15 =	vbroadcast v15, $0xF;
	(xrf2) =	vadd.scan.msk.f32 $0xffff, v9  }
0x2c1: {  	v22, _, _ =	vpop (xrf2);
	v3 =	vsub.f32 v18, v38;
	v41 =	vmul.f32 $5.000000000e-01, v20;
	v43 =	vmax.f32 v20, $1.000000000e+00  }
0x2c2: {  	v4 =	vsub.f32 v22, v4;
	v23 =	vadd.f32 v22, v19;
	(erf) = vrcp.f32 v43  }
0x2c3: {  	v40 =	vld [tilespmem:$0x11090];
	v3 =	vadd.f32 v3, v15;
	v15 =	vbroadcast v19, $0xF;
	v44, _, _ =	vpop (xrf2);
	v17 =	vtrunc.f32 v41  }
0x2c4: {  	v12 =	vbroadcast v12, $0xF;
	v46 =	vadd.f32 v44, v23;
	(xrf2) =	vadd.scan.msk.f32 $0xffff, v14;
	v17 =	vcvt.f32.s32 v17  }
0x2c5: {  	v22 =	vbroadcast v23, $0xF;
	v4 =	vadd.f32 v4, v15;
	v48, _, _ =	vpop (xrf2);
	v1 =	vsub.f32 v39, v2  }
0x2c6: {  	v5 =	vsub.f32 v44, v5;
	v18 =	vadd.f32 v48, v46;
	v45 =	vcvt.s32.f32 v17  }
0x2c7: {  	v21 =	vld [tilespmem:$0x110A0];
	v2 =	vsub.f32 v48, v6;
	v12 =	vadd.f32 v1, v12;
	v17 =	vbroadcast v46, $0xF  }
0x2c8: {  	v5 =	vadd.f32 v5, v22;
	(xrf2) =	vadd.scan.msk.f32 $0xffff, v40;
	v11 =	vadd.f32 v45, v11  }
0x2c9: {  	v2 =	vadd.f32 v2, v17;
	v12 =	vadd.f32 v45, v12;
	v50, _, _ =	vpop (xrf2)  }
0x2ca: {  	v3 =	vadd.f32 v45, v3;
	v19 =	vadd.f32 v50, v18;
	v23, _, _ =	vpop (xrf2)  }
0x2cb: {  	v52 =	vbroadcast v18, $0xF;
	v4 =	vadd.f32 v45, v4;
	v5 =	vadd.f32 v45, v5;
	v53 =	vpop (erf)  }
0x2cc: {  	(xrf2) =	vadd.scan.msk.f32 $0xffff, v21;
	v6 =	vadd.f32 v23, v19;
	v19 =	vbroadcast v19, $0xF;
	v11 =	vmul.f32 v11, v53  }
0x2cd: {  	v2 =	vadd.f32 v45, v2;
	v12 =	vmul.f32 v12, v53;
	v3 =	vmul.f32 v3, v53  }
0x2ce: {  	v8 =	vsub.f32 v50, v8;
	v15, _, _ =	vpop (xrf2);
	v4 =	vmul.f32 v4, v53;
	v5 =	vmul.f32 v5, v53  }
0x2cf: {  	v2 =	vmul.f32 v2, v53;
	v18 =	vadd.f32 v15, v6;
	v6 =	vbroadcast v6, $0xF  }
0x2d0: {  	v9 =	vsub.f32 v23, v9;
	v11 =	vtrunc.f32 v11;
	v12 =	vtrunc.f32 v12  }
0x2d1: {  	v42 =	vld [tilespmem:$0x110B0];
	v14 =	vsub.f32 v15, v14;
	v3 =	vtrunc.f32 v3;
	v4 =	vtrunc.f32 v4  }
0x2d2: {  	v23, _, _ =	vpop (xrf2);
	v8 =	vadd.f32 v8, v52;
	v5 =	vtrunc.f32 v5;
	v2 =	vtrunc.f32 v2  }
0x2d3: {  	v16 =	vsub.f32 v23, v40;
	v11 =	vcvt.f32.s32 v11;
	v12 =	vcvt.f32.s32 v12  }
0x2d4: {  	v9 =	vadd.f32 v9, v19;
	v3 =	vcvt.f32.s32 v3;
	v4 =	vcvt.f32.s32 v4  }
0x2d5: {  	v47 =	vld [tilespmem:$0x110C0];
	v8 =	vadd.f32 v45, v8;
	v5 =	vcvt.f32.s32 v5;
	v2 =	vcvt.f32.s32 v2  }
0x2d6: {  	(xrf2) =	vadd.scan.msk.f32 $0xffff, v42;
	v54, _, _ =	vpop (xrf2);
	v15 =	vadd.f32 v23, v18;
	v6 =	vadd.f32 v14, v6;
	v14 =	vbroadcast v18, $0xF  }
0x2d7: {  	v18 =	vsub.f32 v54, v21;
	v8 =	vmul.f32 v8, v53;
	v9 =	vadd.f32 v45, v9  }
0x2d8: {  	vm12 =	vgt.s32 v11, $0x0;
	vm13 =	vgt.s32 v12, $0x0;
	vm14 =	vgt.s32 v3, $0x0  }
0x2d9: {  	vm15 =	vgt.s32 v4, $0x0;
	vm4 =	vgt.s32 v5, $0x0;
	vm5 =	vgt.s32 v2, $0x0  }
0x2da: {  	(xrf2) =	vadd.scan.msk.f32 $0xffff, v47;
	v55 =	vadd.f32 v54, v15;
	v15 =	vbroadcast v15, $0xF;
	v14 =	vadd.f32 v16, v14  }
0x2db: {  	v49 =	vld [tilespmem:$0x110D0];
	v11 =	vnsel vm12, $0x0, v11;
	v12 =	vnsel vm13, $0x0, v12;
	v3 =	vnsel vm14, $0x0, v3  }
0x2dc: {  	v4 =	vnsel vm15, $0x0, v4;
	v5 =	vnsel vm4, $0x0, v5;
	v2 =	vnsel vm5, $0x0, v2  }
0x2dd: {  	v51 =	vld [tilespmem:$0x110E0];
	v8 =	vtrunc.f32 v8;
	v9 =	vmul.f32 v9, v53;
	v6 =	vadd.f32 v45, v6  }
0x2de: {  	v11 =	vmin.u32 v11, $0xFF;
	v12 =	vmin.u32 v12, $0xFF;
	v3 =	vmin.u32 v3, $0xFF  }
0x2df: {  	v4 =	vmin.u32 v4, $0xFF;
	v5 =	vmin.u32 v5, $0xFF;
	v8 =	vcvt.f32.s32 v8  }
0x2e0: {  	(xrf2) =	vadd.scan.msk.f32 $0xffff, v49;
	v19, _, _ =	vpop (xrf2);
	v2 =	vmin.u32 v2, $0xFF;
	v21 =	vbroadcast v55, $0xF;
	v11 =	vcvt.s32.f32 v11  }
0x2e1: {  	v23 =	vsub.f32 v19, v42;
	v12 =	vcvt.s32.f32 v12;
	v3 =	vcvt.s32.f32 v3  }
0x2e2: {  	(xrf2) =	vadd.scan.msk.f32 $0xffff, v51;
	v17 =	vadd.f32 v19, v55;
	v4 =	vcvt.s32.f32 v4;
	v5 =	vcvt.s32.f32 v5  }
0x2e3: {  	v15 =	vadd.f32 v18, v15;
	v2 =	vcvt.s32.f32 v2;
	v9 =	vtrunc.f32 v9  }
0x2e4: {  	v22 =	vld [tilespmem:$0x110F0];
	v19, _, _ =	vpop (xrf2);
	v6 =	vmul.f32 v6, v53;
	v14 =	vadd.f32 v45, v14;
	vm6 =	vgt.s32 v8, $0x0  }
0x2e5: {  	v9 =	vcvt.f32.s32 v9;
	v56 =	vadd.f32 v23, v21;
	v18 =	vadd.f32 v19, v17  }
0x2e6: {  	v19 =	vsub.f32 v19, v47;
	v17 =	vbroadcast v17, $0xF;
	v15 =	vadd.f32 v45, v15  }
0x2e7: {  	v6 =	vtrunc.f32 v6;
	v14 =	vmul.f32 v14, v53;
	v8 =	vnsel vm6, $0x0, v8  }
0x2e8: {  	v6 =	vcvt.f32.s32 v6;
	vm7 =	vgt.s32 v9, $0x0;
	v8 =	vmin.u32 v8, $0xFF  }
0x2e9: {  	(xrf2) =	vadd.scan.msk.f32 $0xffff, v22;
	v17 =	vadd.f32 v19, v17;
	v16 =	vadd.f32 v45, v56;
	v15 =	vmul.f32 v15, v53  }
0x2ea: {  	v21, _, _ =	vpop (xrf2);
	v14 =	vtrunc.f32 v14;
	v9 =	vnsel vm7, $0x0, v9;
	v8 =	vcvt.s32.f32 v8  }
0x2eb: {  	v23 =	vsub.f32 v21, v49;
	v21 =	vadd.f32 v21, v18;
	v18 =	vbroadcast v18, $0xF  }
0x2ec: {  	v57, _, _ =	vpop (xrf2);
	v14 =	vcvt.f32.s32 v14;
	vm8 =	vgt.s32 v6, $0x0;
	v9 =	vmin.u32 v9, $0xFF  }
0x2ed: {  	v58 =	vsub.f32 v57, v51;
	v16 =	vmul.f32 v16, v53;
	v15 =	vtrunc.f32 v15  }
0x2ee: {  	v6 =	vnsel vm8, $0x0, v6;
	v9 =	vcvt.s32.f32 v9;
	v17 =	vadd.f32 v45, v17  }
0x2ef: {  	v19 =	vbroadcast v21, $0xF;
	v18 =	vadd.f32 v23, v18;
	v21 =	vadd.f32 v57, v21  }
0x2f0: {  	v15 =	vcvt.f32.s32 v15;
	vm9 =	vgt.s32 v14, $0x0;
	v6 =	vmin.u32 v6, $0xFF  }
0x2f1: {  	v16 =	vtrunc.f32 v16;
	v14 =	vnsel vm9, $0x0, v14;
	v6 =	vcvt.s32.f32 v6  }
0x2f2: {  	v19 =	vadd.f32 v58, v19;
	v21 =	vbroadcast v21, $0xF;
	v16 =	vcvt.f32.s32 v16  }
0x2f3: {  	v23, _, _ =	vpop (xrf2);
	vm10 =	vgt.s32 v15, $0x0;
	v14 =	vmin.u32 v14, $0xFF;
	v59 =	vadd.f32 v45, v18  }
0x2f4: {  	[tilespmem:$0x11200] =	vst v11;
	v22 =	vsub.f32 v23, v22;
	v15 =	vnsel vm10, $0x0, v15;
	v11 =	vcvt.s32.f32 v14  }
0x2f5: {  	vm11 =	vgt.s32 v16, $0x0;
	v14 =	vmin.u32 v15, $0xFF;
	v15 =	vmul.f32 v17, v53  }
0x2f6: {  	[tilespmem:$0x11210] =	vst v12;
	v21 =	vadd.f32 v22, v21;
	v16 =	vnsel vm11, $0x0, v16;
	v60 =	vcvt.s32.f32 v14  }
0x2f7: {  	[tilespmem:$0x11230] =	vst v4;
	v14 =	vadd.f32 v45, v19;
	v12 =	vmin.u32 v16, $0xFF;
	v4 =	vtrunc.f32 v15  }
0x2f8: {  	[tilespmem:$0x11220] =	vst v3;
	v15 =	vmul.f32 v59, v53;
	v12 =	vcvt.s32.f32 v12;
	v0 =	vadd.f32 v45, v21  }
0x2f9: {  	[tilespmem:$0x11240] =	vst v5;
	v4 =	vcvt.f32.s32 v4;
	v5 =	vmul.f32 v14, v53  }
0x2fa: {  	[tilespmem:$0x11250] =	vst v2;
	v61 =	vtrunc.f32 v15;
	v0 =	vmul.f32 v0, v53  }
0x2fb: {  	[tilespmem:$0x11260] =	vst v8;
	vm12 =	vgt.s32 v4, $0x0;
	v62 =	vcvt.f32.s32 v61;
	v63 =	vtrunc.f32 v5  }
0x2fc: {  	[tilespmem:$0x11270] =	vst v9;
	v4 =	vnsel vm12, $0x0, v4;
	v2 =	vcvt.f32.s32 v63;
	v0 =	vtrunc.f32 v0  }
0x2fd: {  	[tilespmem:$0x11280] =	vst v6;
	v4 =	vmin.u32 v4, $0xFF;
	vm13 =	vgt.s32 v62, $0x0;
	v0 =	vcvt.f32.s32 v0  }
0x2fe: {  	[tilespmem:$0x11290] =	vst v11;
	v4 =	vcvt.s32.f32 v4;
	v1 =	vnsel vm13, $0x0, v62;
	vm14 =	vgt.s32 v2, $0x0  }
0x2ff: {  	[tilespmem:$0x112A0] =	vst v60;
	v1 =	vmin.u32 v1, $0xFF;
	v2 =	vnsel vm14, $0x0, v2;
	vm15 =	vgt.s32 v0, $0x0  }
0x300: {  	[tilespmem:$0x112B0] =	vst v12;
	v1 =	vcvt.s32.f32 v1;
	v2 =	vmin.u32 v2, $0xFF;
	v0 =	vnsel vm15, $0x0, v0  }
0x301: {  	[tilespmem:$0x112C0] =	vst v4;
	v2 =	vcvt.s32.f32 v2;
	v0 =	vmin.u32 v0, $0xFF  }
0x302: {  	[tilespmem:$0x112D0] =	vst v1;
	v0 =	vcvt.s32.f32 v0  }
0x303: {  	[tilespmem:$0x112E0] =	vst v2  }
0x304: {  	s17 =	simm.s32 $0x11340;
	[tilespmem:$0x112F0] =	vst v0  }
0x305: {  	[tilespmem:s17+$0xFFFFFFC0] =	vst v20  }
0x306: {  	[tilespmem:s17+$0x30] =	vst v20  }
0x307: {  	[tilespmem:s17+$0x20] =	vst v20  }
0x308: {  	[tilespmem:s17+$0x10] =	vst v20  }
0x309: {  	[tilespmem:s17+$0x0] =	vst v20  }
0x30a: {  	[tilespmem:s17+$0xFFFFFFF0] =	vst v20  }
0x30b: {  	s18 =	simm.s32 $0x0;
	[tilespmem:s17+$0xFFFFFFE0] =	vst v20  }
.LBB2_20:
0x30c: {  	s18 =	sadd.s32 $0x8, s18;
	[tilespmem:s17+$0xFFFFFFD0] =	vst v20;
	s17 =	sadd.s32 $0x80, s17  }
0x30d: {  	[tilespmem:s17+$0xFFFFFFC0] =	vst v20;
	p1 =	slt.u32 s18, $0x38  }
0x30e: {  	[tilespmem:s17+$0x30] =	vst v20  }
.Ltmp9:
0x30f: {  	[tilespmem:s17+$0x20] =	vst v20;
	(pc) =	sbr.rel @p1 .LBB2_20-.Ltmp9, $4  }
0x310: {  	[tilespmem:s17+$0x10] =	vst v20  }
0x311: {  	[tilespmem:s17+$0x0] =	vst v20  }
0x312: {  	[tilespmem:s17+$0xFFFFFFF0] =	vst v20  }
0x313: {  	[tilespmem:s17+$0xFFFFFFE0] =	vst v20  }
0x314: {  	[tilespmem:s17+$0xFFFFFFD0] =	vst v20  }
0x315: {  	s17 =	simm.s32 @!p0 $0x0;
	s18 =	simm.s32 @!p0 $0x11300;
	s19 =	rddreg [dreg:$0x5]  }
0x316: {  	[hbm4b:s19+s17] =	stream.linear.scatter @!p0 [tilespmem:s18], [sflag:$0x5], $0x400, $0x38;
	[tilespmem:$0x11800] =	vst v63  }
0x317: {  	s17 =	simm.s32 @!p0 $0x5  }
0x318: {  	_ =	swait.ge @!p0 [sflag:s17], $0x400  }
0x319: {  	[sflag:s17] =	ssyncset.done @!p0 $0x0  }
0x31a: {  	[sflag:s17] =	ssyncadd.s32 @!p0 $0xFFFFFC00  }
0x31b: {  	[tilespmem:s2], [sflag:$0x1] =	stream.linear.gather [hbm4b:s3+s2], $0x4000, $0x38;
	[tilespmem:$0x11800] =	vst v63  }
0x31c: {  	_ = 	snop  }
0x31d: {  	[tilespmem:s21], [sflag:$0x2] =	stream.linear.gather [hbm4b:s4+s2], $0x4000, $0x38;
	[tilespmem:$0x11800] =	vst v63  }
0x31e: {  	_ =	swait.ge [sflag:s25], $0x4000  }
0x31f: {  	[sflag:s25] =	ssyncset.done $0x0  }
0x320: {  	s18 =	simm.s32 $0x20;
	[sflag:s25] =	ssyncadd.s32 $0xFFFFC000  }
0x321: {  	v0 =	vld [tilespmem:s18+$0x10];
	_ =	sdelay $0x1  }
0x322: {  	v1 =	vld [tilespmem:s18+$0xFFFFFFF0]  }
0x323: {  	v2 =	vld [tilespmem:s18+$0xFFFFFFE0]  }
0x324: {  	v3 =	vld [tilespmem:s18+$0x0]  }
0x325: {  	v0 =	vand.u32 $0xFF, v0  }
0x326: {  	s19 =	simm.s32 $0x60  }
0x327: {  	v4 =	vld [tilespmem:s19+$0x10];
	v1 =	vand.u32 $0xFF, v1  }
0x328: {  	v9 =	vld [tilespmem:s19+$0xFFFFFFF0];
	v2 =	vand.u32 $0xFF, v2  }
0x329: {  	v5 =	vld [tilespmem:s19+$0x0];
	v11 =	vand.u32 $0xFF, v3  }
0x32a: {  	v0 =	vld.idx.msk [tilespmem:v0+s1+$0x0], $0xffff  }
0x32b: {  	v6 =	vld [tilespmem:s19+$0xFFFFFFE0]  }
0x32c: {  	v8 =	vand.u32 $0xFF, v4;
	v1 =	vld.idx.msk [tilespmem:v1+s1+$0x0], $0xffff  }
0x32d: {  	v2 =	vld.idx.msk [tilespmem:v2+s1+$0x0], $0xffff  }
0x32e: {  	s17 =	simm.s32 $0x8020;
	s18 =	simm.s32 $0x4;
	s19 =	simm.s32 $0xA0;
	v3 =	vand.u32 $0xFF, v9;
	v4 =	vld.idx.msk [tilespmem:v11+s1+$0x0], $0xffff  }
.LBB2_22:
0x32f: {  	v9 =	vld [tilespmem:s19+$0x10];
	s18 =	sadd.s32 $0x4, s18;
	v11 =	vand.u32 $0xFF, v5;
	[tilespmem:s17+$0x10] =	vst v0  }
0x330: {  	v12 =	vld [tilespmem:s19+$0xFFFFFFF0];
	p1 =	slt.u32 s18, $0x3FC;
	v14 =	vand.u32 $0xFF, v6  }
0x331: {  	v0 =	vld.idx.msk [tilespmem:v8+s1+$0x0], $0xffff  }
.Ltmp10:
0x332: {  	v5 =	vld [tilespmem:s19+$0x0];
	[tilespmem:s17+$0xFFFFFFF0] =	vst v1;
	(pc) =	sbr.rel @p1 .LBB2_22-.Ltmp10, $4  }
0x333: {  	v6 =	vld [tilespmem:s19+$0xFFFFFFE0];
	[tilespmem:s17+$0xFFFFFFE0] =	vst v2  }
0x334: {  	v8 =	vand.u32 $0xFF, v9;
	v1 =	vld.idx.msk [tilespmem:v3+s1+$0x0], $0xffff;
	[tilespmem:s17+$0x0] =	vst v4  }
0x335: {  	v3 =	vand.u32 $0xFF, v12;
	v2 =	vld.idx.msk [tilespmem:v14+s1+$0x0], $0xffff  }
0x336: {  	s19 =	sadd.s32 $0x40, s19;
	s17 =	sadd.s32 $0x40, s17;
	v4 =	vld.idx.msk [tilespmem:v11+s1+$0x0], $0xffff  }
0x337: {  	_ = 	snop  }
0x338: {  	v5 =	vand.u32 $0xFF, v5  }
0x339: {  	v6 =	vand.u32 $0xFF, v6;
	_ =	sdelay $0x1  }
0x33a: {  	v8 =	vld.idx.msk [tilespmem:v8+s1+$0x0], $0xffff  }
0x33b: {  	[tilespmem:s17+$0x10] =	vst v0;
	v0 =	vld.idx.msk [tilespmem:v3+s1+$0x0], $0xffff  }
0x33c: {  	[tilespmem:s17+$0xFFFFFFE0] =	vst v2;
	v2 =	vld.idx.msk [tilespmem:v5+s1+$0x0], $0xffff  }
0x33d: {  	[tilespmem:s17+$0xFFFFFFF0] =	vst v1;
	v1 =	vld.idx.msk [tilespmem:v6+s1+$0x0], $0xffff  }
0x33e: {  	s19 =	sadd.s32 $0x40, s17;
	[tilespmem:s17+$0x0] =	vst v4  }
0x33f: {  	[tilespmem:s19+$0x10] =	vst v8  }
0x340: {  	[tilespmem:s19+$0xFFFFFFF0] =	vst v0  }
0x341: {  	[tilespmem:s19+$0x0] =	vst v2  }
0x342: {  	[tilespmem:s19+$0xFFFFFFE0] =	vst v1  }
0x343: {  	s17 =	rddreg [dreg:$0x6]  }
0x344: {  	[hbm4b:s17+s2] =	stream.linear.scatter [tilespmem:s11], [sflag:$0x3], $0x4000, $0x38;
	[tilespmem:$0x11800] =	vst v63  }
0x345: {  	_ = 	snop  }
0x346: {  	[tilespmem:s2], [sflag:$0x1] =	stream.linear.gather [hbm4b:s5+s2], $0x4000, $0x38;
	[tilespmem:$0x11800] =	vst v63  }
0x347: {  	_ =	swait.ge [sflag:s28], $0x4000  }
0x348: {  	[sflag:s28] =	ssyncset.done $0x0  }
0x349: {  	s18 =	simm.s32 $0x4020;
	[sflag:s28] =	ssyncadd.s32 $0xFFFFC000  }
0x34a: {  	v0 =	vld [tilespmem:s18+$0x10];
	_ =	sdelay $0x1  }
0x34b: {  	v1 =	vld [tilespmem:s18+$0xFFFFFFF0]  }
0x34c: {  	v2 =	vld [tilespmem:s18+$0xFFFFFFE0]  }
0x34d: {  	v3 =	vld [tilespmem:s18+$0x0]  }
0x34e: {  	v0 =	vand.u32 $0xFF, v0  }
0x34f: {  	s19 =	simm.s32 $0x4060  }
0x350: {  	v4 =	vld [tilespmem:s19+$0x10];
	v1 =	vand.u32 $0xFF, v1  }
0x351: {  	v9 =	vld [tilespmem:s19+$0xFFFFFFF0];
	v2 =	vand.u32 $0xFF, v2  }
0x352: {  	v5 =	vld [tilespmem:s19+$0x0];
	v11 =	vand.u32 $0xFF, v3  }
0x353: {  	v0 =	vld.idx.msk [tilespmem:v0+s1+$0x0], $0xffff  }
0x354: {  	v6 =	vld [tilespmem:s19+$0xFFFFFFE0]  }
0x355: {  	v8 =	vand.u32 $0xFF, v4;
	v1 =	vld.idx.msk [tilespmem:v1+s1+$0x0], $0xffff  }
0x356: {  	v2 =	vld.idx.msk [tilespmem:v2+s1+$0x0], $0xffff  }
0x357: {  	s17 =	simm.s32 $0xC020;
	s18 =	simm.s32 $0x4;
	s19 =	simm.s32 $0x40A0;
	v3 =	vand.u32 $0xFF, v9;
	v4 =	vld.idx.msk [tilespmem:v11+s1+$0x0], $0xffff  }
.LBB2_24:
0x358: {  	v9 =	vld [tilespmem:s19+$0x10];
	s18 =	sadd.s32 $0x4, s18;
	v11 =	vand.u32 $0xFF, v5;
	[tilespmem:s17+$0x10] =	vst v0  }
0x359: {  	v12 =	vld [tilespmem:s19+$0xFFFFFFF0];
	p1 =	slt.u32 s18, $0x3FC;
	v14 =	vand.u32 $0xFF, v6  }
0x35a: {  	v0 =	vld.idx.msk [tilespmem:v8+s1+$0x0], $0xffff  }
.Ltmp11:
0x35b: {  	v5 =	vld [tilespmem:s19+$0x0];
	[tilespmem:s17+$0xFFFFFFF0] =	vst v1;
	(pc) =	sbr.rel @p1 .LBB2_24-.Ltmp11, $4  }
0x35c: {  	v6 =	vld [tilespmem:s19+$0xFFFFFFE0];
	[tilespmem:s17+$0xFFFFFFE0] =	vst v2  }
0x35d: {  	v8 =	vand.u32 $0xFF, v9;
	v1 =	vld.idx.msk [tilespmem:v3+s1+$0x0], $0xffff;
	[tilespmem:s17+$0x0] =	vst v4  }
0x35e: {  	v3 =	vand.u32 $0xFF, v12;
	v2 =	vld.idx.msk [tilespmem:v14+s1+$0x0], $0xffff  }
0x35f: {  	s19 =	sadd.s32 $0x40, s19;
	s17 =	sadd.s32 $0x40, s17;
	v4 =	vld.idx.msk [tilespmem:v11+s1+$0x0], $0xffff  }
0x360: {  	_ = 	snop  }
0x361: {  	v5 =	vand.u32 $0xFF, v5  }
0x362: {  	v6 =	vand.u32 $0xFF, v6;
	_ =	sdelay $0x1  }
0x363: {  	v8 =	vld.idx.msk [tilespmem:v8+s1+$0x0], $0xffff  }
0x364: {  	[tilespmem:s17+$0x10] =	vst v0;
	v0 =	vld.idx.msk [tilespmem:v3+s1+$0x0], $0xffff  }
0x365: {  	[tilespmem:s17+$0xFFFFFFE0] =	vst v2;
	v2 =	vld.idx.msk [tilespmem:v5+s1+$0x0], $0xffff  }
0x366: {  	[tilespmem:s17+$0xFFFFFFF0] =	vst v1;
	v1 =	vld.idx.msk [tilespmem:v6+s1+$0x0], $0xffff  }
0x367: {  	s19 =	sadd.s32 $0x40, s17;
	[tilespmem:s17+$0x0] =	vst v4  }
0x368: {  	[tilespmem:s19+$0x10] =	vst v8  }
0x369: {  	[tilespmem:s19+$0xFFFFFFF0] =	vst v0  }
0x36a: {  	[tilespmem:s19+$0x0] =	vst v2  }
0x36b: {  	[tilespmem:s19+$0xFFFFFFE0] =	vst v1  }
0x36c: {  	s17 =	rddreg [dreg:$0x7]  }
0x36d: {  	[hbm4b:s17+s2] =	stream.linear.scatter [tilespmem:s13], [sflag:$0x4], $0x4000, $0x38;
	[tilespmem:$0x11800] =	vst v63  }
0x36e: {  	_ = 	snop  }
0x36f: {  	[tilespmem:s21], [sflag:$0x2] =	stream.linear.gather [hbm4b:s6+s2], $0x4000, $0x38;
	[tilespmem:$0x11800] =	vst v63  }
0x370: {  	_ =	swait.ge [sflag:s25], $0x4000  }
0x371: {  	[sflag:s25] =	ssyncset.done $0x0  }
0x372: {  	[sflag:s25] =	ssyncadd.s32 $0xFFFFC000  }
0x373: {  	_ =	swait.ge [sflag:s14], $0x4000  }
0x374: {  	[sflag:s14] =	ssyncset.done $0x0  }
0x375: {  	s18 =	simm.s32 $0x20;
	[sflag:s14] =	ssyncadd.s32 $0xFFFFC000  }
0x376: {  	v0 =	vld [tilespmem:s18+$0x10];
	_ =	sdelay $0x1  }
0x377: {  	v1 =	vld [tilespmem:s18+$0xFFFFFFF0]  }
0x378: {  	v2 =	vld [tilespmem:s18+$0xFFFFFFE0]  }
0x379: {  	v3 =	vld [tilespmem:s18+$0x0]  }
0x37a: {  	v0 =	vand.u32 $0xFF, v0  }
0x37b: {  	s19 =	simm.s32 $0x60  }
0x37c: {  	v4 =	vld [tilespmem:s19+$0x10];
	v1 =	vand.u32 $0xFF, v1  }
0x37d: {  	v9 =	vld [tilespmem:s19+$0xFFFFFFF0];
	v2 =	vand.u32 $0xFF, v2  }
0x37e: {  	v5 =	vld [tilespmem:s19+$0x0];
	v11 =	vand.u32 $0xFF, v3  }
0x37f: {  	v0 =	vld.idx.msk [tilespmem:v0+s1+$0x0], $0xffff  }
0x380: {  	v6 =	vld [tilespmem:s19+$0xFFFFFFE0]  }
0x381: {  	v8 =	vand.u32 $0xFF, v4;
	v1 =	vld.idx.msk [tilespmem:v1+s1+$0x0], $0xffff  }
0x382: {  	v2 =	vld.idx.msk [tilespmem:v2+s1+$0x0], $0xffff  }
0x383: {  	s17 =	simm.s32 $0x8020;
	s18 =	simm.s32 $0x4;
	s19 =	simm.s32 $0xA0;
	v3 =	vand.u32 $0xFF, v9;
	v4 =	vld.idx.msk [tilespmem:v11+s1+$0x0], $0xffff  }
.LBB2_26:
0x384: {  	v9 =	vld [tilespmem:s19+$0x10];
	s18 =	sadd.s32 $0x4, s18;
	v11 =	vand.u32 $0xFF, v5;
	[tilespmem:s17+$0x10] =	vst v0  }
0x385: {  	v12 =	vld [tilespmem:s19+$0xFFFFFFF0];
	p1 =	slt.u32 s18, $0x3FC;
	v14 =	vand.u32 $0xFF, v6  }
0x386: {  	v0 =	vld.idx.msk [tilespmem:v8+s1+$0x0], $0xffff  }
.Ltmp12:
0x387: {  	v5 =	vld [tilespmem:s19+$0x0];
	[tilespmem:s17+$0xFFFFFFF0] =	vst v1;
	(pc) =	sbr.rel @p1 .LBB2_26-.Ltmp12, $4  }
0x388: {  	v6 =	vld [tilespmem:s19+$0xFFFFFFE0];
	[tilespmem:s17+$0xFFFFFFE0] =	vst v2  }
0x389: {  	v8 =	vand.u32 $0xFF, v9;
	v1 =	vld.idx.msk [tilespmem:v3+s1+$0x0], $0xffff;
	[tilespmem:s17+$0x0] =	vst v4  }
0x38a: {  	v3 =	vand.u32 $0xFF, v12;
	v2 =	vld.idx.msk [tilespmem:v14+s1+$0x0], $0xffff  }
0x38b: {  	s19 =	sadd.s32 $0x40, s19;
	s17 =	sadd.s32 $0x40, s17;
	v4 =	vld.idx.msk [tilespmem:v11+s1+$0x0], $0xffff  }
0x38c: {  	_ = 	snop  }
0x38d: {  	v5 =	vand.u32 $0xFF, v5  }
0x38e: {  	v6 =	vand.u32 $0xFF, v6;
	_ =	sdelay $0x1  }
0x38f: {  	v8 =	vld.idx.msk [tilespmem:v8+s1+$0x0], $0xffff  }
0x390: {  	[tilespmem:s17+$0x10] =	vst v0;
	v0 =	vld.idx.msk [tilespmem:v3+s1+$0x0], $0xffff  }
0x391: {  	[tilespmem:s17+$0xFFFFFFE0] =	vst v2;
	v2 =	vld.idx.msk [tilespmem:v5+s1+$0x0], $0xffff  }
0x392: {  	[tilespmem:s17+$0xFFFFFFF0] =	vst v1;
	v1 =	vld.idx.msk [tilespmem:v6+s1+$0x0], $0xffff  }
0x393: {  	s19 =	sadd.s32 $0x40, s17;
	[tilespmem:s17+$0x0] =	vst v4  }
0x394: {  	[tilespmem:s19+$0x10] =	vst v8  }
0x395: {  	[tilespmem:s19+$0xFFFFFFF0] =	vst v0  }
0x396: {  	[tilespmem:s19+$0x0] =	vst v2  }
0x397: {  	[tilespmem:s19+$0xFFFFFFE0] =	vst v1  }
0x398: {  	s17 =	rddreg [dreg:$0x8]  }
0x399: {  	[hbm4b:s17+s2] =	stream.linear.scatter [tilespmem:s11], [sflag:$0x3], $0x4000, $0x38;
	[tilespmem:$0x11800] =	vst v63  }
0x39a: {  	_ = 	snop  }
0x39b: {  	[tilespmem:s2], [sflag:$0x1] =	stream.linear.gather [hbm4b:s7+s2], $0x4000, $0x38;
	[tilespmem:$0x11800] =	vst v63  }
0x39c: {  	_ =	swait.ge [sflag:s28], $0x4000  }
0x39d: {  	[sflag:s28] =	ssyncset.done $0x0  }
0x39e: {  	[sflag:s28] =	ssyncadd.s32 $0xFFFFC000  }
0x39f: {  	_ =	swait.ge [sflag:s15], $0x4000  }
0x3a0: {  	[sflag:s15] =	ssyncset.done $0x0  }
0x3a1: {  	s18 =	simm.s32 $0x4020;
	[sflag:s15] =	ssyncadd.s32 $0xFFFFC000  }
0x3a2: {  	v0 =	vld [tilespmem:s18+$0x10];
	_ =	sdelay $0x1  }
0x3a3: {  	v1 =	vld [tilespmem:s18+$0xFFFFFFF0]  }
0x3a4: {  	v2 =	vld [tilespmem:s18+$0xFFFFFFE0]  }
0x3a5: {  	v3 =	vld [tilespmem:s18+$0x0]  }
0x3a6: {  	v0 =	vand.u32 $0xFF, v0  }
0x3a7: {  	s19 =	simm.s32 $0x4060  }
0x3a8: {  	v4 =	vld [tilespmem:s19+$0x10];
	v1 =	vand.u32 $0xFF, v1  }
0x3a9: {  	v9 =	vld [tilespmem:s19+$0xFFFFFFF0];
	v2 =	vand.u32 $0xFF, v2  }
0x3aa: {  	v5 =	vld [tilespmem:s19+$0x0];
	v11 =	vand.u32 $0xFF, v3  }
0x3ab: {  	v0 =	vld.idx.msk [tilespmem:v0+s1+$0x0], $0xffff  }
0x3ac: {  	v6 =	vld [tilespmem:s19+$0xFFFFFFE0]  }
0x3ad: {  	v8 =	vand.u32 $0xFF, v4;
	v1 =	vld.idx.msk [tilespmem:v1+s1+$0x0], $0xffff  }
0x3ae: {  	v2 =	vld.idx.msk [tilespmem:v2+s1+$0x0], $0xffff  }
0x3af: {  	s17 =	simm.s32 $0xC020;
	s18 =	simm.s32 $0x4;
	s19 =	simm.s32 $0x40A0;
	v3 =	vand.u32 $0xFF, v9;
	v4 =	vld.idx.msk [tilespmem:v11+s1+$0x0], $0xffff  }
.LBB2_28:
0x3b0: {  	v9 =	vld [tilespmem:s19+$0x10];
	s18 =	sadd.s32 $0x4, s18;
	v11 =	vand.u32 $0xFF, v5;
	[tilespmem:s17+$0x10] =	vst v0  }
0x3b1: {  	v12 =	vld [tilespmem:s19+$0xFFFFFFF0];
	p1 =	slt.u32 s18, $0x3FC;
	v14 =	vand.u32 $0xFF, v6  }
0x3b2: {  	v0 =	vld.idx.msk [tilespmem:v8+s1+$0x0], $0xffff  }
.Ltmp13:
0x3b3: {  	v5 =	vld [tilespmem:s19+$0x0];
	[tilespmem:s17+$0xFFFFFFF0] =	vst v1;
	(pc) =	sbr.rel @p1 .LBB2_28-.Ltmp13, $4  }
0x3b4: {  	v6 =	vld [tilespmem:s19+$0xFFFFFFE0];
	[tilespmem:s17+$0xFFFFFFE0] =	vst v2  }
0x3b5: {  	v8 =	vand.u32 $0xFF, v9;
	v1 =	vld.idx.msk [tilespmem:v3+s1+$0x0], $0xffff;
	[tilespmem:s17+$0x0] =	vst v4  }
0x3b6: {  	v3 =	vand.u32 $0xFF, v12;
	v2 =	vld.idx.msk [tilespmem:v14+s1+$0x0], $0xffff  }
0x3b7: {  	s19 =	sadd.s32 $0x40, s19;
	s17 =	sadd.s32 $0x40, s17;
	v4 =	vld.idx.msk [tilespmem:v11+s1+$0x0], $0xffff  }
0x3b8: {  	_ = 	snop  }
0x3b9: {  	v5 =	vand.u32 $0xFF, v5  }
0x3ba: {  	v6 =	vand.u32 $0xFF, v6;
	_ =	sdelay $0x1  }
0x3bb: {  	v8 =	vld.idx.msk [tilespmem:v8+s1+$0x0], $0xffff  }
0x3bc: {  	[tilespmem:s17+$0x10] =	vst v0;
	v0 =	vld.idx.msk [tilespmem:v3+s1+$0x0], $0xffff  }
0x3bd: {  	[tilespmem:s17+$0xFFFFFFE0] =	vst v2;
	v2 =	vld.idx.msk [tilespmem:v5+s1+$0x0], $0xffff  }
0x3be: {  	[tilespmem:s17+$0xFFFFFFF0] =	vst v1;
	v1 =	vld.idx.msk [tilespmem:v6+s1+$0x0], $0xffff  }
0x3bf: {  	s19 =	sadd.s32 $0x40, s17;
	[tilespmem:s17+$0x0] =	vst v4  }
0x3c0: {  	[tilespmem:s19+$0x10] =	vst v8  }
0x3c1: {  	[tilespmem:s19+$0xFFFFFFF0] =	vst v0  }
0x3c2: {  	[tilespmem:s19+$0x0] =	vst v2  }
0x3c3: {  	[tilespmem:s19+$0xFFFFFFE0] =	vst v1  }
0x3c4: {  	s17 =	rddreg [dreg:$0x9]  }
0x3c5: {  	[hbm4b:s17+s2] =	stream.linear.scatter [tilespmem:s13], [sflag:$0x4], $0x4000, $0x38;
	[tilespmem:$0x11800] =	vst v63  }
0x3c6: {  	_ = 	snop  }
0x3c7: {  	[tilespmem:s21], [sflag:$0x2] =	stream.linear.gather [hbm4b:s8+s2], $0x4000, $0x38;
	[tilespmem:$0x11800] =	vst v63  }
0x3c8: {  	_ =	swait.ge [sflag:s25], $0x4000  }
0x3c9: {  	[sflag:s25] =	ssyncset.done $0x0  }
0x3ca: {  	[sflag:s25] =	ssyncadd.s32 $0xFFFFC000  }
0x3cb: {  	_ =	swait.ge [sflag:s14], $0x4000  }
0x3cc: {  	[sflag:s14] =	ssyncset.done $0x0  }
0x3cd: {  	s18 =	simm.s32 $0x20;
	[sflag:s14] =	ssyncadd.s32 $0xFFFFC000  }
0x3ce: {  	v0 =	vld [tilespmem:s18+$0x10];
	_ =	sdelay $0x1  }
0x3cf: {  	v1 =	vld [tilespmem:s18+$0xFFFFFFF0]  }
0x3d0: {  	v2 =	vld [tilespmem:s18+$0xFFFFFFE0]  }
0x3d1: {  	v3 =	vld [tilespmem:s18+$0x0]  }
0x3d2: {  	v0 =	vand.u32 $0xFF, v0  }
0x3d3: {  	s19 =	simm.s32 $0x60  }
0x3d4: {  	v4 =	vld [tilespmem:s19+$0x10];
	v1 =	vand.u32 $0xFF, v1  }
0x3d5: {  	v9 =	vld [tilespmem:s19+$0xFFFFFFF0];
	v2 =	vand.u32 $0xFF, v2  }
0x3d6: {  	v5 =	vld [tilespmem:s19+$0x0];
	v11 =	vand.u32 $0xFF, v3  }
0x3d7: {  	v0 =	vld.idx.msk [tilespmem:v0+s1+$0x0], $0xffff  }
0x3d8: {  	v6 =	vld [tilespmem:s19+$0xFFFFFFE0]  }
0x3d9: {  	v8 =	vand.u32 $0xFF, v4;
	v1 =	vld.idx.msk [tilespmem:v1+s1+$0x0], $0xffff  }
0x3da: {  	v2 =	vld.idx.msk [tilespmem:v2+s1+$0x0], $0xffff  }
0x3db: {  	s17 =	simm.s32 $0x8020;
	s18 =	simm.s32 $0x4;
	s19 =	simm.s32 $0xA0;
	v3 =	vand.u32 $0xFF, v9;
	v4 =	vld.idx.msk [tilespmem:v11+s1+$0x0], $0xffff  }
.LBB2_30:
0x3dc: {  	v9 =	vld [tilespmem:s19+$0x10];
	s18 =	sadd.s32 $0x4, s18;
	v11 =	vand.u32 $0xFF, v5;
	[tilespmem:s17+$0x10] =	vst v0  }
0x3dd: {  	v12 =	vld [tilespmem:s19+$0xFFFFFFF0];
	p1 =	slt.u32 s18, $0x3FC;
	v14 =	vand.u32 $0xFF, v6  }
0x3de: {  	v0 =	vld.idx.msk [tilespmem:v8+s1+$0x0], $0xffff  }
.Ltmp14:
0x3df: {  	v5 =	vld [tilespmem:s19+$0x0];
	[tilespmem:s17+$0xFFFFFFF0] =	vst v1;
	(pc) =	sbr.rel @p1 .LBB2_30-.Ltmp14, $4  }
0x3e0: {  	v6 =	vld [tilespmem:s19+$0xFFFFFFE0];
	[tilespmem:s17+$0xFFFFFFE0] =	vst v2  }
0x3e1: {  	v8 =	vand.u32 $0xFF, v9;
	v1 =	vld.idx.msk [tilespmem:v3+s1+$0x0], $0xffff;
	[tilespmem:s17+$0x0] =	vst v4  }
0x3e2: {  	v3 =	vand.u32 $0xFF, v12;
	v2 =	vld.idx.msk [tilespmem:v14+s1+$0x0], $0xffff  }
0x3e3: {  	s19 =	sadd.s32 $0x40, s19;
	s17 =	sadd.s32 $0x40, s17;
	v4 =	vld.idx.msk [tilespmem:v11+s1+$0x0], $0xffff  }
0x3e4: {  	_ = 	snop  }
0x3e5: {  	v5 =	vand.u32 $0xFF, v5  }
0x3e6: {  	v6 =	vand.u32 $0xFF, v6;
	_ =	sdelay $0x1  }
0x3e7: {  	v8 =	vld.idx.msk [tilespmem:v8+s1+$0x0], $0xffff  }
0x3e8: {  	[tilespmem:s17+$0x10] =	vst v0;
	v0 =	vld.idx.msk [tilespmem:v3+s1+$0x0], $0xffff  }
0x3e9: {  	[tilespmem:s17+$0xFFFFFFE0] =	vst v2;
	v2 =	vld.idx.msk [tilespmem:v5+s1+$0x0], $0xffff  }
0x3ea: {  	[tilespmem:s17+$0xFFFFFFF0] =	vst v1;
	v1 =	vld.idx.msk [tilespmem:v6+s1+$0x0], $0xffff  }
0x3eb: {  	s19 =	sadd.s32 $0x40, s17;
	[tilespmem:s17+$0x0] =	vst v4  }
0x3ec: {  	[tilespmem:s19+$0x10] =	vst v8  }
0x3ed: {  	[tilespmem:s19+$0xFFFFFFF0] =	vst v0  }
0x3ee: {  	[tilespmem:s19+$0x0] =	vst v2  }
0x3ef: {  	[tilespmem:s19+$0xFFFFFFE0] =	vst v1  }
0x3f0: {  	s17 =	rddreg [dreg:$0xa]  }
0x3f1: {  	[hbm4b:s17+s2] =	stream.linear.scatter [tilespmem:s11], [sflag:$0x3], $0x4000, $0x38;
	[tilespmem:$0x11800] =	vst v63  }
0x3f2: {  	_ = 	snop  }
0x3f3: {  	[tilespmem:s2], [sflag:$0x1] =	stream.linear.gather [hbm4b:s9+s2], $0x4000, $0x38;
	[tilespmem:$0x11800] =	vst v63  }
0x3f4: {  	_ =	swait.ge [sflag:s28], $0x4000  }
0x3f5: {  	[sflag:s28] =	ssyncset.done $0x0  }
0x3f6: {  	[sflag:s28] =	ssyncadd.s32 $0xFFFFC000  }
0x3f7: {  	_ =	swait.ge [sflag:s15], $0x4000  }
0x3f8: {  	[sflag:s15] =	ssyncset.done $0x0  }
0x3f9: {  	s18 =	simm.s32 $0x4020;
	[sflag:s15] =	ssyncadd.s32 $0xFFFFC000  }
0x3fa: {  	v0 =	vld [tilespmem:s18+$0x10];
	_ =	sdelay $0x1  }
0x3fb: {  	v1 =	vld [tilespmem:s18+$0xFFFFFFF0]  }
0x3fc: {  	v2 =	vld [tilespmem:s18+$0xFFFFFFE0]  }
0x3fd: {  	v3 =	vld [tilespmem:s18+$0x0]  }
0x3fe: {  	v0 =	vand.u32 $0xFF, v0  }
0x3ff: {  	s19 =	simm.s32 $0x4060  }
0x400: {  	v4 =	vld [tilespmem:s19+$0x10];
	v1 =	vand.u32 $0xFF, v1  }
0x401: {  	v9 =	vld [tilespmem:s19+$0xFFFFFFF0];
	v2 =	vand.u32 $0xFF, v2  }
0x402: {  	v5 =	vld [tilespmem:s19+$0x0];
	v11 =	vand.u32 $0xFF, v3  }
0x403: {  	v0 =	vld.idx.msk [tilespmem:v0+s1+$0x0], $0xffff  }
0x404: {  	v6 =	vld [tilespmem:s19+$0xFFFFFFE0]  }
0x405: {  	v8 =	vand.u32 $0xFF, v4;
	v1 =	vld.idx.msk [tilespmem:v1+s1+$0x0], $0xffff  }
0x406: {  	v2 =	vld.idx.msk [tilespmem:v2+s1+$0x0], $0xffff  }
0x407: {  	s17 =	simm.s32 $0xC020;
	s18 =	simm.s32 $0x4;
	s19 =	simm.s32 $0x40A0;
	v3 =	vand.u32 $0xFF, v9;
	v4 =	vld.idx.msk [tilespmem:v11+s1+$0x0], $0xffff  }
.LBB2_32:
0x408: {  	v9 =	vld [tilespmem:s19+$0x10];
	s18 =	sadd.s32 $0x4, s18;
	v11 =	vand.u32 $0xFF, v5;
	[tilespmem:s17+$0x10] =	vst v0  }
0x409: {  	v12 =	vld [tilespmem:s19+$0xFFFFFFF0];
	p1 =	slt.u32 s18, $0x3FC;
	v14 =	vand.u32 $0xFF, v6  }
0x40a: {  	v0 =	vld.idx.msk [tilespmem:v8+s1+$0x0], $0xffff  }
.Ltmp15:
0x40b: {  	v5 =	vld [tilespmem:s19+$0x0];
	[tilespmem:s17+$0xFFFFFFF0] =	vst v1;
	(pc) =	sbr.rel @p1 .LBB2_32-.Ltmp15, $4  }
0x40c: {  	v6 =	vld [tilespmem:s19+$0xFFFFFFE0];
	[tilespmem:s17+$0xFFFFFFE0] =	vst v2  }
0x40d: {  	v8 =	vand.u32 $0xFF, v9;
	v1 =	vld.idx.msk [tilespmem:v3+s1+$0x0], $0xffff;
	[tilespmem:s17+$0x0] =	vst v4  }
0x40e: {  	v3 =	vand.u32 $0xFF, v12;
	v2 =	vld.idx.msk [tilespmem:v14+s1+$0x0], $0xffff  }
0x40f: {  	s19 =	sadd.s32 $0x40, s19;
	s17 =	sadd.s32 $0x40, s17;
	v4 =	vld.idx.msk [tilespmem:v11+s1+$0x0], $0xffff  }
0x410: {  	_ = 	snop  }
0x411: {  	v5 =	vand.u32 $0xFF, v5  }
0x412: {  	v6 =	vand.u32 $0xFF, v6;
	_ =	sdelay $0x1  }
0x413: {  	v8 =	vld.idx.msk [tilespmem:v8+s1+$0x0], $0xffff  }
0x414: {  	[tilespmem:s17+$0x10] =	vst v0;
	v0 =	vld.idx.msk [tilespmem:v3+s1+$0x0], $0xffff  }
0x415: {  	[tilespmem:s17+$0xFFFFFFE0] =	vst v2;
	v2 =	vld.idx.msk [tilespmem:v5+s1+$0x0], $0xffff  }
0x416: {  	[tilespmem:s17+$0xFFFFFFF0] =	vst v1;
	v1 =	vld.idx.msk [tilespmem:v6+s1+$0x0], $0xffff  }
0x417: {  	s19 =	sadd.s32 $0x40, s17;
	[tilespmem:s17+$0x0] =	vst v4  }
0x418: {  	[tilespmem:s19+$0x10] =	vst v8  }
0x419: {  	[tilespmem:s19+$0xFFFFFFF0] =	vst v0  }
0x41a: {  	[tilespmem:s19+$0x0] =	vst v2  }
0x41b: {  	[tilespmem:s19+$0xFFFFFFE0] =	vst v1  }
0x41c: {  	s17 =	rddreg [dreg:$0xb]  }
0x41d: {  	[hbm4b:s17+s2] =	stream.linear.scatter [tilespmem:s13], [sflag:$0x4], $0x4000, $0x38;
	[tilespmem:$0x11800] =	vst v63  }
0x41e: {  	_ = 	snop  }
0x41f: {  	[tilespmem:s21], [sflag:$0x2] =	stream.linear.gather [hbm4b:s10+s2], $0x4000, $0x38;
	[tilespmem:$0x11800] =	vst v63  }
0x420: {  	_ =	swait.ge [sflag:s25], $0x4000  }
0x421: {  	[sflag:s25] =	ssyncset.done $0x0  }
0x422: {  	[sflag:s25] =	ssyncadd.s32 $0xFFFFC000  }
0x423: {  	_ =	swait.ge [sflag:s14], $0x4000  }
0x424: {  	[sflag:s14] =	ssyncset.done $0x0  }
0x425: {  	s18 =	simm.s32 $0x20;
	[sflag:s14] =	ssyncadd.s32 $0xFFFFC000  }
0x426: {  	v0 =	vld [tilespmem:s18+$0x10];
	_ =	sdelay $0x1  }
0x427: {  	v1 =	vld [tilespmem:s18+$0xFFFFFFF0]  }
0x428: {  	v2 =	vld [tilespmem:s18+$0xFFFFFFE0]  }
0x429: {  	v3 =	vld [tilespmem:s18+$0x0]  }
0x42a: {  	v0 =	vand.u32 $0xFF, v0  }
0x42b: {  	s19 =	simm.s32 $0x60  }
0x42c: {  	v4 =	vld [tilespmem:s19+$0x10];
	v1 =	vand.u32 $0xFF, v1  }
0x42d: {  	v9 =	vld [tilespmem:s19+$0xFFFFFFF0];
	v2 =	vand.u32 $0xFF, v2  }
0x42e: {  	v5 =	vld [tilespmem:s19+$0x0];
	v11 =	vand.u32 $0xFF, v3  }
0x42f: {  	v0 =	vld.idx.msk [tilespmem:v0+s1+$0x0], $0xffff  }
0x430: {  	v6 =	vld [tilespmem:s19+$0xFFFFFFE0]  }
0x431: {  	v8 =	vand.u32 $0xFF, v4;
	v1 =	vld.idx.msk [tilespmem:v1+s1+$0x0], $0xffff  }
0x432: {  	v2 =	vld.idx.msk [tilespmem:v2+s1+$0x0], $0xffff  }
0x433: {  	s17 =	simm.s32 $0x8020;
	s18 =	simm.s32 $0x4;
	s19 =	simm.s32 $0xA0;
	v3 =	vand.u32 $0xFF, v9;
	v4 =	vld.idx.msk [tilespmem:v11+s1+$0x0], $0xffff  }
.LBB2_34:
0x434: {  	v9 =	vld [tilespmem:s19+$0x10];
	s18 =	sadd.s32 $0x4, s18;
	v11 =	vand.u32 $0xFF, v5;
	[tilespmem:s17+$0x10] =	vst v0  }
0x435: {  	v12 =	vld [tilespmem:s19+$0xFFFFFFF0];
	p1 =	slt.u32 s18, $0x3FC;
	v14 =	vand.u32 $0xFF, v6  }
0x436: {  	v0 =	vld.idx.msk [tilespmem:v8+s1+$0x0], $0xffff  }
.Ltmp16:
0x437: {  	v5 =	vld [tilespmem:s19+$0x0];
	[tilespmem:s17+$0xFFFFFFF0] =	vst v1;
	(pc) =	sbr.rel @p1 .LBB2_34-.Ltmp16, $4  }
0x438: {  	v6 =	vld [tilespmem:s19+$0xFFFFFFE0];
	[tilespmem:s17+$0xFFFFFFE0] =	vst v2  }
0x439: {  	v8 =	vand.u32 $0xFF, v9;
	v1 =	vld.idx.msk [tilespmem:v3+s1+$0x0], $0xffff;
	[tilespmem:s17+$0x0] =	vst v4  }
0x43a: {  	v3 =	vand.u32 $0xFF, v12;
	v2 =	vld.idx.msk [tilespmem:v14+s1+$0x0], $0xffff  }
0x43b: {  	s19 =	sadd.s32 $0x40, s19;
	s17 =	sadd.s32 $0x40, s17;
	v4 =	vld.idx.msk [tilespmem:v11+s1+$0x0], $0xffff  }
0x43c: {  	_ = 	snop  }
0x43d: {  	v5 =	vand.u32 $0xFF, v5  }
0x43e: {  	v6 =	vand.u32 $0xFF, v6;
	_ =	sdelay $0x1  }
0x43f: {  	v8 =	vld.idx.msk [tilespmem:v8+s1+$0x0], $0xffff  }
0x440: {  	[tilespmem:s17+$0x10] =	vst v0;
	v0 =	vld.idx.msk [tilespmem:v3+s1+$0x0], $0xffff  }
0x441: {  	[tilespmem:s17+$0xFFFFFFE0] =	vst v2;
	v2 =	vld.idx.msk [tilespmem:v5+s1+$0x0], $0xffff  }
0x442: {  	[tilespmem:s17+$0xFFFFFFF0] =	vst v1;
	v1 =	vld.idx.msk [tilespmem:v6+s1+$0x0], $0xffff  }
0x443: {  	s19 =	sadd.s32 $0x40, s17;
	[tilespmem:s17+$0x0] =	vst v4  }
0x444: {  	[tilespmem:s19+$0x10] =	vst v8  }
0x445: {  	[tilespmem:s19+$0xFFFFFFF0] =	vst v0  }
0x446: {  	[tilespmem:s19+$0x0] =	vst v2  }
0x447: {  	[tilespmem:s19+$0xFFFFFFE0] =	vst v1  }
0x448: {  	[hbm4b:s20+s2] =	stream.linear.scatter [tilespmem:s11], [sflag:$0x3], $0x4000, $0x38;
	[tilespmem:$0x11800] =	vst v63  }
0x449: {  	_ =	swait.ge [sflag:s28], $0x4000  }
0x44a: {  	[sflag:s28] =	ssyncset.done $0x0  }
0x44b: {  	[sflag:s28] =	ssyncadd.s32 $0xFFFFC000  }
0x44c: {  	_ =	swait.ge [sflag:s15], $0x4000  }
0x44d: {  	[sflag:s15] =	ssyncset.done $0x0  }
0x44e: {  	s18 =	simm.s32 $0x4020;
	[sflag:s15] =	ssyncadd.s32 $0xFFFFC000  }
0x44f: {  	v0 =	vld [tilespmem:s18+$0x10];
	_ =	sdelay $0x1  }
0x450: {  	v1 =	vld [tilespmem:s18+$0xFFFFFFF0]  }
0x451: {  	v2 =	vld [tilespmem:s18+$0xFFFFFFE0]  }
0x452: {  	v3 =	vld [tilespmem:s18+$0x0]  }
0x453: {  	v0 =	vand.u32 $0xFF, v0  }
0x454: {  	s19 =	simm.s32 $0x4060  }
0x455: {  	v4 =	vld [tilespmem:s19+$0x10];
	v1 =	vand.u32 $0xFF, v1  }
0x456: {  	v9 =	vld [tilespmem:s19+$0xFFFFFFF0];
	v2 =	vand.u32 $0xFF, v2  }
0x457: {  	v5 =	vld [tilespmem:s19+$0x0];
	v11 =	vand.u32 $0xFF, v3  }
0x458: {  	v0 =	vld.idx.msk [tilespmem:v0+s1+$0x0], $0xffff  }
0x459: {  	v6 =	vld [tilespmem:s19+$0xFFFFFFE0]  }
0x45a: {  	v8 =	vand.u32 $0xFF, v4;
	v1 =	vld.idx.msk [tilespmem:v1+s1+$0x0], $0xffff  }
0x45b: {  	v2 =	vld.idx.msk [tilespmem:v2+s1+$0x0], $0xffff  }
0x45c: {  	s17 =	simm.s32 $0xC020;
	s18 =	simm.s32 $0x4;
	s19 =	simm.s32 $0x40A0;
	v3 =	vand.u32 $0xFF, v9;
	v4 =	vld.idx.msk [tilespmem:v11+s1+$0x0], $0xffff  }
.LBB2_36:
0x45d: {  	v9 =	vld [tilespmem:s19+$0x10];
	s18 =	sadd.s32 $0x4, s18;
	v11 =	vand.u32 $0xFF, v5;
	[tilespmem:s17+$0x10] =	vst v0  }
0x45e: {  	v12 =	vld [tilespmem:s19+$0xFFFFFFF0];
	p1 =	slt.u32 s18, $0x3FC;
	v14 =	vand.u32 $0xFF, v6  }
0x45f: {  	v0 =	vld.idx.msk [tilespmem:v8+s1+$0x0], $0xffff  }
.Ltmp17:
0x460: {  	v5 =	vld [tilespmem:s19+$0x0];
	[tilespmem:s17+$0xFFFFFFF0] =	vst v1;
	(pc) =	sbr.rel @p1 .LBB2_36-.Ltmp17, $4  }
0x461: {  	v6 =	vld [tilespmem:s19+$0xFFFFFFE0];
	[tilespmem:s17+$0xFFFFFFE0] =	vst v2  }
0x462: {  	v8 =	vand.u32 $0xFF, v9;
	v1 =	vld.idx.msk [tilespmem:v3+s1+$0x0], $0xffff;
	[tilespmem:s17+$0x0] =	vst v4  }
0x463: {  	v3 =	vand.u32 $0xFF, v12;
	v2 =	vld.idx.msk [tilespmem:v14+s1+$0x0], $0xffff  }
0x464: {  	s19 =	sadd.s32 $0x40, s19;
	s17 =	sadd.s32 $0x40, s17;
	v4 =	vld.idx.msk [tilespmem:v11+s1+$0x0], $0xffff  }
0x465: {  	_ = 	snop  }
0x466: {  	v5 =	vand.u32 $0xFF, v5  }
0x467: {  	v6 =	vand.u32 $0xFF, v6;
	_ =	sdelay $0x1  }
0x468: {  	v8 =	vld.idx.msk [tilespmem:v8+s1+$0x0], $0xffff  }
0x469: {  	[tilespmem:s17+$0x10] =	vst v0;
	v61 =	vld.idx.msk [tilespmem:v3+s1+$0x0], $0xffff  }
0x46a: {  	[tilespmem:s17+$0xFFFFFFF0] =	vst v1;
	v63 =	vld.idx.msk [tilespmem:v5+s1+$0x0], $0xffff  }
0x46b: {  	[tilespmem:s17+$0xFFFFFFE0] =	vst v2;
	v62 =	vld.idx.msk [tilespmem:v6+s1+$0x0], $0xffff  }
0x46c: {  	s19 =	sadd.s32 $0x40, s17;
	[tilespmem:s17+$0x0] =	vst v4  }
0x46d: {  	[tilespmem:s19+$0x10] =	vst v8  }
0x46e: {  	[tilespmem:s19+$0xFFFFFFF0] =	vst v61  }
0x46f: {  	[tilespmem:s19+$0x0] =	vst v63  }
0x470: {  	s16 =	sadd.s32 $0x1, s16;
	[tilespmem:s19+$0xFFFFFFE0] =	vst v62  }
0x471: {  	[hbm4b:s22+s2] =	stream.linear.scatter [tilespmem:s13], [sflag:$0x4], $0x4000, $0x38;
	[tilespmem:$0x11800] =	vst v63  }
0x472: {  	p1 =	sne.s32 s16, s24;
	_ =	swait.ge [sflag:s14], $0x4000  }
.Ltmp18:
0x473: {  	[sflag:s14] =	ssyncset.done $0x0;
	(pc) =	sbr.rel @p1 .LBB2_1-.Ltmp18, $4  }
0x474: {  	[sflag:s14] =	ssyncadd.s32 $0xFFFFC000  }
0x475: {  	_ =	swait.ge [sflag:s15], $0x4000  }
0x476: {  	[sflag:s15] =	ssyncset.done $0x0  }
0x477: {  	[sflag:s15] =	ssyncadd.s32 $0xFFFFC000  }
0x478: {  	_ =	sfence.sel $0x180000  }
0x479: {  	[bflag:$0x0] =	sbarrier.arrive $0xFFFF  }
0x47a: {  	_ =	strace $0x90000047  }
0x47b: {  	s0 =	stileid.u32;
	[bflag:$0x2] =	sbarrier.arrive $0xFFFF  }
0x47c: {  	p0 =	sne.s32 s0, $0x0;
	s0 =	rddreg [dreg:$0x3]  }
0x47d: {  	s0 =	sadd.s32 @!p0 $0x100000, s0  }
0x47e: {  	[sflag:s0] =	ssyncadd.tile.s32 @!p0 $0x1;
	_ =	shalt  }
.Lfunc_end2:
_tile_overlayer_lowered:
.L_overlay_start_2:
0x47f: {  	(tag) =	ssettag $0x2  }
0x480: {  	s0 =	rddreg [dreg:$0x0];
	s2 =	stileid.u32  }
0x481: {  	s1 =	rddreg [dreg:$0x1];
	p0 =	sne.s32 s2, $0x0  }
0x482: {  	s3 =	rddreg [dreg:$0x2];
	[bflag:$0x3] =	sbarrier.arrive $0xFFFF;
	s2 =	simm.s32 @!p0 $0x1C05  }
0x483: {  	[timem:s3], [sflag:s2] =	dma.local @!p0 [hbm:s0], s1  }
0x484: {  	s0 =	simm.s32 @!p0 $0x5  }
0x485: {  	_ =	swait.ge @!p0 [sflag:s0], s1  }
0x486: {  	s1 =	ssub.s32 @!p0 $0x0, s1;
	[sflag:s0] =	ssyncset.done @!p0 $0x0  }
0x487: {  	[sflag:s0] =	ssyncadd.s32 @!p0 s1  }
0x488: {  	[bflag:$0x3] =	sbarrier.arrive $0xFFFF  }
0x489: {  	_ =	shalt  }

</sc_bundles>
